<compile_context>
chip_gen: v7x
topology: tpu7x:2x2x1
jax: 0.10.2.dev20260603
libtpu: 0.0.44.dev20260713+nightly
codegen_flags: <defaults>
</compile_context>

<pallas_src>
import functools

import jax
import jax.numpy as jnp
from jax import lax
from jax.experimental import pallas as pl
from jax.experimental.pallas import tpu as pltpu
from jax.experimental.pallas import tpu_sc as plsc

N = 10000
E = 320000
D = 128

NC = 2
NS = 16
NW = NC * NS
EPW = E // NW
KC = 128
NCH = -(-EPW // KC)
PAD = NCH * KC - EPW
ROWQ = 640
RQ = 80
DW = 16

_MESH = plsc.VectorSubcoreMesh(core_axis_name="c", subcore_axis_name="s")


def _unpack(packedb, j, sidx, didx):
    for c in range(KC // 16):
        v = packedb[j, pl.ds(c * 16, 16)]
        sidx[pl.ds(c * 16, 16)] = v & 0x3FFF
        didx[pl.ds(c * 16, 16)] = v >> 14


def _unpack_dst(packedb, j, didx):
    for c in range(KC // 16):
        v = packedb[j, pl.ds(c * 16, 16)]
        didx[pl.ds(c * 16, 16)] = v >> 14


@functools.partial(
    pl.kernel,
    out_type=jax.ShapeDtypeStruct((NC, N, DW), jnp.float32),
    mesh=_MESH,
    scratch_types=[
        pltpu.VMEM((NCH, KC), jnp.int32),
        pltpu.VMEM((KC,), jnp.int32),
        pltpu.VMEM((KC,), jnp.int32),
        pltpu.VMEM((KC, DW), jnp.float32),
        pltpu.VMEM((RQ, DW), jnp.float32),
        pltpu.VMEM_SHARED((N + 8, DW), jnp.float32),
        pltpu.SemaphoreType.DMA,
        pltpu.SemaphoreType.DMA,
    ],
)
def _deg_kernel(packed_hbm, out_hbm, packedb, didx0, didx1, ones, buf, acc,
                ssem0, ssem1):
    cid = lax.axis_index("c")
    sid = lax.axis_index("s")
    wid = cid * NS + sid
    row0 = sid * ROWQ
    nq = jnp.where(sid < NS - 1, ROWQ // RQ, (N - (NS - 1) * ROWQ) // RQ)

    pltpu.sync_copy(packed_hbm.at[wid], packedb)

    def initrow(r, _):
        ones[r, :] = jnp.ones((DW,), jnp.float32)
        return 0

    lax.fori_loop(0, KC, initrow, 0)

    def zrow(r, _):
        buf[r, :] = jnp.zeros((DW,), jnp.float32)
        return 0

    lax.fori_loop(0, RQ, zrow, 0)

    def zq(q, _):
        pltpu.sync_copy(buf, acc.at[pl.ds(row0 + q * RQ, RQ)])
        return 0

    lax.fori_loop(0, nq, zq, 0)
    plsc.subcore_barrier()

    _unpack_dst(packedb, 0, didx0)
    pltpu.async_copy(ones, acc.at[didx0], ssem0, add=True)
    _unpack_dst(packedb, 1, didx1)
    pltpu.async_copy(ones, acc.at[didx1], ssem1, add=True)

    def pair(t, _):
        j2 = 2 * t + 2
        j3 = 2 * t + 3

        @pl.when(j2 < NCH)
        def _():
            pltpu.make_async_copy(ones, acc.at[didx0], ssem0).wait()
            _unpack_dst(packedb, j2, didx0)
            pltpu.async_copy(ones, acc.at[didx0], ssem0, add=True)

        @pl.when(j3 < NCH)
        def _():
            pltpu.make_async_copy(ones, acc.at[didx1], ssem1).wait()
            _unpack_dst(packedb, j3, didx1)
            pltpu.async_copy(ones, acc.at[didx1], ssem1, add=True)

        return 0

    lax.fori_loop(0, (NCH - 2 + 1) // 2, pair, 0)
    pltpu.make_async_copy(ones, acc.at[didx0], ssem0).wait()
    pltpu.make_async_copy(ones, acc.at[didx1], ssem1).wait()
    plsc.subcore_barrier()

    def rq_(q, _):
        r = pl.multiple_of(row0 + q * RQ, 8)
        pltpu.sync_copy(acc.at[pl.ds(r, RQ)], buf)
        pltpu.sync_copy(buf, out_hbm.at[cid, pl.ds(r, RQ)])
        return 0

    lax.fori_loop(0, nq, rq_, 0)


@functools.partial(
    pl.kernel,
    out_type=jax.ShapeDtypeStruct((NC, N, D), jnp.float32),
    mesh=_MESH,
    scratch_types=[
        pltpu.VMEM((NCH, KC), jnp.int32),
        pltpu.VMEM((KC,), jnp.int32),
        pltpu.VMEM((KC,), jnp.int32),
        pltpu.VMEM((KC,), jnp.int32),
        pltpu.VMEM((KC,), jnp.int32),
        pltpu.VMEM((KC, D), jnp.float32),
        pltpu.VMEM((KC, D), jnp.float32),
        pltpu.VMEM_SHARED((N + 8, D), jnp.float32),
        pltpu.SemaphoreType.DMA,
        pltpu.SemaphoreType.DMA,
    ],
)
def _agg_kernel(x_hbm, packed_hbm, out_hbm, packedb, sidx0, sidx1, didx0,
                didx1, rows0, rows1, acc, gsem0, gsem1):
    cid = lax.axis_index("c")
    sid = lax.axis_index("s")
    wid = cid * NS + sid
    row0 = sid * ROWQ
    nq = jnp.where(sid < NS - 1, ROWQ // RQ, (N - (NS - 1) * ROWQ) // RQ)

    pltpu.sync_copy(packed_hbm.at[wid], packedb)

    def zrow(r, _):
        for c in range(D // 16):
            rows0[r, pl.ds(c * 16, 16)] = jnp.zeros((16,), jnp.float32)
        return 0

    lax.fori_loop(0, RQ, zrow, 0)

    def zq(q, _):
        pltpu.sync_copy(rows0.at[pl.ds(0, RQ)], acc.at[pl.ds(row0 + q * RQ, RQ)])
        return 0

    lax.fori_loop(0, nq, zq, 0)
    plsc.subcore_barrier()

    _unpack(packedb, 0, sidx0, didx0)
    pltpu.async_copy(x_hbm.at[sidx0], rows0, gsem0)
    _unpack(packedb, 1, sidx1, didx1)
    pltpu.async_copy(x_hbm.at[sidx1], rows1, gsem1)

    def pair(t, _):
        j2 = 2 * t + 2
        j3 = 2 * t + 3
        pltpu.make_async_copy(x_hbm.at[sidx0], rows0, gsem0).wait()
        pltpu.sync_copy(rows0, acc.at[didx0], add=True)

        @pl.when(j2 < NCH)
        def _():
            _unpack(packedb, j2, sidx0, didx0)
            pltpu.async_copy(x_hbm.at[sidx0], rows0, gsem0)

        pltpu.make_async_copy(x_hbm.at[sidx1], rows1, gsem1).wait()
        pltpu.sync_copy(rows1, acc.at[didx1], add=True)

        @pl.when(j3 < NCH)
        def _():
            _unpack(packedb, j3, sidx1, didx1)
            pltpu.async_copy(x_hbm.at[sidx1], rows1, gsem1)

        return 0

    lax.fori_loop(0, NCH // 2, pair, 0)
    pltpu.make_async_copy(x_hbm.at[sidx0], rows0, gsem0).wait()
    pltpu.sync_copy(rows0, acc.at[didx0], add=True)
    plsc.subcore_barrier()

    def rq_(q, _):
        r = pl.multiple_of(row0 + q * RQ, 8)
        pltpu.sync_copy(acc.at[pl.ds(r, RQ)], rows0.at[pl.ds(0, RQ)])
        pltpu.sync_copy(rows0.at[pl.ds(0, RQ)], out_hbm.at[cid, pl.ds(r, RQ)])
        return 0

    lax.fori_loop(0, nq, rq_, 0)


R = 1000


def _pre_body(degp_ref, z_ref, w_ref, xp_ref, dinv_ref):
    dp = degp_ref[...]
    deg = dp[0, :, 0:1] + dp[1, :, 0:1] + 1.0
    dinv = lax.rsqrt(deg)
    dinv_ref[...] = dinv
    xw = jnp.dot(z_ref[...], w_ref[...], preferred_element_type=jnp.float32)
    xp_ref[...] = dinv * xw


def _mid_body(p_ref, xp_ref, dinv_ref, b_ref, w_ref, out_ref):
    p = p_ref[...]
    s = p[0] + p[1] + xp_ref[...]
    dinv = dinv_ref[...]
    h = jnp.maximum(dinv * s + b_ref[...], 0.0)
    out_ref[...] = dinv * jnp.dot(h, w_ref[...], preferred_element_type=jnp.float32)


def _fin_body(p_ref, xp_ref, dinv_ref, b_ref, out_ref):
    p = p_ref[...]
    s = p[0] + p[1] + xp_ref[...]
    out_ref[...] = dinv_ref[...] * s + b_ref[...]


_pre = pl.pallas_call(
    _pre_body,
    grid=(N // R,),
    in_specs=[
        pl.BlockSpec((NC, R, DW), lambda i: (0, i, 0)),
        pl.BlockSpec((R, D), lambda i: (i, 0)),
        pl.BlockSpec((D, D), lambda i: (0, 0)),
    ],
    out_specs=[
        pl.BlockSpec((R, D), lambda i: (i, 0)),
        pl.BlockSpec((R, 1), lambda i: (i, 0)),
    ],
    out_shape=[
        jax.ShapeDtypeStruct((N, D), jnp.float32),
        jax.ShapeDtypeStruct((N, 1), jnp.float32),
    ],
)

_mid = pl.pallas_call(
    _mid_body,
    grid=(N // R,),
    in_specs=[
        pl.BlockSpec((NC, R, D), lambda i: (0, i, 0)),
        pl.BlockSpec((R, D), lambda i: (i, 0)),
        pl.BlockSpec((R, 1), lambda i: (i, 0)),
        pl.BlockSpec((1, D), lambda i: (0, 0)),
        pl.BlockSpec((D, D), lambda i: (0, 0)),
    ],
    out_specs=pl.BlockSpec((R, D), lambda i: (i, 0)),
    out_shape=jax.ShapeDtypeStruct((N, D), jnp.float32),
)

_fin = pl.pallas_call(
    _fin_body,
    grid=(N // R,),
    in_specs=[
        pl.BlockSpec((NC, R, D), lambda i: (0, i, 0)),
        pl.BlockSpec((R, D), lambda i: (i, 0)),
        pl.BlockSpec((R, 1), lambda i: (i, 0)),
        pl.BlockSpec((1, D), lambda i: (0, 0)),
    ],
    out_specs=pl.BlockSpec((R, D), lambda i: (i, 0)),
    out_shape=jax.ShapeDtypeStruct((N, D), jnp.float32),
)


def kernel(z, edge_index, W1, b1, W2, b2, W3, b3):
    src2 = edge_index[0].reshape(NW, EPW)
    dst2 = edge_index[1].reshape(NW, EPW)
    src2 = jnp.pad(src2, ((0, 0), (0, PAD)))
    dst2 = jnp.pad(dst2, ((0, 0), (0, PAD)), constant_values=N)
    packed = ((dst2 << 14) | src2).reshape(NW, NCH, KC)
    b1r = b1.reshape(1, D)
    b2r = b2.reshape(1, D)
    b3r = b3.reshape(1, D)

    degp = _deg_kernel(packed)
    xp1, dinv = _pre(degp, z, W1)
    p1 = _agg_kernel(xp1, packed)
    xp2 = _mid(p1, xp1, dinv, b1r, W2)
    p2 = _agg_kernel(xp2, packed)
    xp3 = _mid(p2, xp2, dinv, b2r, W3)
    p3 = _agg_kernel(xp3, packed)
    out = _fin(p3, xp3, dinv, b3r)
    return out

# --- scband reference (transcript-rebuilt; emitter-appended) ---
"""Pipeline reference for scband-gnndecoder-11871289606582 (READ-ONLY COPY).

The authoritative reference and input builder live on the scoring server;
editing this copy changes nothing except your own understanding.
"""

import jax, jax.numpy as jnp
import numpy as np

N = 10000
E = 320000
D = 128


def setup_inputs(seed: int = 0) -> dict:
    key = jax.random.key(seed)
    ks = jax.random.split(key, 9)
    z = jax.random.normal(ks[0], (N, D), dtype=jnp.float32)
    edge_index = jax.random.randint(ks[1], (2, E), 0, N, dtype=jnp.int32)
    scale = 0.05
    W1 = jax.random.normal(ks[2], (D, D), dtype=jnp.float32) * scale
    b1 = jnp.zeros((D,), dtype=jnp.float32)
    W2 = jax.random.normal(ks[3], (D, D), dtype=jnp.float32) * scale
    b2 = jnp.zeros((D,), dtype=jnp.float32)
    W3 = jax.random.normal(ks[4], (D, D), dtype=jnp.float32) * scale
    b3 = jnp.zeros((D,), dtype=jnp.float32)
    return {"z": z, "edge_index": edge_index, "W1": W1, "b1": b1, "W2": W2, "b2": b2, "W3": W3, "b3": b3}


def _gcn_conv(x, W, b, src, dst, n_nodes):
    # PyG GCNConv: x' = D^{-1/2} (A + I) D^{-1/2} (x W) + b
    x = x @ W
    loop = jnp.arange(n_nodes, dtype=src.dtype)
    s = jnp.concatenate([src, loop])
    d = jnp.concatenate([dst, loop])
    ones = jnp.ones(s.shape[0], dtype=x.dtype)
    deg = jax.ops.segment_sum(ones, d, num_segments=n_nodes)
    dinv = jnp.where(deg > 0, jax.lax.rsqrt(deg), 0.0)
    norm = dinv[s] * dinv[d]
    msg = x[s] * norm[:, None]
    out = jax.ops.segment_sum(msg, d, num_segments=n_nodes)
    return out + b


def reference(z, edge_index, W1, b1, W2, b2, W3, b3):
    src = edge_index[0]
    dst = edge_index[1]
    h = _gcn_conv(z, W1, b1, src, dst, N)
    h = jax.nn.relu(h)
    h = _gcn_conv(h, W2, b2, src, dst, N)
    h = jax.nn.relu(h)
    out = _gcn_conv(h, W3, b3, src, dst, N)
    return out

if __name__ == "__main__":
    import jax
    _d = setup_inputs()
    print(jax.jit(kernel)(*tuple(_d.values())))

</pallas_src>

<mosaic_0001>
#map = affine_map<(d0, d1) -> (0, 0, 0)>
module attributes {stable_mosaic.version = 14 : i64} {
  func.func @_deg_kernel(%arg0: i32, %arg1: i32, %arg2: memref<32x79x128xi32, #tpu.memory_space<hbm>>, %arg3: memref<2x10000x16xf32, #tpu.memory_space<hbm>>, %arg4: memref<79x128xi32, #tpu.memory_space<vmem>>, %arg5: memref<128xi32, #tpu.memory_space<vmem>>, %arg6: memref<128xi32, #tpu.memory_space<vmem>>, %arg7: memref<128x16xf32, #tpu.memory_space<vmem>>, %arg8: memref<80x16xf32, #tpu.memory_space<vmem>>, %arg9: memref<10008x16xf32, #tpu.memory_space<vmem_shared>>, %arg10: memref<!tpu.dma_semaphore, #tpu.memory_space<semaphore_mem>>, %arg11: memref<!tpu.dma_semaphore, #tpu.memory_space<semaphore_mem>>) attributes {dimension_semantics = [#tpu.dimension_semantics<core_parallel>, #tpu.dimension_semantics<subcore_parallel>], iteration_bounds = array<i64: 2, 16>, scalar_prefetch = 0 : i64, scratch_operands = 8 : i64, tpu.core_type = #tpu.core_type<sc_vector_subcore>, window_params = [{transform_indices = #map}, {transform_indices = #map}]} {
    %mul3A = arith.constant 16 : i32
    %mul3A_0 = arith.muli %arg0, %mul3A : i32
    %add3A = arith.addi %mul3A_0, %arg1 : i32
    %mul3A_1 = arith.constant 640 : i32
    %mul3A_2 = arith.muli %arg1, %mul3A_1 : i32
    %lt3A = arith.constant 15 : i32
    %lt3A_3 = arith.cmpi slt, %arg1, %lt3A : i32
    %jit3A = arith.constant 8 : i32
    %jit3A_4 = arith.constant 5 : i32
    %select_n3A = arith.select %lt3A_3, %jit3A, %jit3A_4 : i32
    "tpu.region"() ({
      %run_scoped3A = tpu.sem_alloc : memref<!tpu.dma_semaphore, #tpu.memory_space<semaphore_mem>>
      %dma_start3A_248 = arith.constant 0 : i32
      %dma_start3A_249 = arith.constant 0 : i32
      %dma_start3A_250 = tpu.memref_slice %arg2[%add3A, %dma_start3A_248, %dma_start3A_249] : memref<32x79x128xi32, #tpu.memory_space<hbm>> -> memref<1x79x128xi32, #tpu.memory_space<hbm>>
      %dma_start3A_251 = tpu.memref_squeeze %dma_start3A_250 : memref<1x79x128xi32, #tpu.memory_space<hbm>> -> memref<79x128xi32, #tpu.memory_space<hbm>>
      %dma_start3A_252 = arith.constant 0 : i32
      %dma_start3A_253 = arith.constant 0 : i32
      %dma_start3A_254 = tpu.memref_slice %arg2[%add3A, %dma_start3A_252, %dma_start3A_253] : memref<32x79x128xi32, #tpu.memory_space<hbm>> -> memref<1x79x128xi32, #tpu.memory_space<hbm>>
      %dma_start3A_255 = tpu.memref_squeeze %dma_start3A_254 : memref<1x79x128xi32, #tpu.memory_space<hbm>> -> memref<79x128xi32, #tpu.memory_space<hbm>>
      tpu.enqueue_dma source(%dma_start3A_255 : memref<79x128xi32, #tpu.memory_space<hbm>>) target(%arg4 : memref<79x128xi32, #tpu.memory_space<vmem>>) target_semaphore(%run_scoped3A : memref<!tpu.dma_semaphore, #tpu.memory_space<semaphore_mem>>)
      %dma_wait3A_256 = arith.constant 0 : i32
      %dma_wait3A_257 = arith.constant 0 : i32
      %dma_wait3A_258 = tpu.memref_slice %arg2[%add3A, %dma_wait3A_256, %dma_wait3A_257] : memref<32x79x128xi32, #tpu.memory_space<hbm>> -> memref<1x79x128xi32, #tpu.memory_space<hbm>>
      %dma_wait3A_259 = tpu.memref_squeeze %dma_wait3A_258 : memref<1x79x128xi32, #tpu.memory_space<hbm>> -> memref<79x128xi32, #tpu.memory_space<hbm>>
      %dma_wait3A_260 = arith.constant 0 : i32
      %dma_wait3A_261 = arith.constant 0 : i32
      %dma_wait3A_262 = tpu.memref_slice %arg2[%add3A, %dma_wait3A_260, %dma_wait3A_261] : memref<32x79x128xi32, #tpu.memory_space<hbm>> -> memref<1x79x128xi32, #tpu.memory_space<hbm>>
      %dma_wait3A_263 = tpu.memref_squeeze %dma_wait3A_262 : memref<1x79x128xi32, #tpu.memory_space<hbm>> -> memref<79x128xi32, #tpu.memory_space<hbm>>
      tpu.wait_dma2 semaphore(%run_scoped3A : memref<!tpu.dma_semaphore, #tpu.memory_space<semaphore_mem>>) src(%dma_wait3A_263 : memref<79x128xi32, #tpu.memory_space<hbm>>) dst(%arg4 : memref<79x128xi32, #tpu.memory_space<vmem>>)
      tpu.yield
    }) : () -> ()
    %scan3A = arith.constant 0 : i32
    %scan3A_5 = arith.constant 0 : i32
    %scan3A_6 = arith.constant 128 : i32
    %scan3A_7 = arith.addi %scan3A_5, %scan3A_6 : i32
    %scan3A_8 = arith.constant 1 : i32
    %scan3A_9 = scf.for %scan3A_248 = %scan3A_5 to %scan3A_7 step %scan3A_8 iter_args(%scan3A_249 = %scan3A) -> (i32)  : i32 {
      %broadcast_in_dim3A = arith.constant 1.000000e+00 : f32
      %broadcast_in_dim3A_250 = vector.broadcast %broadcast_in_dim3A : f32 to vector<16xf32>
      %swap3A_251 = arith.index_cast %scan3A_248 : i32 to index
      %swap3A_252 = arith.constant 0 : index
      %swap3A_253 = tpu.vector_load %arg7[%swap3A_251, %swap3A_252] {strides = array<i32>} : memref<128x16xf32, #tpu.memory_space<vmem>>, vector<1x16xf32>,
      %swap3A_254 = vector.shape_cast %swap3A_253 : vector<1x16xf32> to vector<16xf32>
      %swap3A_255 = vector.shape_cast %broadcast_in_dim3A_250 : vector<16xf32> to vector<1x16xf32>
      tpu.vector_store %arg7[%swap3A_251, %swap3A_252], %swap3A_255 {strides = array<i32>} : memref<128x16xf32, #tpu.memory_space<vmem>>, vector<1x16xf32>,
      %scan3A_256 = arith.constant 0 : i32
      scf.yield %scan3A_256 : i32
    }
    %scan3A_10 = arith.constant 128 : i32
    %scan3A_11 = arith.constant 0 : i32
    %scan3A_12 = arith.constant 0 : i32
    %scan3A_13 = arith.constant 80 : i32
    %scan3A_14 = arith.addi %scan3A_12, %scan3A_13 : i32
    %scan3A_15 = arith.constant 1 : i32
    %scan3A_16 = scf.for %scan3A_248 = %scan3A_12 to %scan3A_14 step %scan3A_15 iter_args(%scan3A_249 = %scan3A_11) -> (i32)  : i32 {
      %broadcast_in_dim3A = arith.constant 0.000000e+00 : f32
      %broadcast_in_dim3A_250 = vector.broadcast %broadcast_in_dim3A : f32 to vector<16xf32>
      %swap3A_251 = arith.index_cast %scan3A_248 : i32 to index
      %swap3A_252 = arith.constant 0 : index
      %swap3A_253 = tpu.vector_load %arg8[%swap3A_251, %swap3A_252] {strides = array<i32>} : memref<80x16xf32, #tpu.memory_space<vmem>>, vector<1x16xf32>,
      %swap3A_254 = vector.shape_cast %swap3A_253 : vector<1x16xf32> to vector<16xf32>
      %swap3A_255 = vector.shape_cast %broadcast_in_dim3A_250 : vector<16xf32> to vector<1x16xf32>
      tpu.vector_store %arg8[%swap3A_251, %swap3A_252], %swap3A_255 {strides = array<i32>} : memref<80x16xf32, #tpu.memory_space<vmem>>, vector<1x16xf32>,
      %scan3A_256 = arith.constant 0 : i32
      scf.yield %scan3A_256 : i32
    }
    %scan3A_17 = arith.constant 80 : i32
    %while3A = arith.constant 0 : i32
    %while3A_18 = arith.constant 0 : i32
    %while3A_19 = arith.subi %select_n3A, %while3A : i32
    %while3A_20 = arith.addi %while3A, %while3A_19 : i32
    %while3A_21 = arith.constant 1 : i32
    %while3A_22 = arith.divsi %while3A_19, %while3A_21 : i32
    %while3A_23 = arith.muli %while3A_22, %while3A_21 : i32
    %while3A_24 = arith.addi %while3A, %while3A_23 : i32
    %while3A_25 = arith.constant 1 : i32
    %while3A_26 = scf.for %while3A_248 = %while3A to %while3A_24 step %while3A_25 iter_args(%while3A_249 = %while3A_18) -> (i32)  : i32 {
      %mul3A_250 = arith.constant 80 : i32
      %mul3A_251 = arith.muli %while3A_248, %mul3A_250 : i32
      %add3A_252 = arith.addi %mul3A_2, %mul3A_251 : i32
      "tpu.region"() ({
        %run_scoped3A = tpu.sem_alloc : memref<!tpu.dma_semaphore, #tpu.memory_space<semaphore_mem>>
        %dma_start3A_254 = arith.constant 0 : i32
        %dma_start3A_255 = tpu.memref_slice %arg9[%add3A_252, %dma_start3A_254] : memref<10008x16xf32, #tpu.memory_space<vmem_shared>> -> memref<80x16xf32, #tpu.memory_space<vmem_shared>>
        %dma_start3A_256 = arith.constant 0 : i32
        %dma_start3A_257 = tpu.memref_slice %arg9[%add3A_252, %dma_start3A_256] : memref<10008x16xf32, #tpu.memory_space<vmem_shared>> -> memref<80x16xf32, #tpu.memory_space<vmem_shared>>
        tpu.enqueue_dma source(%arg8 : memref<80x16xf32, #tpu.memory_space<vmem>>) target(%dma_start3A_257 : memref<80x16xf32, #tpu.memory_space<vmem_shared>>) target_semaphore(%run_scoped3A : memref<!tpu.dma_semaphore, #tpu.memory_space<semaphore_mem>>)
        %dma_wait3A_258 = arith.constant 0 : i32
        %dma_wait3A_259 = tpu.memref_slice %arg9[%add3A_252, %dma_wait3A_258] : memref<10008x16xf32, #tpu.memory_space<vmem_shared>> -> memref<80x16xf32, #tpu.memory_space<vmem_shared>>
        %dma_wait3A_260 = arith.constant 0 : i32
        %dma_wait3A_261 = tpu.memref_slice %arg9[%add3A_252, %dma_wait3A_260] : memref<10008x16xf32, #tpu.memory_space<vmem_shared>> -> memref<80x16xf32, #tpu.memory_space<vmem_shared>>
        tpu.wait_dma2 semaphore(%run_scoped3A : memref<!tpu.dma_semaphore, #tpu.memory_space<semaphore_mem>>) src(%arg8 : memref<80x16xf32, #tpu.memory_space<vmem>>) dst(%dma_wait3A_261 : memref<80x16xf32, #tpu.memory_space<vmem_shared>>)
        tpu.yield
      }) : () -> ()
      %while3A_253 = arith.constant 0 : i32
      scf.yield %while3A_253 : i32
    }
    %while3A_27 = arith.constant 1 : i32
    %while3A_28 = scf.for %while3A_248 = %while3A_24 to %while3A_20 step %while3A_27 iter_args(%while3A_249 = %while3A_26) -> (i32)  : i32 {
      %mul3A_250 = arith.constant 80 : i32
      %mul3A_251 = arith.muli %while3A_248, %mul3A_250 : i32
      %add3A_252 = arith.addi %mul3A_2, %mul3A_251 : i32
      "tpu.region"() ({
        %run_scoped3A = tpu.sem_alloc : memref<!tpu.dma_semaphore, #tpu.memory_space<semaphore_mem>>
        %dma_start3A_254 = arith.constant 0 : i32
        %dma_start3A_255 = tpu.memref_slice %arg9[%add3A_252, %dma_start3A_254] : memref<10008x16xf32, #tpu.memory_space<vmem_shared>> -> memref<80x16xf32, #tpu.memory_space<vmem_shared>>
        %dma_start3A_256 = arith.constant 0 : i32
        %dma_start3A_257 = tpu.memref_slice %arg9[%add3A_252, %dma_start3A_256] : memref<10008x16xf32, #tpu.memory_space<vmem_shared>> -> memref<80x16xf32, #tpu.memory_space<vmem_shared>>
        tpu.enqueue_dma source(%arg8 : memref<80x16xf32, #tpu.memory_space<vmem>>) target(%dma_start3A_257 : memref<80x16xf32, #tpu.memory_space<vmem_shared>>) target_semaphore(%run_scoped3A : memref<!tpu.dma_semaphore, #tpu.memory_space<semaphore_mem>>)
        %dma_wait3A_258 = arith.constant 0 : i32
        %dma_wait3A_259 = tpu.memref_slice %arg9[%add3A_252, %dma_wait3A_258] : memref<10008x16xf32, #tpu.memory_space<vmem_shared>> -> memref<80x16xf32, #tpu.memory_space<vmem_shared>>
        %dma_wait3A_260 = arith.constant 0 : i32
        %dma_wait3A_261 = tpu.memref_slice %arg9[%add3A_252, %dma_wait3A_260] : memref<10008x16xf32, #tpu.memory_space<vmem_shared>> -> memref<80x16xf32, #tpu.memory_space<vmem_shared>>
        tpu.wait_dma2 semaphore(%run_scoped3A : memref<!tpu.dma_semaphore, #tpu.memory_space<semaphore_mem>>) src(%arg8 : memref<80x16xf32, #tpu.memory_space<vmem>>) dst(%dma_wait3A_261 : memref<80x16xf32, #tpu.memory_space<vmem_shared>>)
        tpu.yield
      }) : () -> ()
      %while3A_253 = arith.constant 0 : i32
      scf.yield %while3A_253 : i32
    }
    %barrier3A = arith.constant 0 : index
    tpu.barrier barrier_id(%barrier3A)
    %get3A = arith.constant 0 : i32
    %get3A_29 = arith.index_cast %get3A : i32 to index
    %get3A_30 = arith.constant 0 : index
    %get3A_31 = tpu.vector_load %arg4[%get3A_29, %get3A_30] {strides = array<i32>} : memref<79x128xi32, #tpu.memory_space<vmem>>, vector<1x16xi32>,
    %get3A_32 = vector.shape_cast %get3A_31 : vector<1x16xi32> to vector<16xi32>
    %shift_right_arithmetic3A = arith.constant 14 : i32
    %shift_right_arithmetic3A_33 = vector.broadcast %shift_right_arithmetic3A : i32 to vector<16xi32>
    %shift_right_arithmetic3A_34 = arith.shrsi %get3A_32, %shift_right_arithmetic3A_33 : vector<16xi32>
    %swap3A = arith.constant 0 : index
    %swap3A_35 = tpu.vector_load %arg5[%swap3A] {strides = array<i32>} : memref<128xi32, #tpu.memory_space<vmem>>, vector<16xi32>,
    %swap3A_36 = vector.shape_cast %swap3A_35 : vector<16xi32> to vector<16xi32>
    %swap3A_37 = vector.shape_cast %shift_right_arithmetic3A_34 : vector<16xi32> to vector<16xi32>
    tpu.vector_store %arg5[%swap3A], %swap3A_37 {strides = array<i32>} : memref<128xi32, #tpu.memory_space<vmem>>, vector<16xi32>,
    %get3A_38 = arith.constant 0 : i32
    %get3A_39 = arith.index_cast %get3A_38 : i32 to index
    %get3A_40 = arith.constant 16 : index
    %get3A_41 = tpu.vector_load %arg4[%get3A_39, %get3A_40] {strides = array<i32>} : memref<79x128xi32, #tpu.memory_space<vmem>>, vector<1x16xi32>,
    %get3A_42 = vector.shape_cast %get3A_41 : vector<1x16xi32> to vector<16xi32>
    %shift_right_arithmetic3A_43 = arith.constant 14 : i32
    %shift_right_arithmetic3A_44 = vector.broadcast %shift_right_arithmetic3A_43 : i32 to vector<16xi32>
    %shift_right_arithmetic3A_45 = arith.shrsi %get3A_42, %shift_right_arithmetic3A_44 : vector<16xi32>
    %swap3A_46 = arith.constant 16 : index
    %swap3A_47 = tpu.vector_load %arg5[%swap3A_46] {strides = array<i32>} : memref<128xi32, #tpu.memory_space<vmem>>, vector<16xi32>,
    %swap3A_48 = vector.shape_cast %swap3A_47 : vector<16xi32> to vector<16xi32>
    %swap3A_49 = vector.shape_cast %shift_right_arithmetic3A_45 : vector<16xi32> to vector<16xi32>
    tpu.vector_store %arg5[%swap3A_46], %swap3A_49 {strides = array<i32>} : memref<128xi32, #tpu.memory_space<vmem>>, vector<16xi32>,
    %get3A_50 = arith.constant 0 : i32
    %get3A_51 = arith.index_cast %get3A_50 : i32 to index
    %get3A_52 = arith.constant 32 : index
    %get3A_53 = tpu.vector_load %arg4[%get3A_51, %get3A_52] {strides = array<i32>} : memref<79x128xi32, #tpu.memory_space<vmem>>, vector<1x16xi32>,
    %get3A_54 = vector.shape_cast %get3A_53 : vector<1x16xi32> to vector<16xi32>
    %shift_right_arithmetic3A_55 = arith.constant 14 : i32
    %shift_right_arithmetic3A_56 = vector.broadcast %shift_right_arithmetic3A_55 : i32 to vector<16xi32>
    %shift_right_arithmetic3A_57 = arith.shrsi %get3A_54, %shift_right_arithmetic3A_56 : vector<16xi32>
    %swap3A_58 = arith.constant 32 : index
    %swap3A_59 = tpu.vector_load %arg5[%swap3A_58] {strides = array<i32>} : memref<128xi32, #tpu.memory_space<vmem>>, vector<16xi32>,
    %swap3A_60 = vector.shape_cast %swap3A_59 : vector<16xi32> to vector<16xi32>
    %swap3A_61 = vector.shape_cast %shift_right_arithmetic3A_57 : vector<16xi32> to vector<16xi32>
    tpu.vector_store %arg5[%swap3A_58], %swap3A_61 {strides = array<i32>} : memref<128xi32, #tpu.memory_space<vmem>>, vector<16xi32>,
    %get3A_62 = arith.constant 0 : i32
    %get3A_63 = arith.index_cast %get3A_62 : i32 to index
    %get3A_64 = arith.constant 48 : index
    %get3A_65 = tpu.vector_load %arg4[%get3A_63, %get3A_64] {strides = array<i32>} : memref<79x128xi32, #tpu.memory_space<vmem>>, vector<1x16xi32>,
    %get3A_66 = vector.shape_cast %get3A_65 : vector<1x16xi32> to vector<16xi32>
    %shift_right_arithmetic3A_67 = arith.constant 14 : i32
    %shift_right_arithmetic3A_68 = vector.broadcast %shift_right_arithmetic3A_67 : i32 to vector<16xi32>
    %shift_right_arithmetic3A_69 = arith.shrsi %get3A_66, %shift_right_arithmetic3A_68 : vector<16xi32>
    %swap3A_70 = arith.constant 48 : index
    %swap3A_71 = tpu.vector_load %arg5[%swap3A_70] {strides = array<i32>} : memref<128xi32, #tpu.memory_space<vmem>>, vector<16xi32>,
    %swap3A_72 = vector.shape_cast %swap3A_71 : vector<16xi32> to vector<16xi32>
    %swap3A_73 = vector.shape_cast %shift_right_arithmetic3A_69 : vector<16xi32> to vector<16xi32>
    tpu.vector_store %arg5[%swap3A_70], %swap3A_73 {strides = array<i32>} : memref<128xi32, #tpu.memory_space<vmem>>, vector<16xi32>,
    %get3A_74 = arith.constant 0 : i32
    %get3A_75 = arith.index_cast %get3A_74 : i32 to index
    %get3A_76 = arith.constant 64 : index
    %get3A_77 = tpu.vector_load %arg4[%get3A_75, %get3A_76] {strides = array<i32>} : memref<79x128xi32, #tpu.memory_space<vmem>>, vector<1x16xi32>,
    %get3A_78 = vector.shape_cast %get3A_77 : vector<1x16xi32> to vector<16xi32>
    %shift_right_arithmetic3A_79 = arith.constant 14 : i32
    %shift_right_arithmetic3A_80 = vector.broadcast %shift_right_arithmetic3A_79 : i32 to vector<16xi32>
    %shift_right_arithmetic3A_81 = arith.shrsi %get3A_78, %shift_right_arithmetic3A_80 : vector<16xi32>
    %swap3A_82 = arith.constant 64 : index
    %swap3A_83 = tpu.vector_load %arg5[%swap3A_82] {strides = array<i32>} : memref<128xi32, #tpu.memory_space<vmem>>, vector<16xi32>,
    %swap3A_84 = vector.shape_cast %swap3A_83 : vector<16xi32> to vector<16xi32>
    %swap3A_85 = vector.shape_cast %shift_right_arithmetic3A_81 : vector<16xi32> to vector<16xi32>
    tpu.vector_store %arg5[%swap3A_82], %swap3A_85 {strides = array<i32>} : memref<128xi32, #tpu.memory_space<vmem>>, vector<16xi32>,
    %get3A_86 = arith.constant 0 : i32
    %get3A_87 = arith.index_cast %get3A_86 : i32 to index
    %get3A_88 = arith.constant 80 : index
    %get3A_89 = tpu.vector_load %arg4[%get3A_87, %get3A_88] {strides = array<i32>} : memref<79x128xi32, #tpu.memory_space<vmem>>, vector<1x16xi32>,
    %get3A_90 = vector.shape_cast %get3A_89 : vector<1x16xi32> to vector<16xi32>
    %shift_right_arithmetic3A_91 = arith.constant 14 : i32
    %shift_right_arithmetic3A_92 = vector.broadcast %shift_right_arithmetic3A_91 : i32 to vector<16xi32>
    %shift_right_arithmetic3A_93 = arith.shrsi %get3A_90, %shift_right_arithmetic3A_92 : vector<16xi32>
    %swap3A_94 = arith.constant 80 : index
    %swap3A_95 = tpu.vector_load %arg5[%swap3A_94] {strides = array<i32>} : memref<128xi32, #tpu.memory_space<vmem>>, vector<16xi32>,
    %swap3A_96 = vector.shape_cast %swap3A_95 : vector<16xi32> to vector<16xi32>
    %swap3A_97 = vector.shape_cast %shift_right_arithmetic3A_93 : vector<16xi32> to vector<16xi32>
    tpu.vector_store %arg5[%swap3A_94], %swap3A_97 {strides = array<i32>} : memref<128xi32, #tpu.memory_space<vmem>>, vector<16xi32>,
    %get3A_98 = arith.constant 0 : i32
    %get3A_99 = arith.index_cast %get3A_98 : i32 to index
    %get3A_100 = arith.constant 96 : index
    %get3A_101 = tpu.vector_load %arg4[%get3A_99, %get3A_100] {strides = array<i32>} : memref<79x128xi32, #tpu.memory_space<vmem>>, vector<1x16xi32>,
    %get3A_102 = vector.shape_cast %get3A_101 : vector<1x16xi32> to vector<16xi32>
    %shift_right_arithmetic3A_103 = arith.constant 14 : i32
    %shift_right_arithmetic3A_104 = vector.broadcast %shift_right_arithmetic3A_103 : i32 to vector<16xi32>
    %shift_right_arithmetic3A_105 = arith.shrsi %get3A_102, %shift_right_arithmetic3A_104 : vector<16xi32>
    %swap3A_106 = arith.constant 96 : index
    %swap3A_107 = tpu.vector_load %arg5[%swap3A_106] {strides = array<i32>} : memref<128xi32, #tpu.memory_space<vmem>>, vector<16xi32>,
    %swap3A_108 = vector.shape_cast %swap3A_107 : vector<16xi32> to vector<16xi32>
    %swap3A_109 = vector.shape_cast %shift_right_arithmetic3A_105 : vector<16xi32> to vector<16xi32>
    tpu.vector_store %arg5[%swap3A_106], %swap3A_109 {strides = array<i32>} : memref<128xi32, #tpu.memory_space<vmem>>, vector<16xi32>,
    %get3A_110 = arith.constant 0 : i32
    %get3A_111 = arith.index_cast %get3A_110 : i32 to index
    %get3A_112 = arith.constant 112 : index
    %get3A_113 = tpu.vector_load %arg4[%get3A_111, %get3A_112] {strides = array<i32>} : memref<79x128xi32, #tpu.memory_space<vmem>>, vector<1x16xi32>,
    %get3A_114 = vector.shape_cast %get3A_113 : vector<1x16xi32> to vector<16xi32>
    %shift_right_arithmetic3A_115 = arith.constant 14 : i32
    %shift_right_arithmetic3A_116 = vector.broadcast %shift_right_arithmetic3A_115 : i32 to vector<16xi32>
    %shift_right_arithmetic3A_117 = arith.shrsi %get3A_114, %shift_right_arithmetic3A_116 : vector<16xi32>
    %swap3A_118 = arith.constant 112 : index
    %swap3A_119 = tpu.vector_load %arg5[%swap3A_118] {strides = array<i32>} : memref<128xi32, #tpu.memory_space<vmem>>, vector<16xi32>,
    %swap3A_120 = vector.shape_cast %swap3A_119 : vector<16xi32> to vector<16xi32>
    %swap3A_121 = vector.shape_cast %shift_right_arithmetic3A_117 : vector<16xi32> to vector<16xi32>
    tpu.vector_store %arg5[%swap3A_118], %swap3A_121 {strides = array<i32>} : memref<128xi32, #tpu.memory_space<vmem>>, vector<16xi32>,
    %dma_start3A = arith.constant 0 : i32
    %dma_start3A_122 = arith.constant 0 : i32
    %dma_start3A_123 = tpu.memref_slice %arg9[%dma_start3A, %dma_start3A_122] : memref<10008x16xf32, #tpu.memory_space<vmem_shared>> -> memref<10008x16xf32, #tpu.memory_space<vmem_shared>>
    tpu.enqueue_indirect_dma source(%arg7 : memref<128x16xf32, #tpu.memory_space<vmem>>) target(%dma_start3A_123 : memref<10008x16xf32, #tpu.memory_space<vmem_shared>>) offsets(%arg5 : memref<128xi32, #tpu.memory_space<vmem>>) semaphore(%arg10 : memref<!tpu.dma_semaphore, #tpu.memory_space<semaphore_mem>>) {add = true}
    %get3A_124 = arith.constant 1 : i32
    %get3A_125 = arith.index_cast %get3A_124 : i32 to index
    %get3A_126 = arith.constant 0 : index
    %get3A_127 = tpu.vector_load %arg4[%get3A_125, %get3A_126] {strides = array<i32>} : memref<79x128xi32, #tpu.memory_space<vmem>>, vector<1x16xi32>,
    %get3A_128 = vector.shape_cast %get3A_127 : vector<1x16xi32> to vector<16xi32>
    %shift_right_arithmetic3A_129 = arith.constant 14 : i32
    %shift_right_arithmetic3A_130 = vector.broadcast %shift_right_arithmetic3A_129 : i32 to vector<16xi32>
    %shift_right_arithmetic3A_131 = arith.shrsi %get3A_128, %shift_right_arithmetic3A_130 : vector<16xi32>
    %swap3A_132 = arith.constant 0 : index
    %swap3A_133 = tpu.vector_load %arg6[%swap3A_132] {strides = array<i32>} : memref<128xi32, #tpu.memory_space<vmem>>, vector<16xi32>,
    %swap3A_134 = vector.shape_cast %swap3A_133 : vector<16xi32> to vector<16xi32>
    %swap3A_135 = vector.shape_cast %shift_right_arithmetic3A_131 : vector<16xi32> to vector<16xi32>
    tpu.vector_store %arg6[%swap3A_132], %swap3A_135 {strides = array<i32>} : memref<128xi32, #tpu.memory_space<vmem>>, vector<16xi32>,
    %get3A_136 = arith.constant 1 : i32
    %get3A_137 = arith.index_cast %get3A_136 : i32 to index
    %get3A_138 = arith.constant 16 : index
    %get3A_139 = tpu.vector_load %arg4[%get3A_137, %get3A_138] {strides = array<i32>} : memref<79x128xi32, #tpu.memory_space<vmem>>, vector<1x16xi32>,
    %get3A_140 = vector.shape_cast %get3A_139 : vector<1x16xi32> to vector<16xi32>
    %shift_right_arithmetic3A_141 = arith.constant 14 : i32
    %shift_right_arithmetic3A_142 = vector.broadcast %shift_right_arithmetic3A_141 : i32 to vector<16xi32>
    %shift_right_arithmetic3A_143 = arith.shrsi %get3A_140, %shift_right_arithmetic3A_142 : vector<16xi32>
    %swap3A_144 = arith.constant 16 : index
    %swap3A_145 = tpu.vector_load %arg6[%swap3A_144] {strides = array<i32>} : memref<128xi32, #tpu.memory_space<vmem>>, vector<16xi32>,
    %swap3A_146 = vector.shape_cast %swap3A_145 : vector<16xi32> to vector<16xi32>
    %swap3A_147 = vector.shape_cast %shift_right_arithmetic3A_143 : vector<16xi32> to vector<16xi32>
    tpu.vector_store %arg6[%swap3A_144], %swap3A_147 {strides = array<i32>} : memref<128xi32, #tpu.memory_space<vmem>>, vector<16xi32>,
    %get3A_148 = arith.constant 1 : i32
    %get3A_149 = arith.index_cast %get3A_148 : i32 to index
    %get3A_150 = arith.constant 32 : index
    %get3A_151 = tpu.vector_load %arg4[%get3A_149, %get3A_150] {strides = array<i32>} : memref<79x128xi32, #tpu.memory_space<vmem>>, vector<1x16xi32>,
    %get3A_152 = vector.shape_cast %get3A_151 : vector<1x16xi32> to vector<16xi32>
    %shift_right_arithmetic3A_153 = arith.constant 14 : i32
    %shift_right_arithmetic3A_154 = vector.broadcast %shift_right_arithmetic3A_153 : i32 to vector<16xi32>
    %shift_right_arithmetic3A_155 = arith.shrsi %get3A_152, %shift_right_arithmetic3A_154 : vector<16xi32>
    %swap3A_156 = arith.constant 32 : index
    %swap3A_157 = tpu.vector_load %arg6[%swap3A_156] {strides = array<i32>} : memref<128xi32, #tpu.memory_space<vmem>>, vector<16xi32>,
    %swap3A_158 = vector.shape_cast %swap3A_157 : vector<16xi32> to vector<16xi32>
    %swap3A_159 = vector.shape_cast %shift_right_arithmetic3A_155 : vector<16xi32> to vector<16xi32>
    tpu.vector_store %arg6[%swap3A_156], %swap3A_159 {strides = array<i32>} : memref<128xi32, #tpu.memory_space<vmem>>, vector<16xi32>,
    %get3A_160 = arith.constant 1 : i32
    %get3A_161 = arith.index_cast %get3A_160 : i32 to index
    %get3A_162 = arith.constant 48 : index
    %get3A_163 = tpu.vector_load %arg4[%get3A_161, %get3A_162] {strides = array<i32>} : memref<79x128xi32, #tpu.memory_space<vmem>>, vector<1x16xi32>,
    %get3A_164 = vector.shape_cast %get3A_163 : vector<1x16xi32> to vector<16xi32>
    %shift_right_arithmetic3A_165 = arith.constant 14 : i32
    %shift_right_arithmetic3A_166 = vector.broadcast %shift_right_arithmetic3A_165 : i32 to vector<16xi32>
    %shift_right_arithmetic3A_167 = arith.shrsi %get3A_164, %shift_right_arithmetic3A_166 : vector<16xi32>
    %swap3A_168 = arith.constant 48 : index
    %swap3A_169 = tpu.vector_load %arg6[%swap3A_168] {strides = array<i32>} : memref<128xi32, #tpu.memory_space<vmem>>, vector<16xi32>,
    %swap3A_170 = vector.shape_cast %swap3A_169 : vector<16xi32> to vector<16xi32>
    %swap3A_171 = vector.shape_cast %shift_right_arithmetic3A_167 : vector<16xi32> to vector<16xi32>
    tpu.vector_store %arg6[%swap3A_168], %swap3A_171 {strides = array<i32>} : memref<128xi32, #tpu.memory_space<vmem>>, vector<16xi32>,
    %get3A_172 = arith.constant 1 : i32
    %get3A_173 = arith.index_cast %get3A_172 : i32 to index
    %get3A_174 = arith.constant 64 : index
    %get3A_175 = tpu.vector_load %arg4[%get3A_173, %get3A_174] {strides = array<i32>} : memref<79x128xi32, #tpu.memory_space<vmem>>, vector<1x16xi32>,
    %get3A_176 = vector.shape_cast %get3A_175 : vector<1x16xi32> to vector<16xi32>
    %shift_right_arithmetic3A_177 = arith.constant 14 : i32
    %shift_right_arithmetic3A_178 = vector.broadcast %shift_right_arithmetic3A_177 : i32 to vector<16xi32>
    %shift_right_arithmetic3A_179 = arith.shrsi %get3A_176, %shift_right_arithmetic3A_178 : vector<16xi32>
    %swap3A_180 = arith.constant 64 : index
    %swap3A_181 = tpu.vector_load %arg6[%swap3A_180] {strides = array<i32>} : memref<128xi32, #tpu.memory_space<vmem>>, vector<16xi32>,
    %swap3A_182 = vector.shape_cast %swap3A_181 : vector<16xi32> to vector<16xi32>
    %swap3A_183 = vector.shape_cast %shift_right_arithmetic3A_179 : vector<16xi32> to vector<16xi32>
    tpu.vector_store %arg6[%swap3A_180], %swap3A_183 {strides = array<i32>} : memref<128xi32, #tpu.memory_space<vmem>>, vector<16xi32>,
    %get3A_184 = arith.constant 1 : i32
    %get3A_185 = arith.index_cast %get3A_184 : i32 to index
    %get3A_186 = arith.constant 80 : index
    %get3A_187 = tpu.vector_load %arg4[%get3A_185, %get3A_186] {strides = array<i32>} : memref<79x128xi32, #tpu.memory_space<vmem>>, vector<1x16xi32>,
    %get3A_188 = vector.shape_cast %get3A_187 : vector<1x16xi32> to vector<16xi32>
    %shift_right_arithmetic3A_189 = arith.constant 14 : i32
    %shift_right_arithmetic3A_190 = vector.broadcast %shift_right_arithmetic3A_189 : i32 to vector<16xi32>
    %shift_right_arithmetic3A_191 = arith.shrsi %get3A_188, %shift_right_arithmetic3A_190 : vector<16xi32>
    %swap3A_192 = arith.constant 80 : index
    %swap3A_193 = tpu.vector_load %arg6[%swap3A_192] {strides = array<i32>} : memref<128xi32, #tpu.memory_space<vmem>>, vector<16xi32>,
    %swap3A_194 = vector.shape_cast %swap3A_193 : vector<16xi32> to vector<16xi32>
    %swap3A_195 = vector.shape_cast %shift_right_arithmetic3A_191 : vector<16xi32> to vector<16xi32>
    tpu.vector_store %arg6[%swap3A_192], %swap3A_195 {strides = array<i32>} : memref<128xi32, #tpu.memory_space<vmem>>, vector<16xi32>,
    %get3A_196 = arith.constant 1 : i32
    %get3A_197 = arith.index_cast %get3A_196 : i32 to index
    %get3A_198 = arith.constant 96 : index
    %get3A_199 = tpu.vector_load %arg4[%get3A_197, %get3A_198] {strides = array<i32>} : memref<79x128xi32, #tpu.memory_space<vmem>>, vector<1x16xi32>,
    %get3A_200 = vector.shape_cast %get3A_199 : vector<1x16xi32> to vector<16xi32>
    %shift_right_arithmetic3A_201 = arith.constant 14 : i32
    %shift_right_arithmetic3A_202 = vector.broadcast %shift_right_arithmetic3A_201 : i32 to vector<16xi32>
    %shift_right_arithmetic3A_203 = arith.shrsi %get3A_200, %shift_right_arithmetic3A_202 : vector<16xi32>
    %swap3A_204 = arith.constant 96 : index
    %swap3A_205 = tpu.vector_load %arg6[%swap3A_204] {strides = array<i32>} : memref<128xi32, #tpu.memory_space<vmem>>, vector<16xi32>,
    %swap3A_206 = vector.shape_cast %swap3A_205 : vector<16xi32> to vector<16xi32>
    %swap3A_207 = vector.shape_cast %shift_right_arithmetic3A_203 : vector<16xi32> to vector<16xi32>
    tpu.vector_store %arg6[%swap3A_204], %swap3A_207 {strides = array<i32>} : memref<128xi32, #tpu.memory_space<vmem>>, vector<16xi32>,
    %get3A_208 = arith.constant 1 : i32
    %get3A_209 = arith.index_cast %get3A_208 : i32 to index
    %get3A_210 = arith.constant 112 : index
    %get3A_211 = tpu.vector_load %arg4[%get3A_209, %get3A_210] {strides = array<i32>} : memref<79x128xi32, #tpu.memory_space<vmem>>, vector<1x16xi32>,
    %get3A_212 = vector.shape_cast %get3A_211 : vector<1x16xi32> to vector<16xi32>
    %shift_right_arithmetic3A_213 = arith.constant 14 : i32
    %shift_right_arithmetic3A_214 = vector.broadcast %shift_right_arithmetic3A_213 : i32 to vector<16xi32>
    %shift_right_arithmetic3A_215 = arith.shrsi %get3A_212, %shift_right_arithmetic3A_214 : vector<16xi32>
    %swap3A_216 = arith.constant 112 : index
    %swap3A_217 = tpu.vector_load %arg6[%swap3A_216] {strides = array<i32>} : memref<128xi32, #tpu.memory_space<vmem>>, vector<16xi32>,
    %swap3A_218 = vector.shape_cast %swap3A_217 : vector<16xi32> to vector<16xi32>
    %swap3A_219 = vector.shape_cast %shift_right_arithmetic3A_215 : vector<16xi32> to vector<16xi32>
    tpu.vector_store %arg6[%swap3A_216], %swap3A_219 {strides = array<i32>} : memref<128xi32, #tpu.memory_space<vmem>>, vector<16xi32>,
    %dma_start3A_220 = arith.constant 0 : i32
    %dma_start3A_221 = arith.constant 0 : i32
    %dma_start3A_222 = tpu.memref_slice %arg9[%dma_start3A_220, %dma_start3A_221] : memref<10008x16xf32, #tpu.memory_space<vmem_shared>> -> memref<10008x16xf32, #tpu.memory_space<vmem_shared>>
    tpu.enqueue_indirect_dma source(%arg7 : memref<128x16xf32, #tpu.memory_space<vmem>>) target(%dma_start3A_222 : memref<10008x16xf32, #tpu.memory_space<vmem_shared>>) offsets(%arg6 : memref<128xi32, #tpu.memory_space<vmem>>) semaphore(%arg11 : memref<!tpu.dma_semaphore, #tpu.memory_space<semaphore_mem>>) {add = true}
    %scan3A_223 = arith.constant 0 : i32
    %scan3A_224 = arith.constant 0 : i32
    %scan3A_225 = arith.constant 39 : i32
    %scan3A_226 = arith.addi %scan3A_224, %scan3A_225 : i32
    %scan3A_227 = arith.constant 1 : i32
    %scan3A_228 = scf.for %scan3A_248 = %scan3A_224 to %scan3A_226 step %scan3A_227 iter_args(%scan3A_249 = %scan3A_223) -> (i32)  : i32 {
      %mul3A_250 = arith.constant 2 : i32
      %mul3A_251 = arith.muli %mul3A_250, %scan3A_248 : i32
      %add3A_252 = arith.constant 2 : i32
      %add3A_253 = arith.addi %mul3A_251, %add3A_252 : i32
      %mul3A_254 = arith.constant 2 : i32
      %mul3A_255 = arith.muli %mul3A_254, %scan3A_248 : i32
      %add3A_256 = arith.constant 3 : i32
      %add3A_257 = arith.addi %mul3A_255, %add3A_256 : i32
      %lt3A_258 = arith.constant 79 : i32
      %lt3A_259 = arith.cmpi slt, %add3A_253, %lt3A_258 : i32
      %convert_element_type3A = arith.extui %lt3A_259 : i1 to i32
      %cond3A = arith.constant 0 : i32
      %cond3A_260 = arith.cmpi ne, %convert_element_type3A, %cond3A : i32
      scf.if %cond3A_260 {
        %dma_wait3A_267 = arith.constant 0 : i32
        %dma_wait3A_268 = arith.constant 0 : i32
        %dma_wait3A_269 = tpu.memref_slice %arg9[%dma_wait3A_267, %dma_wait3A_268] : memref<10008x16xf32, #tpu.memory_space<vmem_shared>> -> memref<10008x16xf32, #tpu.memory_space<vmem_shared>>
        tpu.wait_indirect_dma semaphore(%arg10 : memref<!tpu.dma_semaphore, #tpu.memory_space<semaphore_mem>>) src(%arg7 : memref<128x16xf32, #tpu.memory_space<vmem>>) dst(%dma_wait3A_269 : memref<10008x16xf32, #tpu.memory_space<vmem_shared>>)
        %get3A_270 = arith.index_cast %add3A_253 : i32 to index
        %get3A_271 = arith.constant 0 : index
        %get3A_272 = tpu.vector_load %arg4[%get3A_270, %get3A_271] {strides = array<i32>} : memref<79x128xi32, #tpu.memory_space<vmem>>, vector<1x16xi32>,
        %get3A_273 = vector.shape_cast %get3A_272 : vector<1x16xi32> to vector<16xi32>
        %shift_right_arithmetic3A_274 = arith.constant 14 : i32
        %shift_right_arithmetic3A_275 = vector.broadcast %shift_right_arithmetic3A_274 : i32 to vector<16xi32>
        %shift_right_arithmetic3A_276 = arith.shrsi %get3A_273, %shift_right_arithmetic3A_275 : vector<16xi32>
        %swap3A_277 = arith.constant 0 : index
        %swap3A_278 = tpu.vector_load %arg5[%swap3A_277] {strides = array<i32>} : memref<128xi32, #tpu.memory_space<vmem>>, vector<16xi32>,
        %swap3A_279 = vector.shape_cast %swap3A_278 : vector<16xi32> to vector<16xi32>
        %swap3A_280 = vector.shape_cast %shift_right_arithmetic3A_276 : vector<16xi32> to vector<16xi32>
        tpu.vector_store %arg5[%swap3A_277], %swap3A_280 {strides = array<i32>} : memref<128xi32, #tpu.memory_space<vmem>>, vector<16xi32>,
        %get3A_281 = arith.index_cast %add3A_253 : i32 to index
        %get3A_282 = arith.constant 16 : index
        %get3A_283 = tpu.vector_load %arg4[%get3A_281, %get3A_282] {strides = array<i32>} : memref<79x128xi32, #tpu.memory_space<vmem>>, vector<1x16xi32>,
        %get3A_284 = vector.shape_cast %get3A_283 : vector<1x16xi32> to vector<16xi32>
        %shift_right_arithmetic3A_285 = arith.constant 14 : i32
        %shift_right_arithmetic3A_286 = vector.broadcast %shift_right_arithmetic3A_285 : i32 to vector<16xi32>
        %shift_right_arithmetic3A_287 = arith.shrsi %get3A_284, %shift_right_arithmetic3A_286 : vector<16xi32>
        %swap3A_288 = arith.constant 16 : index
        %swap3A_289 = tpu.vector_load %arg5[%swap3A_288] {strides = array<i32>} : memref<128xi32, #tpu.memory_space<vmem>>, vector<16xi32>,
        %swap3A_290 = vector.shape_cast %swap3A_289 : vector<16xi32> to vector<16xi32>
        %swap3A_291 = vector.shape_cast %shift_right_arithmetic3A_287 : vector<16xi32> to vector<16xi32>
        tpu.vector_store %arg5[%swap3A_288], %swap3A_291 {strides = array<i32>} : memref<128xi32, #tpu.memory_space<vmem>>, vector<16xi32>,
        %get3A_292 = arith.index_cast %add3A_253 : i32 to index
        %get3A_293 = arith.constant 32 : index
        %get3A_294 = tpu.vector_load %arg4[%get3A_292, %get3A_293] {strides = array<i32>} : memref<79x128xi32, #tpu.memory_space<vmem>>, vector<1x16xi32>,
        %get3A_295 = vector.shape_cast %get3A_294 : vector<1x16xi32> to vector<16xi32>
        %shift_right_arithmetic3A_296 = arith.constant 14 : i32
        %shift_right_arithmetic3A_297 = vector.broadcast %shift_right_arithmetic3A_296 : i32 to vector<16xi32>
        %shift_right_arithmetic3A_298 = arith.shrsi %get3A_295, %shift_right_arithmetic3A_297 : vector<16xi32>
        %swap3A_299 = arith.constant 32 : index
        %swap3A_300 = tpu.vector_load %arg5[%swap3A_299] {strides = array<i32>} : memref<128xi32, #tpu.memory_space<vmem>>, vector<16xi32>,
        %swap3A_301 = vector.shape_cast %swap3A_300 : vector<16xi32> to vector<16xi32>
        %swap3A_302 = vector.shape_cast %shift_right_arithmetic3A_298 : vector<16xi32> to vector<16xi32>
        tpu.vector_store %arg5[%swap3A_299], %swap3A_302 {strides = array<i32>} : memref<128xi32, #tpu.memory_space<vmem>>, vector<16xi32>,
        %get3A_303 = arith.index_cast %add3A_253 : i32 to index
        %get3A_304 = arith.constant 48 : index
        %get3A_305 = tpu.vector_load %arg4[%get3A_303, %get3A_304] {strides = array<i32>} : memref<79x128xi32, #tpu.memory_space<vmem>>, vector<1x16xi32>,
        %get3A_306 = vector.shape_cast %get3A_305 : vector<1x16xi32> to vector<16xi32>
        %shift_right_arithmetic3A_307 = arith.constant 14 : i32
        %shift_right_arithmetic3A_308 = vector.broadcast %shift_right_arithmetic3A_307 : i32 to vector<16xi32>
        %shift_right_arithmetic3A_309 = arith.shrsi %get3A_306, %shift_right_arithmetic3A_308 : vector<16xi32>
        %swap3A_310 = arith.constant 48 : index
        %swap3A_311 = tpu.vector_load %arg5[%swap3A_310] {strides = array<i32>} : memref<128xi32, #tpu.memory_space<vmem>>, vector<16xi32>,
        %swap3A_312 = vector.shape_cast %swap3A_311 : vector<16xi32> to vector<16xi32>
        %swap3A_313 = vector.shape_cast %shift_right_arithmetic3A_309 : vector<16xi32> to vector<16xi32>
        tpu.vector_store %arg5[%swap3A_310], %swap3A_313 {strides = array<i32>} : memref<128xi32, #tpu.memory_space<vmem>>, vector<16xi32>,
        %get3A_314 = arith.index_cast %add3A_253 : i32 to index
        %get3A_315 = arith.constant 64 : index
        %get3A_316 = tpu.vector_load %arg4[%get3A_314, %get3A_315] {strides = array<i32>} : memref<79x128xi32, #tpu.memory_space<vmem>>, vector<1x16xi32>,
        %get3A_317 = vector.shape_cast %get3A_316 : vector<1x16xi32> to vector<16xi32>
        %shift_right_arithmetic3A_318 = arith.constant 14 : i32
        %shift_right_arithmetic3A_319 = vector.broadcast %shift_right_arithmetic3A_318 : i32 to vector<16xi32>
        %shift_right_arithmetic3A_320 = arith.shrsi %get3A_317, %shift_right_arithmetic3A_319 : vector<16xi32>
        %swap3A_321 = arith.constant 64 : index
        %swap3A_322 = tpu.vector_load %arg5[%swap3A_321] {strides = array<i32>} : memref<128xi32, #tpu.memory_space<vmem>>, vector<16xi32>,
        %swap3A_323 = vector.shape_cast %swap3A_322 : vector<16xi32> to vector<16xi32>
        %swap3A_324 = vector.shape_cast %shift_right_arithmetic3A_320 : vector<16xi32> to vector<16xi32>
        tpu.vector_store %arg5[%swap3A_321], %swap3A_324 {strides = array<i32>} : memref<128xi32, #tpu.memory_space<vmem>>, vector<16xi32>,
        %get3A_325 = arith.index_cast %add3A_253 : i32 to index
        %get3A_326 = arith.constant 80 : index
        %get3A_327 = tpu.vector_load %arg4[%get3A_325, %get3A_326] {strides = array<i32>} : memref<79x128xi32, #tpu.memory_space<vmem>>, vector<1x16xi32>,
        %get3A_328 = vector.shape_cast %get3A_327 : vector<1x16xi32> to vector<16xi32>
        %shift_right_arithmetic3A_329 = arith.constant 14 : i32
        %shift_right_arithmetic3A_330 = vector.broadcast %shift_right_arithmetic3A_329 : i32 to vector<16xi32>
        %shift_right_arithmetic3A_331 = arith.shrsi %get3A_328, %shift_right_arithmetic3A_330 : vector<16xi32>
        %swap3A_332 = arith.constant 80 : index
        %swap3A_333 = tpu.vector_load %arg5[%swap3A_332] {strides = array<i32>} : memref<128xi32, #tpu.memory_space<vmem>>, vector<16xi32>,
        %swap3A_334 = vector.shape_cast %swap3A_333 : vector<16xi32> to vector<16xi32>
        %swap3A_335 = vector.shape_cast %shift_right_arithmetic3A_331 : vector<16xi32> to vector<16xi32>
        tpu.vector_store %arg5[%swap3A_332], %swap3A_335 {strides = array<i32>} : memref<128xi32, #tpu.memory_space<vmem>>, vector<16xi32>,
        %get3A_336 = arith.index_cast %add3A_253 : i32 to index
        %get3A_337 = arith.constant 96 : index
        %get3A_338 = tpu.vector_load %arg4[%get3A_336, %get3A_337] {strides = array<i32>} : memref<79x128xi32, #tpu.memory_space<vmem>>, vector<1x16xi32>,
        %get3A_339 = vector.shape_cast %get3A_338 : vector<1x16xi32> to vector<16xi32>
        %shift_right_arithmetic3A_340 = arith.constant 14 : i32
        %shift_right_arithmetic3A_341 = vector.broadcast %shift_right_arithmetic3A_340 : i32 to vector<16xi32>
        %shift_right_arithmetic3A_342 = arith.shrsi %get3A_339, %shift_right_arithmetic3A_341 : vector<16xi32>
        %swap3A_343 = arith.constant 96 : index
        %swap3A_344 = tpu.vector_load %arg5[%swap3A_343] {strides = array<i32>} : memref<128xi32, #tpu.memory_space<vmem>>, vector<16xi32>,
        %swap3A_345 = vector.shape_cast %swap3A_344 : vector<16xi32> to vector<16xi32>
        %swap3A_346 = vector.shape_cast %shift_right_arithmetic3A_342 : vector<16xi32> to vector<16xi32>
        tpu.vector_store %arg5[%swap3A_343], %swap3A_346 {strides = array<i32>} : memref<128xi32, #tpu.memory_space<vmem>>, vector<16xi32>,
        %get3A_347 = arith.index_cast %add3A_253 : i32 to index
        %get3A_348 = arith.constant 112 : index
        %get3A_349 = tpu.vector_load %arg4[%get3A_347, %get3A_348] {strides = array<i32>} : memref<79x128xi32, #tpu.memory_space<vmem>>, vector<1x16xi32>,
        %get3A_350 = vector.shape_cast %get3A_349 : vector<1x16xi32> to vector<16xi32>
        %shift_right_arithmetic3A_351 = arith.constant 14 : i32
        %shift_right_arithmetic3A_352 = vector.broadcast %shift_right_arithmetic3A_351 : i32 to vector<16xi32>
        %shift_right_arithmetic3A_353 = arith.shrsi %get3A_350, %shift_right_arithmetic3A_352 : vector<16xi32>
        %swap3A_354 = arith.constant 112 : index
        %swap3A_355 = tpu.vector_load %arg5[%swap3A_354] {strides = array<i32>} : memref<128xi32, #tpu.memory_space<vmem>>, vector<16xi32>,
        %swap3A_356 = vector.shape_cast %swap3A_355 : vector<16xi32> to vector<16xi32>
        %swap3A_357 = vector.shape_cast %shift_right_arithmetic3A_353 : vector<16xi32> to vector<16xi32>
        tpu.vector_store %arg5[%swap3A_354], %swap3A_357 {strides = array<i32>} : memref<128xi32, #tpu.memory_space<vmem>>, vector<16xi32>,
        %dma_start3A_358 = arith.constant 0 : i32
        %dma_start3A_359 = arith.constant 0 : i32
        %dma_start3A_360 = tpu.memref_slice %arg9[%dma_start3A_358, %dma_start3A_359] : memref<10008x16xf32, #tpu.memory_space<vmem_shared>> -> memref<10008x16xf32, #tpu.memory_space<vmem_shared>>
        tpu.enqueue_indirect_dma source(%arg7 : memref<128x16xf32, #tpu.memory_space<vmem>>) target(%dma_start3A_360 : memref<10008x16xf32, #tpu.memory_space<vmem_shared>>) offsets(%arg5 : memref<128xi32, #tpu.memory_space<vmem>>) semaphore(%arg10 : memref<!tpu.dma_semaphore, #tpu.memory_space<semaphore_mem>>) {add = true}
      } else {
      }
      %lt3A_261 = arith.constant 79 : i32
      %lt3A_262 = arith.cmpi slt, %add3A_257, %lt3A_261 : i32
      %convert_element_type3A_263 = arith.extui %lt3A_262 : i1 to i32
      %cond3A_264 = arith.constant 0 : i32
      %cond3A_265 = arith.cmpi ne, %convert_element_type3A_263, %cond3A_264 : i32
      scf.if %cond3A_265 {
        %dma_wait3A_267 = arith.constant 0 : i32
        %dma_wait3A_268 = arith.constant 0 : i32
        %dma_wait3A_269 = tpu.memref_slice %arg9[%dma_wait3A_267, %dma_wait3A_268] : memref<10008x16xf32, #tpu.memory_space<vmem_shared>> -> memref<10008x16xf32, #tpu.memory_space<vmem_shared>>
        tpu.wait_indirect_dma semaphore(%arg11 : memref<!tpu.dma_semaphore, #tpu.memory_space<semaphore_mem>>) src(%arg7 : memref<128x16xf32, #tpu.memory_space<vmem>>) dst(%dma_wait3A_269 : memref<10008x16xf32, #tpu.memory_space<vmem_shared>>)
        %get3A_270 = arith.index_cast %add3A_257 : i32 to index
        %get3A_271 = arith.constant 0 : index
        %get3A_272 = tpu.vector_load %arg4[%get3A_270, %get3A_271] {strides = array<i32>} : memref<79x128xi32, #tpu.memory_space<vmem>>, vector<1x16xi32>,
        %get3A_273 = vector.shape_cast %get3A_272 : vector<1x16xi32> to vector<16xi32>
        %shift_right_arithmetic3A_274 = arith.constant 14 : i32
        %shift_right_arithmetic3A_275 = vector.broadcast %shift_right_arithmetic3A_274 : i32 to vector<16xi32>
        %shift_right_arithmetic3A_276 = arith.shrsi %get3A_273, %shift_right_arithmetic3A_275 : vector<16xi32>
        %swap3A_277 = arith.constant 0 : index
        %swap3A_278 = tpu.vector_load %arg6[%swap3A_277] {strides = array<i32>} : memref<128xi32, #tpu.memory_space<vmem>>, vector<16xi32>,
        %swap3A_279 = vector.shape_cast %swap3A_278 : vector<16xi32> to vector<16xi32>
        %swap3A_280 = vector.shape_cast %shift_right_arithmetic3A_276 : vector<16xi32> to vector<16xi32>
        tpu.vector_store %arg6[%swap3A_277], %swap3A_280 {strides = array<i32>} : memref<128xi32, #tpu.memory_space<vmem>>, vector<16xi32>,
        %get3A_281 = arith.index_cast %add3A_257 : i32 to index
        %get3A_282 = arith.constant 16 : index
        %get3A_283 = tpu.vector_load %arg4[%get3A_281, %get3A_282] {strides = array<i32>} : memref<79x128xi32, #tpu.memory_space<vmem>>, vector<1x16xi32>,
        %get3A_284 = vector.shape_cast %get3A_283 : vector<1x16xi32> to vector<16xi32>
        %shift_right_arithmetic3A_285 = arith.constant 14 : i32
        %shift_right_arithmetic3A_286 = vector.broadcast %shift_right_arithmetic3A_285 : i32 to vector<16xi32>
        %shift_right_arithmetic3A_287 = arith.shrsi %get3A_284, %shift_right_arithmetic3A_286 : vector<16xi32>
        %swap3A_288 = arith.constant 16 : index
        %swap3A_289 = tpu.vector_load %arg6[%swap3A_288] {strides = array<i32>} : memref<128xi32, #tpu.memory_space<vmem>>, vector<16xi32>,
        %swap3A_290 = vector.shape_cast %swap3A_289 : vector<16xi32> to vector<16xi32>
        %swap3A_291 = vector.shape_cast %shift_right_arithmetic3A_287 : vector<16xi32> to vector<16xi32>
        tpu.vector_store %arg6[%swap3A_288], %swap3A_291 {strides = array<i32>} : memref<128xi32, #tpu.memory_space<vmem>>, vector<16xi32>,
        %get3A_292 = arith.index_cast %add3A_257 : i32 to index
        %get3A_293 = arith.constant 32 : index
        %get3A_294 = tpu.vector_load %arg4[%get3A_292, %get3A_293] {strides = array<i32>} : memref<79x128xi32, #tpu.memory_space<vmem>>, vector<1x16xi32>,
        %get3A_295 = vector.shape_cast %get3A_294 : vector<1x16xi32> to vector<16xi32>
        %shift_right_arithmetic3A_296 = arith.constant 14 : i32
        %shift_right_arithmetic3A_297 = vector.broadcast %shift_right_arithmetic3A_296 : i32 to vector<16xi32>
        %shift_right_arithmetic3A_298 = arith.shrsi %get3A_295, %shift_right_arithmetic3A_297 : vector<16xi32>
        %swap3A_299 = arith.constant 32 : index
        %swap3A_300 = tpu.vector_load %arg6[%swap3A_299] {strides = array<i32>} : memref<128xi32, #tpu.memory_space<vmem>>, vector<16xi32>,
        %swap3A_301 = vector.shape_cast %swap3A_300 : vector<16xi32> to vector<16xi32>
        %swap3A_302 = vector.shape_cast %shift_right_arithmetic3A_298 : vector<16xi32> to vector<16xi32>
        tpu.vector_store %arg6[%swap3A_299], %swap3A_302 {strides = array<i32>} : memref<128xi32, #tpu.memory_space<vmem>>, vector<16xi32>,
        %get3A_303 = arith.index_cast %add3A_257 : i32 to index
        %get3A_304 = arith.constant 48 : index
        %get3A_305 = tpu.vector_load %arg4[%get3A_303, %get3A_304] {strides = array<i32>} : memref<79x128xi32, #tpu.memory_space<vmem>>, vector<1x16xi32>,
        %get3A_306 = vector.shape_cast %get3A_305 : vector<1x16xi32> to vector<16xi32>
        %shift_right_arithmetic3A_307 = arith.constant 14 : i32
        %shift_right_arithmetic3A_308 = vector.broadcast %shift_right_arithmetic3A_307 : i32 to vector<16xi32>
        %shift_right_arithmetic3A_309 = arith.shrsi %get3A_306, %shift_right_arithmetic3A_308 : vector<16xi32>
        %swap3A_310 = arith.constant 48 : index
        %swap3A_311 = tpu.vector_load %arg6[%swap3A_310] {strides = array<i32>} : memref<128xi32, #tpu.memory_space<vmem>>, vector<16xi32>,
        %swap3A_312 = vector.shape_cast %swap3A_311 : vector<16xi32> to vector<16xi32>
        %swap3A_313 = vector.shape_cast %shift_right_arithmetic3A_309 : vector<16xi32> to vector<16xi32>
        tpu.vector_store %arg6[%swap3A_310], %swap3A_313 {strides = array<i32>} : memref<128xi32, #tpu.memory_space<vmem>>, vector<16xi32>,
        %get3A_314 = arith.index_cast %add3A_257 : i32 to index
        %get3A_315 = arith.constant 64 : index
        %get3A_316 = tpu.vector_load %arg4[%get3A_314, %get3A_315] {strides = array<i32>} : memref<79x128xi32, #tpu.memory_space<vmem>>, vector<1x16xi32>,
        %get3A_317 = vector.shape_cast %get3A_316 : vector<1x16xi32> to vector<16xi32>
        %shift_right_arithmetic3A_318 = arith.constant 14 : i32
        %shift_right_arithmetic3A_319 = vector.broadcast %shift_right_arithmetic3A_318 : i32 to vector<16xi32>
        %shift_right_arithmetic3A_320 = arith.shrsi %get3A_317, %shift_right_arithmetic3A_319 : vector<16xi32>
        %swap3A_321 = arith.constant 64 : index
        %swap3A_322 = tpu.vector_load %arg6[%swap3A_321] {strides = array<i32>} : memref<128xi32, #tpu.memory_space<vmem>>, vector<16xi32>,
        %swap3A_323 = vector.shape_cast %swap3A_322 : vector<16xi32> to vector<16xi32>
        %swap3A_324 = vector.shape_cast %shift_right_arithmetic3A_320 : vector<16xi32> to vector<16xi32>
        tpu.vector_store %arg6[%swap3A_321], %swap3A_324 {strides = array<i32>} : memref<128xi32, #tpu.memory_space<vmem>>, vector<16xi32>,
        %get3A_325 = arith.index_cast %add3A_257 : i32 to index
        %get3A_326 = arith.constant 80 : index
        %get3A_327 = tpu.vector_load %arg4[%get3A_325, %get3A_326] {strides = array<i32>} : memref<79x128xi32, #tpu.memory_space<vmem>>, vector<1x16xi32>,
        %get3A_328 = vector.shape_cast %get3A_327 : vector<1x16xi32> to vector<16xi32>
        %shift_right_arithmetic3A_329 = arith.constant 14 : i32
        %shift_right_arithmetic3A_330 = vector.broadcast %shift_right_arithmetic3A_329 : i32 to vector<16xi32>
        %shift_right_arithmetic3A_331 = arith.shrsi %get3A_328, %shift_right_arithmetic3A_330 : vector<16xi32>
        %swap3A_332 = arith.constant 80 : index
        %swap3A_333 = tpu.vector_load %arg6[%swap3A_332] {strides = array<i32>} : memref<128xi32, #tpu.memory_space<vmem>>, vector<16xi32>,
        %swap3A_334 = vector.shape_cast %swap3A_333 : vector<16xi32> to vector<16xi32>
        %swap3A_335 = vector.shape_cast %shift_right_arithmetic3A_331 : vector<16xi32> to vector<16xi32>
        tpu.vector_store %arg6[%swap3A_332], %swap3A_335 {strides = array<i32>} : memref<128xi32, #tpu.memory_space<vmem>>, vector<16xi32>,
        %get3A_336 = arith.index_cast %add3A_257 : i32 to index
        %get3A_337 = arith.constant 96 : index
        %get3A_338 = tpu.vector_load %arg4[%get3A_336, %get3A_337] {strides = array<i32>} : memref<79x128xi32, #tpu.memory_space<vmem>>, vector<1x16xi32>,
        %get3A_339 = vector.shape_cast %get3A_338 : vector<1x16xi32> to vector<16xi32>
        %shift_right_arithmetic3A_340 = arith.constant 14 : i32
        %shift_right_arithmetic3A_341 = vector.broadcast %shift_right_arithmetic3A_340 : i32 to vector<16xi32>
        %shift_right_arithmetic3A_342 = arith.shrsi %get3A_339, %shift_right_arithmetic3A_341 : vector<16xi32>
        %swap3A_343 = arith.constant 96 : index
        %swap3A_344 = tpu.vector_load %arg6[%swap3A_343] {strides = array<i32>} : memref<128xi32, #tpu.memory_space<vmem>>, vector<16xi32>,
        %swap3A_345 = vector.shape_cast %swap3A_344 : vector<16xi32> to vector<16xi32>
        %swap3A_346 = vector.shape_cast %shift_right_arithmetic3A_342 : vector<16xi32> to vector<16xi32>
        tpu.vector_store %arg6[%swap3A_343], %swap3A_346 {strides = array<i32>} : memref<128xi32, #tpu.memory_space<vmem>>, vector<16xi32>,
        %get3A_347 = arith.index_cast %add3A_257 : i32 to index
        %get3A_348 = arith.constant 112 : index
        %get3A_349 = tpu.vector_load %arg4[%get3A_347, %get3A_348] {strides = array<i32>} : memref<79x128xi32, #tpu.memory_space<vmem>>, vector<1x16xi32>,
        %get3A_350 = vector.shape_cast %get3A_349 : vector<1x16xi32> to vector<16xi32>
        %shift_right_arithmetic3A_351 = arith.constant 14 : i32
        %shift_right_arithmetic3A_352 = vector.broadcast %shift_right_arithmetic3A_351 : i32 to vector<16xi32>
        %shift_right_arithmetic3A_353 = arith.shrsi %get3A_350, %shift_right_arithmetic3A_352 : vector<16xi32>
        %swap3A_354 = arith.constant 112 : index
        %swap3A_355 = tpu.vector_load %arg6[%swap3A_354] {strides = array<i32>} : memref<128xi32, #tpu.memory_space<vmem>>, vector<16xi32>,
        %swap3A_356 = vector.shape_cast %swap3A_355 : vector<16xi32> to vector<16xi32>
        %swap3A_357 = vector.shape_cast %shift_right_arithmetic3A_353 : vector<16xi32> to vector<16xi32>
        tpu.vector_store %arg6[%swap3A_354], %swap3A_357 {strides = array<i32>} : memref<128xi32, #tpu.memory_space<vmem>>, vector<16xi32>,
        %dma_start3A_358 = arith.constant 0 : i32
        %dma_start3A_359 = arith.constant 0 : i32
        %dma_start3A_360 = tpu.memref_slice %arg9[%dma_start3A_358, %dma_start3A_359] : memref<10008x16xf32, #tpu.memory_space<vmem_shared>> -> memref<10008x16xf32, #tpu.memory_space<vmem_shared>>
        tpu.enqueue_indirect_dma source(%arg7 : memref<128x16xf32, #tpu.memory_space<vmem>>) target(%dma_start3A_360 : memref<10008x16xf32, #tpu.memory_space<vmem_shared>>) offsets(%arg6 : memref<128xi32, #tpu.memory_space<vmem>>) semaphore(%arg11 : memref<!tpu.dma_semaphore, #tpu.memory_space<semaphore_mem>>) {add = true}
      } else {
      }
      %scan3A_266 = arith.constant 0 : i32
      scf.yield %scan3A_266 : i32
    }
    %scan3A_229 = arith.constant 39 : i32
    %dma_wait3A = arith.constant 0 : i32
    %dma_wait3A_230 = arith.constant 0 : i32
    %dma_wait3A_231 = tpu.memref_slice %arg9[%dma_wait3A, %dma_wait3A_230] : memref<10008x16xf32, #tpu.memory_space<vmem_shared>> -> memref<10008x16xf32, #tpu.memory_space<vmem_shared>>
    tpu.wait_indirect_dma semaphore(%arg10 : memref<!tpu.dma_semaphore, #tpu.memory_space<semaphore_mem>>) src(%arg7 : memref<128x16xf32, #tpu.memory_space<vmem>>) dst(%dma_wait3A_231 : memref<10008x16xf32, #tpu.memory_space<vmem_shared>>)
    %dma_wait3A_232 = arith.constant 0 : i32
    %dma_wait3A_233 = arith.constant 0 : i32
    %dma_wait3A_234 = tpu.memref_slice %arg9[%dma_wait3A_232, %dma_wait3A_233] : memref<10008x16xf32, #tpu.memory_space<vmem_shared>> -> memref<10008x16xf32, #tpu.memory_space<vmem_shared>>
    tpu.wait_indirect_dma semaphore(%arg11 : memref<!tpu.dma_semaphore, #tpu.memory_space<semaphore_mem>>) src(%arg7 : memref<128x16xf32, #tpu.memory_space<vmem>>) dst(%dma_wait3A_234 : memref<10008x16xf32, #tpu.memory_space<vmem_shared>>)
    %barrier3A_235 = arith.constant 0 : index
    tpu.barrier barrier_id(%barrier3A_235)
    %while3A_236 = arith.constant 0 : i32
    %while3A_237 = arith.constant 0 : i32
    %while3A_238 = arith.subi %select_n3A, %while3A_236 : i32
    %while3A_239 = arith.addi %while3A_236, %while3A_238 : i32
    %while3A_240 = arith.constant 1 : i32
    %while3A_241 = arith.divsi %while3A_238, %while3A_240 : i32
    %while3A_242 = arith.muli %while3A_241, %while3A_240 : i32
    %while3A_243 = arith.addi %while3A_236, %while3A_242 : i32
    %while3A_244 = arith.constant 1 : i32
    %while3A_245 = scf.for %while3A_248 = %while3A_236 to %while3A_243 step %while3A_244 iter_args(%while3A_249 = %while3A_237) -> (i32)  : i32 {
      %mul3A_250 = arith.constant 80 : i32
      %mul3A_251 = arith.muli %while3A_248, %mul3A_250 : i32
      %add3A_252 = arith.addi %mul3A_2, %mul3A_251 : i32
      %multiple_of3A = tpu.assume_multiple %add3A_252, 8 : i32
      "tpu.region"() ({
        %run_scoped3A = tpu.sem_alloc : memref<!tpu.dma_semaphore, #tpu.memory_space<semaphore_mem>>
        %dma_start3A_254 = arith.constant 0 : i32
        %dma_start3A_255 = tpu.memref_slice %arg9[%multiple_of3A, %dma_start3A_254] : memref<10008x16xf32, #tpu.memory_space<vmem_shared>> -> memref<80x16xf32, #tpu.memory_space<vmem_shared>>
        %dma_start3A_256 = arith.constant 0 : i32
        %dma_start3A_257 = tpu.memref_slice %arg9[%multiple_of3A, %dma_start3A_256] : memref<10008x16xf32, #tpu.memory_space<vmem_shared>> -> memref<80x16xf32, #tpu.memory_space<vmem_shared>>
        tpu.enqueue_dma source(%dma_start3A_257 : memref<80x16xf32, #tpu.memory_space<vmem_shared>>) target(%arg8 : memref<80x16xf32, #tpu.memory_space<vmem>>) target_semaphore(%run_scoped3A : memref<!tpu.dma_semaphore, #tpu.memory_space<semaphore_mem>>)
        %dma_wait3A_258 = arith.constant 0 : i32
        %dma_wait3A_259 = tpu.memref_slice %arg9[%multiple_of3A, %dma_wait3A_258] : memref<10008x16xf32, #tpu.memory_space<vmem_shared>> -> memref<80x16xf32, #tpu.memory_space<vmem_shared>>
        %dma_wait3A_260 = arith.constant 0 : i32
        %dma_wait3A_261 = tpu.memref_slice %arg9[%multiple_of3A, %dma_wait3A_260] : memref<10008x16xf32, #tpu.memory_space<vmem_shared>> -> memref<80x16xf32, #tpu.memory_space<vmem_shared>>
        tpu.wait_dma2 semaphore(%run_scoped3A : memref<!tpu.dma_semaphore, #tpu.memory_space<semaphore_mem>>) src(%dma_wait3A_261 : memref<80x16xf32, #tpu.memory_space<vmem_shared>>) dst(%arg8 : memref<80x16xf32, #tpu.memory_space<vmem>>)
        tpu.yield
      }) : () -> ()
      "tpu.region"() ({
        %run_scoped3A = tpu.sem_alloc : memref<!tpu.dma_semaphore, #tpu.memory_space<semaphore_mem>>
        %dma_start3A_254 = arith.constant 0 : i32
        %dma_start3A_255 = tpu.memref_slice %arg3[%arg0, %multiple_of3A, %dma_start3A_254] : memref<2x10000x16xf32, #tpu.memory_space<hbm>> -> memref<1x80x16xf32, #tpu.memory_space<hbm>>
        %dma_start3A_256 = tpu.memref_squeeze %dma_start3A_255 : memref<1x80x16xf32, #tpu.memory_space<hbm>> -> memref<80x16xf32, #tpu.memory_space<hbm>>
        %dma_start3A_257 = arith.constant 0 : i32
        %dma_start3A_258 = tpu.memref_slice %arg3[%arg0, %multiple_of3A, %dma_start3A_257] : memref<2x10000x16xf32, #tpu.memory_space<hbm>> -> memref<1x80x16xf32, #tpu.memory_space<hbm>>
        %dma_start3A_259 = tpu.memref_squeeze %dma_start3A_258 : memref<1x80x16xf32, #tpu.memory_space<hbm>> -> memref<80x16xf32, #tpu.memory_space<hbm>>
        tpu.enqueue_dma source(%arg8 : memref<80x16xf32, #tpu.memory_space<vmem>>) target(%dma_start3A_259 : memref<80x16xf32, #tpu.memory_space<hbm>>) target_semaphore(%run_scoped3A : memref<!tpu.dma_semaphore, #tpu.memory_space<semaphore_mem>>)
        %dma_wait3A_260 = arith.constant 0 : i32
        %dma_wait3A_261 = tpu.memref_slice %arg3[%arg0, %multiple_of3A, %dma_wait3A_260] : memref<2x10000x16xf32, #tpu.memory_space<hbm>> -> memref<1x80x16xf32, #tpu.memory_space<hbm>>
        %dma_wait3A_262 = tpu.memref_squeeze %dma_wait3A_261 : memref<1x80x16xf32, #tpu.memory_space<hbm>> -> memref<80x16xf32, #tpu.memory_space<hbm>>
        %dma_wait3A_263 = arith.constant 0 : i32
        %dma_wait3A_264 = tpu.memref_slice %arg3[%arg0, %multiple_of3A, %dma_wait3A_263] : memref<2x10000x16xf32, #tpu.memory_space<hbm>> -> memref<1x80x16xf32, #tpu.memory_space<hbm>>
        %dma_wait3A_265 = tpu.memref_squeeze %dma_wait3A_264 : memref<1x80x16xf32, #tpu.memory_space<hbm>> -> memref<80x16xf32, #tpu.memory_space<hbm>>
        tpu.wait_dma2 semaphore(%run_scoped3A : memref<!tpu.dma_semaphore, #tpu.memory_space<semaphore_mem>>) src(%arg8 : memref<80x16xf32, #tpu.memory_space<vmem>>) dst(%dma_wait3A_265 : memref<80x16xf32, #tpu.memory_space<hbm>>)
        tpu.yield
      }) : () -> ()
      %while3A_253 = arith.constant 0 : i32
      scf.yield %while3A_253 : i32
    }
    %while3A_246 = arith.constant 1 : i32
    %while3A_247 = scf.for %while3A_248 = %while3A_243 to %while3A_239 step %while3A_246 iter_args(%while3A_249 = %while3A_245) -> (i32)  : i32 {
      %mul3A_250 = arith.constant 80 : i32
      %mul3A_251 = arith.muli %while3A_248, %mul3A_250 : i32
      %add3A_252 = arith.addi %mul3A_2, %mul3A_251 : i32
      %multiple_of3A = tpu.assume_multiple %add3A_252, 8 : i32
      "tpu.region"() ({
        %run_scoped3A = tpu.sem_alloc : memref<!tpu.dma_semaphore, #tpu.memory_space<semaphore_mem>>
        %dma_start3A_254 = arith.constant 0 : i32
        %dma_start3A_255 = tpu.memref_slice %arg9[%multiple_of3A, %dma_start3A_254] : memref<10008x16xf32, #tpu.memory_space<vmem_shared>> -> memref<80x16xf32, #tpu.memory_space<vmem_shared>>
        %dma_start3A_256 = arith.constant 0 : i32
        %dma_start3A_257 = tpu.memref_slice %arg9[%multiple_of3A, %dma_start3A_256] : memref<10008x16xf32, #tpu.memory_space<vmem_shared>> -> memref<80x16xf32, #tpu.memory_space<vmem_shared>>
        tpu.enqueue_dma source(%dma_start3A_257 : memref<80x16xf32, #tpu.memory_space<vmem_shared>>) target(%arg8 : memref<80x16xf32, #tpu.memory_space<vmem>>) target_semaphore(%run_scoped3A : memref<!tpu.dma_semaphore, #tpu.memory_space<semaphore_mem>>)
        %dma_wait3A_258 = arith.constant 0 : i32
        %dma_wait3A_259 = tpu.memref_slice %arg9[%multiple_of3A, %dma_wait3A_258] : memref<10008x16xf32, #tpu.memory_space<vmem_shared>> -> memref<80x16xf32, #tpu.memory_space<vmem_shared>>
        %dma_wait3A_260 = arith.constant 0 : i32
        %dma_wait3A_261 = tpu.memref_slice %arg9[%multiple_of3A, %dma_wait3A_260] : memref<10008x16xf32, #tpu.memory_space<vmem_shared>> -> memref<80x16xf32, #tpu.memory_space<vmem_shared>>
        tpu.wait_dma2 semaphore(%run_scoped3A : memref<!tpu.dma_semaphore, #tpu.memory_space<semaphore_mem>>) src(%dma_wait3A_261 : memref<80x16xf32, #tpu.memory_space<vmem_shared>>) dst(%arg8 : memref<80x16xf32, #tpu.memory_space<vmem>>)
        tpu.yield
      }) : () -> ()
      "tpu.region"() ({
        %run_scoped3A = tpu.sem_alloc : memref<!tpu.dma_semaphore, #tpu.memory_space<semaphore_mem>>
        %dma_start3A_254 = arith.constant 0 : i32
        %dma_start3A_255 = tpu.memref_slice %arg3[%arg0, %multiple_of3A, %dma_start3A_254] : memref<2x10000x16xf32, #tpu.memory_space<hbm>> -> memref<1x80x16xf32, #tpu.memory_space<hbm>>
        %dma_start3A_256 = tpu.memref_squeeze %dma_start3A_255 : memref<1x80x16xf32, #tpu.memory_space<hbm>> -> memref<80x16xf32, #tpu.memory_space<hbm>>
        %dma_start3A_257 = arith.constant 0 : i32
        %dma_start3A_258 = tpu.memref_slice %arg3[%arg0, %multiple_of3A, %dma_start3A_257] : memref<2x10000x16xf32, #tpu.memory_space<hbm>> -> memref<1x80x16xf32, #tpu.memory_space<hbm>>
        %dma_start3A_259 = tpu.memref_squeeze %dma_start3A_258 : memref<1x80x16xf32, #tpu.memory_space<hbm>> -> memref<80x16xf32, #tpu.memory_space<hbm>>
        tpu.enqueue_dma source(%arg8 : memref<80x16xf32, #tpu.memory_space<vmem>>) target(%dma_start3A_259 : memref<80x16xf32, #tpu.memory_space<hbm>>) target_semaphore(%run_scoped3A : memref<!tpu.dma_semaphore, #tpu.memory_space<semaphore_mem>>)
        %dma_wait3A_260 = arith.constant 0 : i32
        %dma_wait3A_261 = tpu.memref_slice %arg3[%arg0, %multiple_of3A, %dma_wait3A_260] : memref<2x10000x16xf32, #tpu.memory_space<hbm>> -> memref<1x80x16xf32, #tpu.memory_space<hbm>>
        %dma_wait3A_262 = tpu.memref_squeeze %dma_wait3A_261 : memref<1x80x16xf32, #tpu.memory_space<hbm>> -> memref<80x16xf32, #tpu.memory_space<hbm>>
        %dma_wait3A_263 = arith.constant 0 : i32
        %dma_wait3A_264 = tpu.memref_slice %arg3[%arg0, %multiple_of3A, %dma_wait3A_263] : memref<2x10000x16xf32, #tpu.memory_space<hbm>> -> memref<1x80x16xf32, #tpu.memory_space<hbm>>
        %dma_wait3A_265 = tpu.memref_squeeze %dma_wait3A_264 : memref<1x80x16xf32, #tpu.memory_space<hbm>> -> memref<80x16xf32, #tpu.memory_space<hbm>>
        tpu.wait_dma2 semaphore(%run_scoped3A : memref<!tpu.dma_semaphore, #tpu.memory_space<semaphore_mem>>) src(%arg8 : memref<80x16xf32, #tpu.memory_space<vmem>>) dst(%dma_wait3A_265 : memref<80x16xf32, #tpu.memory_space<hbm>>)
        tpu.yield
      }) : () -> ()
      %while3A_253 = arith.constant 0 : i32
      scf.yield %while3A_253 : i32
    }
    return
  }
}

#map = affine_map<(d0, d1) -> (0, 0)>
#map1 = affine_map<(d0, d1) -> (0, 0, 0)>
module attributes {stable_mosaic.version = 14 : i64} {
  func.func @_agg_kernel(%arg0: i32, %arg1: i32, %arg2: memref<10000x128xf32, #tpu.memory_space<hbm>>, %arg3: memref<32x79x128xi32, #tpu.memory_space<hbm>>, %arg4: memref<2x10000x128xf32, #tpu.memory_space<hbm>>, %arg5: memref<79x128xi32, #tpu.memory_space<vmem>>, %arg6: memref<128xi32, #tpu.memory_space<vmem>>, %arg7: memref<128xi32, #tpu.memory_space<vmem>>, %arg8: memref<128xi32, #tpu.memory_space<vmem>>, %arg9: memref<128xi32, #tpu.memory_space<vmem>>, %arg10: memref<128x128xf32, #tpu.memory_space<vmem>>, %arg11: memref<128x128xf32, #tpu.memory_space<vmem>>, %arg12: memref<10008x128xf32, #tpu.memory_space<vmem_shared>>, %arg13: memref<!tpu.dma_semaphore, #tpu.memory_space<semaphore_mem>>, %arg14: memref<!tpu.dma_semaphore, #tpu.memory_space<semaphore_mem>>) attributes {dimension_semantics = [#tpu.dimension_semantics<core_parallel>, #tpu.dimension_semantics<subcore_parallel>], iteration_bounds = array<i64: 2, 16>, scalar_prefetch = 0 : i64, scratch_operands = 10 : i64, tpu.core_type = #tpu.core_type<sc_vector_subcore>, window_params = [{transform_indices = #map}, {transform_indices = #map1}, {transform_indices = #map1}]} {
    %mul3A = arith.constant 16 : i32
    %mul3A_0 = arith.muli %arg0, %mul3A : i32
    %add3A = arith.addi %mul3A_0, %arg1 : i32
    %mul3A_1 = arith.constant 640 : i32
    %mul3A_2 = arith.muli %arg1, %mul3A_1 : i32
    %lt3A = arith.constant 15 : i32
    %lt3A_3 = arith.cmpi slt, %arg1, %lt3A : i32
    %jit3A = arith.constant 8 : i32
    %jit3A_4 = arith.constant 5 : i32
    %select_n3A = arith.select %lt3A_3, %jit3A, %jit3A_4 : i32
    "tpu.region"() ({
      %run_scoped3A = tpu.sem_alloc : memref<!tpu.dma_semaphore, #tpu.memory_space<semaphore_mem>>
      %dma_start3A_349 = arith.constant 0 : i32
      %dma_start3A_350 = arith.constant 0 : i32
      %dma_start3A_351 = tpu.memref_slice %arg3[%add3A, %dma_start3A_349, %dma_start3A_350] : memref<32x79x128xi32, #tpu.memory_space<hbm>> -> memref<1x79x128xi32, #tpu.memory_space<hbm>>
      %dma_start3A_352 = tpu.memref_squeeze %dma_start3A_351 : memref<1x79x128xi32, #tpu.memory_space<hbm>> -> memref<79x128xi32, #tpu.memory_space<hbm>>
      %dma_start3A_353 = arith.constant 0 : i32
      %dma_start3A_354 = arith.constant 0 : i32
      %dma_start3A_355 = tpu.memref_slice %arg3[%add3A, %dma_start3A_353, %dma_start3A_354] : memref<32x79x128xi32, #tpu.memory_space<hbm>> -> memref<1x79x128xi32, #tpu.memory_space<hbm>>
      %dma_start3A_356 = tpu.memref_squeeze %dma_start3A_355 : memref<1x79x128xi32, #tpu.memory_space<hbm>> -> memref<79x128xi32, #tpu.memory_space<hbm>>
      tpu.enqueue_dma source(%dma_start3A_356 : memref<79x128xi32, #tpu.memory_space<hbm>>) target(%arg5 : memref<79x128xi32, #tpu.memory_space<vmem>>) target_semaphore(%run_scoped3A : memref<!tpu.dma_semaphore, #tpu.memory_space<semaphore_mem>>)
      %dma_wait3A_357 = arith.constant 0 : i32
      %dma_wait3A_358 = arith.constant 0 : i32
      %dma_wait3A_359 = tpu.memref_slice %arg3[%add3A, %dma_wait3A_357, %dma_wait3A_358] : memref<32x79x128xi32, #tpu.memory_space<hbm>> -> memref<1x79x128xi32, #tpu.memory_space<hbm>>
      %dma_wait3A_360 = tpu.memref_squeeze %dma_wait3A_359 : memref<1x79x128xi32, #tpu.memory_space<hbm>> -> memref<79x128xi32, #tpu.memory_space<hbm>>
      %dma_wait3A_361 = arith.constant 0 : i32
      %dma_wait3A_362 = arith.constant 0 : i32
      %dma_wait3A_363 = tpu.memref_slice %arg3[%add3A, %dma_wait3A_361, %dma_wait3A_362] : memref<32x79x128xi32, #tpu.memory_space<hbm>> -> memref<1x79x128xi32, #tpu.memory_space<hbm>>
      %dma_wait3A_364 = tpu.memref_squeeze %dma_wait3A_363 : memref<1x79x128xi32, #tpu.memory_space<hbm>> -> memref<79x128xi32, #tpu.memory_space<hbm>>
      tpu.wait_dma2 semaphore(%run_scoped3A : memref<!tpu.dma_semaphore, #tpu.memory_space<semaphore_mem>>) src(%dma_wait3A_364 : memref<79x128xi32, #tpu.memory_space<hbm>>) dst(%arg5 : memref<79x128xi32, #tpu.memory_space<vmem>>)
      tpu.yield
    }) : () -> ()
    %scan3A = arith.constant 0 : i32
    %scan3A_5 = arith.constant 0 : i32
    %scan3A_6 = arith.constant 80 : i32
    %scan3A_7 = arith.addi %scan3A_5, %scan3A_6 : i32
    %scan3A_8 = arith.constant 1 : i32
    %scan3A_9 = scf.for %scan3A_349 = %scan3A_5 to %scan3A_7 step %scan3A_8 iter_args(%scan3A_350 = %scan3A) -> (i32)  : i32 {
      %broadcast_in_dim3A = arith.constant 0.000000e+00 : f32
      %broadcast_in_dim3A_351 = vector.broadcast %broadcast_in_dim3A : f32 to vector<16xf32>
      %swap3A_352 = arith.index_cast %scan3A_349 : i32 to index
      %swap3A_353 = arith.constant 0 : index
      %swap3A_354 = tpu.vector_load %arg10[%swap3A_352, %swap3A_353] {strides = array<i32>} : memref<128x128xf32, #tpu.memory_space<vmem>>, vector<1x16xf32>,
      %swap3A_355 = vector.shape_cast %swap3A_354 : vector<1x16xf32> to vector<16xf32>
      %swap3A_356 = vector.shape_cast %broadcast_in_dim3A_351 : vector<16xf32> to vector<1x16xf32>
      tpu.vector_store %arg10[%swap3A_352, %swap3A_353], %swap3A_356 {strides = array<i32>} : memref<128x128xf32, #tpu.memory_space<vmem>>, vector<1x16xf32>,
      %broadcast_in_dim3A_357 = arith.constant 0.000000e+00 : f32
      %broadcast_in_dim3A_358 = vector.broadcast %broadcast_in_dim3A_357 : f32 to vector<16xf32>
      %swap3A_359 = arith.index_cast %scan3A_349 : i32 to index
      %swap3A_360 = arith.constant 16 : index
      %swap3A_361 = tpu.vector_load %arg10[%swap3A_359, %swap3A_360] {strides = array<i32>} : memref<128x128xf32, #tpu.memory_space<vmem>>, vector<1x16xf32>,
      %swap3A_362 = vector.shape_cast %swap3A_361 : vector<1x16xf32> to vector<16xf32>
      %swap3A_363 = vector.shape_cast %broadcast_in_dim3A_358 : vector<16xf32> to vector<1x16xf32>
      tpu.vector_store %arg10[%swap3A_359, %swap3A_360], %swap3A_363 {strides = array<i32>} : memref<128x128xf32, #tpu.memory_space<vmem>>, vector<1x16xf32>,
      %broadcast_in_dim3A_364 = arith.constant 0.000000e+00 : f32
      %broadcast_in_dim3A_365 = vector.broadcast %broadcast_in_dim3A_364 : f32 to vector<16xf32>
      %swap3A_366 = arith.index_cast %scan3A_349 : i32 to index
      %swap3A_367 = arith.constant 32 : index
      %swap3A_368 = tpu.vector_load %arg10[%swap3A_366, %swap3A_367] {strides = array<i32>} : memref<128x128xf32, #tpu.memory_space<vmem>>, vector<1x16xf32>,
      %swap3A_369 = vector.shape_cast %swap3A_368 : vector<1x16xf32> to vector<16xf32>
      %swap3A_370 = vector.shape_cast %broadcast_in_dim3A_365 : vector<16xf32> to vector<1x16xf32>
      tpu.vector_store %arg10[%swap3A_366, %swap3A_367], %swap3A_370 {strides = array<i32>} : memref<128x128xf32, #tpu.memory_space<vmem>>, vector<1x16xf32>,
      %broadcast_in_dim3A_371 = arith.constant 0.000000e+00 : f32
      %broadcast_in_dim3A_372 = vector.broadcast %broadcast_in_dim3A_371 : f32 to vector<16xf32>
      %swap3A_373 = arith.index_cast %scan3A_349 : i32 to index
      %swap3A_374 = arith.constant 48 : index
      %swap3A_375 = tpu.vector_load %arg10[%swap3A_373, %swap3A_374] {strides = array<i32>} : memref<128x128xf32, #tpu.memory_space<vmem>>, vector<1x16xf32>,
      %swap3A_376 = vector.shape_cast %swap3A_375 : vector<1x16xf32> to vector<16xf32>
      %swap3A_377 = vector.shape_cast %broadcast_in_dim3A_372 : vector<16xf32> to vector<1x16xf32>
      tpu.vector_store %arg10[%swap3A_373, %swap3A_374], %swap3A_377 {strides = array<i32>} : memref<128x128xf32, #tpu.memory_space<vmem>>, vector<1x16xf32>,
      %broadcast_in_dim3A_378 = arith.constant 0.000000e+00 : f32
      %broadcast_in_dim3A_379 = vector.broadcast %broadcast_in_dim3A_378 : f32 to vector<16xf32>
      %swap3A_380 = arith.index_cast %scan3A_349 : i32 to index
      %swap3A_381 = arith.constant 64 : index
      %swap3A_382 = tpu.vector_load %arg10[%swap3A_380, %swap3A_381] {strides = array<i32>} : memref<128x128xf32, #tpu.memory_space<vmem>>, vector<1x16xf32>,
      %swap3A_383 = vector.shape_cast %swap3A_382 : vector<1x16xf32> to vector<16xf32>
      %swap3A_384 = vector.shape_cast %broadcast_in_dim3A_379 : vector<16xf32> to vector<1x16xf32>
      tpu.vector_store %arg10[%swap3A_380, %swap3A_381], %swap3A_384 {strides = array<i32>} : memref<128x128xf32, #tpu.memory_space<vmem>>, vector<1x16xf32>,
      %broadcast_in_dim3A_385 = arith.constant 0.000000e+00 : f32
      %broadcast_in_dim3A_386 = vector.broadcast %broadcast_in_dim3A_385 : f32 to vector<16xf32>
      %swap3A_387 = arith.index_cast %scan3A_349 : i32 to index
      %swap3A_388 = arith.constant 80 : index
      %swap3A_389 = tpu.vector_load %arg10[%swap3A_387, %swap3A_388] {strides = array<i32>} : memref<128x128xf32, #tpu.memory_space<vmem>>, vector<1x16xf32>,
      %swap3A_390 = vector.shape_cast %swap3A_389 : vector<1x16xf32> to vector<16xf32>
      %swap3A_391 = vector.shape_cast %broadcast_in_dim3A_386 : vector<16xf32> to vector<1x16xf32>
      tpu.vector_store %arg10[%swap3A_387, %swap3A_388], %swap3A_391 {strides = array<i32>} : memref<128x128xf32, #tpu.memory_space<vmem>>, vector<1x16xf32>,
      %broadcast_in_dim3A_392 = arith.constant 0.000000e+00 : f32
      %broadcast_in_dim3A_393 = vector.broadcast %broadcast_in_dim3A_392 : f32 to vector<16xf32>
      %swap3A_394 = arith.index_cast %scan3A_349 : i32 to index
      %swap3A_395 = arith.constant 96 : index
      %swap3A_396 = tpu.vector_load %arg10[%swap3A_394, %swap3A_395] {strides = array<i32>} : memref<128x128xf32, #tpu.memory_space<vmem>>, vector<1x16xf32>,
      %swap3A_397 = vector.shape_cast %swap3A_396 : vector<1x16xf32> to vector<16xf32>
      %swap3A_398 = vector.shape_cast %broadcast_in_dim3A_393 : vector<16xf32> to vector<1x16xf32>
      tpu.vector_store %arg10[%swap3A_394, %swap3A_395], %swap3A_398 {strides = array<i32>} : memref<128x128xf32, #tpu.memory_space<vmem>>, vector<1x16xf32>,
      %broadcast_in_dim3A_399 = arith.constant 0.000000e+00 : f32
      %broadcast_in_dim3A_400 = vector.broadcast %broadcast_in_dim3A_399 : f32 to vector<16xf32>
      %swap3A_401 = arith.index_cast %scan3A_349 : i32 to index
      %swap3A_402 = arith.constant 112 : index
      %swap3A_403 = tpu.vector_load %arg10[%swap3A_401, %swap3A_402] {strides = array<i32>} : memref<128x128xf32, #tpu.memory_space<vmem>>, vector<1x16xf32>,
      %swap3A_404 = vector.shape_cast %swap3A_403 : vector<1x16xf32> to vector<16xf32>
      %swap3A_405 = vector.shape_cast %broadcast_in_dim3A_400 : vector<16xf32> to vector<1x16xf32>
      tpu.vector_store %arg10[%swap3A_401, %swap3A_402], %swap3A_405 {strides = array<i32>} : memref<128x128xf32, #tpu.memory_space<vmem>>, vector<1x16xf32>,
      %scan3A_406 = arith.constant 0 : i32
      scf.yield %scan3A_406 : i32
    }
    %scan3A_10 = arith.constant 80 : i32
    %while3A = arith.constant 0 : i32
    %while3A_11 = arith.constant 0 : i32
    %while3A_12 = arith.subi %select_n3A, %while3A : i32
    %while3A_13 = arith.addi %while3A, %while3A_12 : i32
    %while3A_14 = arith.constant 1 : i32
    %while3A_15 = arith.divsi %while3A_12, %while3A_14 : i32
    %while3A_16 = arith.muli %while3A_15, %while3A_14 : i32
    %while3A_17 = arith.addi %while3A, %while3A_16 : i32
    %while3A_18 = arith.constant 1 : i32
    %while3A_19 = scf.for %while3A_349 = %while3A to %while3A_17 step %while3A_18 iter_args(%while3A_350 = %while3A_11) -> (i32)  : i32 {
      %mul3A_351 = arith.constant 80 : i32
      %mul3A_352 = arith.muli %while3A_349, %mul3A_351 : i32
      %add3A_353 = arith.addi %mul3A_2, %mul3A_352 : i32
      "tpu.region"() ({
        %run_scoped3A = tpu.sem_alloc : memref<!tpu.dma_semaphore, #tpu.memory_space<semaphore_mem>>
        %dma_start3A_355 = arith.constant 0 : i32
        %dma_start3A_356 = arith.constant 0 : i32
        %dma_start3A_357 = tpu.memref_slice %arg10[%dma_start3A_355, %dma_start3A_356] : memref<128x128xf32, #tpu.memory_space<vmem>> -> memref<80x128xf32, #tpu.memory_space<vmem>>
        %dma_start3A_358 = arith.constant 0 : i32
        %dma_start3A_359 = tpu.memref_slice %arg12[%add3A_353, %dma_start3A_358] : memref<10008x128xf32, #tpu.memory_space<vmem_shared>> -> memref<80x128xf32, #tpu.memory_space<vmem_shared>>
        %dma_start3A_360 = arith.constant 0 : i32
        %dma_start3A_361 = tpu.memref_slice %arg12[%add3A_353, %dma_start3A_360] : memref<10008x128xf32, #tpu.memory_space<vmem_shared>> -> memref<80x128xf32, #tpu.memory_space<vmem_shared>>
        %dma_start3A_362 = arith.constant 0 : i32
        %dma_start3A_363 = arith.constant 0 : i32
        %dma_start3A_364 = tpu.memref_slice %arg10[%dma_start3A_362, %dma_start3A_363] : memref<128x128xf32, #tpu.memory_space<vmem>> -> memref<80x128xf32, #tpu.memory_space<vmem>>
        tpu.enqueue_dma source(%dma_start3A_364 : memref<80x128xf32, #tpu.memory_space<vmem>>) target(%dma_start3A_361 : memref<80x128xf32, #tpu.memory_space<vmem_shared>>) target_semaphore(%run_scoped3A : memref<!tpu.dma_semaphore, #tpu.memory_space<semaphore_mem>>)
        %dma_wait3A_365 = arith.constant 0 : i32
        %dma_wait3A_366 = arith.constant 0 : i32
        %dma_wait3A_367 = tpu.memref_slice %arg10[%dma_wait3A_365, %dma_wait3A_366] : memref<128x128xf32, #tpu.memory_space<vmem>> -> memref<80x128xf32, #tpu.memory_space<vmem>>
        %dma_wait3A_368 = arith.constant 0 : i32
        %dma_wait3A_369 = tpu.memref_slice %arg12[%add3A_353, %dma_wait3A_368] : memref<10008x128xf32, #tpu.memory_space<vmem_shared>> -> memref<80x128xf32, #tpu.memory_space<vmem_shared>>
        %dma_wait3A_370 = arith.constant 0 : i32
        %dma_wait3A_371 = tpu.memref_slice %arg12[%add3A_353, %dma_wait3A_370] : memref<10008x128xf32, #tpu.memory_space<vmem_shared>> -> memref<80x128xf32, #tpu.memory_space<vmem_shared>>
        %dma_wait3A_372 = arith.constant 0 : i32
        %dma_wait3A_373 = arith.constant 0 : i32
        %dma_wait3A_374 = tpu.memref_slice %arg10[%dma_wait3A_372, %dma_wait3A_373] : memref<128x128xf32, #tpu.memory_space<vmem>> -> memref<80x128xf32, #tpu.memory_space<vmem>>
        tpu.wait_dma2 semaphore(%run_scoped3A : memref<!tpu.dma_semaphore, #tpu.memory_space<semaphore_mem>>) src(%dma_wait3A_374 : memref<80x128xf32, #tpu.memory_space<vmem>>) dst(%dma_wait3A_371 : memref<80x128xf32, #tpu.memory_space<vmem_shared>>)
        tpu.yield
      }) : () -> ()
      %while3A_354 = arith.constant 0 : i32
      scf.yield %while3A_354 : i32
    }
    %while3A_20 = arith.constant 1 : i32
    %while3A_21 = scf.for %while3A_349 = %while3A_17 to %while3A_13 step %while3A_20 iter_args(%while3A_350 = %while3A_19) -> (i32)  : i32 {
      %mul3A_351 = arith.constant 80 : i32
      %mul3A_352 = arith.muli %while3A_349, %mul3A_351 : i32
      %add3A_353 = arith.addi %mul3A_2, %mul3A_352 : i32
      "tpu.region"() ({
        %run_scoped3A = tpu.sem_alloc : memref<!tpu.dma_semaphore, #tpu.memory_space<semaphore_mem>>
        %dma_start3A_355 = arith.constant 0 : i32
        %dma_start3A_356 = arith.constant 0 : i32
        %dma_start3A_357 = tpu.memref_slice %arg10[%dma_start3A_355, %dma_start3A_356] : memref<128x128xf32, #tpu.memory_space<vmem>> -> memref<80x128xf32, #tpu.memory_space<vmem>>
        %dma_start3A_358 = arith.constant 0 : i32
        %dma_start3A_359 = tpu.memref_slice %arg12[%add3A_353, %dma_start3A_358] : memref<10008x128xf32, #tpu.memory_space<vmem_shared>> -> memref<80x128xf32, #tpu.memory_space<vmem_shared>>
        %dma_start3A_360 = arith.constant 0 : i32
        %dma_start3A_361 = tpu.memref_slice %arg12[%add3A_353, %dma_start3A_360] : memref<10008x128xf32, #tpu.memory_space<vmem_shared>> -> memref<80x128xf32, #tpu.memory_space<vmem_shared>>
        %dma_start3A_362 = arith.constant 0 : i32
        %dma_start3A_363 = arith.constant 0 : i32
        %dma_start3A_364 = tpu.memref_slice %arg10[%dma_start3A_362, %dma_start3A_363] : memref<128x128xf32, #tpu.memory_space<vmem>> -> memref<80x128xf32, #tpu.memory_space<vmem>>
        tpu.enqueue_dma source(%dma_start3A_364 : memref<80x128xf32, #tpu.memory_space<vmem>>) target(%dma_start3A_361 : memref<80x128xf32, #tpu.memory_space<vmem_shared>>) target_semaphore(%run_scoped3A : memref<!tpu.dma_semaphore, #tpu.memory_space<semaphore_mem>>)
        %dma_wait3A_365 = arith.constant 0 : i32
        %dma_wait3A_366 = arith.constant 0 : i32
        %dma_wait3A_367 = tpu.memref_slice %arg10[%dma_wait3A_365, %dma_wait3A_366] : memref<128x128xf32, #tpu.memory_space<vmem>> -> memref<80x128xf32, #tpu.memory_space<vmem>>
        %dma_wait3A_368 = arith.constant 0 : i32
        %dma_wait3A_369 = tpu.memref_slice %arg12[%add3A_353, %dma_wait3A_368] : memref<10008x128xf32, #tpu.memory_space<vmem_shared>> -> memref<80x128xf32, #tpu.memory_space<vmem_shared>>
        %dma_wait3A_370 = arith.constant 0 : i32
        %dma_wait3A_371 = tpu.memref_slice %arg12[%add3A_353, %dma_wait3A_370] : memref<10008x128xf32, #tpu.memory_space<vmem_shared>> -> memref<80x128xf32, #tpu.memory_space<vmem_shared>>
        %dma_wait3A_372 = arith.constant 0 : i32
        %dma_wait3A_373 = arith.constant 0 : i32
        %dma_wait3A_374 = tpu.memref_slice %arg10[%dma_wait3A_372, %dma_wait3A_373] : memref<128x128xf32, #tpu.memory_space<vmem>> -> memref<80x128xf32, #tpu.memory_space<vmem>>
        tpu.wait_dma2 semaphore(%run_scoped3A : memref<!tpu.dma_semaphore, #tpu.memory_space<semaphore_mem>>) src(%dma_wait3A_374 : memref<80x128xf32, #tpu.memory_space<vmem>>) dst(%dma_wait3A_371 : memref<80x128xf32, #tpu.memory_space<vmem_shared>>)
        tpu.yield
      }) : () -> ()
      %while3A_354 = arith.constant 0 : i32
      scf.yield %while3A_354 : i32
    }
    %barrier3A = arith.constant 0 : index
    tpu.barrier barrier_id(%barrier3A)
    %get3A = arith.constant 0 : i32
    %get3A_22 = arith.index_cast %get3A : i32 to index
    %get3A_23 = arith.constant 0 : index
    %get3A_24 = tpu.vector_load %arg5[%get3A_22, %get3A_23] {strides = array<i32>} : memref<79x128xi32, #tpu.memory_space<vmem>>, vector<1x16xi32>,
    %get3A_25 = vector.shape_cast %get3A_24 : vector<1x16xi32> to vector<16xi32>
    %and3A = arith.constant 16383 : i32
    %and3A_26 = vector.broadcast %and3A : i32 to vector<16xi32>
    %and3A_27 = arith.andi %get3A_25, %and3A_26 : vector<16xi32>
    %swap3A = arith.constant 0 : index
    %swap3A_28 = tpu.vector_load %arg6[%swap3A] {strides = array<i32>} : memref<128xi32, #tpu.memory_space<vmem>>, vector<16xi32>,
    %swap3A_29 = vector.shape_cast %swap3A_28 : vector<16xi32> to vector<16xi32>
    %swap3A_30 = vector.shape_cast %and3A_27 : vector<16xi32> to vector<16xi32>
    tpu.vector_store %arg6[%swap3A], %swap3A_30 {strides = array<i32>} : memref<128xi32, #tpu.memory_space<vmem>>, vector<16xi32>,
    %shift_right_arithmetic3A = arith.constant 14 : i32
    %shift_right_arithmetic3A_31 = vector.broadcast %shift_right_arithmetic3A : i32 to vector<16xi32>
    %shift_right_arithmetic3A_32 = arith.shrsi %get3A_25, %shift_right_arithmetic3A_31 : vector<16xi32>
    %swap3A_33 = arith.constant 0 : index
    %swap3A_34 = tpu.vector_load %arg8[%swap3A_33] {strides = array<i32>} : memref<128xi32, #tpu.memory_space<vmem>>, vector<16xi32>,
    %swap3A_35 = vector.shape_cast %swap3A_34 : vector<16xi32> to vector<16xi32>
    %swap3A_36 = vector.shape_cast %shift_right_arithmetic3A_32 : vector<16xi32> to vector<16xi32>
    tpu.vector_store %arg8[%swap3A_33], %swap3A_36 {strides = array<i32>} : memref<128xi32, #tpu.memory_space<vmem>>, vector<16xi32>,
    %get3A_37 = arith.constant 0 : i32
    %get3A_38 = arith.index_cast %get3A_37 : i32 to index
    %get3A_39 = arith.constant 16 : index
    %get3A_40 = tpu.vector_load %arg5[%get3A_38, %get3A_39] {strides = array<i32>} : memref<79x128xi32, #tpu.memory_space<vmem>>, vector<1x16xi32>,
    %get3A_41 = vector.shape_cast %get3A_40 : vector<1x16xi32> to vector<16xi32>
    %and3A_42 = arith.constant 16383 : i32
    %and3A_43 = vector.broadcast %and3A_42 : i32 to vector<16xi32>
    %and3A_44 = arith.andi %get3A_41, %and3A_43 : vector<16xi32>
    %swap3A_45 = arith.constant 16 : index
    %swap3A_46 = tpu.vector_load %arg6[%swap3A_45] {strides = array<i32>} : memref<128xi32, #tpu.memory_space<vmem>>, vector<16xi32>,
    %swap3A_47 = vector.shape_cast %swap3A_46 : vector<16xi32> to vector<16xi32>
    %swap3A_48 = vector.shape_cast %and3A_44 : vector<16xi32> to vector<16xi32>
    tpu.vector_store %arg6[%swap3A_45], %swap3A_48 {strides = array<i32>} : memref<128xi32, #tpu.memory_space<vmem>>, vector<16xi32>,
    %shift_right_arithmetic3A_49 = arith.constant 14 : i32
    %shift_right_arithmetic3A_50 = vector.broadcast %shift_right_arithmetic3A_49 : i32 to vector<16xi32>
    %shift_right_arithmetic3A_51 = arith.shrsi %get3A_41, %shift_right_arithmetic3A_50 : vector<16xi32>
    %swap3A_52 = arith.constant 16 : index
    %swap3A_53 = tpu.vector_load %arg8[%swap3A_52] {strides = array<i32>} : memref<128xi32, #tpu.memory_space<vmem>>, vector<16xi32>,
    %swap3A_54 = vector.shape_cast %swap3A_53 : vector<16xi32> to vector<16xi32>
    %swap3A_55 = vector.shape_cast %shift_right_arithmetic3A_51 : vector<16xi32> to vector<16xi32>
    tpu.vector_store %arg8[%swap3A_52], %swap3A_55 {strides = array<i32>} : memref<128xi32, #tpu.memory_space<vmem>>, vector<16xi32>,
    %get3A_56 = arith.constant 0 : i32
    %get3A_57 = arith.index_cast %get3A_56 : i32 to index
    %get3A_58 = arith.constant 32 : index
    %get3A_59 = tpu.vector_load %arg5[%get3A_57, %get3A_58] {strides = array<i32>} : memref<79x128xi32, #tpu.memory_space<vmem>>, vector<1x16xi32>,
    %get3A_60 = vector.shape_cast %get3A_59 : vector<1x16xi32> to vector<16xi32>
    %and3A_61 = arith.constant 16383 : i32
    %and3A_62 = vector.broadcast %and3A_61 : i32 to vector<16xi32>
    %and3A_63 = arith.andi %get3A_60, %and3A_62 : vector<16xi32>
    %swap3A_64 = arith.constant 32 : index
    %swap3A_65 = tpu.vector_load %arg6[%swap3A_64] {strides = array<i32>} : memref<128xi32, #tpu.memory_space<vmem>>, vector<16xi32>,
    %swap3A_66 = vector.shape_cast %swap3A_65 : vector<16xi32> to vector<16xi32>
    %swap3A_67 = vector.shape_cast %and3A_63 : vector<16xi32> to vector<16xi32>
    tpu.vector_store %arg6[%swap3A_64], %swap3A_67 {strides = array<i32>} : memref<128xi32, #tpu.memory_space<vmem>>, vector<16xi32>,
    %shift_right_arithmetic3A_68 = arith.constant 14 : i32
    %shift_right_arithmetic3A_69 = vector.broadcast %shift_right_arithmetic3A_68 : i32 to vector<16xi32>
    %shift_right_arithmetic3A_70 = arith.shrsi %get3A_60, %shift_right_arithmetic3A_69 : vector<16xi32>
    %swap3A_71 = arith.constant 32 : index
    %swap3A_72 = tpu.vector_load %arg8[%swap3A_71] {strides = array<i32>} : memref<128xi32, #tpu.memory_space<vmem>>, vector<16xi32>,
    %swap3A_73 = vector.shape_cast %swap3A_72 : vector<16xi32> to vector<16xi32>
    %swap3A_74 = vector.shape_cast %shift_right_arithmetic3A_70 : vector<16xi32> to vector<16xi32>
    tpu.vector_store %arg8[%swap3A_71], %swap3A_74 {strides = array<i32>} : memref<128xi32, #tpu.memory_space<vmem>>, vector<16xi32>,
    %get3A_75 = arith.constant 0 : i32
    %get3A_76 = arith.index_cast %get3A_75 : i32 to index
    %get3A_77 = arith.constant 48 : index
    %get3A_78 = tpu.vector_load %arg5[%get3A_76, %get3A_77] {strides = array<i32>} : memref<79x128xi32, #tpu.memory_space<vmem>>, vector<1x16xi32>,
    %get3A_79 = vector.shape_cast %get3A_78 : vector<1x16xi32> to vector<16xi32>
    %and3A_80 = arith.constant 16383 : i32
    %and3A_81 = vector.broadcast %and3A_80 : i32 to vector<16xi32>
    %and3A_82 = arith.andi %get3A_79, %and3A_81 : vector<16xi32>
    %swap3A_83 = arith.constant 48 : index
    %swap3A_84 = tpu.vector_load %arg6[%swap3A_83] {strides = array<i32>} : memref<128xi32, #tpu.memory_space<vmem>>, vector<16xi32>,
    %swap3A_85 = vector.shape_cast %swap3A_84 : vector<16xi32> to vector<16xi32>
    %swap3A_86 = vector.shape_cast %and3A_82 : vector<16xi32> to vector<16xi32>
    tpu.vector_store %arg6[%swap3A_83], %swap3A_86 {strides = array<i32>} : memref<128xi32, #tpu.memory_space<vmem>>, vector<16xi32>,
    %shift_right_arithmetic3A_87 = arith.constant 14 : i32
    %shift_right_arithmetic3A_88 = vector.broadcast %shift_right_arithmetic3A_87 : i32 to vector<16xi32>
    %shift_right_arithmetic3A_89 = arith.shrsi %get3A_79, %shift_right_arithmetic3A_88 : vector<16xi32>
    %swap3A_90 = arith.constant 48 : index
    %swap3A_91 = tpu.vector_load %arg8[%swap3A_90] {strides = array<i32>} : memref<128xi32, #tpu.memory_space<vmem>>, vector<16xi32>,
    %swap3A_92 = vector.shape_cast %swap3A_91 : vector<16xi32> to vector<16xi32>
    %swap3A_93 = vector.shape_cast %shift_right_arithmetic3A_89 : vector<16xi32> to vector<16xi32>
    tpu.vector_store %arg8[%swap3A_90], %swap3A_93 {strides = array<i32>} : memref<128xi32, #tpu.memory_space<vmem>>, vector<16xi32>,
    %get3A_94 = arith.constant 0 : i32
    %get3A_95 = arith.index_cast %get3A_94 : i32 to index
    %get3A_96 = arith.constant 64 : index
    %get3A_97 = tpu.vector_load %arg5[%get3A_95, %get3A_96] {strides = array<i32>} : memref<79x128xi32, #tpu.memory_space<vmem>>, vector<1x16xi32>,
    %get3A_98 = vector.shape_cast %get3A_97 : vector<1x16xi32> to vector<16xi32>
    %and3A_99 = arith.constant 16383 : i32
    %and3A_100 = vector.broadcast %and3A_99 : i32 to vector<16xi32>
    %and3A_101 = arith.andi %get3A_98, %and3A_100 : vector<16xi32>
    %swap3A_102 = arith.constant 64 : index
    %swap3A_103 = tpu.vector_load %arg6[%swap3A_102] {strides = array<i32>} : memref<128xi32, #tpu.memory_space<vmem>>, vector<16xi32>,
    %swap3A_104 = vector.shape_cast %swap3A_103 : vector<16xi32> to vector<16xi32>
    %swap3A_105 = vector.shape_cast %and3A_101 : vector<16xi32> to vector<16xi32>
    tpu.vector_store %arg6[%swap3A_102], %swap3A_105 {strides = array<i32>} : memref<128xi32, #tpu.memory_space<vmem>>, vector<16xi32>,
    %shift_right_arithmetic3A_106 = arith.constant 14 : i32
    %shift_right_arithmetic3A_107 = vector.broadcast %shift_right_arithmetic3A_106 : i32 to vector<16xi32>
    %shift_right_arithmetic3A_108 = arith.shrsi %get3A_98, %shift_right_arithmetic3A_107 : vector<16xi32>
    %swap3A_109 = arith.constant 64 : index
    %swap3A_110 = tpu.vector_load %arg8[%swap3A_109] {strides = array<i32>} : memref<128xi32, #tpu.memory_space<vmem>>, vector<16xi32>,
    %swap3A_111 = vector.shape_cast %swap3A_110 : vector<16xi32> to vector<16xi32>
    %swap3A_112 = vector.shape_cast %shift_right_arithmetic3A_108 : vector<16xi32> to vector<16xi32>
    tpu.vector_store %arg8[%swap3A_109], %swap3A_112 {strides = array<i32>} : memref<128xi32, #tpu.memory_space<vmem>>, vector<16xi32>,
    %get3A_113 = arith.constant 0 : i32
    %get3A_114 = arith.index_cast %get3A_113 : i32 to index
    %get3A_115 = arith.constant 80 : index
    %get3A_116 = tpu.vector_load %arg5[%get3A_114, %get3A_115] {strides = array<i32>} : memref<79x128xi32, #tpu.memory_space<vmem>>, vector<1x16xi32>,
    %get3A_117 = vector.shape_cast %get3A_116 : vector<1x16xi32> to vector<16xi32>
    %and3A_118 = arith.constant 16383 : i32
    %and3A_119 = vector.broadcast %and3A_118 : i32 to vector<16xi32>
    %and3A_120 = arith.andi %get3A_117, %and3A_119 : vector<16xi32>
    %swap3A_121 = arith.constant 80 : index
    %swap3A_122 = tpu.vector_load %arg6[%swap3A_121] {strides = array<i32>} : memref<128xi32, #tpu.memory_space<vmem>>, vector<16xi32>,
    %swap3A_123 = vector.shape_cast %swap3A_122 : vector<16xi32> to vector<16xi32>
    %swap3A_124 = vector.shape_cast %and3A_120 : vector<16xi32> to vector<16xi32>
    tpu.vector_store %arg6[%swap3A_121], %swap3A_124 {strides = array<i32>} : memref<128xi32, #tpu.memory_space<vmem>>, vector<16xi32>,
    %shift_right_arithmetic3A_125 = arith.constant 14 : i32
    %shift_right_arithmetic3A_126 = vector.broadcast %shift_right_arithmetic3A_125 : i32 to vector<16xi32>
    %shift_right_arithmetic3A_127 = arith.shrsi %get3A_117, %shift_right_arithmetic3A_126 : vector<16xi32>
    %swap3A_128 = arith.constant 80 : index
    %swap3A_129 = tpu.vector_load %arg8[%swap3A_128] {strides = array<i32>} : memref<128xi32, #tpu.memory_space<vmem>>, vector<16xi32>,
    %swap3A_130 = vector.shape_cast %swap3A_129 : vector<16xi32> to vector<16xi32>
    %swap3A_131 = vector.shape_cast %shift_right_arithmetic3A_127 : vector<16xi32> to vector<16xi32>
    tpu.vector_store %arg8[%swap3A_128], %swap3A_131 {strides = array<i32>} : memref<128xi32, #tpu.memory_space<vmem>>, vector<16xi32>,
    %get3A_132 = arith.constant 0 : i32
    %get3A_133 = arith.index_cast %get3A_132 : i32 to index
    %get3A_134 = arith.constant 96 : index
    %get3A_135 = tpu.vector_load %arg5[%get3A_133, %get3A_134] {strides = array<i32>} : memref<79x128xi32, #tpu.memory_space<vmem>>, vector<1x16xi32>,
    %get3A_136 = vector.shape_cast %get3A_135 : vector<1x16xi32> to vector<16xi32>
    %and3A_137 = arith.constant 16383 : i32
    %and3A_138 = vector.broadcast %and3A_137 : i32 to vector<16xi32>
    %and3A_139 = arith.andi %get3A_136, %and3A_138 : vector<16xi32>
    %swap3A_140 = arith.constant 96 : index
    %swap3A_141 = tpu.vector_load %arg6[%swap3A_140] {strides = array<i32>} : memref<128xi32, #tpu.memory_space<vmem>>, vector<16xi32>,
    %swap3A_142 = vector.shape_cast %swap3A_141 : vector<16xi32> to vector<16xi32>
    %swap3A_143 = vector.shape_cast %and3A_139 : vector<16xi32> to vector<16xi32>
    tpu.vector_store %arg6[%swap3A_140], %swap3A_143 {strides = array<i32>} : memref<128xi32, #tpu.memory_space<vmem>>, vector<16xi32>,
    %shift_right_arithmetic3A_144 = arith.constant 14 : i32
    %shift_right_arithmetic3A_145 = vector.broadcast %shift_right_arithmetic3A_144 : i32 to vector<16xi32>
    %shift_right_arithmetic3A_146 = arith.shrsi %get3A_136, %shift_right_arithmetic3A_145 : vector<16xi32>
    %swap3A_147 = arith.constant 96 : index
    %swap3A_148 = tpu.vector_load %arg8[%swap3A_147] {strides = array<i32>} : memref<128xi32, #tpu.memory_space<vmem>>, vector<16xi32>,
    %swap3A_149 = vector.shape_cast %swap3A_148 : vector<16xi32> to vector<16xi32>
    %swap3A_150 = vector.shape_cast %shift_right_arithmetic3A_146 : vector<16xi32> to vector<16xi32>
    tpu.vector_store %arg8[%swap3A_147], %swap3A_150 {strides = array<i32>} : memref<128xi32, #tpu.memory_space<vmem>>, vector<16xi32>,
    %get3A_151 = arith.constant 0 : i32
    %get3A_152 = arith.index_cast %get3A_151 : i32 to index
    %get3A_153 = arith.constant 112 : index
    %get3A_154 = tpu.vector_load %arg5[%get3A_152, %get3A_153] {strides = array<i32>} : memref<79x128xi32, #tpu.memory_space<vmem>>, vector<1x16xi32>,
    %get3A_155 = vector.shape_cast %get3A_154 : vector<1x16xi32> to vector<16xi32>
    %and3A_156 = arith.constant 16383 : i32
    %and3A_157 = vector.broadcast %and3A_156 : i32 to vector<16xi32>
    %and3A_158 = arith.andi %get3A_155, %and3A_157 : vector<16xi32>
    %swap3A_159 = arith.constant 112 : index
    %swap3A_160 = tpu.vector_load %arg6[%swap3A_159] {strides = array<i32>} : memref<128xi32, #tpu.memory_space<vmem>>, vector<16xi32>,
    %swap3A_161 = vector.shape_cast %swap3A_160 : vector<16xi32> to vector<16xi32>
    %swap3A_162 = vector.shape_cast %and3A_158 : vector<16xi32> to vector<16xi32>
    tpu.vector_store %arg6[%swap3A_159], %swap3A_162 {strides = array<i32>} : memref<128xi32, #tpu.memory_space<vmem>>, vector<16xi32>,
    %shift_right_arithmetic3A_163 = arith.constant 14 : i32
    %shift_right_arithmetic3A_164 = vector.broadcast %shift_right_arithmetic3A_163 : i32 to vector<16xi32>
    %shift_right_arithmetic3A_165 = arith.shrsi %get3A_155, %shift_right_arithmetic3A_164 : vector<16xi32>
    %swap3A_166 = arith.constant 112 : index
    %swap3A_167 = tpu.vector_load %arg8[%swap3A_166] {strides = array<i32>} : memref<128xi32, #tpu.memory_space<vmem>>, vector<16xi32>,
    %swap3A_168 = vector.shape_cast %swap3A_167 : vector<16xi32> to vector<16xi32>
    %swap3A_169 = vector.shape_cast %shift_right_arithmetic3A_165 : vector<16xi32> to vector<16xi32>
    tpu.vector_store %arg8[%swap3A_166], %swap3A_169 {strides = array<i32>} : memref<128xi32, #tpu.memory_space<vmem>>, vector<16xi32>,
    %dma_start3A = arith.constant 0 : i32
    %dma_start3A_170 = arith.constant 0 : i32
    %dma_start3A_171 = tpu.memref_slice %arg2[%dma_start3A, %dma_start3A_170] : memref<10000x128xf32, #tpu.memory_space<hbm>> -> memref<10000x128xf32, #tpu.memory_space<hbm>>
    tpu.enqueue_indirect_dma source(%dma_start3A_171 : memref<10000x128xf32, #tpu.memory_space<hbm>>) target(%arg10 : memref<128x128xf32, #tpu.memory_space<vmem>>) offsets(%arg6 : memref<128xi32, #tpu.memory_space<vmem>>) semaphore(%arg13 : memref<!tpu.dma_semaphore, #tpu.memory_space<semaphore_mem>>)
    %get3A_172 = arith.constant 1 : i32
    %get3A_173 = arith.index_cast %get3A_172 : i32 to index
    %get3A_174 = arith.constant 0 : index
    %get3A_175 = tpu.vector_load %arg5[%get3A_173, %get3A_174] {strides = array<i32>} : memref<79x128xi32, #tpu.memory_space<vmem>>, vector<1x16xi32>,
    %get3A_176 = vector.shape_cast %get3A_175 : vector<1x16xi32> to vector<16xi32>
    %and3A_177 = arith.constant 16383 : i32
    %and3A_178 = vector.broadcast %and3A_177 : i32 to vector<16xi32>
    %and3A_179 = arith.andi %get3A_176, %and3A_178 : vector<16xi32>
    %swap3A_180 = arith.constant 0 : index
    %swap3A_181 = tpu.vector_load %arg7[%swap3A_180] {strides = array<i32>} : memref<128xi32, #tpu.memory_space<vmem>>, vector<16xi32>,
    %swap3A_182 = vector.shape_cast %swap3A_181 : vector<16xi32> to vector<16xi32>
    %swap3A_183 = vector.shape_cast %and3A_179 : vector<16xi32> to vector<16xi32>
    tpu.vector_store %arg7[%swap3A_180], %swap3A_183 {strides = array<i32>} : memref<128xi32, #tpu.memory_space<vmem>>, vector<16xi32>,
    %shift_right_arithmetic3A_184 = arith.constant 14 : i32
    %shift_right_arithmetic3A_185 = vector.broadcast %shift_right_arithmetic3A_184 : i32 to vector<16xi32>
    %shift_right_arithmetic3A_186 = arith.shrsi %get3A_176, %shift_right_arithmetic3A_185 : vector<16xi32>
    %swap3A_187 = arith.constant 0 : index
    %swap3A_188 = tpu.vector_load %arg9[%swap3A_187] {strides = array<i32>} : memref<128xi32, #tpu.memory_space<vmem>>, vector<16xi32>,
    %swap3A_189 = vector.shape_cast %swap3A_188 : vector<16xi32> to vector<16xi32>
    %swap3A_190 = vector.shape_cast %shift_right_arithmetic3A_186 : vector<16xi32> to vector<16xi32>
    tpu.vector_store %arg9[%swap3A_187], %swap3A_190 {strides = array<i32>} : memref<128xi32, #tpu.memory_space<vmem>>, vector<16xi32>,
    %get3A_191 = arith.constant 1 : i32
    %get3A_192 = arith.index_cast %get3A_191 : i32 to index
    %get3A_193 = arith.constant 16 : index
    %get3A_194 = tpu.vector_load %arg5[%get3A_192, %get3A_193] {strides = array<i32>} : memref<79x128xi32, #tpu.memory_space<vmem>>, vector<1x16xi32>,
    %get3A_195 = vector.shape_cast %get3A_194 : vector<1x16xi32> to vector<16xi32>
    %and3A_196 = arith.constant 16383 : i32
    %and3A_197 = vector.broadcast %and3A_196 : i32 to vector<16xi32>
    %and3A_198 = arith.andi %get3A_195, %and3A_197 : vector<16xi32>
    %swap3A_199 = arith.constant 16 : index
    %swap3A_200 = tpu.vector_load %arg7[%swap3A_199] {strides = array<i32>} : memref<128xi32, #tpu.memory_space<vmem>>, vector<16xi32>,
    %swap3A_201 = vector.shape_cast %swap3A_200 : vector<16xi32> to vector<16xi32>
    %swap3A_202 = vector.shape_cast %and3A_198 : vector<16xi32> to vector<16xi32>
    tpu.vector_store %arg7[%swap3A_199], %swap3A_202 {strides = array<i32>} : memref<128xi32, #tpu.memory_space<vmem>>, vector<16xi32>,
    %shift_right_arithmetic3A_203 = arith.constant 14 : i32
    %shift_right_arithmetic3A_204 = vector.broadcast %shift_right_arithmetic3A_203 : i32 to vector<16xi32>
    %shift_right_arithmetic3A_205 = arith.shrsi %get3A_195, %shift_right_arithmetic3A_204 : vector<16xi32>
    %swap3A_206 = arith.constant 16 : index
    %swap3A_207 = tpu.vector_load %arg9[%swap3A_206] {strides = array<i32>} : memref<128xi32, #tpu.memory_space<vmem>>, vector<16xi32>,
    %swap3A_208 = vector.shape_cast %swap3A_207 : vector<16xi32> to vector<16xi32>
    %swap3A_209 = vector.shape_cast %shift_right_arithmetic3A_205 : vector<16xi32> to vector<16xi32>
    tpu.vector_store %arg9[%swap3A_206], %swap3A_209 {strides = array<i32>} : memref<128xi32, #tpu.memory_space<vmem>>, vector<16xi32>,
    %get3A_210 = arith.constant 1 : i32
    %get3A_211 = arith.index_cast %get3A_210 : i32 to index
    %get3A_212 = arith.constant 32 : index
    %get3A_213 = tpu.vector_load %arg5[%get3A_211, %get3A_212] {strides = array<i32>} : memref<79x128xi32, #tpu.memory_space<vmem>>, vector<1x16xi32>,
    %get3A_214 = vector.shape_cast %get3A_213 : vector<1x16xi32> to vector<16xi32>
    %and3A_215 = arith.constant 16383 : i32
    %and3A_216 = vector.broadcast %and3A_215 : i32 to vector<16xi32>
    %and3A_217 = arith.andi %get3A_214, %and3A_216 : vector<16xi32>
    %swap3A_218 = arith.constant 32 : index
    %swap3A_219 = tpu.vector_load %arg7[%swap3A_218] {strides = array<i32>} : memref<128xi32, #tpu.memory_space<vmem>>, vector<16xi32>,
    %swap3A_220 = vector.shape_cast %swap3A_219 : vector<16xi32> to vector<16xi32>
    %swap3A_221 = vector.shape_cast %and3A_217 : vector<16xi32> to vector<16xi32>
    tpu.vector_store %arg7[%swap3A_218], %swap3A_221 {strides = array<i32>} : memref<128xi32, #tpu.memory_space<vmem>>, vector<16xi32>,
    %shift_right_arithmetic3A_222 = arith.constant 14 : i32
    %shift_right_arithmetic3A_223 = vector.broadcast %shift_right_arithmetic3A_222 : i32 to vector<16xi32>
    %shift_right_arithmetic3A_224 = arith.shrsi %get3A_214, %shift_right_arithmetic3A_223 : vector<16xi32>
    %swap3A_225 = arith.constant 32 : index
    %swap3A_226 = tpu.vector_load %arg9[%swap3A_225] {strides = array<i32>} : memref<128xi32, #tpu.memory_space<vmem>>, vector<16xi32>,
    %swap3A_227 = vector.shape_cast %swap3A_226 : vector<16xi32> to vector<16xi32>
    %swap3A_228 = vector.shape_cast %shift_right_arithmetic3A_224 : vector<16xi32> to vector<16xi32>
    tpu.vector_store %arg9[%swap3A_225], %swap3A_228 {strides = array<i32>} : memref<128xi32, #tpu.memory_space<vmem>>, vector<16xi32>,
    %get3A_229 = arith.constant 1 : i32
    %get3A_230 = arith.index_cast %get3A_229 : i32 to index
    %get3A_231 = arith.constant 48 : index
    %get3A_232 = tpu.vector_load %arg5[%get3A_230, %get3A_231] {strides = array<i32>} : memref<79x128xi32, #tpu.memory_space<vmem>>, vector<1x16xi32>,
    %get3A_233 = vector.shape_cast %get3A_232 : vector<1x16xi32> to vector<16xi32>
    %and3A_234 = arith.constant 16383 : i32
    %and3A_235 = vector.broadcast %and3A_234 : i32 to vector<16xi32>
    %and3A_236 = arith.andi %get3A_233, %and3A_235 : vector<16xi32>
    %swap3A_237 = arith.constant 48 : index
    %swap3A_238 = tpu.vector_load %arg7[%swap3A_237] {strides = array<i32>} : memref<128xi32, #tpu.memory_space<vmem>>, vector<16xi32>,
    %swap3A_239 = vector.shape_cast %swap3A_238 : vector<16xi32> to vector<16xi32>
    %swap3A_240 = vector.shape_cast %and3A_236 : vector<16xi32> to vector<16xi32>
    tpu.vector_store %arg7[%swap3A_237], %swap3A_240 {strides = array<i32>} : memref<128xi32, #tpu.memory_space<vmem>>, vector<16xi32>,
    %shift_right_arithmetic3A_241 = arith.constant 14 : i32
    %shift_right_arithmetic3A_242 = vector.broadcast %shift_right_arithmetic3A_241 : i32 to vector<16xi32>
    %shift_right_arithmetic3A_243 = arith.shrsi %get3A_233, %shift_right_arithmetic3A_242 : vector<16xi32>
    %swap3A_244 = arith.constant 48 : index
    %swap3A_245 = tpu.vector_load %arg9[%swap3A_244] {strides = array<i32>} : memref<128xi32, #tpu.memory_space<vmem>>, vector<16xi32>,
    %swap3A_246 = vector.shape_cast %swap3A_245 : vector<16xi32> to vector<16xi32>
    %swap3A_247 = vector.shape_cast %shift_right_arithmetic3A_243 : vector<16xi32> to vector<16xi32>
    tpu.vector_store %arg9[%swap3A_244], %swap3A_247 {strides = array<i32>} : memref<128xi32, #tpu.memory_space<vmem>>, vector<16xi32>,
    %get3A_248 = arith.constant 1 : i32
    %get3A_249 = arith.index_cast %get3A_248 : i32 to index
    %get3A_250 = arith.constant 64 : index
    %get3A_251 = tpu.vector_load %arg5[%get3A_249, %get3A_250] {strides = array<i32>} : memref<79x128xi32, #tpu.memory_space<vmem>>, vector<1x16xi32>,
    %get3A_252 = vector.shape_cast %get3A_251 : vector<1x16xi32> to vector<16xi32>
    %and3A_253 = arith.constant 16383 : i32
    %and3A_254 = vector.broadcast %and3A_253 : i32 to vector<16xi32>
    %and3A_255 = arith.andi %get3A_252, %and3A_254 : vector<16xi32>
    %swap3A_256 = arith.constant 64 : index
    %swap3A_257 = tpu.vector_load %arg7[%swap3A_256] {strides = array<i32>} : memref<128xi32, #tpu.memory_space<vmem>>, vector<16xi32>,
    %swap3A_258 = vector.shape_cast %swap3A_257 : vector<16xi32> to vector<16xi32>
    %swap3A_259 = vector.shape_cast %and3A_255 : vector<16xi32> to vector<16xi32>
    tpu.vector_store %arg7[%swap3A_256], %swap3A_259 {strides = array<i32>} : memref<128xi32, #tpu.memory_space<vmem>>, vector<16xi32>,
    %shift_right_arithmetic3A_260 = arith.constant 14 : i32
    %shift_right_arithmetic3A_261 = vector.broadcast %shift_right_arithmetic3A_260 : i32 to vector<16xi32>
    %shift_right_arithmetic3A_262 = arith.shrsi %get3A_252, %shift_right_arithmetic3A_261 : vector<16xi32>
    %swap3A_263 = arith.constant 64 : index
    %swap3A_264 = tpu.vector_load %arg9[%swap3A_263] {strides = array<i32>} : memref<128xi32, #tpu.memory_space<vmem>>, vector<16xi32>,
    %swap3A_265 = vector.shape_cast %swap3A_264 : vector<16xi32> to vector<16xi32>
    %swap3A_266 = vector.shape_cast %shift_right_arithmetic3A_262 : vector<16xi32> to vector<16xi32>
    tpu.vector_store %arg9[%swap3A_263], %swap3A_266 {strides = array<i32>} : memref<128xi32, #tpu.memory_space<vmem>>, vector<16xi32>,
    %get3A_267 = arith.constant 1 : i32
    %get3A_268 = arith.index_cast %get3A_267 : i32 to index
    %get3A_269 = arith.constant 80 : index
    %get3A_270 = tpu.vector_load %arg5[%get3A_268, %get3A_269] {strides = array<i32>} : memref<79x128xi32, #tpu.memory_space<vmem>>, vector<1x16xi32>,
    %get3A_271 = vector.shape_cast %get3A_270 : vector<1x16xi32> to vector<16xi32>
    %and3A_272 = arith.constant 16383 : i32
    %and3A_273 = vector.broadcast %and3A_272 : i32 to vector<16xi32>
    %and3A_274 = arith.andi %get3A_271, %and3A_273 : vector<16xi32>
    %swap3A_275 = arith.constant 80 : index
    %swap3A_276 = tpu.vector_load %arg7[%swap3A_275] {strides = array<i32>} : memref<128xi32, #tpu.memory_space<vmem>>, vector<16xi32>,
    %swap3A_277 = vector.shape_cast %swap3A_276 : vector<16xi32> to vector<16xi32>
    %swap3A_278 = vector.shape_cast %and3A_274 : vector<16xi32> to vector<16xi32>
    tpu.vector_store %arg7[%swap3A_275], %swap3A_278 {strides = array<i32>} : memref<128xi32, #tpu.memory_space<vmem>>, vector<16xi32>,
    %shift_right_arithmetic3A_279 = arith.constant 14 : i32
    %shift_right_arithmetic3A_280 = vector.broadcast %shift_right_arithmetic3A_279 : i32 to vector<16xi32>
    %shift_right_arithmetic3A_281 = arith.shrsi %get3A_271, %shift_right_arithmetic3A_280 : vector<16xi32>
    %swap3A_282 = arith.constant 80 : index
    %swap3A_283 = tpu.vector_load %arg9[%swap3A_282] {strides = array<i32>} : memref<128xi32, #tpu.memory_space<vmem>>, vector<16xi32>,
    %swap3A_284 = vector.shape_cast %swap3A_283 : vector<16xi32> to vector<16xi32>
    %swap3A_285 = vector.shape_cast %shift_right_arithmetic3A_281 : vector<16xi32> to vector<16xi32>
    tpu.vector_store %arg9[%swap3A_282], %swap3A_285 {strides = array<i32>} : memref<128xi32, #tpu.memory_space<vmem>>, vector<16xi32>,
    %get3A_286 = arith.constant 1 : i32
    %get3A_287 = arith.index_cast %get3A_286 : i32 to index
    %get3A_288 = arith.constant 96 : index
    %get3A_289 = tpu.vector_load %arg5[%get3A_287, %get3A_288] {strides = array<i32>} : memref<79x128xi32, #tpu.memory_space<vmem>>, vector<1x16xi32>,
    %get3A_290 = vector.shape_cast %get3A_289 : vector<1x16xi32> to vector<16xi32>
    %and3A_291 = arith.constant 16383 : i32
    %and3A_292 = vector.broadcast %and3A_291 : i32 to vector<16xi32>
    %and3A_293 = arith.andi %get3A_290, %and3A_292 : vector<16xi32>
    %swap3A_294 = arith.constant 96 : index
    %swap3A_295 = tpu.vector_load %arg7[%swap3A_294] {strides = array<i32>} : memref<128xi32, #tpu.memory_space<vmem>>, vector<16xi32>,
    %swap3A_296 = vector.shape_cast %swap3A_295 : vector<16xi32> to vector<16xi32>
    %swap3A_297 = vector.shape_cast %and3A_293 : vector<16xi32> to vector<16xi32>
    tpu.vector_store %arg7[%swap3A_294], %swap3A_297 {strides = array<i32>} : memref<128xi32, #tpu.memory_space<vmem>>, vector<16xi32>,
    %shift_right_arithmetic3A_298 = arith.constant 14 : i32
    %shift_right_arithmetic3A_299 = vector.broadcast %shift_right_arithmetic3A_298 : i32 to vector<16xi32>
    %shift_right_arithmetic3A_300 = arith.shrsi %get3A_290, %shift_right_arithmetic3A_299 : vector<16xi32>
    %swap3A_301 = arith.constant 96 : index
    %swap3A_302 = tpu.vector_load %arg9[%swap3A_301] {strides = array<i32>} : memref<128xi32, #tpu.memory_space<vmem>>, vector<16xi32>,
    %swap3A_303 = vector.shape_cast %swap3A_302 : vector<16xi32> to vector<16xi32>
    %swap3A_304 = vector.shape_cast %shift_right_arithmetic3A_300 : vector<16xi32> to vector<16xi32>
    tpu.vector_store %arg9[%swap3A_301], %swap3A_304 {strides = array<i32>} : memref<128xi32, #tpu.memory_space<vmem>>, vector<16xi32>,
    %get3A_305 = arith.constant 1 : i32
    %get3A_306 = arith.index_cast %get3A_305 : i32 to index
    %get3A_307 = arith.constant 112 : index
    %get3A_308 = tpu.vector_load %arg5[%get3A_306, %get3A_307] {strides = array<i32>} : memref<79x128xi32, #tpu.memory_space<vmem>>, vector<1x16xi32>,
    %get3A_309 = vector.shape_cast %get3A_308 : vector<1x16xi32> to vector<16xi32>
    %and3A_310 = arith.constant 16383 : i32
    %and3A_311 = vector.broadcast %and3A_310 : i32 to vector<16xi32>
    %and3A_312 = arith.andi %get3A_309, %and3A_311 : vector<16xi32>
    %swap3A_313 = arith.constant 112 : index
    %swap3A_314 = tpu.vector_load %arg7[%swap3A_313] {strides = array<i32>} : memref<128xi32, #tpu.memory_space<vmem>>, vector<16xi32>,
    %swap3A_315 = vector.shape_cast %swap3A_314 : vector<16xi32> to vector<16xi32>
    %swap3A_316 = vector.shape_cast %and3A_312 : vector<16xi32> to vector<16xi32>
    tpu.vector_store %arg7[%swap3A_313], %swap3A_316 {strides = array<i32>} : memref<128xi32, #tpu.memory_space<vmem>>, vector<16xi32>,
    %shift_right_arithmetic3A_317 = arith.constant 14 : i32
    %shift_right_arithmetic3A_318 = vector.broadcast %shift_right_arithmetic3A_317 : i32 to vector<16xi32>
    %shift_right_arithmetic3A_319 = arith.shrsi %get3A_309, %shift_right_arithmetic3A_318 : vector<16xi32>
    %swap3A_320 = arith.constant 112 : index
    %swap3A_321 = tpu.vector_load %arg9[%swap3A_320] {strides = array<i32>} : memref<128xi32, #tpu.memory_space<vmem>>, vector<16xi32>,
    %swap3A_322 = vector.shape_cast %swap3A_321 : vector<16xi32> to vector<16xi32>
    %swap3A_323 = vector.shape_cast %shift_right_arithmetic3A_319 : vector<16xi32> to vector<16xi32>
    tpu.vector_store %arg9[%swap3A_320], %swap3A_323 {strides = array<i32>} : memref<128xi32, #tpu.memory_space<vmem>>, vector<16xi32>,
    %dma_start3A_324 = arith.constant 0 : i32
    %dma_start3A_325 = arith.constant 0 : i32
    %dma_start3A_326 = tpu.memref_slice %arg2[%dma_start3A_324, %dma_start3A_325] : memref<10000x128xf32, #tpu.memory_space<hbm>> -> memref<10000x128xf32, #tpu.memory_space<hbm>>
    tpu.enqueue_indirect_dma source(%dma_start3A_326 : memref<10000x128xf32, #tpu.memory_space<hbm>>) target(%arg11 : memref<128x128xf32, #tpu.memory_space<vmem>>) offsets(%arg7 : memref<128xi32, #tpu.memory_space<vmem>>) semaphore(%arg14 : memref<!tpu.dma_semaphore, #tpu.memory_space<semaphore_mem>>)
    %scan3A_327 = arith.constant 0 : i32
    %scan3A_328 = arith.constant 0 : i32
    %scan3A_329 = arith.constant 39 : i32
    %scan3A_330 = arith.addi %scan3A_328, %scan3A_329 : i32
    %scan3A_331 = arith.constant 1 : i32
    %scan3A_332 = scf.for %scan3A_349 = %scan3A_328 to %scan3A_330 step %scan3A_331 iter_args(%scan3A_350 = %scan3A_327) -> (i32)  : i32 {
      %mul3A_351 = arith.constant 2 : i32
      %mul3A_352 = arith.muli %mul3A_351, %scan3A_349 : i32
      %add3A_353 = arith.constant 2 : i32
      %add3A_354 = arith.addi %mul3A_352, %add3A_353 : i32
      %mul3A_355 = arith.constant 2 : i32
      %mul3A_356 = arith.muli %mul3A_355, %scan3A_349 : i32
      %add3A_357 = arith.constant 3 : i32
      %add3A_358 = arith.addi %mul3A_356, %add3A_357 : i32
      %dma_wait3A_359 = arith.constant 0 : i32
      %dma_wait3A_360 = arith.constant 0 : i32
      %dma_wait3A_361 = tpu.memref_slice %arg2[%dma_wait3A_359, %dma_wait3A_360] : memref<10000x128xf32, #tpu.memory_space<hbm>> -> memref<10000x128xf32, #tpu.memory_space<hbm>>
      tpu.wait_indirect_dma semaphore(%arg13 : memref<!tpu.dma_semaphore, #tpu.memory_space<semaphore_mem>>) src(%dma_wait3A_361 : memref<10000x128xf32, #tpu.memory_space<hbm>>) dst(%arg10 : memref<128x128xf32, #tpu.memory_space<vmem>>)
      "tpu.region"() ({
        %run_scoped3A = tpu.sem_alloc : memref<!tpu.dma_semaphore, #tpu.memory_space<semaphore_mem>>
        %dma_start3A_374 = arith.constant 0 : i32
        %dma_start3A_375 = arith.constant 0 : i32
        %dma_start3A_376 = tpu.memref_slice %arg12[%dma_start3A_374, %dma_start3A_375] : memref<10008x128xf32, #tpu.memory_space<vmem_shared>> -> memref<10008x128xf32, #tpu.memory_space<vmem_shared>>
        tpu.enqueue_indirect_dma source(%arg10 : memref<128x128xf32, #tpu.memory_space<vmem>>) target(%dma_start3A_376 : memref<10008x128xf32, #tpu.memory_space<vmem_shared>>) offsets(%arg8 : memref<128xi32, #tpu.memory_space<vmem>>) semaphore(%run_scoped3A : memref<!tpu.dma_semaphore, #tpu.memory_space<semaphore_mem>>) {add = true}
        %dma_wait3A_377 = arith.constant 0 : i32
        %dma_wait3A_378 = arith.constant 0 : i32
        %dma_wait3A_379 = tpu.memref_slice %arg12[%dma_wait3A_377, %dma_wait3A_378] : memref<10008x128xf32, #tpu.memory_space<vmem_shared>> -> memref<10008x128xf32, #tpu.memory_space<vmem_shared>>
        tpu.wait_indirect_dma semaphore(%run_scoped3A : memref<!tpu.dma_semaphore, #tpu.memory_space<semaphore_mem>>) src(%arg10 : memref<128x128xf32, #tpu.memory_space<vmem>>) dst(%dma_wait3A_379 : memref<10008x128xf32, #tpu.memory_space<vmem_shared>>)
        tpu.yield
      }) : () -> ()
      %lt3A_362 = arith.constant 79 : i32
      %lt3A_363 = arith.cmpi slt, %add3A_354, %lt3A_362 : i32
      %convert_element_type3A = arith.extui %lt3A_363 : i1 to i32
      %cond3A = arith.constant 0 : i32
      %cond3A_364 = arith.cmpi ne, %convert_element_type3A, %cond3A : i32
      scf.if %cond3A_364 {
        %get3A_374 = arith.index_cast %add3A_354 : i32 to index
        %get3A_375 = arith.constant 0 : index
        %get3A_376 = tpu.vector_load %arg5[%get3A_374, %get3A_375] {strides = array<i32>} : memref<79x128xi32, #tpu.memory_space<vmem>>, vector<1x16xi32>,
        %get3A_377 = vector.shape_cast %get3A_376 : vector<1x16xi32> to vector<16xi32>
        %and3A_378 = arith.constant 16383 : i32
        %and3A_379 = vector.broadcast %and3A_378 : i32 to vector<16xi32>
        %and3A_380 = arith.andi %get3A_377, %and3A_379 : vector<16xi32>
        %swap3A_381 = arith.constant 0 : index
        %swap3A_382 = tpu.vector_load %arg6[%swap3A_381] {strides = array<i32>} : memref<128xi32, #tpu.memory_space<vmem>>, vector<16xi32>,
        %swap3A_383 = vector.shape_cast %swap3A_382 : vector<16xi32> to vector<16xi32>
        %swap3A_384 = vector.shape_cast %and3A_380 : vector<16xi32> to vector<16xi32>
        tpu.vector_store %arg6[%swap3A_381], %swap3A_384 {strides = array<i32>} : memref<128xi32, #tpu.memory_space<vmem>>, vector<16xi32>,
        %shift_right_arithmetic3A_385 = arith.constant 14 : i32
        %shift_right_arithmetic3A_386 = vector.broadcast %shift_right_arithmetic3A_385 : i32 to vector<16xi32>
        %shift_right_arithmetic3A_387 = arith.shrsi %get3A_377, %shift_right_arithmetic3A_386 : vector<16xi32>
        %swap3A_388 = arith.constant 0 : index
        %swap3A_389 = tpu.vector_load %arg8[%swap3A_388] {strides = array<i32>} : memref<128xi32, #tpu.memory_space<vmem>>, vector<16xi32>,
        %swap3A_390 = vector.shape_cast %swap3A_389 : vector<16xi32> to vector<16xi32>
        %swap3A_391 = vector.shape_cast %shift_right_arithmetic3A_387 : vector<16xi32> to vector<16xi32>
        tpu.vector_store %arg8[%swap3A_388], %swap3A_391 {strides = array<i32>} : memref<128xi32, #tpu.memory_space<vmem>>, vector<16xi32>,
        %get3A_392 = arith.index_cast %add3A_354 : i32 to index
        %get3A_393 = arith.constant 16 : index
        %get3A_394 = tpu.vector_load %arg5[%get3A_392, %get3A_393] {strides = array<i32>} : memref<79x128xi32, #tpu.memory_space<vmem>>, vector<1x16xi32>,
        %get3A_395 = vector.shape_cast %get3A_394 : vector<1x16xi32> to vector<16xi32>
        %and3A_396 = arith.constant 16383 : i32
        %and3A_397 = vector.broadcast %and3A_396 : i32 to vector<16xi32>
        %and3A_398 = arith.andi %get3A_395, %and3A_397 : vector<16xi32>
        %swap3A_399 = arith.constant 16 : index
        %swap3A_400 = tpu.vector_load %arg6[%swap3A_399] {strides = array<i32>} : memref<128xi32, #tpu.memory_space<vmem>>, vector<16xi32>,
        %swap3A_401 = vector.shape_cast %swap3A_400 : vector<16xi32> to vector<16xi32>
        %swap3A_402 = vector.shape_cast %and3A_398 : vector<16xi32> to vector<16xi32>
        tpu.vector_store %arg6[%swap3A_399], %swap3A_402 {strides = array<i32>} : memref<128xi32, #tpu.memory_space<vmem>>, vector<16xi32>,
        %shift_right_arithmetic3A_403 = arith.constant 14 : i32
        %shift_right_arithmetic3A_404 = vector.broadcast %shift_right_arithmetic3A_403 : i32 to vector<16xi32>
        %shift_right_arithmetic3A_405 = arith.shrsi %get3A_395, %shift_right_arithmetic3A_404 : vector<16xi32>
        %swap3A_406 = arith.constant 16 : index
        %swap3A_407 = tpu.vector_load %arg8[%swap3A_406] {strides = array<i32>} : memref<128xi32, #tpu.memory_space<vmem>>, vector<16xi32>,
        %swap3A_408 = vector.shape_cast %swap3A_407 : vector<16xi32> to vector<16xi32>
        %swap3A_409 = vector.shape_cast %shift_right_arithmetic3A_405 : vector<16xi32> to vector<16xi32>
        tpu.vector_store %arg8[%swap3A_406], %swap3A_409 {strides = array<i32>} : memref<128xi32, #tpu.memory_space<vmem>>, vector<16xi32>,
        %get3A_410 = arith.index_cast %add3A_354 : i32 to index
        %get3A_411 = arith.constant 32 : index
        %get3A_412 = tpu.vector_load %arg5[%get3A_410, %get3A_411] {strides = array<i32>} : memref<79x128xi32, #tpu.memory_space<vmem>>, vector<1x16xi32>,
        %get3A_413 = vector.shape_cast %get3A_412 : vector<1x16xi32> to vector<16xi32>
        %and3A_414 = arith.constant 16383 : i32
        %and3A_415 = vector.broadcast %and3A_414 : i32 to vector<16xi32>
        %and3A_416 = arith.andi %get3A_413, %and3A_415 : vector<16xi32>
        %swap3A_417 = arith.constant 32 : index
        %swap3A_418 = tpu.vector_load %arg6[%swap3A_417] {strides = array<i32>} : memref<128xi32, #tpu.memory_space<vmem>>, vector<16xi32>,
        %swap3A_419 = vector.shape_cast %swap3A_418 : vector<16xi32> to vector<16xi32>
        %swap3A_420 = vector.shape_cast %and3A_416 : vector<16xi32> to vector<16xi32>
        tpu.vector_store %arg6[%swap3A_417], %swap3A_420 {strides = array<i32>} : memref<128xi32, #tpu.memory_space<vmem>>, vector<16xi32>,
        %shift_right_arithmetic3A_421 = arith.constant 14 : i32
        %shift_right_arithmetic3A_422 = vector.broadcast %shift_right_arithmetic3A_421 : i32 to vector<16xi32>
        %shift_right_arithmetic3A_423 = arith.shrsi %get3A_413, %shift_right_arithmetic3A_422 : vector<16xi32>
        %swap3A_424 = arith.constant 32 : index
        %swap3A_425 = tpu.vector_load %arg8[%swap3A_424] {strides = array<i32>} : memref<128xi32, #tpu.memory_space<vmem>>, vector<16xi32>,
        %swap3A_426 = vector.shape_cast %swap3A_425 : vector<16xi32> to vector<16xi32>
        %swap3A_427 = vector.shape_cast %shift_right_arithmetic3A_423 : vector<16xi32> to vector<16xi32>
        tpu.vector_store %arg8[%swap3A_424], %swap3A_427 {strides = array<i32>} : memref<128xi32, #tpu.memory_space<vmem>>, vector<16xi32>,
        %get3A_428 = arith.index_cast %add3A_354 : i32 to index
        %get3A_429 = arith.constant 48 : index
        %get3A_430 = tpu.vector_load %arg5[%get3A_428, %get3A_429] {strides = array<i32>} : memref<79x128xi32, #tpu.memory_space<vmem>>, vector<1x16xi32>,
        %get3A_431 = vector.shape_cast %get3A_430 : vector<1x16xi32> to vector<16xi32>
        %and3A_432 = arith.constant 16383 : i32
        %and3A_433 = vector.broadcast %and3A_432 : i32 to vector<16xi32>
        %and3A_434 = arith.andi %get3A_431, %and3A_433 : vector<16xi32>
        %swap3A_435 = arith.constant 48 : index
        %swap3A_436 = tpu.vector_load %arg6[%swap3A_435] {strides = array<i32>} : memref<128xi32, #tpu.memory_space<vmem>>, vector<16xi32>,
        %swap3A_437 = vector.shape_cast %swap3A_436 : vector<16xi32> to vector<16xi32>
        %swap3A_438 = vector.shape_cast %and3A_434 : vector<16xi32> to vector<16xi32>
        tpu.vector_store %arg6[%swap3A_435], %swap3A_438 {strides = array<i32>} : memref<128xi32, #tpu.memory_space<vmem>>, vector<16xi32>,
        %shift_right_arithmetic3A_439 = arith.constant 14 : i32
        %shift_right_arithmetic3A_440 = vector.broadcast %shift_right_arithmetic3A_439 : i32 to vector<16xi32>
        %shift_right_arithmetic3A_441 = arith.shrsi %get3A_431, %shift_right_arithmetic3A_440 : vector<16xi32>
        %swap3A_442 = arith.constant 48 : index
        %swap3A_443 = tpu.vector_load %arg8[%swap3A_442] {strides = array<i32>} : memref<128xi32, #tpu.memory_space<vmem>>, vector<16xi32>,
        %swap3A_444 = vector.shape_cast %swap3A_443 : vector<16xi32> to vector<16xi32>
        %swap3A_445 = vector.shape_cast %shift_right_arithmetic3A_441 : vector<16xi32> to vector<16xi32>
        tpu.vector_store %arg8[%swap3A_442], %swap3A_445 {strides = array<i32>} : memref<128xi32, #tpu.memory_space<vmem>>, vector<16xi32>,
        %get3A_446 = arith.index_cast %add3A_354 : i32 to index
        %get3A_447 = arith.constant 64 : index
        %get3A_448 = tpu.vector_load %arg5[%get3A_446, %get3A_447] {strides = array<i32>} : memref<79x128xi32, #tpu.memory_space<vmem>>, vector<1x16xi32>,
        %get3A_449 = vector.shape_cast %get3A_448 : vector<1x16xi32> to vector<16xi32>
        %and3A_450 = arith.constant 16383 : i32
        %and3A_451 = vector.broadcast %and3A_450 : i32 to vector<16xi32>
        %and3A_452 = arith.andi %get3A_449, %and3A_451 : vector<16xi32>
        %swap3A_453 = arith.constant 64 : index
        %swap3A_454 = tpu.vector_load %arg6[%swap3A_453] {strides = array<i32>} : memref<128xi32, #tpu.memory_space<vmem>>, vector<16xi32>,
        %swap3A_455 = vector.shape_cast %swap3A_454 : vector<16xi32> to vector<16xi32>
        %swap3A_456 = vector.shape_cast %and3A_452 : vector<16xi32> to vector<16xi32>
        tpu.vector_store %arg6[%swap3A_453], %swap3A_456 {strides = array<i32>} : memref<128xi32, #tpu.memory_space<vmem>>, vector<16xi32>,
        %shift_right_arithmetic3A_457 = arith.constant 14 : i32
        %shift_right_arithmetic3A_458 = vector.broadcast %shift_right_arithmetic3A_457 : i32 to vector<16xi32>
        %shift_right_arithmetic3A_459 = arith.shrsi %get3A_449, %shift_right_arithmetic3A_458 : vector<16xi32>
        %swap3A_460 = arith.constant 64 : index
        %swap3A_461 = tpu.vector_load %arg8[%swap3A_460] {strides = array<i32>} : memref<128xi32, #tpu.memory_space<vmem>>, vector<16xi32>,
        %swap3A_462 = vector.shape_cast %swap3A_461 : vector<16xi32> to vector<16xi32>
        %swap3A_463 = vector.shape_cast %shift_right_arithmetic3A_459 : vector<16xi32> to vector<16xi32>
        tpu.vector_store %arg8[%swap3A_460], %swap3A_463 {strides = array<i32>} : memref<128xi32, #tpu.memory_space<vmem>>, vector<16xi32>,
        %get3A_464 = arith.index_cast %add3A_354 : i32 to index
        %get3A_465 = arith.constant 80 : index
        %get3A_466 = tpu.vector_load %arg5[%get3A_464, %get3A_465] {strides = array<i32>} : memref<79x128xi32, #tpu.memory_space<vmem>>, vector<1x16xi32>,
        %get3A_467 = vector.shape_cast %get3A_466 : vector<1x16xi32> to vector<16xi32>
        %and3A_468 = arith.constant 16383 : i32
        %and3A_469 = vector.broadcast %and3A_468 : i32 to vector<16xi32>
        %and3A_470 = arith.andi %get3A_467, %and3A_469 : vector<16xi32>
        %swap3A_471 = arith.constant 80 : index
        %swap3A_472 = tpu.vector_load %arg6[%swap3A_471] {strides = array<i32>} : memref<128xi32, #tpu.memory_space<vmem>>, vector<16xi32>,
        %swap3A_473 = vector.shape_cast %swap3A_472 : vector<16xi32> to vector<16xi32>
        %swap3A_474 = vector.shape_cast %and3A_470 : vector<16xi32> to vector<16xi32>
        tpu.vector_store %arg6[%swap3A_471], %swap3A_474 {strides = array<i32>} : memref<128xi32, #tpu.memory_space<vmem>>, vector<16xi32>,
        %shift_right_arithmetic3A_475 = arith.constant 14 : i32
        %shift_right_arithmetic3A_476 = vector.broadcast %shift_right_arithmetic3A_475 : i32 to vector<16xi32>
        %shift_right_arithmetic3A_477 = arith.shrsi %get3A_467, %shift_right_arithmetic3A_476 : vector<16xi32>
        %swap3A_478 = arith.constant 80 : index
        %swap3A_479 = tpu.vector_load %arg8[%swap3A_478] {strides = array<i32>} : memref<128xi32, #tpu.memory_space<vmem>>, vector<16xi32>,
        %swap3A_480 = vector.shape_cast %swap3A_479 : vector<16xi32> to vector<16xi32>
        %swap3A_481 = vector.shape_cast %shift_right_arithmetic3A_477 : vector<16xi32> to vector<16xi32>
        tpu.vector_store %arg8[%swap3A_478], %swap3A_481 {strides = array<i32>} : memref<128xi32, #tpu.memory_space<vmem>>, vector<16xi32>,
        %get3A_482 = arith.index_cast %add3A_354 : i32 to index
        %get3A_483 = arith.constant 96 : index
        %get3A_484 = tpu.vector_load %arg5[%get3A_482, %get3A_483] {strides = array<i32>} : memref<79x128xi32, #tpu.memory_space<vmem>>, vector<1x16xi32>,
        %get3A_485 = vector.shape_cast %get3A_484 : vector<1x16xi32> to vector<16xi32>
        %and3A_486 = arith.constant 16383 : i32
        %and3A_487 = vector.broadcast %and3A_486 : i32 to vector<16xi32>
        %and3A_488 = arith.andi %get3A_485, %and3A_487 : vector<16xi32>
        %swap3A_489 = arith.constant 96 : index
        %swap3A_490 = tpu.vector_load %arg6[%swap3A_489] {strides = array<i32>} : memref<128xi32, #tpu.memory_space<vmem>>, vector<16xi32>,
        %swap3A_491 = vector.shape_cast %swap3A_490 : vector<16xi32> to vector<16xi32>
        %swap3A_492 = vector.shape_cast %and3A_488 : vector<16xi32> to vector<16xi32>
        tpu.vector_store %arg6[%swap3A_489], %swap3A_492 {strides = array<i32>} : memref<128xi32, #tpu.memory_space<vmem>>, vector<16xi32>,
        %shift_right_arithmetic3A_493 = arith.constant 14 : i32
        %shift_right_arithmetic3A_494 = vector.broadcast %shift_right_arithmetic3A_493 : i32 to vector<16xi32>
        %shift_right_arithmetic3A_495 = arith.shrsi %get3A_485, %shift_right_arithmetic3A_494 : vector<16xi32>
        %swap3A_496 = arith.constant 96 : index
        %swap3A_497 = tpu.vector_load %arg8[%swap3A_496] {strides = array<i32>} : memref<128xi32, #tpu.memory_space<vmem>>, vector<16xi32>,
        %swap3A_498 = vector.shape_cast %swap3A_497 : vector<16xi32> to vector<16xi32>
        %swap3A_499 = vector.shape_cast %shift_right_arithmetic3A_495 : vector<16xi32> to vector<16xi32>
        tpu.vector_store %arg8[%swap3A_496], %swap3A_499 {strides = array<i32>} : memref<128xi32, #tpu.memory_space<vmem>>, vector<16xi32>,
        %get3A_500 = arith.index_cast %add3A_354 : i32 to index
        %get3A_501 = arith.constant 112 : index
        %get3A_502 = tpu.vector_load %arg5[%get3A_500, %get3A_501] {strides = array<i32>} : memref<79x128xi32, #tpu.memory_space<vmem>>, vector<1x16xi32>,
        %get3A_503 = vector.shape_cast %get3A_502 : vector<1x16xi32> to vector<16xi32>
        %and3A_504 = arith.constant 16383 : i32
        %and3A_505 = vector.broadcast %and3A_504 : i32 to vector<16xi32>
        %and3A_506 = arith.andi %get3A_503, %and3A_505 : vector<16xi32>
        %swap3A_507 = arith.constant 112 : index
        %swap3A_508 = tpu.vector_load %arg6[%swap3A_507] {strides = array<i32>} : memref<128xi32, #tpu.memory_space<vmem>>, vector<16xi32>,
        %swap3A_509 = vector.shape_cast %swap3A_508 : vector<16xi32> to vector<16xi32>
        %swap3A_510 = vector.shape_cast %and3A_506 : vector<16xi32> to vector<16xi32>
        tpu.vector_store %arg6[%swap3A_507], %swap3A_510 {strides = array<i32>} : memref<128xi32, #tpu.memory_space<vmem>>, vector<16xi32>,
        %shift_right_arithmetic3A_511 = arith.constant 14 : i32
        %shift_right_arithmetic3A_512 = vector.broadcast %shift_right_arithmetic3A_511 : i32 to vector<16xi32>
        %shift_right_arithmetic3A_513 = arith.shrsi %get3A_503, %shift_right_arithmetic3A_512 : vector<16xi32>
        %swap3A_514 = arith.constant 112 : index
        %swap3A_515 = tpu.vector_load %arg8[%swap3A_514] {strides = array<i32>} : memref<128xi32, #tpu.memory_space<vmem>>, vector<16xi32>,
        %swap3A_516 = vector.shape_cast %swap3A_515 : vector<16xi32> to vector<16xi32>
        %swap3A_517 = vector.shape_cast %shift_right_arithmetic3A_513 : vector<16xi32> to vector<16xi32>
        tpu.vector_store %arg8[%swap3A_514], %swap3A_517 {strides = array<i32>} : memref<128xi32, #tpu.memory_space<vmem>>, vector<16xi32>,
        %dma_start3A_518 = arith.constant 0 : i32
        %dma_start3A_519 = arith.constant 0 : i32
        %dma_start3A_520 = tpu.memref_slice %arg2[%dma_start3A_518, %dma_start3A_519] : memref<10000x128xf32, #tpu.memory_space<hbm>> -> memref<10000x128xf32, #tpu.memory_space<hbm>>
        tpu.enqueue_indirect_dma source(%dma_start3A_520 : memref<10000x128xf32, #tpu.memory_space<hbm>>) target(%arg10 : memref<128x128xf32, #tpu.memory_space<vmem>>) offsets(%arg6 : memref<128xi32, #tpu.memory_space<vmem>>) semaphore(%arg13 : memref<!tpu.dma_semaphore, #tpu.memory_space<semaphore_mem>>)
      } else {
      }
      %dma_wait3A_365 = arith.constant 0 : i32
      %dma_wait3A_366 = arith.constant 0 : i32
      %dma_wait3A_367 = tpu.memref_slice %arg2[%dma_wait3A_365, %dma_wait3A_366] : memref<10000x128xf32, #tpu.memory_space<hbm>> -> memref<10000x128xf32, #tpu.memory_space<hbm>>
      tpu.wait_indirect_dma semaphore(%arg14 : memref<!tpu.dma_semaphore, #tpu.memory_space<semaphore_mem>>) src(%dma_wait3A_367 : memref<10000x128xf32, #tpu.memory_space<hbm>>) dst(%arg11 : memref<128x128xf32, #tpu.memory_space<vmem>>)
      "tpu.region"() ({
        %run_scoped3A = tpu.sem_alloc : memref<!tpu.dma_semaphore, #tpu.memory_space<semaphore_mem>>
        %dma_start3A_374 = arith.constant 0 : i32
        %dma_start3A_375 = arith.constant 0 : i32
        %dma_start3A_376 = tpu.memref_slice %arg12[%dma_start3A_374, %dma_start3A_375] : memref<10008x128xf32, #tpu.memory_space<vmem_shared>> -> memref<10008x128xf32, #tpu.memory_space<vmem_shared>>
        tpu.enqueue_indirect_dma source(%arg11 : memref<128x128xf32, #tpu.memory_space<vmem>>) target(%dma_start3A_376 : memref<10008x128xf32, #tpu.memory_space<vmem_shared>>) offsets(%arg9 : memref<128xi32, #tpu.memory_space<vmem>>) semaphore(%run_scoped3A : memref<!tpu.dma_semaphore, #tpu.memory_space<semaphore_mem>>) {add = true}
        %dma_wait3A_377 = arith.constant 0 : i32
        %dma_wait3A_378 = arith.constant 0 : i32
        %dma_wait3A_379 = tpu.memref_slice %arg12[%dma_wait3A_377, %dma_wait3A_378] : memref<10008x128xf32, #tpu.memory_space<vmem_shared>> -> memref<10008x128xf32, #tpu.memory_space<vmem_shared>>
        tpu.wait_indirect_dma semaphore(%run_scoped3A : memref<!tpu.dma_semaphore, #tpu.memory_space<semaphore_mem>>) src(%arg11 : memref<128x128xf32, #tpu.memory_space<vmem>>) dst(%dma_wait3A_379 : memref<10008x128xf32, #tpu.memory_space<vmem_shared>>)
        tpu.yield
      }) : () -> ()
      %lt3A_368 = arith.constant 79 : i32
      %lt3A_369 = arith.cmpi slt, %add3A_358, %lt3A_368 : i32
      %convert_element_type3A_370 = arith.extui %lt3A_369 : i1 to i32
      %cond3A_371 = arith.constant 0 : i32
      %cond3A_372 = arith.cmpi ne, %convert_element_type3A_370, %cond3A_371 : i32
      scf.if %cond3A_372 {
        %get3A_374 = arith.index_cast %add3A_358 : i32 to index
        %get3A_375 = arith.constant 0 : index
        %get3A_376 = tpu.vector_load %arg5[%get3A_374, %get3A_375] {strides = array<i32>} : memref<79x128xi32, #tpu.memory_space<vmem>>, vector<1x16xi32>,
        %get3A_377 = vector.shape_cast %get3A_376 : vector<1x16xi32> to vector<16xi32>
        %and3A_378 = arith.constant 16383 : i32
        %and3A_379 = vector.broadcast %and3A_378 : i32 to vector<16xi32>
        %and3A_380 = arith.andi %get3A_377, %and3A_379 : vector<16xi32>
        %swap3A_381 = arith.constant 0 : index
        %swap3A_382 = tpu.vector_load %arg7[%swap3A_381] {strides = array<i32>} : memref<128xi32, #tpu.memory_space<vmem>>, vector<16xi32>,
        %swap3A_383 = vector.shape_cast %swap3A_382 : vector<16xi32> to vector<16xi32>
        %swap3A_384 = vector.shape_cast %and3A_380 : vector<16xi32> to vector<16xi32>
        tpu.vector_store %arg7[%swap3A_381], %swap3A_384 {strides = array<i32>} : memref<128xi32, #tpu.memory_space<vmem>>, vector<16xi32>,
        %shift_right_arithmetic3A_385 = arith.constant 14 : i32
        %shift_right_arithmetic3A_386 = vector.broadcast %shift_right_arithmetic3A_385 : i32 to vector<16xi32>
        %shift_right_arithmetic3A_387 = arith.shrsi %get3A_377, %shift_right_arithmetic3A_386 : vector<16xi32>
        %swap3A_388 = arith.constant 0 : index
        %swap3A_389 = tpu.vector_load %arg9[%swap3A_388] {strides = array<i32>} : memref<128xi32, #tpu.memory_space<vmem>>, vector<16xi32>,
        %swap3A_390 = vector.shape_cast %swap3A_389 : vector<16xi32> to vector<16xi32>
        %swap3A_391 = vector.shape_cast %shift_right_arithmetic3A_387 : vector<16xi32> to vector<16xi32>
        tpu.vector_store %arg9[%swap3A_388], %swap3A_391 {strides = array<i32>} : memref<128xi32, #tpu.memory_space<vmem>>, vector<16xi32>,
        %get3A_392 = arith.index_cast %add3A_358 : i32 to index
        %get3A_393 = arith.constant 16 : index
        %get3A_394 = tpu.vector_load %arg5[%get3A_392, %get3A_393] {strides = array<i32>} : memref<79x128xi32, #tpu.memory_space<vmem>>, vector<1x16xi32>,
        %get3A_395 = vector.shape_cast %get3A_394 : vector<1x16xi32> to vector<16xi32>
        %and3A_396 = arith.constant 16383 : i32
        %and3A_397 = vector.broadcast %and3A_396 : i32 to vector<16xi32>
        %and3A_398 = arith.andi %get3A_395, %and3A_397 : vector<16xi32>
        %swap3A_399 = arith.constant 16 : index
        %swap3A_400 = tpu.vector_load %arg7[%swap3A_399] {strides = array<i32>} : memref<128xi32, #tpu.memory_space<vmem>>, vector<16xi32>,
        %swap3A_401 = vector.shape_cast %swap3A_400 : vector<16xi32> to vector<16xi32>
        %swap3A_402 = vector.shape_cast %and3A_398 : vector<16xi32> to vector<16xi32>
        tpu.vector_store %arg7[%swap3A_399], %swap3A_402 {strides = array<i32>} : memref<128xi32, #tpu.memory_space<vmem>>, vector<16xi32>,
        %shift_right_arithmetic3A_403 = arith.constant 14 : i32
        %shift_right_arithmetic3A_404 = vector.broadcast %shift_right_arithmetic3A_403 : i32 to vector<16xi32>
        %shift_right_arithmetic3A_405 = arith.shrsi %get3A_395, %shift_right_arithmetic3A_404 : vector<16xi32>
        %swap3A_406 = arith.constant 16 : index
        %swap3A_407 = tpu.vector_load %arg9[%swap3A_406] {strides = array<i32>} : memref<128xi32, #tpu.memory_space<vmem>>, vector<16xi32>,
        %swap3A_408 = vector.shape_cast %swap3A_407 : vector<16xi32> to vector<16xi32>
        %swap3A_409 = vector.shape_cast %shift_right_arithmetic3A_405 : vector<16xi32> to vector<16xi32>
        tpu.vector_store %arg9[%swap3A_406], %swap3A_409 {strides = array<i32>} : memref<128xi32, #tpu.memory_space<vmem>>, vector<16xi32>,
        %get3A_410 = arith.index_cast %add3A_358 : i32 to index
        %get3A_411 = arith.constant 32 : index
        %get3A_412 = tpu.vector_load %arg5[%get3A_410, %get3A_411] {strides = array<i32>} : memref<79x128xi32, #tpu.memory_space<vmem>>, vector<1x16xi32>,
        %get3A_413 = vector.shape_cast %get3A_412 : vector<1x16xi32> to vector<16xi32>
        %and3A_414 = arith.constant 16383 : i32
        %and3A_415 = vector.broadcast %and3A_414 : i32 to vector<16xi32>
        %and3A_416 = arith.andi %get3A_413, %and3A_415 : vector<16xi32>
        %swap3A_417 = arith.constant 32 : index
        %swap3A_418 = tpu.vector_load %arg7[%swap3A_417] {strides = array<i32>} : memref<128xi32, #tpu.memory_space<vmem>>, vector<16xi32>,
        %swap3A_419 = vector.shape_cast %swap3A_418 : vector<16xi32> to vector<16xi32>
        %swap3A_420 = vector.shape_cast %and3A_416 : vector<16xi32> to vector<16xi32>
        tpu.vector_store %arg7[%swap3A_417], %swap3A_420 {strides = array<i32>} : memref<128xi32, #tpu.memory_space<vmem>>, vector<16xi32>,
        %shift_right_arithmetic3A_421 = arith.constant 14 : i32
        %shift_right_arithmetic3A_422 = vector.broadcast %shift_right_arithmetic3A_421 : i32 to vector<16xi32>
        %shift_right_arithmetic3A_423 = arith.shrsi %get3A_413, %shift_right_arithmetic3A_422 : vector<16xi32>
        %swap3A_424 = arith.constant 32 : index
        %swap3A_425 = tpu.vector_load %arg9[%swap3A_424] {strides = array<i32>} : memref<128xi32, #tpu.memory_space<vmem>>, vector<16xi32>,
        %swap3A_426 = vector.shape_cast %swap3A_425 : vector<16xi32> to vector<16xi32>
        %swap3A_427 = vector.shape_cast %shift_right_arithmetic3A_423 : vector<16xi32> to vector<16xi32>
        tpu.vector_store %arg9[%swap3A_424], %swap3A_427 {strides = array<i32>} : memref<128xi32, #tpu.memory_space<vmem>>, vector<16xi32>,
        %get3A_428 = arith.index_cast %add3A_358 : i32 to index
        %get3A_429 = arith.constant 48 : index
        %get3A_430 = tpu.vector_load %arg5[%get3A_428, %get3A_429] {strides = array<i32>} : memref<79x128xi32, #tpu.memory_space<vmem>>, vector<1x16xi32>,
        %get3A_431 = vector.shape_cast %get3A_430 : vector<1x16xi32> to vector<16xi32>
        %and3A_432 = arith.constant 16383 : i32
        %and3A_433 = vector.broadcast %and3A_432 : i32 to vector<16xi32>
        %and3A_434 = arith.andi %get3A_431, %and3A_433 : vector<16xi32>
        %swap3A_435 = arith.constant 48 : index
        %swap3A_436 = tpu.vector_load %arg7[%swap3A_435] {strides = array<i32>} : memref<128xi32, #tpu.memory_space<vmem>>, vector<16xi32>,
        %swap3A_437 = vector.shape_cast %swap3A_436 : vector<16xi32> to vector<16xi32>
        %swap3A_438 = vector.shape_cast %and3A_434 : vector<16xi32> to vector<16xi32>
        tpu.vector_store %arg7[%swap3A_435], %swap3A_438 {strides = array<i32>} : memref<128xi32, #tpu.memory_space<vmem>>, vector<16xi32>,
        %shift_right_arithmetic3A_439 = arith.constant 14 : i32
        %shift_right_arithmetic3A_440 = vector.broadcast %shift_right_arithmetic3A_439 : i32 to vector<16xi32>
        %shift_right_arithmetic3A_441 = arith.shrsi %get3A_431, %shift_right_arithmetic3A_440 : vector<16xi32>
        %swap3A_442 = arith.constant 48 : index
        %swap3A_443 = tpu.vector_load %arg9[%swap3A_442] {strides = array<i32>} : memref<128xi32, #tpu.memory_space<vmem>>, vector<16xi32>,
        %swap3A_444 = vector.shape_cast %swap3A_443 : vector<16xi32> to vector<16xi32>
        %swap3A_445 = vector.shape_cast %shift_right_arithmetic3A_441 : vector<16xi32> to vector<16xi32>
        tpu.vector_store %arg9[%swap3A_442], %swap3A_445 {strides = array<i32>} : memref<128xi32, #tpu.memory_space<vmem>>, vector<16xi32>,
        %get3A_446 = arith.index_cast %add3A_358 : i32 to index
        %get3A_447 = arith.constant 64 : index
        %get3A_448 = tpu.vector_load %arg5[%get3A_446, %get3A_447] {strides = array<i32>} : memref<79x128xi32, #tpu.memory_space<vmem>>, vector<1x16xi32>,
        %get3A_449 = vector.shape_cast %get3A_448 : vector<1x16xi32> to vector<16xi32>
        %and3A_450 = arith.constant 16383 : i32
        %and3A_451 = vector.broadcast %and3A_450 : i32 to vector<16xi32>
        %and3A_452 = arith.andi %get3A_449, %and3A_451 : vector<16xi32>
        %swap3A_453 = arith.constant 64 : index
        %swap3A_454 = tpu.vector_load %arg7[%swap3A_453] {strides = array<i32>} : memref<128xi32, #tpu.memory_space<vmem>>, vector<16xi32>,
        %swap3A_455 = vector.shape_cast %swap3A_454 : vector<16xi32> to vector<16xi32>
        %swap3A_456 = vector.shape_cast %and3A_452 : vector<16xi32> to vector<16xi32>
        tpu.vector_store %arg7[%swap3A_453], %swap3A_456 {strides = array<i32>} : memref<128xi32, #tpu.memory_space<vmem>>, vector<16xi32>,
        %shift_right_arithmetic3A_457 = arith.constant 14 : i32
        %shift_right_arithmetic3A_458 = vector.broadcast %shift_right_arithmetic3A_457 : i32 to vector<16xi32>
        %shift_right_arithmetic3A_459 = arith.shrsi %get3A_449, %shift_right_arithmetic3A_458 : vector<16xi32>
        %swap3A_460 = arith.constant 64 : index
        %swap3A_461 = tpu.vector_load %arg9[%swap3A_460] {strides = array<i32>} : memref<128xi32, #tpu.memory_space<vmem>>, vector<16xi32>,
        %swap3A_462 = vector.shape_cast %swap3A_461 : vector<16xi32> to vector<16xi32>
        %swap3A_463 = vector.shape_cast %shift_right_arithmetic3A_459 : vector<16xi32> to vector<16xi32>
        tpu.vector_store %arg9[%swap3A_460], %swap3A_463 {strides = array<i32>} : memref<128xi32, #tpu.memory_space<vmem>>, vector<16xi32>,
        %get3A_464 = arith.index_cast %add3A_358 : i32 to index
        %get3A_465 = arith.constant 80 : index
        %get3A_466 = tpu.vector_load %arg5[%get3A_464, %get3A_465] {strides = array<i32>} : memref<79x128xi32, #tpu.memory_space<vmem>>, vector<1x16xi32>,
        %get3A_467 = vector.shape_cast %get3A_466 : vector<1x16xi32> to vector<16xi32>
        %and3A_468 = arith.constant 16383 : i32
        %and3A_469 = vector.broadcast %and3A_468 : i32 to vector<16xi32>
        %and3A_470 = arith.andi %get3A_467, %and3A_469 : vector<16xi32>
        %swap3A_471 = arith.constant 80 : index
        %swap3A_472 = tpu.vector_load %arg7[%swap3A_471] {strides = array<i32>} : memref<128xi32, #tpu.memory_space<vmem>>, vector<16xi32>,
        %swap3A_473 = vector.shape_cast %swap3A_472 : vector<16xi32> to vector<16xi32>
        %swap3A_474 = vector.shape_cast %and3A_470 : vector<16xi32> to vector<16xi32>
        tpu.vector_store %arg7[%swap3A_471], %swap3A_474 {strides = array<i32>} : memref<128xi32, #tpu.memory_space<vmem>>, vector<16xi32>,
        %shift_right_arithmetic3A_475 = arith.constant 14 : i32
        %shift_right_arithmetic3A_476 = vector.broadcast %shift_right_arithmetic3A_475 : i32 to vector<16xi32>
        %shift_right_arithmetic3A_477 = arith.shrsi %get3A_467, %shift_right_arithmetic3A_476 : vector<16xi32>
        %swap3A_478 = arith.constant 80 : index
        %swap3A_479 = tpu.vector_load %arg9[%swap3A_478] {strides = array<i32>} : memref<128xi32, #tpu.memory_space<vmem>>, vector<16xi32>,
        %swap3A_480 = vector.shape_cast %swap3A_479 : vector<16xi32> to vector<16xi32>
        %swap3A_481 = vector.shape_cast %shift_right_arithmetic3A_477 : vector<16xi32> to vector<16xi32>
        tpu.vector_store %arg9[%swap3A_478], %swap3A_481 {strides = array<i32>} : memref<128xi32, #tpu.memory_space<vmem>>, vector<16xi32>,
        %get3A_482 = arith.index_cast %add3A_358 : i32 to index
        %get3A_483 = arith.constant 96 : index
        %get3A_484 = tpu.vector_load %arg5[%get3A_482, %get3A_483] {strides = array<i32>} : memref<79x128xi32, #tpu.memory_space<vmem>>, vector<1x16xi32>,
        %get3A_485 = vector.shape_cast %get3A_484 : vector<1x16xi32> to vector<16xi32>
        %and3A_486 = arith.constant 16383 : i32
        %and3A_487 = vector.broadcast %and3A_486 : i32 to vector<16xi32>
        %and3A_488 = arith.andi %get3A_485, %and3A_487 : vector<16xi32>
        %swap3A_489 = arith.constant 96 : index
        %swap3A_490 = tpu.vector_load %arg7[%swap3A_489] {strides = array<i32>} : memref<128xi32, #tpu.memory_space<vmem>>, vector<16xi32>,
        %swap3A_491 = vector.shape_cast %swap3A_490 : vector<16xi32> to vector<16xi32>
        %swap3A_492 = vector.shape_cast %and3A_488 : vector<16xi32> to vector<16xi32>
        tpu.vector_store %arg7[%swap3A_489], %swap3A_492 {strides = array<i32>} : memref<128xi32, #tpu.memory_space<vmem>>, vector<16xi32>,
        %shift_right_arithmetic3A_493 = arith.constant 14 : i32
        %shift_right_arithmetic3A_494 = vector.broadcast %shift_right_arithmetic3A_493 : i32 to vector<16xi32>
        %shift_right_arithmetic3A_495 = arith.shrsi %get3A_485, %shift_right_arithmetic3A_494 : vector<16xi32>
        %swap3A_496 = arith.constant 96 : index
        %swap3A_497 = tpu.vector_load %arg9[%swap3A_496] {strides = array<i32>} : memref<128xi32, #tpu.memory_space<vmem>>, vector<16xi32>,
        %swap3A_498 = vector.shape_cast %swap3A_497 : vector<16xi32> to vector<16xi32>
        %swap3A_499 = vector.shape_cast %shift_right_arithmetic3A_495 : vector<16xi32> to vector<16xi32>
        tpu.vector_store %arg9[%swap3A_496], %swap3A_499 {strides = array<i32>} : memref<128xi32, #tpu.memory_space<vmem>>, vector<16xi32>,
        %get3A_500 = arith.index_cast %add3A_358 : i32 to index
        %get3A_501 = arith.constant 112 : index
        %get3A_502 = tpu.vector_load %arg5[%get3A_500, %get3A_501] {strides = array<i32>} : memref<79x128xi32, #tpu.memory_space<vmem>>, vector<1x16xi32>,
        %get3A_503 = vector.shape_cast %get3A_502 : vector<1x16xi32> to vector<16xi32>
        %and3A_504 = arith.constant 16383 : i32
        %and3A_505 = vector.broadcast %and3A_504 : i32 to vector<16xi32>
        %and3A_506 = arith.andi %get3A_503, %and3A_505 : vector<16xi32>
        %swap3A_507 = arith.constant 112 : index
        %swap3A_508 = tpu.vector_load %arg7[%swap3A_507] {strides = array<i32>} : memref<128xi32, #tpu.memory_space<vmem>>, vector<16xi32>,
        %swap3A_509 = vector.shape_cast %swap3A_508 : vector<16xi32> to vector<16xi32>
        %swap3A_510 = vector.shape_cast %and3A_506 : vector<16xi32> to vector<16xi32>
        tpu.vector_store %arg7[%swap3A_507], %swap3A_510 {strides = array<i32>} : memref<128xi32, #tpu.memory_space<vmem>>, vector<16xi32>,
        %shift_right_arithmetic3A_511 = arith.constant 14 : i32
        %shift_right_arithmetic3A_512 = vector.broadcast %shift_right_arithmetic3A_511 : i32 to vector<16xi32>
        %shift_right_arithmetic3A_513 = arith.shrsi %get3A_503, %shift_right_arithmetic3A_512 : vector<16xi32>
        %swap3A_514 = arith.constant 112 : index
        %swap3A_515 = tpu.vector_load %arg9[%swap3A_514] {strides = array<i32>} : memref<128xi32, #tpu.memory_space<vmem>>, vector<16xi32>,
        %swap3A_516 = vector.shape_cast %swap3A_515 : vector<16xi32> to vector<16xi32>
        %swap3A_517 = vector.shape_cast %shift_right_arithmetic3A_513 : vector<16xi32> to vector<16xi32>
        tpu.vector_store %arg9[%swap3A_514], %swap3A_517 {strides = array<i32>} : memref<128xi32, #tpu.memory_space<vmem>>, vector<16xi32>,
        %dma_start3A_518 = arith.constant 0 : i32
        %dma_start3A_519 = arith.constant 0 : i32
        %dma_start3A_520 = tpu.memref_slice %arg2[%dma_start3A_518, %dma_start3A_519] : memref<10000x128xf32, #tpu.memory_space<hbm>> -> memref<10000x128xf32, #tpu.memory_space<hbm>>
        tpu.enqueue_indirect_dma source(%dma_start3A_520 : memref<10000x128xf32, #tpu.memory_space<hbm>>) target(%arg11 : memref<128x128xf32, #tpu.memory_space<vmem>>) offsets(%arg7 : memref<128xi32, #tpu.memory_space<vmem>>) semaphore(%arg14 : memref<!tpu.dma_semaphore, #tpu.memory_space<semaphore_mem>>)
      } else {
      }
      %scan3A_373 = arith.constant 0 : i32
      scf.yield %scan3A_373 : i32
    }
    %scan3A_333 = arith.constant 39 : i32
    %dma_wait3A = arith.constant 0 : i32
    %dma_wait3A_334 = arith.constant 0 : i32
    %dma_wait3A_335 = tpu.memref_slice %arg2[%dma_wait3A, %dma_wait3A_334] : memref<10000x128xf32, #tpu.memory_space<hbm>> -> memref<10000x128xf32, #tpu.memory_space<hbm>>
    tpu.wait_indirect_dma semaphore(%arg13 : memref<!tpu.dma_semaphore, #tpu.memory_space<semaphore_mem>>) src(%dma_wait3A_335 : memref<10000x128xf32, #tpu.memory_space<hbm>>) dst(%arg10 : memref<128x128xf32, #tpu.memory_space<vmem>>)
    "tpu.region"() ({
      %run_scoped3A = tpu.sem_alloc : memref<!tpu.dma_semaphore, #tpu.memory_space<semaphore_mem>>
      %dma_start3A_349 = arith.constant 0 : i32
      %dma_start3A_350 = arith.constant 0 : i32
      %dma_start3A_351 = tpu.memref_slice %arg12[%dma_start3A_349, %dma_start3A_350] : memref<10008x128xf32, #tpu.memory_space<vmem_shared>> -> memref<10008x128xf32, #tpu.memory_space<vmem_shared>>
      tpu.enqueue_indirect_dma source(%arg10 : memref<128x128xf32, #tpu.memory_space<vmem>>) target(%dma_start3A_351 : memref<10008x128xf32, #tpu.memory_space<vmem_shared>>) offsets(%arg8 : memref<128xi32, #tpu.memory_space<vmem>>) semaphore(%run_scoped3A : memref<!tpu.dma_semaphore, #tpu.memory_space<semaphore_mem>>) {add = true}
      %dma_wait3A_352 = arith.constant 0 : i32
      %dma_wait3A_353 = arith.constant 0 : i32
      %dma_wait3A_354 = tpu.memref_slice %arg12[%dma_wait3A_352, %dma_wait3A_353] : memref<10008x128xf32, #tpu.memory_space<vmem_shared>> -> memref<10008x128xf32, #tpu.memory_space<vmem_shared>>
      tpu.wait_indirect_dma semaphore(%run_scoped3A : memref<!tpu.dma_semaphore, #tpu.memory_space<semaphore_mem>>) src(%arg10 : memref<128x128xf32, #tpu.memory_space<vmem>>) dst(%dma_wait3A_354 : memref<10008x128xf32, #tpu.memory_space<vmem_shared>>)
      tpu.yield
    }) : () -> ()
    %barrier3A_336 = arith.constant 0 : index
    tpu.barrier barrier_id(%barrier3A_336)
    %while3A_337 = arith.constant 0 : i32
    %while3A_338 = arith.constant 0 : i32
    %while3A_339 = arith.subi %select_n3A, %while3A_337 : i32
    %while3A_340 = arith.addi %while3A_337, %while3A_339 : i32
    %while3A_341 = arith.constant 1 : i32
    %while3A_342 = arith.divsi %while3A_339, %while3A_341 : i32
    %while3A_343 = arith.muli %while3A_342, %while3A_341 : i32
    %while3A_344 = arith.addi %while3A_337, %while3A_343 : i32
    %while3A_345 = arith.constant 1 : i32
    %while3A_346 = scf.for %while3A_349 = %while3A_337 to %while3A_344 step %while3A_345 iter_args(%while3A_350 = %while3A_338) -> (i32)  : i32 {
      %mul3A_351 = arith.constant 80 : i32
      %mul3A_352 = arith.muli %while3A_349, %mul3A_351 : i32
      %add3A_353 = arith.addi %mul3A_2, %mul3A_352 : i32
      %multiple_of3A = tpu.assume_multiple %add3A_353, 8 : i32
      "tpu.region"() ({
        %run_scoped3A = tpu.sem_alloc : memref<!tpu.dma_semaphore, #tpu.memory_space<semaphore_mem>>
        %dma_start3A_355 = arith.constant 0 : i32
        %dma_start3A_356 = arith.constant 0 : i32
        %dma_start3A_357 = tpu.memref_slice %arg10[%dma_start3A_355, %dma_start3A_356] : memref<128x128xf32, #tpu.memory_space<vmem>> -> memref<80x128xf32, #tpu.memory_space<vmem>>
        %dma_start3A_358 = arith.constant 0 : i32
        %dma_start3A_359 = tpu.memref_slice %arg12[%multiple_of3A, %dma_start3A_358] : memref<10008x128xf32, #tpu.memory_space<vmem_shared>> -> memref<80x128xf32, #tpu.memory_space<vmem_shared>>
        %dma_start3A_360 = arith.constant 0 : i32
        %dma_start3A_361 = arith.constant 0 : i32
        %dma_start3A_362 = tpu.memref_slice %arg10[%dma_start3A_360, %dma_start3A_361] : memref<128x128xf32, #tpu.memory_space<vmem>> -> memref<80x128xf32, #tpu.memory_space<vmem>>
        %dma_start3A_363 = arith.constant 0 : i32
        %dma_start3A_364 = tpu.memref_slice %arg12[%multiple_of3A, %dma_start3A_363] : memref<10008x128xf32, #tpu.memory_space<vmem_shared>> -> memref<80x128xf32, #tpu.memory_space<vmem_shared>>
        tpu.enqueue_dma source(%dma_start3A_364 : memref<80x128xf32, #tpu.memory_space<vmem_shared>>) target(%dma_start3A_362 : memref<80x128xf32, #tpu.memory_space<vmem>>) target_semaphore(%run_scoped3A : memref<!tpu.dma_semaphore, #tpu.memory_space<semaphore_mem>>)
        %dma_wait3A_365 = arith.constant 0 : i32
        %dma_wait3A_366 = arith.constant 0 : i32
        %dma_wait3A_367 = tpu.memref_slice %arg10[%dma_wait3A_365, %dma_wait3A_366] : memref<128x128xf32, #tpu.memory_space<vmem>> -> memref<80x128xf32, #tpu.memory_space<vmem>>
        %dma_wait3A_368 = arith.constant 0 : i32
        %dma_wait3A_369 = tpu.memref_slice %arg12[%multiple_of3A, %dma_wait3A_368] : memref<10008x128xf32, #tpu.memory_space<vmem_shared>> -> memref<80x128xf32, #tpu.memory_space<vmem_shared>>
        %dma_wait3A_370 = arith.constant 0 : i32
        %dma_wait3A_371 = arith.constant 0 : i32
        %dma_wait3A_372 = tpu.memref_slice %arg10[%dma_wait3A_370, %dma_wait3A_371] : memref<128x128xf32, #tpu.memory_space<vmem>> -> memref<80x128xf32, #tpu.memory_space<vmem>>
        %dma_wait3A_373 = arith.constant 0 : i32
        %dma_wait3A_374 = tpu.memref_slice %arg12[%multiple_of3A, %dma_wait3A_373] : memref<10008x128xf32, #tpu.memory_space<vmem_shared>> -> memref<80x128xf32, #tpu.memory_space<vmem_shared>>
        tpu.wait_dma2 semaphore(%run_scoped3A : memref<!tpu.dma_semaphore, #tpu.memory_space<semaphore_mem>>) src(%dma_wait3A_374 : memref<80x128xf32, #tpu.memory_space<vmem_shared>>) dst(%dma_wait3A_372 : memref<80x128xf32, #tpu.memory_space<vmem>>)
        tpu.yield
      }) : () -> ()
      "tpu.region"() ({
        %run_scoped3A = tpu.sem_alloc : memref<!tpu.dma_semaphore, #tpu.memory_space<semaphore_mem>>
        %dma_start3A_355 = arith.constant 0 : i32
        %dma_start3A_356 = arith.constant 0 : i32
        %dma_start3A_357 = tpu.memref_slice %arg10[%dma_start3A_355, %dma_start3A_356] : memref<128x128xf32, #tpu.memory_space<vmem>> -> memref<80x128xf32, #tpu.memory_space<vmem>>
        %dma_start3A_358 = arith.constant 0 : i32
        %dma_start3A_359 = tpu.memref_slice %arg4[%arg0, %multiple_of3A, %dma_start3A_358] : memref<2x10000x128xf32, #tpu.memory_space<hbm>> -> memref<1x80x128xf32, #tpu.memory_space<hbm>>
        %dma_start3A_360 = tpu.memref_squeeze %dma_start3A_359 : memref<1x80x128xf32, #tpu.memory_space<hbm>> -> memref<80x128xf32, #tpu.memory_space<hbm>>
        %dma_start3A_361 = arith.constant 0 : i32
        %dma_start3A_362 = tpu.memref_slice %arg4[%arg0, %multiple_of3A, %dma_start3A_361] : memref<2x10000x128xf32, #tpu.memory_space<hbm>> -> memref<1x80x128xf32, #tpu.memory_space<hbm>>
        %dma_start3A_363 = tpu.memref_squeeze %dma_start3A_362 : memref<1x80x128xf32, #tpu.memory_space<hbm>> -> memref<80x128xf32, #tpu.memory_space<hbm>>
        %dma_start3A_364 = arith.constant 0 : i32
        %dma_start3A_365 = arith.constant 0 : i32
        %dma_start3A_366 = tpu.memref_slice %arg10[%dma_start3A_364, %dma_start3A_365] : memref<128x128xf32, #tpu.memory_space<vmem>> -> memref<80x128xf32, #tpu.memory_space<vmem>>
        tpu.enqueue_dma source(%dma_start3A_366 : memref<80x128xf32, #tpu.memory_space<vmem>>) target(%dma_start3A_363 : memref<80x128xf32, #tpu.memory_space<hbm>>) target_semaphore(%run_scoped3A : memref<!tpu.dma_semaphore, #tpu.memory_space<semaphore_mem>>)
        %dma_wait3A_367 = arith.constant 0 : i32
        %dma_wait3A_368 = arith.constant 0 : i32
        %dma_wait3A_369 = tpu.memref_slice %arg10[%dma_wait3A_367, %dma_wait3A_368] : memref<128x128xf32, #tpu.memory_space<vmem>> -> memref<80x128xf32, #tpu.memory_space<vmem>>
        %dma_wait3A_370 = arith.constant 0 : i32
        %dma_wait3A_371 = tpu.memref_slice %arg4[%arg0, %multiple_of3A, %dma_wait3A_370] : memref<2x10000x128xf32, #tpu.memory_space<hbm>> -> memref<1x80x128xf32, #tpu.memory_space<hbm>>
        %dma_wait3A_372 = tpu.memref_squeeze %dma_wait3A_371 : memref<1x80x128xf32, #tpu.memory_space<hbm>> -> memref<80x128xf32, #tpu.memory_space<hbm>>
        %dma_wait3A_373 = arith.constant 0 : i32
        %dma_wait3A_374 = tpu.memref_slice %arg4[%arg0, %multiple_of3A, %dma_wait3A_373] : memref<2x10000x128xf32, #tpu.memory_space<hbm>> -> memref<1x80x128xf32, #tpu.memory_space<hbm>>
        %dma_wait3A_375 = tpu.memref_squeeze %dma_wait3A_374 : memref<1x80x128xf32, #tpu.memory_space<hbm>> -> memref<80x128xf32, #tpu.memory_space<hbm>>
        %dma_wait3A_376 = arith.constant 0 : i32
        %dma_wait3A_377 = arith.constant 0 : i32
        %dma_wait3A_378 = tpu.memref_slice %arg10[%dma_wait3A_376, %dma_wait3A_377] : memref<128x128xf32, #tpu.memory_space<vmem>> -> memref<80x128xf32, #tpu.memory_space<vmem>>
        tpu.wait_dma2 semaphore(%run_scoped3A : memref<!tpu.dma_semaphore, #tpu.memory_space<semaphore_mem>>) src(%dma_wait3A_378 : memref<80x128xf32, #tpu.memory_space<vmem>>) dst(%dma_wait3A_375 : memref<80x128xf32, #tpu.memory_space<hbm>>)
        tpu.yield
      }) : () -> ()
      %while3A_354 = arith.constant 0 : i32
      scf.yield %while3A_354 : i32
    }
    %while3A_347 = arith.constant 1 : i32
    %while3A_348 = scf.for %while3A_349 = %while3A_344 to %while3A_340 step %while3A_347 iter_args(%while3A_350 = %while3A_346) -> (i32)  : i32 {
      %mul3A_351 = arith.constant 80 : i32
      %mul3A_352 = arith.muli %while3A_349, %mul3A_351 : i32
      %add3A_353 = arith.addi %mul3A_2, %mul3A_352 : i32
      %multiple_of3A = tpu.assume_multiple %add3A_353, 8 : i32
      "tpu.region"() ({
        %run_scoped3A = tpu.sem_alloc : memref<!tpu.dma_semaphore, #tpu.memory_space<semaphore_mem>>
        %dma_start3A_355 = arith.constant 0 : i32
        %dma_start3A_356 = arith.constant 0 : i32
        %dma_start3A_357 = tpu.memref_slice %arg10[%dma_start3A_355, %dma_start3A_356] : memref<128x128xf32, #tpu.memory_space<vmem>> -> memref<80x128xf32, #tpu.memory_space<vmem>>
        %dma_start3A_358 = arith.constant 0 : i32
        %dma_start3A_359 = tpu.memref_slice %arg12[%multiple_of3A, %dma_start3A_358] : memref<10008x128xf32, #tpu.memory_space<vmem_shared>> -> memref<80x128xf32, #tpu.memory_space<vmem_shared>>
        %dma_start3A_360 = arith.constant 0 : i32
        %dma_start3A_361 = arith.constant 0 : i32
        %dma_start3A_362 = tpu.memref_slice %arg10[%dma_start3A_360, %dma_start3A_361] : memref<128x128xf32, #tpu.memory_space<vmem>> -> memref<80x128xf32, #tpu.memory_space<vmem>>
        %dma_start3A_363 = arith.constant 0 : i32
        %dma_start3A_364 = tpu.memref_slice %arg12[%multiple_of3A, %dma_start3A_363] : memref<10008x128xf32, #tpu.memory_space<vmem_shared>> -> memref<80x128xf32, #tpu.memory_space<vmem_shared>>
        tpu.enqueue_dma source(%dma_start3A_364 : memref<80x128xf32, #tpu.memory_space<vmem_shared>>) target(%dma_start3A_362 : memref<80x128xf32, #tpu.memory_space<vmem>>) target_semaphore(%run_scoped3A : memref<!tpu.dma_semaphore, #tpu.memory_space<semaphore_mem>>)
        %dma_wait3A_365 = arith.constant 0 : i32
        %dma_wait3A_366 = arith.constant 0 : i32
        %dma_wait3A_367 = tpu.memref_slice %arg10[%dma_wait3A_365, %dma_wait3A_366] : memref<128x128xf32, #tpu.memory_space<vmem>> -> memref<80x128xf32, #tpu.memory_space<vmem>>
        %dma_wait3A_368 = arith.constant 0 : i32
        %dma_wait3A_369 = tpu.memref_slice %arg12[%multiple_of3A, %dma_wait3A_368] : memref<10008x128xf32, #tpu.memory_space<vmem_shared>> -> memref<80x128xf32, #tpu.memory_space<vmem_shared>>
        %dma_wait3A_370 = arith.constant 0 : i32
        %dma_wait3A_371 = arith.constant 0 : i32
        %dma_wait3A_372 = tpu.memref_slice %arg10[%dma_wait3A_370, %dma_wait3A_371] : memref<128x128xf32, #tpu.memory_space<vmem>> -> memref<80x128xf32, #tpu.memory_space<vmem>>
        %dma_wait3A_373 = arith.constant 0 : i32
        %dma_wait3A_374 = tpu.memref_slice %arg12[%multiple_of3A, %dma_wait3A_373] : memref<10008x128xf32, #tpu.memory_space<vmem_shared>> -> memref<80x128xf32, #tpu.memory_space<vmem_shared>>
        tpu.wait_dma2 semaphore(%run_scoped3A : memref<!tpu.dma_semaphore, #tpu.memory_space<semaphore_mem>>) src(%dma_wait3A_374 : memref<80x128xf32, #tpu.memory_space<vmem_shared>>) dst(%dma_wait3A_372 : memref<80x128xf32, #tpu.memory_space<vmem>>)
        tpu.yield
      }) : () -> ()
      "tpu.region"() ({
        %run_scoped3A = tpu.sem_alloc : memref<!tpu.dma_semaphore, #tpu.memory_space<semaphore_mem>>
        %dma_start3A_355 = arith.constant 0 : i32
        %dma_start3A_356 = arith.constant 0 : i32
        %dma_start3A_357 = tpu.memref_slice %arg10[%dma_start3A_355, %dma_start3A_356] : memref<128x128xf32, #tpu.memory_space<vmem>> -> memref<80x128xf32, #tpu.memory_space<vmem>>
        %dma_start3A_358 = arith.constant 0 : i32
        %dma_start3A_359 = tpu.memref_slice %arg4[%arg0, %multiple_of3A, %dma_start3A_358] : memref<2x10000x128xf32, #tpu.memory_space<hbm>> -> memref<1x80x128xf32, #tpu.memory_space<hbm>>
        %dma_start3A_360 = tpu.memref_squeeze %dma_start3A_359 : memref<1x80x128xf32, #tpu.memory_space<hbm>> -> memref<80x128xf32, #tpu.memory_space<hbm>>
        %dma_start3A_361 = arith.constant 0 : i32
        %dma_start3A_362 = tpu.memref_slice %arg4[%arg0, %multiple_of3A, %dma_start3A_361] : memref<2x10000x128xf32, #tpu.memory_space<hbm>> -> memref<1x80x128xf32, #tpu.memory_space<hbm>>
        %dma_start3A_363 = tpu.memref_squeeze %dma_start3A_362 : memref<1x80x128xf32, #tpu.memory_space<hbm>> -> memref<80x128xf32, #tpu.memory_space<hbm>>
        %dma_start3A_364 = arith.constant 0 : i32
        %dma_start3A_365 = arith.constant 0 : i32
        %dma_start3A_366 = tpu.memref_slice %arg10[%dma_start3A_364, %dma_start3A_365] : memref<128x128xf32, #tpu.memory_space<vmem>> -> memref<80x128xf32, #tpu.memory_space<vmem>>
        tpu.enqueue_dma source(%dma_start3A_366 : memref<80x128xf32, #tpu.memory_space<vmem>>) target(%dma_start3A_363 : memref<80x128xf32, #tpu.memory_space<hbm>>) target_semaphore(%run_scoped3A : memref<!tpu.dma_semaphore, #tpu.memory_space<semaphore_mem>>)
        %dma_wait3A_367 = arith.constant 0 : i32
        %dma_wait3A_368 = arith.constant 0 : i32
        %dma_wait3A_369 = tpu.memref_slice %arg10[%dma_wait3A_367, %dma_wait3A_368] : memref<128x128xf32, #tpu.memory_space<vmem>> -> memref<80x128xf32, #tpu.memory_space<vmem>>
        %dma_wait3A_370 = arith.constant 0 : i32
        %dma_wait3A_371 = tpu.memref_slice %arg4[%arg0, %multiple_of3A, %dma_wait3A_370] : memref<2x10000x128xf32, #tpu.memory_space<hbm>> -> memref<1x80x128xf32, #tpu.memory_space<hbm>>
        %dma_wait3A_372 = tpu.memref_squeeze %dma_wait3A_371 : memref<1x80x128xf32, #tpu.memory_space<hbm>> -> memref<80x128xf32, #tpu.memory_space<hbm>>
        %dma_wait3A_373 = arith.constant 0 : i32
        %dma_wait3A_374 = tpu.memref_slice %arg4[%arg0, %multiple_of3A, %dma_wait3A_373] : memref<2x10000x128xf32, #tpu.memory_space<hbm>> -> memref<1x80x128xf32, #tpu.memory_space<hbm>>
        %dma_wait3A_375 = tpu.memref_squeeze %dma_wait3A_374 : memref<1x80x128xf32, #tpu.memory_space<hbm>> -> memref<80x128xf32, #tpu.memory_space<hbm>>
        %dma_wait3A_376 = arith.constant 0 : i32
        %dma_wait3A_377 = arith.constant 0 : i32
        %dma_wait3A_378 = tpu.memref_slice %arg10[%dma_wait3A_376, %dma_wait3A_377] : memref<128x128xf32, #tpu.memory_space<vmem>> -> memref<80x128xf32, #tpu.memory_space<vmem>>
        tpu.wait_dma2 semaphore(%run_scoped3A : memref<!tpu.dma_semaphore, #tpu.memory_space<semaphore_mem>>) src(%dma_wait3A_378 : memref<80x128xf32, #tpu.memory_space<vmem>>) dst(%dma_wait3A_375 : memref<80x128xf32, #tpu.memory_space<hbm>>)
        tpu.yield
      }) : () -> ()
      %while3A_354 = arith.constant 0 : i32
      scf.yield %while3A_354 : i32
    }
    return
  }
}

#map = affine_map<(d0, d1) -> (0, 0)>
#map1 = affine_map<(d0, d1) -> (0, 0, 0)>
module attributes {stable_mosaic.version = 14 : i64} {
  func.func @_agg_kernel(%arg0: i32, %arg1: i32, %arg2: memref<10000x128xf32, #tpu.memory_space<hbm>>, %arg3: memref<32x79x128xi32, #tpu.memory_space<hbm>>, %arg4: memref<2x10000x128xf32, #tpu.memory_space<hbm>>, %arg5: memref<79x128xi32, #tpu.memory_space<vmem>>, %arg6: memref<128xi32, #tpu.memory_space<vmem>>, %arg7: memref<128xi32, #tpu.memory_space<vmem>>, %arg8: memref<128xi32, #tpu.memory_space<vmem>>, %arg9: memref<128xi32, #tpu.memory_space<vmem>>, %arg10: memref<128x128xf32, #tpu.memory_space<vmem>>, %arg11: memref<128x128xf32, #tpu.memory_space<vmem>>, %arg12: memref<10008x128xf32, #tpu.memory_space<vmem_shared>>, %arg13: memref<!tpu.dma_semaphore, #tpu.memory_space<semaphore_mem>>, %arg14: memref<!tpu.dma_semaphore, #tpu.memory_space<semaphore_mem>>) attributes {dimension_semantics = [#tpu.dimension_semantics<core_parallel>, #tpu.dimension_semantics<subcore_parallel>], iteration_bounds = array<i64: 2, 16>, scalar_prefetch = 0 : i64, scratch_operands = 10 : i64, tpu.core_type = #tpu.core_type<sc_vector_subcore>, window_params = [{transform_indices = #map}, {transform_indices = #map1}, {transform_indices = #map1}]} {
    %mul3A = arith.constant 16 : i32
    %mul3A_0 = arith.muli %arg0, %mul3A : i32
    %add3A = arith.addi %mul3A_0, %arg1 : i32
    %mul3A_1 = arith.constant 640 : i32
    %mul3A_2 = arith.muli %arg1, %mul3A_1 : i32
    %lt3A = arith.constant 15 : i32
    %lt3A_3 = arith.cmpi slt, %arg1, %lt3A : i32
    %jit3A = arith.constant 8 : i32
    %jit3A_4 = arith.constant 5 : i32
    %select_n3A = arith.select %lt3A_3, %jit3A, %jit3A_4 : i32
    "tpu.region"() ({
      %run_scoped3A = tpu.sem_alloc : memref<!tpu.dma_semaphore, #tpu.memory_space<semaphore_mem>>
      %dma_start3A_349 = arith.constant 0 : i32
      %dma_start3A_350 = arith.constant 0 : i32
      %dma_start3A_351 = tpu.memref_slice %arg3[%add3A, %dma_start3A_349, %dma_start3A_350] : memref<32x79x128xi32, #tpu.memory_space<hbm>> -> memref<1x79x128xi32, #tpu.memory_space<hbm>>
      %dma_start3A_352 = tpu.memref_squeeze %dma_start3A_351 : memref<1x79x128xi32, #tpu.memory_space<hbm>> -> memref<79x128xi32, #tpu.memory_space<hbm>>
      %dma_start3A_353 = arith.constant 0 : i32
      %dma_start3A_354 = arith.constant 0 : i32
      %dma_start3A_355 = tpu.memref_slice %arg3[%add3A, %dma_start3A_353, %dma_start3A_354] : memref<32x79x128xi32, #tpu.memory_space<hbm>> -> memref<1x79x128xi32, #tpu.memory_space<hbm>>
      %dma_start3A_356 = tpu.memref_squeeze %dma_start3A_355 : memref<1x79x128xi32, #tpu.memory_space<hbm>> -> memref<79x128xi32, #tpu.memory_space<hbm>>
      tpu.enqueue_dma source(%dma_start3A_356 : memref<79x128xi32, #tpu.memory_space<hbm>>) target(%arg5 : memref<79x128xi32, #tpu.memory_space<vmem>>) target_semaphore(%run_scoped3A : memref<!tpu.dma_semaphore, #tpu.memory_space<semaphore_mem>>)
      %dma_wait3A_357 = arith.constant 0 : i32
      %dma_wait3A_358 = arith.constant 0 : i32
      %dma_wait3A_359 = tpu.memref_slice %arg3[%add3A, %dma_wait3A_357, %dma_wait3A_358] : memref<32x79x128xi32, #tpu.memory_space<hbm>> -> memref<1x79x128xi32, #tpu.memory_space<hbm>>
      %dma_wait3A_360 = tpu.memref_squeeze %dma_wait3A_359 : memref<1x79x128xi32, #tpu.memory_space<hbm>> -> memref<79x128xi32, #tpu.memory_space<hbm>>
      %dma_wait3A_361 = arith.constant 0 : i32
      %dma_wait3A_362 = arith.constant 0 : i32
      %dma_wait3A_363 = tpu.memref_slice %arg3[%add3A, %dma_wait3A_361, %dma_wait3A_362] : memref<32x79x128xi32, #tpu.memory_space<hbm>> -> memref<1x79x128xi32, #tpu.memory_space<hbm>>
      %dma_wait3A_364 = tpu.memref_squeeze %dma_wait3A_363 : memref<1x79x128xi32, #tpu.memory_space<hbm>> -> memref<79x128xi32, #tpu.memory_space<hbm>>
      tpu.wait_dma2 semaphore(%run_scoped3A : memref<!tpu.dma_semaphore, #tpu.memory_space<semaphore_mem>>) src(%dma_wait3A_364 : memref<79x128xi32, #tpu.memory_space<hbm>>) dst(%arg5 : memref<79x128xi32, #tpu.memory_space<vmem>>)
      tpu.yield
    }) : () -> ()
    %scan3A = arith.constant 0 : i32
    %scan3A_5 = arith.constant 0 : i32
    %scan3A_6 = arith.constant 80 : i32
    %scan3A_7 = arith.addi %scan3A_5, %scan3A_6 : i32
    %scan3A_8 = arith.constant 1 : i32
    %scan3A_9 = scf.for %scan3A_349 = %scan3A_5 to %scan3A_7 step %scan3A_8 iter_args(%scan3A_350 = %scan3A) -> (i32)  : i32 {
      %broadcast_in_dim3A = arith.constant 0.000000e+00 : f32
      %broadcast_in_dim3A_351 = vector.broadcast %broadcast_in_dim3A : f32 to vector<16xf32>
      %swap3A_352 = arith.index_cast %scan3A_349 : i32 to index
      %swap3A_353 = arith.constant 0 : index
      %swap3A_354 = tpu.vector_load %arg10[%swap3A_352, %swap3A_353] {strides = array<i32>} : memref<128x128xf32, #tpu.memory_space<vmem>>, vector<1x16xf32>,
      %swap3A_355 = vector.shape_cast %swap3A_354 : vector<1x16xf32> to vector<16xf32>
      %swap3A_356 = vector.shape_cast %broadcast_in_dim3A_351 : vector<16xf32> to vector<1x16xf32>
      tpu.vector_store %arg10[%swap3A_352, %swap3A_353], %swap3A_356 {strides = array<i32>} : memref<128x128xf32, #tpu.memory_space<vmem>>, vector<1x16xf32>,
      %broadcast_in_dim3A_357 = arith.constant 0.000000e+00 : f32
      %broadcast_in_dim3A_358 = vector.broadcast %broadcast_in_dim3A_357 : f32 to vector<16xf32>
      %swap3A_359 = arith.index_cast %scan3A_349 : i32 to index
      %swap3A_360 = arith.constant 16 : index
      %swap3A_361 = tpu.vector_load %arg10[%swap3A_359, %swap3A_360] {strides = array<i32>} : memref<128x128xf32, #tpu.memory_space<vmem>>, vector<1x16xf32>,
      %swap3A_362 = vector.shape_cast %swap3A_361 : vector<1x16xf32> to vector<16xf32>
      %swap3A_363 = vector.shape_cast %broadcast_in_dim3A_358 : vector<16xf32> to vector<1x16xf32>
      tpu.vector_store %arg10[%swap3A_359, %swap3A_360], %swap3A_363 {strides = array<i32>} : memref<128x128xf32, #tpu.memory_space<vmem>>, vector<1x16xf32>,
      %broadcast_in_dim3A_364 = arith.constant 0.000000e+00 : f32
      %broadcast_in_dim3A_365 = vector.broadcast %broadcast_in_dim3A_364 : f32 to vector<16xf32>
      %swap3A_366 = arith.index_cast %scan3A_349 : i32 to index
      %swap3A_367 = arith.constant 32 : index
      %swap3A_368 = tpu.vector_load %arg10[%swap3A_366, %swap3A_367] {strides = array<i32>} : memref<128x128xf32, #tpu.memory_space<vmem>>, vector<1x16xf32>,
      %swap3A_369 = vector.shape_cast %swap3A_368 : vector<1x16xf32> to vector<16xf32>
      %swap3A_370 = vector.shape_cast %broadcast_in_dim3A_365 : vector<16xf32> to vector<1x16xf32>
      tpu.vector_store %arg10[%swap3A_366, %swap3A_367], %swap3A_370 {strides = array<i32>} : memref<128x128xf32, #tpu.memory_space<vmem>>, vector<1x16xf32>,
      %broadcast_in_dim3A_371 = arith.constant 0.000000e+00 : f32
      %broadcast_in_dim3A_372 = vector.broadcast %broadcast_in_dim3A_371 : f32 to vector<16xf32>
      %swap3A_373 = arith.index_cast %scan3A_349 : i32 to index
      %swap3A_374 = arith.constant 48 : index
      %swap3A_375 = tpu.vector_load %arg10[%swap3A_373, %swap3A_374] {strides = array<i32>} : memref<128x128xf32, #tpu.memory_space<vmem>>, vector<1x16xf32>,
      %swap3A_376 = vector.shape_cast %swap3A_375 : vector<1x16xf32> to vector<16xf32>
      %swap3A_377 = vector.shape_cast %broadcast_in_dim3A_372 : vector<16xf32> to vector<1x16xf32>
      tpu.vector_store %arg10[%swap3A_373, %swap3A_374], %swap3A_377 {strides = array<i32>} : memref<128x128xf32, #tpu.memory_space<vmem>>, vector<1x16xf32>,
      %broadcast_in_dim3A_378 = arith.constant 0.000000e+00 : f32
      %broadcast_in_dim3A_379 = vector.broadcast %broadcast_in_dim3A_378 : f32 to vector<16xf32>
      %swap3A_380 = arith.index_cast %scan3A_349 : i32 to index
      %swap3A_381 = arith.constant 64 : index
      %swap3A_382 = tpu.vector_load %arg10[%swap3A_380, %swap3A_381] {strides = array<i32>} : memref<128x128xf32, #tpu.memory_space<vmem>>, vector<1x16xf32>,
      %swap3A_383 = vector.shape_cast %swap3A_382 : vector<1x16xf32> to vector<16xf32>
      %swap3A_384 = vector.shape_cast %broadcast_in_dim3A_379 : vector<16xf32> to vector<1x16xf32>
      tpu.vector_store %arg10[%swap3A_380, %swap3A_381], %swap3A_384 {strides = array<i32>} : memref<128x128xf32, #tpu.memory_space<vmem>>, vector<1x16xf32>,
      %broadcast_in_dim3A_385 = arith.constant 0.000000e+00 : f32
      %broadcast_in_dim3A_386 = vector.broadcast %broadcast_in_dim3A_385 : f32 to vector<16xf32>
      %swap3A_387 = arith.index_cast %scan3A_349 : i32 to index
      %swap3A_388 = arith.constant 80 : index
      %swap3A_389 = tpu.vector_load %arg10[%swap3A_387, %swap3A_388] {strides = array<i32>} : memref<128x128xf32, #tpu.memory_space<vmem>>, vector<1x16xf32>,
      %swap3A_390 = vector.shape_cast %swap3A_389 : vector<1x16xf32> to vector<16xf32>
      %swap3A_391 = vector.shape_cast %broadcast_in_dim3A_386 : vector<16xf32> to vector<1x16xf32>
      tpu.vector_store %arg10[%swap3A_387, %swap3A_388], %swap3A_391 {strides = array<i32>} : memref<128x128xf32, #tpu.memory_space<vmem>>, vector<1x16xf32>,
      %broadcast_in_dim3A_392 = arith.constant 0.000000e+00 : f32
      %broadcast_in_dim3A_393 = vector.broadcast %broadcast_in_dim3A_392 : f32 to vector<16xf32>
      %swap3A_394 = arith.index_cast %scan3A_349 : i32 to index
      %swap3A_395 = arith.constant 96 : index
      %swap3A_396 = tpu.vector_load %arg10[%swap3A_394, %swap3A_395] {strides = array<i32>} : memref<128x128xf32, #tpu.memory_space<vmem>>, vector<1x16xf32>,
      %swap3A_397 = vector.shape_cast %swap3A_396 : vector<1x16xf32> to vector<16xf32>
      %swap3A_398 = vector.shape_cast %broadcast_in_dim3A_393 : vector<16xf32> to vector<1x16xf32>
      tpu.vector_store %arg10[%swap3A_394, %swap3A_395], %swap3A_398 {strides = array<i32>} : memref<128x128xf32, #tpu.memory_space<vmem>>, vector<1x16xf32>,
      %broadcast_in_dim3A_399 = arith.constant 0.000000e+00 : f32
      %broadcast_in_dim3A_400 = vector.broadcast %broadcast_in_dim3A_399 : f32 to vector<16xf32>
      %swap3A_401 = arith.index_cast %scan3A_349 : i32 to index
      %swap3A_402 = arith.constant 112 : index
      %swap3A_403 = tpu.vector_load %arg10[%swap3A_401, %swap3A_402] {strides = array<i32>} : memref<128x128xf32, #tpu.memory_space<vmem>>, vector<1x16xf32>,
      %swap3A_404 = vector.shape_cast %swap3A_403 : vector<1x16xf32> to vector<16xf32>
      %swap3A_405 = vector.shape_cast %broadcast_in_dim3A_400 : vector<16xf32> to vector<1x16xf32>
      tpu.vector_store %arg10[%swap3A_401, %swap3A_402], %swap3A_405 {strides = array<i32>} : memref<128x128xf32, #tpu.memory_space<vmem>>, vector<1x16xf32>,
      %scan3A_406 = arith.constant 0 : i32
      scf.yield %scan3A_406 : i32
    }
    %scan3A_10 = arith.constant 80 : i32
    %while3A = arith.constant 0 : i32
    %while3A_11 = arith.constant 0 : i32
    %while3A_12 = arith.subi %select_n3A, %while3A : i32
    %while3A_13 = arith.addi %while3A, %while3A_12 : i32
    %while3A_14 = arith.constant 1 : i32
    %while3A_15 = arith.divsi %while3A_12, %while3A_14 : i32
    %while3A_16 = arith.muli %while3A_15, %while3A_14 : i32
    %while3A_17 = arith.addi %while3A, %while3A_16 : i32
    %while3A_18 = arith.constant 1 : i32
    %while3A_19 = scf.for %while3A_349 = %while3A to %while3A_17 step %while3A_18 iter_args(%while3A_350 = %while3A_11) -> (i32)  : i32 {
      %mul3A_351 = arith.constant 80 : i32
      %mul3A_352 = arith.muli %while3A_349, %mul3A_351 : i32
      %add3A_353 = arith.addi %mul3A_2, %mul3A_352 : i32
      "tpu.region"() ({
        %run_scoped3A = tpu.sem_alloc : memref<!tpu.dma_semaphore, #tpu.memory_space<semaphore_mem>>
        %dma_start3A_355 = arith.constant 0 : i32
        %dma_start3A_356 = arith.constant 0 : i32
        %dma_start3A_357 = tpu.memref_slice %arg10[%dma_start3A_355, %dma_start3A_356] : memref<128x128xf32, #tpu.memory_space<vmem>> -> memref<80x128xf32, #tpu.memory_space<vmem>>
        %dma_start3A_358 = arith.constant 0 : i32
        %dma_start3A_359 = tpu.memref_slice %arg12[%add3A_353, %dma_start3A_358] : memref<10008x128xf32, #tpu.memory_space<vmem_shared>> -> memref<80x128xf32, #tpu.memory_space<vmem_shared>>
        %dma_start3A_360 = arith.constant 0 : i32
        %dma_start3A_361 = tpu.memref_slice %arg12[%add3A_353, %dma_start3A_360] : memref<10008x128xf32, #tpu.memory_space<vmem_shared>> -> memref<80x128xf32, #tpu.memory_space<vmem_shared>>
        %dma_start3A_362 = arith.constant 0 : i32
        %dma_start3A_363 = arith.constant 0 : i32
        %dma_start3A_364 = tpu.memref_slice %arg10[%dma_start3A_362, %dma_start3A_363] : memref<128x128xf32, #tpu.memory_space<vmem>> -> memref<80x128xf32, #tpu.memory_space<vmem>>
        tpu.enqueue_dma source(%dma_start3A_364 : memref<80x128xf32, #tpu.memory_space<vmem>>) target(%dma_start3A_361 : memref<80x128xf32, #tpu.memory_space<vmem_shared>>) target_semaphore(%run_scoped3A : memref<!tpu.dma_semaphore, #tpu.memory_space<semaphore_mem>>)
        %dma_wait3A_365 = arith.constant 0 : i32
        %dma_wait3A_366 = arith.constant 0 : i32
        %dma_wait3A_367 = tpu.memref_slice %arg10[%dma_wait3A_365, %dma_wait3A_366] : memref<128x128xf32, #tpu.memory_space<vmem>> -> memref<80x128xf32, #tpu.memory_space<vmem>>
        %dma_wait3A_368 = arith.constant 0 : i32
        %dma_wait3A_369 = tpu.memref_slice %arg12[%add3A_353, %dma_wait3A_368] : memref<10008x128xf32, #tpu.memory_space<vmem_shared>> -> memref<80x128xf32, #tpu.memory_space<vmem_shared>>
        %dma_wait3A_370 = arith.constant 0 : i32
        %dma_wait3A_371 = tpu.memref_slice %arg12[%add3A_353, %dma_wait3A_370] : memref<10008x128xf32, #tpu.memory_space<vmem_shared>> -> memref<80x128xf32, #tpu.memory_space<vmem_shared>>
        %dma_wait3A_372 = arith.constant 0 : i32
        %dma_wait3A_373 = arith.constant 0 : i32
        %dma_wait3A_374 = tpu.memref_slice %arg10[%dma_wait3A_372, %dma_wait3A_373] : memref<128x128xf32, #tpu.memory_space<vmem>> -> memref<80x128xf32, #tpu.memory_space<vmem>>
        tpu.wait_dma2 semaphore(%run_scoped3A : memref<!tpu.dma_semaphore, #tpu.memory_space<semaphore_mem>>) src(%dma_wait3A_374 : memref<80x128xf32, #tpu.memory_space<vmem>>) dst(%dma_wait3A_371 : memref<80x128xf32, #tpu.memory_space<vmem_shared>>)
        tpu.yield
      }) : () -> ()
      %while3A_354 = arith.constant 0 : i32
      scf.yield %while3A_354 : i32
    }
    %while3A_20 = arith.constant 1 : i32
    %while3A_21 = scf.for %while3A_349 = %while3A_17 to %while3A_13 step %while3A_20 iter_args(%while3A_350 = %while3A_19) -> (i32)  : i32 {
      %mul3A_351 = arith.constant 80 : i32
      %mul3A_352 = arith.muli %while3A_349, %mul3A_351 : i32
      %add3A_353 = arith.addi %mul3A_2, %mul3A_352 : i32
      "tpu.region"() ({
        %run_scoped3A = tpu.sem_alloc : memref<!tpu.dma_semaphore, #tpu.memory_space<semaphore_mem>>
        %dma_start3A_355 = arith.constant 0 : i32
        %dma_start3A_356 = arith.constant 0 : i32
        %dma_start3A_357 = tpu.memref_slice %arg10[%dma_start3A_355, %dma_start3A_356] : memref<128x128xf32, #tpu.memory_space<vmem>> -> memref<80x128xf32, #tpu.memory_space<vmem>>
        %dma_start3A_358 = arith.constant 0 : i32
        %dma_start3A_359 = tpu.memref_slice %arg12[%add3A_353, %dma_start3A_358] : memref<10008x128xf32, #tpu.memory_space<vmem_shared>> -> memref<80x128xf32, #tpu.memory_space<vmem_shared>>
        %dma_start3A_360 = arith.constant 0 : i32
        %dma_start3A_361 = tpu.memref_slice %arg12[%add3A_353, %dma_start3A_360] : memref<10008x128xf32, #tpu.memory_space<vmem_shared>> -> memref<80x128xf32, #tpu.memory_space<vmem_shared>>
        %dma_start3A_362 = arith.constant 0 : i32
        %dma_start3A_363 = arith.constant 0 : i32
        %dma_start3A_364 = tpu.memref_slice %arg10[%dma_start3A_362, %dma_start3A_363] : memref<128x128xf32, #tpu.memory_space<vmem>> -> memref<80x128xf32, #tpu.memory_space<vmem>>
        tpu.enqueue_dma source(%dma_start3A_364 : memref<80x128xf32, #tpu.memory_space<vmem>>) target(%dma_start3A_361 : memref<80x128xf32, #tpu.memory_space<vmem_shared>>) target_semaphore(%run_scoped3A : memref<!tpu.dma_semaphore, #tpu.memory_space<semaphore_mem>>)
        %dma_wait3A_365 = arith.constant 0 : i32
        %dma_wait3A_366 = arith.constant 0 : i32
        %dma_wait3A_367 = tpu.memref_slice %arg10[%dma_wait3A_365, %dma_wait3A_366] : memref<128x128xf32, #tpu.memory_space<vmem>> -> memref<80x128xf32, #tpu.memory_space<vmem>>
        %dma_wait3A_368 = arith.constant 0 : i32
        %dma_wait3A_369 = tpu.memref_slice %arg12[%add3A_353, %dma_wait3A_368] : memref<10008x128xf32, #tpu.memory_space<vmem_shared>> -> memref<80x128xf32, #tpu.memory_space<vmem_shared>>
        %dma_wait3A_370 = arith.constant 0 : i32
        %dma_wait3A_371 = tpu.memref_slice %arg12[%add3A_353, %dma_wait3A_370] : memref<10008x128xf32, #tpu.memory_space<vmem_shared>> -> memref<80x128xf32, #tpu.memory_space<vmem_shared>>
        %dma_wait3A_372 = arith.constant 0 : i32
        %dma_wait3A_373 = arith.constant 0 : i32
        %dma_wait3A_374 = tpu.memref_slice %arg10[%dma_wait3A_372, %dma_wait3A_373] : memref<128x128xf32, #tpu.memory_space<vmem>> -> memref<80x128xf32, #tpu.memory_space<vmem>>
        tpu.wait_dma2 semaphore(%run_scoped3A : memref<!tpu.dma_semaphore, #tpu.memory_space<semaphore_mem>>) src(%dma_wait3A_374 : memref<80x128xf32, #tpu.memory_space<vmem>>) dst(%dma_wait3A_371 : memref<80x128xf32, #tpu.memory_space<vmem_shared>>)
        tpu.yield
      }) : () -> ()
      %while3A_354 = arith.constant 0 : i32
      scf.yield %while3A_354 : i32
    }
    %barrier3A = arith.constant 0 : index
    tpu.barrier barrier_id(%barrier3A)
    %get3A = arith.constant 0 : i32
    %get3A_22 = arith.index_cast %get3A : i32 to index
    %get3A_23 = arith.constant 0 : index
    %get3A_24 = tpu.vector_load %arg5[%get3A_22, %get3A_23] {strides = array<i32>} : memref<79x128xi32, #tpu.memory_space<vmem>>, vector<1x16xi32>,
    %get3A_25 = vector.shape_cast %get3A_24 : vector<1x16xi32> to vector<16xi32>
    %and3A = arith.constant 16383 : i32
    %and3A_26 = vector.broadcast %and3A : i32 to vector<16xi32>
    %and3A_27 = arith.andi %get3A_25, %and3A_26 : vector<16xi32>
    %swap3A = arith.constant 0 : index
    %swap3A_28 = tpu.vector_load %arg6[%swap3A] {strides = array<i32>} : memref<128xi32, #tpu.memory_space<vmem>>, vector<16xi32>,
    %swap3A_29 = vector.shape_cast %swap3A_28 : vector<16xi32> to vector<16xi32>
    %swap3A_30 = vector.shape_cast %and3A_27 : vector<16xi32> to vector<16xi32>
    tpu.vector_store %arg6[%swap3A], %swap3A_30 {strides = array<i32>} : memref<128xi32, #tpu.memory_space<vmem>>, vector<16xi32>,
    %shift_right_arithmetic3A = arith.constant 14 : i32
    %shift_right_arithmetic3A_31 = vector.broadcast %shift_right_arithmetic3A : i32 to vector<16xi32>
    %shift_right_arithmetic3A_32 = arith.shrsi %get3A_25, %shift_right_arithmetic3A_31 : vector<16xi32>
    %swap3A_33 = arith.constant 0 : index
    %swap3A_34 = tpu.vector_load %arg8[%swap3A_33] {strides = array<i32>} : memref<128xi32, #tpu.memory_space<vmem>>, vector<16xi32>,
    %swap3A_35 = vector.shape_cast %swap3A_34 : vector<16xi32> to vector<16xi32>
    %swap3A_36 = vector.shape_cast %shift_right_arithmetic3A_32 : vector<16xi32> to vector<16xi32>
    tpu.vector_store %arg8[%swap3A_33], %swap3A_36 {strides = array<i32>} : memref<128xi32, #tpu.memory_space<vmem>>, vector<16xi32>,
    %get3A_37 = arith.constant 0 : i32
    %get3A_38 = arith.index_cast %get3A_37 : i32 to index
    %get3A_39 = arith.constant 16 : index
    %get3A_40 = tpu.vector_load %arg5[%get3A_38, %get3A_39] {strides = array<i32>} : memref<79x128xi32, #tpu.memory_space<vmem>>, vector<1x16xi32>,
    %get3A_41 = vector.shape_cast %get3A_40 : vector<1x16xi32> to vector<16xi32>
    %and3A_42 = arith.constant 16383 : i32
    %and3A_43 = vector.broadcast %and3A_42 : i32 to vector<16xi32>
    %and3A_44 = arith.andi %get3A_41, %and3A_43 : vector<16xi32>
    %swap3A_45 = arith.constant 16 : index
    %swap3A_46 = tpu.vector_load %arg6[%swap3A_45] {strides = array<i32>} : memref<128xi32, #tpu.memory_space<vmem>>, vector<16xi32>,
    %swap3A_47 = vector.shape_cast %swap3A_46 : vector<16xi32> to vector<16xi32>
    %swap3A_48 = vector.shape_cast %and3A_44 : vector<16xi32> to vector<16xi32>
    tpu.vector_store %arg6[%swap3A_45], %swap3A_48 {strides = array<i32>} : memref<128xi32, #tpu.memory_space<vmem>>, vector<16xi32>,
    %shift_right_arithmetic3A_49 = arith.constant 14 : i32
    %shift_right_arithmetic3A_50 = vector.broadcast %shift_right_arithmetic3A_49 : i32 to vector<16xi32>
    %shift_right_arithmetic3A_51 = arith.shrsi %get3A_41, %shift_right_arithmetic3A_50 : vector<16xi32>
    %swap3A_52 = arith.constant 16 : index
    %swap3A_53 = tpu.vector_load %arg8[%swap3A_52] {strides = array<i32>} : memref<128xi32, #tpu.memory_space<vmem>>, vector<16xi32>,
    %swap3A_54 = vector.shape_cast %swap3A_53 : vector<16xi32> to vector<16xi32>
    %swap3A_55 = vector.shape_cast %shift_right_arithmetic3A_51 : vector<16xi32> to vector<16xi32>
    tpu.vector_store %arg8[%swap3A_52], %swap3A_55 {strides = array<i32>} : memref<128xi32, #tpu.memory_space<vmem>>, vector<16xi32>,
    %get3A_56 = arith.constant 0 : i32
    %get3A_57 = arith.index_cast %get3A_56 : i32 to index
    %get3A_58 = arith.constant 32 : index
    %get3A_59 = tpu.vector_load %arg5[%get3A_57, %get3A_58] {strides = array<i32>} : memref<79x128xi32, #tpu.memory_space<vmem>>, vector<1x16xi32>,
    %get3A_60 = vector.shape_cast %get3A_59 : vector<1x16xi32> to vector<16xi32>
    %and3A_61 = arith.constant 16383 : i32
    %and3A_62 = vector.broadcast %and3A_61 : i32 to vector<16xi32>
    %and3A_63 = arith.andi %get3A_60, %and3A_62 : vector<16xi32>
    %swap3A_64 = arith.constant 32 : index
    %swap3A_65 = tpu.vector_load %arg6[%swap3A_64] {strides = array<i32>} : memref<128xi32, #tpu.memory_space<vmem>>, vector<16xi32>,
    %swap3A_66 = vector.shape_cast %swap3A_65 : vector<16xi32> to vector<16xi32>
    %swap3A_67 = vector.shape_cast %and3A_63 : vector<16xi32> to vector<16xi32>
    tpu.vector_store %arg6[%swap3A_64], %swap3A_67 {strides = array<i32>} : memref<128xi32, #tpu.memory_space<vmem>>, vector<16xi32>,
    %shift_right_arithmetic3A_68 = arith.constant 14 : i32
    %shift_right_arithmetic3A_69 = vector.broadcast %shift_right_arithmetic3A_68 : i32 to vector<16xi32>
    %shift_right_arithmetic3A_70 = arith.shrsi %get3A_60, %shift_right_arithmetic3A_69 : vector<16xi32>
    %swap3A_71 = arith.constant 32 : index
    %swap3A_72 = tpu.vector_load %arg8[%swap3A_71] {strides = array<i32>} : memref<128xi32, #tpu.memory_space<vmem>>, vector<16xi32>,
    %swap3A_73 = vector.shape_cast %swap3A_72 : vector<16xi32> to vector<16xi32>
    %swap3A_74 = vector.shape_cast %shift_right_arithmetic3A_70 : vector<16xi32> to vector<16xi32>
    tpu.vector_store %arg8[%swap3A_71], %swap3A_74 {strides = array<i32>} : memref<128xi32, #tpu.memory_space<vmem>>, vector<16xi32>,
    %get3A_75 = arith.constant 0 : i32
    %get3A_76 = arith.index_cast %get3A_75 : i32 to index
    %get3A_77 = arith.constant 48 : index
    %get3A_78 = tpu.vector_load %arg5[%get3A_76, %get3A_77] {strides = array<i32>} : memref<79x128xi32, #tpu.memory_space<vmem>>, vector<1x16xi32>,
    %get3A_79 = vector.shape_cast %get3A_78 : vector<1x16xi32> to vector<16xi32>
    %and3A_80 = arith.constant 16383 : i32
    %and3A_81 = vector.broadcast %and3A_80 : i32 to vector<16xi32>
    %and3A_82 = arith.andi %get3A_79, %and3A_81 : vector<16xi32>
    %swap3A_83 = arith.constant 48 : index
    %swap3A_84 = tpu.vector_load %arg6[%swap3A_83] {strides = array<i32>} : memref<128xi32, #tpu.memory_space<vmem>>, vector<16xi32>,
    %swap3A_85 = vector.shape_cast %swap3A_84 : vector<16xi32> to vector<16xi32>
    %swap3A_86 = vector.shape_cast %and3A_82 : vector<16xi32> to vector<16xi32>
    tpu.vector_store %arg6[%swap3A_83], %swap3A_86 {strides = array<i32>} : memref<128xi32, #tpu.memory_space<vmem>>, vector<16xi32>,
    %shift_right_arithmetic3A_87 = arith.constant 14 : i32
    %shift_right_arithmetic3A_88 = vector.broadcast %shift_right_arithmetic3A_87 : i32 to vector<16xi32>
    %shift_right_arithmetic3A_89 = arith.shrsi %get3A_79, %shift_right_arithmetic3A_88 : vector<16xi32>
    %swap3A_90 = arith.constant 48 : index
    %swap3A_91 = tpu.vector_load %arg8[%swap3A_90] {strides = array<i32>} : memref<128xi32, #tpu.memory_space<vmem>>, vector<16xi32>,
    %swap3A_92 = vector.shape_cast %swap3A_91 : vector<16xi32> to vector<16xi32>
    %swap3A_93 = vector.shape_cast %shift_right_arithmetic3A_89 : vector<16xi32> to vector<16xi32>
    tpu.vector_store %arg8[%swap3A_90], %swap3A_93 {strides = array<i32>} : memref<128xi32, #tpu.memory_space<vmem>>, vector<16xi32>,
    %get3A_94 = arith.constant 0 : i32
    %get3A_95 = arith.index_cast %get3A_94 : i32 to index
    %get3A_96 = arith.constant 64 : index
    %get3A_97 = tpu.vector_load %arg5[%get3A_95, %get3A_96] {strides = array<i32>} : memref<79x128xi32, #tpu.memory_space<vmem>>, vector<1x16xi32>,
    %get3A_98 = vector.shape_cast %get3A_97 : vector<1x16xi32> to vector<16xi32>
    %and3A_99 = arith.constant 16383 : i32
    %and3A_100 = vector.broadcast %and3A_99 : i32 to vector<16xi32>
    %and3A_101 = arith.andi %get3A_98, %and3A_100 : vector<16xi32>
    %swap3A_102 = arith.constant 64 : index
    %swap3A_103 = tpu.vector_load %arg6[%swap3A_102] {strides = array<i32>} : memref<128xi32, #tpu.memory_space<vmem>>, vector<16xi32>,
    %swap3A_104 = vector.shape_cast %swap3A_103 : vector<16xi32> to vector<16xi32>
    %swap3A_105 = vector.shape_cast %and3A_101 : vector<16xi32> to vector<16xi32>
    tpu.vector_store %arg6[%swap3A_102], %swap3A_105 {strides = array<i32>} : memref<128xi32, #tpu.memory_space<vmem>>, vector<16xi32>,
    %shift_right_arithmetic3A_106 = arith.constant 14 : i32
    %shift_right_arithmetic3A_107 = vector.broadcast %shift_right_arithmetic3A_106 : i32 to vector<16xi32>
    %shift_right_arithmetic3A_108 = arith.shrsi %get3A_98, %shift_right_arithmetic3A_107 : vector<16xi32>
    %swap3A_109 = arith.constant 64 : index
    %swap3A_110 = tpu.vector_load %arg8[%swap3A_109] {strides = array<i32>} : memref<128xi32, #tpu.memory_space<vmem>>, vector<16xi32>,
    %swap3A_111 = vector.shape_cast %swap3A_110 : vector<16xi32> to vector<16xi32>
    %swap3A_112 = vector.shape_cast %shift_right_arithmetic3A_108 : vector<16xi32> to vector<16xi32>
    tpu.vector_store %arg8[%swap3A_109], %swap3A_112 {strides = array<i32>} : memref<128xi32, #tpu.memory_space<vmem>>, vector<16xi32>,
    %get3A_113 = arith.constant 0 : i32
    %get3A_114 = arith.index_cast %get3A_113 : i32 to index
    %get3A_115 = arith.constant 80 : index
    %get3A_116 = tpu.vector_load %arg5[%get3A_114, %get3A_115] {strides = array<i32>} : memref<79x128xi32, #tpu.memory_space<vmem>>, vector<1x16xi32>,
    %get3A_117 = vector.shape_cast %get3A_116 : vector<1x16xi32> to vector<16xi32>
    %and3A_118 = arith.constant 16383 : i32
    %and3A_119 = vector.broadcast %and3A_118 : i32 to vector<16xi32>
    %and3A_120 = arith.andi %get3A_117, %and3A_119 : vector<16xi32>
    %swap3A_121 = arith.constant 80 : index
    %swap3A_122 = tpu.vector_load %arg6[%swap3A_121] {strides = array<i32>} : memref<128xi32, #tpu.memory_space<vmem>>, vector<16xi32>,
    %swap3A_123 = vector.shape_cast %swap3A_122 : vector<16xi32> to vector<16xi32>
    %swap3A_124 = vector.shape_cast %and3A_120 : vector<16xi32> to vector<16xi32>
    tpu.vector_store %arg6[%swap3A_121], %swap3A_124 {strides = array<i32>} : memref<128xi32, #tpu.memory_space<vmem>>, vector<16xi32>,
    %shift_right_arithmetic3A_125 = arith.constant 14 : i32
    %shift_right_arithmetic3A_126 = vector.broadcast %shift_right_arithmetic3A_125 : i32 to vector<16xi32>
    %shift_right_arithmetic3A_127 = arith.shrsi %get3A_117, %shift_right_arithmetic3A_126 : vector<16xi32>
    %swap3A_128 = arith.constant 80 : index
    %swap3A_129 = tpu.vector_load %arg8[%swap3A_128] {strides = array<i32>} : memref<128xi32, #tpu.memory_space<vmem>>, vector<16xi32>,
    %swap3A_130 = vector.shape_cast %swap3A_129 : vector<16xi32> to vector<16xi32>
    %swap3A_131 = vector.shape_cast %shift_right_arithmetic3A_127 : vector<16xi32> to vector<16xi32>
    tpu.vector_store %arg8[%swap3A_128], %swap3A_131 {strides = array<i32>} : memref<128xi32, #tpu.memory_space<vmem>>, vector<16xi32>,
    %get3A_132 = arith.constant 0 : i32
    %get3A_133 = arith.index_cast %get3A_132 : i32 to index
    %get3A_134 = arith.constant 96 : index
    %get3A_135 = tpu.vector_load %arg5[%get3A_133, %get3A_134] {strides = array<i32>} : memref<79x128xi32, #tpu.memory_space<vmem>>, vector<1x16xi32>,
    %get3A_136 = vector.shape_cast %get3A_135 : vector<1x16xi32> to vector<16xi32>
    %and3A_137 = arith.constant 16383 : i32
    %and3A_138 = vector.broadcast %and3A_137 : i32 to vector<16xi32>
    %and3A_139 = arith.andi %get3A_136, %and3A_138 : vector<16xi32>
    %swap3A_140 = arith.constant 96 : index
    %swap3A_141 = tpu.vector_load %arg6[%swap3A_140] {strides = array<i32>} : memref<128xi32, #tpu.memory_space<vmem>>, vector<16xi32>,
    %swap3A_142 = vector.shape_cast %swap3A_141 : vector<16xi32> to vector<16xi32>
    %swap3A_143 = vector.shape_cast %and3A_139 : vector<16xi32> to vector<16xi32>
    tpu.vector_store %arg6[%swap3A_140], %swap3A_143 {strides = array<i32>} : memref<128xi32, #tpu.memory_space<vmem>>, vector<16xi32>,
    %shift_right_arithmetic3A_144 = arith.constant 14 : i32
    %shift_right_arithmetic3A_145 = vector.broadcast %shift_right_arithmetic3A_144 : i32 to vector<16xi32>
    %shift_right_arithmetic3A_146 = arith.shrsi %get3A_136, %shift_right_arithmetic3A_145 : vector<16xi32>
    %swap3A_147 = arith.constant 96 : index
    %swap3A_148 = tpu.vector_load %arg8[%swap3A_147] {strides = array<i32>} : memref<128xi32, #tpu.memory_space<vmem>>, vector<16xi32>,
    %swap3A_149 = vector.shape_cast %swap3A_148 : vector<16xi32> to vector<16xi32>
    %swap3A_150 = vector.shape_cast %shift_right_arithmetic3A_146 : vector<16xi32> to vector<16xi32>
    tpu.vector_store %arg8[%swap3A_147], %swap3A_150 {strides = array<i32>} : memref<128xi32, #tpu.memory_space<vmem>>, vector<16xi32>,
    %get3A_151 = arith.constant 0 : i32
    %get3A_152 = arith.index_cast %get3A_151 : i32 to index
    %get3A_153 = arith.constant 112 : index
    %get3A_154 = tpu.vector_load %arg5[%get3A_152, %get3A_153] {strides = array<i32>} : memref<79x128xi32, #tpu.memory_space<vmem>>, vector<1x16xi32>,
    %get3A_155 = vector.shape_cast %get3A_154 : vector<1x16xi32> to vector<16xi32>
    %and3A_156 = arith.constant 16383 : i32
    %and3A_157 = vector.broadcast %and3A_156 : i32 to vector<16xi32>
    %and3A_158 = arith.andi %get3A_155, %and3A_157 : vector<16xi32>
    %swap3A_159 = arith.constant 112 : index
    %swap3A_160 = tpu.vector_load %arg6[%swap3A_159] {strides = array<i32>} : memref<128xi32, #tpu.memory_space<vmem>>, vector<16xi32>,
    %swap3A_161 = vector.shape_cast %swap3A_160 : vector<16xi32> to vector<16xi32>
    %swap3A_162 = vector.shape_cast %and3A_158 : vector<16xi32> to vector<16xi32>
    tpu.vector_store %arg6[%swap3A_159], %swap3A_162 {strides = array<i32>} : memref<128xi32, #tpu.memory_space<vmem>>, vector<16xi32>,
    %shift_right_arithmetic3A_163 = arith.constant 14 : i32
    %shift_right_arithmetic3A_164 = vector.broadcast %shift_right_arithmetic3A_163 : i32 to vector<16xi32>
    %shift_right_arithmetic3A_165 = arith.shrsi %get3A_155, %shift_right_arithmetic3A_164 : vector<16xi32>
    %swap3A_166 = arith.constant 112 : index
    %swap3A_167 = tpu.vector_load %arg8[%swap3A_166] {strides = array<i32>} : memref<128xi32, #tpu.memory_space<vmem>>, vector<16xi32>,
    %swap3A_168 = vector.shape_cast %swap3A_167 : vector<16xi32> to vector<16xi32>
    %swap3A_169 = vector.shape_cast %shift_right_arithmetic3A_165 : vector<16xi32> to vector<16xi32>
    tpu.vector_store %arg8[%swap3A_166], %swap3A_169 {strides = array<i32>} : memref<128xi32, #tpu.memory_space<vmem>>, vector<16xi32>,
    %dma_start3A = arith.constant 0 : i32
    %dma_start3A_170 = arith.constant 0 : i32
    %dma_start3A_171 = tpu.memref_slice %arg2[%dma_start3A, %dma_start3A_170] : memref<10000x128xf32, #tpu.memory_space<hbm>> -> memref<10000x128xf32, #tpu.memory_space<hbm>>
    tpu.enqueue_indirect_dma source(%dma_start3A_171 : memref<10000x128xf32, #tpu.memory_space<hbm>>) target(%arg10 : memref<128x128xf32, #tpu.memory_space<vmem>>) offsets(%arg6 : memref<128xi32, #tpu.memory_space<vmem>>) semaphore(%arg13 : memref<!tpu.dma_semaphore, #tpu.memory_space<semaphore_mem>>)
    %get3A_172 = arith.constant 1 : i32
    %get3A_173 = arith.index_cast %get3A_172 : i32 to index
    %get3A_174 = arith.constant 0 : index
    %get3A_175 = tpu.vector_load %arg5[%get3A_173, %get3A_174] {strides = array<i32>} : memref<79x128xi32, #tpu.memory_space<vmem>>, vector<1x16xi32>,
    %get3A_176 = vector.shape_cast %get3A_175 : vector<1x16xi32> to vector<16xi32>
    %and3A_177 = arith.constant 16383 : i32
    %and3A_178 = vector.broadcast %and3A_177 : i32 to vector<16xi32>
    %and3A_179 = arith.andi %get3A_176, %and3A_178 : vector<16xi32>
    %swap3A_180 = arith.constant 0 : index
    %swap3A_181 = tpu.vector_load %arg7[%swap3A_180] {strides = array<i32>} : memref<128xi32, #tpu.memory_space<vmem>>, vector<16xi32>,
    %swap3A_182 = vector.shape_cast %swap3A_181 : vector<16xi32> to vector<16xi32>
    %swap3A_183 = vector.shape_cast %and3A_179 : vector<16xi32> to vector<16xi32>
    tpu.vector_store %arg7[%swap3A_180], %swap3A_183 {strides = array<i32>} : memref<128xi32, #tpu.memory_space<vmem>>, vector<16xi32>,
    %shift_right_arithmetic3A_184 = arith.constant 14 : i32
    %shift_right_arithmetic3A_185 = vector.broadcast %shift_right_arithmetic3A_184 : i32 to vector<16xi32>
    %shift_right_arithmetic3A_186 = arith.shrsi %get3A_176, %shift_right_arithmetic3A_185 : vector<16xi32>
    %swap3A_187 = arith.constant 0 : index
    %swap3A_188 = tpu.vector_load %arg9[%swap3A_187] {strides = array<i32>} : memref<128xi32, #tpu.memory_space<vmem>>, vector<16xi32>,
    %swap3A_189 = vector.shape_cast %swap3A_188 : vector<16xi32> to vector<16xi32>
    %swap3A_190 = vector.shape_cast %shift_right_arithmetic3A_186 : vector<16xi32> to vector<16xi32>
    tpu.vector_store %arg9[%swap3A_187], %swap3A_190 {strides = array<i32>} : memref<128xi32, #tpu.memory_space<vmem>>, vector<16xi32>,
    %get3A_191 = arith.constant 1 : i32
    %get3A_192 = arith.index_cast %get3A_191 : i32 to index
    %get3A_193 = arith.constant 16 : index
    %get3A_194 = tpu.vector_load %arg5[%get3A_192, %get3A_193] {strides = array<i32>} : memref<79x128xi32, #tpu.memory_space<vmem>>, vector<1x16xi32>,
    %get3A_195 = vector.shape_cast %get3A_194 : vector<1x16xi32> to vector<16xi32>
    %and3A_196 = arith.constant 16383 : i32
    %and3A_197 = vector.broadcast %and3A_196 : i32 to vector<16xi32>
    %and3A_198 = arith.andi %get3A_195, %and3A_197 : vector<16xi32>
    %swap3A_199 = arith.constant 16 : index
    %swap3A_200 = tpu.vector_load %arg7[%swap3A_199] {strides = array<i32>} : memref<128xi32, #tpu.memory_space<vmem>>, vector<16xi32>,
    %swap3A_201 = vector.shape_cast %swap3A_200 : vector<16xi32> to vector<16xi32>
    %swap3A_202 = vector.shape_cast %and3A_198 : vector<16xi32> to vector<16xi32>
    tpu.vector_store %arg7[%swap3A_199], %swap3A_202 {strides = array<i32>} : memref<128xi32, #tpu.memory_space<vmem>>, vector<16xi32>,
    %shift_right_arithmetic3A_203 = arith.constant 14 : i32
    %shift_right_arithmetic3A_204 = vector.broadcast %shift_right_arithmetic3A_203 : i32 to vector<16xi32>
    %shift_right_arithmetic3A_205 = arith.shrsi %get3A_195, %shift_right_arithmetic3A_204 : vector<16xi32>
    %swap3A_206 = arith.constant 16 : index
    %swap3A_207 = tpu.vector_load %arg9[%swap3A_206] {strides = array<i32>} : memref<128xi32, #tpu.memory_space<vmem>>, vector<16xi32>,
    %swap3A_208 = vector.shape_cast %swap3A_207 : vector<16xi32> to vector<16xi32>
    %swap3A_209 = vector.shape_cast %shift_right_arithmetic3A_205 : vector<16xi32> to vector<16xi32>
    tpu.vector_store %arg9[%swap3A_206], %swap3A_209 {strides = array<i32>} : memref<128xi32, #tpu.memory_space<vmem>>, vector<16xi32>,
    %get3A_210 = arith.constant 1 : i32
    %get3A_211 = arith.index_cast %get3A_210 : i32 to index
    %get3A_212 = arith.constant 32 : index
    %get3A_213 = tpu.vector_load %arg5[%get3A_211, %get3A_212] {strides = array<i32>} : memref<79x128xi32, #tpu.memory_space<vmem>>, vector<1x16xi32>,
    %get3A_214 = vector.shape_cast %get3A_213 : vector<1x16xi32> to vector<16xi32>
    %and3A_215 = arith.constant 16383 : i32
    %and3A_216 = vector.broadcast %and3A_215 : i32 to vector<16xi32>
    %and3A_217 = arith.andi %get3A_214, %and3A_216 : vector<16xi32>
    %swap3A_218 = arith.constant 32 : index
    %swap3A_219 = tpu.vector_load %arg7[%swap3A_218] {strides = array<i32>} : memref<128xi32, #tpu.memory_space<vmem>>, vector<16xi32>,
    %swap3A_220 = vector.shape_cast %swap3A_219 : vector<16xi32> to vector<16xi32>
    %swap3A_221 = vector.shape_cast %and3A_217 : vector<16xi32> to vector<16xi32>
    tpu.vector_store %arg7[%swap3A_218], %swap3A_221 {strides = array<i32>} : memref<128xi32, #tpu.memory_space<vmem>>, vector<16xi32>,
    %shift_right_arithmetic3A_222 = arith.constant 14 : i32
    %shift_right_arithmetic3A_223 = vector.broadcast %shift_right_arithmetic3A_222 : i32 to vector<16xi32>
    %shift_right_arithmetic3A_224 = arith.shrsi %get3A_214, %shift_right_arithmetic3A_223 : vector<16xi32>
    %swap3A_225 = arith.constant 32 : index
    %swap3A_226 = tpu.vector_load %arg9[%swap3A_225] {strides = array<i32>} : memref<128xi32, #tpu.memory_space<vmem>>, vector<16xi32>,
    %swap3A_227 = vector.shape_cast %swap3A_226 : vector<16xi32> to vector<16xi32>
    %swap3A_228 = vector.shape_cast %shift_right_arithmetic3A_224 : vector<16xi32> to vector<16xi32>
    tpu.vector_store %arg9[%swap3A_225], %swap3A_228 {strides = array<i32>} : memref<128xi32, #tpu.memory_space<vmem>>, vector<16xi32>,
    %get3A_229 = arith.constant 1 : i32
    %get3A_230 = arith.index_cast %get3A_229 : i32 to index
    %get3A_231 = arith.constant 48 : index
    %get3A_232 = tpu.vector_load %arg5[%get3A_230, %get3A_231] {strides = array<i32>} : memref<79x128xi32, #tpu.memory_space<vmem>>, vector<1x16xi32>,
    %get3A_233 = vector.shape_cast %get3A_232 : vector<1x16xi32> to vector<16xi32>
    %and3A_234 = arith.constant 16383 : i32
    %and3A_235 = vector.broadcast %and3A_234 : i32 to vector<16xi32>
    %and3A_236 = arith.andi %get3A_233, %and3A_235 : vector<16xi32>
    %swap3A_237 = arith.constant 48 : index
    %swap3A_238 = tpu.vector_load %arg7[%swap3A_237] {strides = array<i32>} : memref<128xi32, #tpu.memory_space<vmem>>, vector<16xi32>,
    %swap3A_239 = vector.shape_cast %swap3A_238 : vector<16xi32> to vector<16xi32>
    %swap3A_240 = vector.shape_cast %and3A_236 : vector<16xi32> to vector<16xi32>
    tpu.vector_store %arg7[%swap3A_237], %swap3A_240 {strides = array<i32>} : memref<128xi32, #tpu.memory_space<vmem>>, vector<16xi32>,
    %shift_right_arithmetic3A_241 = arith.constant 14 : i32
    %shift_right_arithmetic3A_242 = vector.broadcast %shift_right_arithmetic3A_241 : i32 to vector<16xi32>
    %shift_right_arithmetic3A_243 = arith.shrsi %get3A_233, %shift_right_arithmetic3A_242 : vector<16xi32>
    %swap3A_244 = arith.constant 48 : index
    %swap3A_245 = tpu.vector_load %arg9[%swap3A_244] {strides = array<i32>} : memref<128xi32, #tpu.memory_space<vmem>>, vector<16xi32>,
    %swap3A_246 = vector.shape_cast %swap3A_245 : vector<16xi32> to vector<16xi32>
    %swap3A_247 = vector.shape_cast %shift_right_arithmetic3A_243 : vector<16xi32> to vector<16xi32>
    tpu.vector_store %arg9[%swap3A_244], %swap3A_247 {strides = array<i32>} : memref<128xi32, #tpu.memory_space<vmem>>, vector<16xi32>,
    %get3A_248 = arith.constant 1 : i32
    %get3A_249 = arith.index_cast %get3A_248 : i32 to index
    %get3A_250 = arith.constant 64 : index
    %get3A_251 = tpu.vector_load %arg5[%get3A_249, %get3A_250] {strides = array<i32>} : memref<79x128xi32, #tpu.memory_space<vmem>>, vector<1x16xi32>,
    %get3A_252 = vector.shape_cast %get3A_251 : vector<1x16xi32> to vector<16xi32>
    %and3A_253 = arith.constant 16383 : i32
    %and3A_254 = vector.broadcast %and3A_253 : i32 to vector<16xi32>
    %and3A_255 = arith.andi %get3A_252, %and3A_254 : vector<16xi32>
    %swap3A_256 = arith.constant 64 : index
    %swap3A_257 = tpu.vector_load %arg7[%swap3A_256] {strides = array<i32>} : memref<128xi32, #tpu.memory_space<vmem>>, vector<16xi32>,
    %swap3A_258 = vector.shape_cast %swap3A_257 : vector<16xi32> to vector<16xi32>
    %swap3A_259 = vector.shape_cast %and3A_255 : vector<16xi32> to vector<16xi32>
    tpu.vector_store %arg7[%swap3A_256], %swap3A_259 {strides = array<i32>} : memref<128xi32, #tpu.memory_space<vmem>>, vector<16xi32>,
    %shift_right_arithmetic3A_260 = arith.constant 14 : i32
    %shift_right_arithmetic3A_261 = vector.broadcast %shift_right_arithmetic3A_260 : i32 to vector<16xi32>
    %shift_right_arithmetic3A_262 = arith.shrsi %get3A_252, %shift_right_arithmetic3A_261 : vector<16xi32>
    %swap3A_263 = arith.constant 64 : index
    %swap3A_264 = tpu.vector_load %arg9[%swap3A_263] {strides = array<i32>} : memref<128xi32, #tpu.memory_space<vmem>>, vector<16xi32>,
    %swap3A_265 = vector.shape_cast %swap3A_264 : vector<16xi32> to vector<16xi32>
    %swap3A_266 = vector.shape_cast %shift_right_arithmetic3A_262 : vector<16xi32> to vector<16xi32>
    tpu.vector_store %arg9[%swap3A_263], %swap3A_266 {strides = array<i32>} : memref<128xi32, #tpu.memory_space<vmem>>, vector<16xi32>,
    %get3A_267 = arith.constant 1 : i32
    %get3A_268 = arith.index_cast %get3A_267 : i32 to index
    %get3A_269 = arith.constant 80 : index
    %get3A_270 = tpu.vector_load %arg5[%get3A_268, %get3A_269] {strides = array<i32>} : memref<79x128xi32, #tpu.memory_space<vmem>>, vector<1x16xi32>,
    %get3A_271 = vector.shape_cast %get3A_270 : vector<1x16xi32> to vector<16xi32>
    %and3A_272 = arith.constant 16383 : i32
    %and3A_273 = vector.broadcast %and3A_272 : i32 to vector<16xi32>
    %and3A_274 = arith.andi %get3A_271, %and3A_273 : vector<16xi32>
    %swap3A_275 = arith.constant 80 : index
    %swap3A_276 = tpu.vector_load %arg7[%swap3A_275] {strides = array<i32>} : memref<128xi32, #tpu.memory_space<vmem>>, vector<16xi32>,
    %swap3A_277 = vector.shape_cast %swap3A_276 : vector<16xi32> to vector<16xi32>
    %swap3A_278 = vector.shape_cast %and3A_274 : vector<16xi32> to vector<16xi32>
    tpu.vector_store %arg7[%swap3A_275], %swap3A_278 {strides = array<i32>} : memref<128xi32, #tpu.memory_space<vmem>>, vector<16xi32>,
    %shift_right_arithmetic3A_279 = arith.constant 14 : i32
    %shift_right_arithmetic3A_280 = vector.broadcast %shift_right_arithmetic3A_279 : i32 to vector<16xi32>
    %shift_right_arithmetic3A_281 = arith.shrsi %get3A_271, %shift_right_arithmetic3A_280 : vector<16xi32>
    %swap3A_282 = arith.constant 80 : index
    %swap3A_283 = tpu.vector_load %arg9[%swap3A_282] {strides = array<i32>} : memref<128xi32, #tpu.memory_space<vmem>>, vector<16xi32>,
    %swap3A_284 = vector.shape_cast %swap3A_283 : vector<16xi32> to vector<16xi32>
    %swap3A_285 = vector.shape_cast %shift_right_arithmetic3A_281 : vector<16xi32> to vector<16xi32>
    tpu.vector_store %arg9[%swap3A_282], %swap3A_285 {strides = array<i32>} : memref<128xi32, #tpu.memory_space<vmem>>, vector<16xi32>,
    %get3A_286 = arith.constant 1 : i32
    %get3A_287 = arith.index_cast %get3A_286 : i32 to index
    %get3A_288 = arith.constant 96 : index
    %get3A_289 = tpu.vector_load %arg5[%get3A_287, %get3A_288] {strides = array<i32>} : memref<79x128xi32, #tpu.memory_space<vmem>>, vector<1x16xi32>,
    %get3A_290 = vector.shape_cast %get3A_289 : vector<1x16xi32> to vector<16xi32>
    %and3A_291 = arith.constant 16383 : i32
    %and3A_292 = vector.broadcast %and3A_291 : i32 to vector<16xi32>
    %and3A_293 = arith.andi %get3A_290, %and3A_292 : vector<16xi32>
    %swap3A_294 = arith.constant 96 : index
    %swap3A_295 = tpu.vector_load %arg7[%swap3A_294] {strides = array<i32>} : memref<128xi32, #tpu.memory_space<vmem>>, vector<16xi32>,
    %swap3A_296 = vector.shape_cast %swap3A_295 : vector<16xi32> to vector<16xi32>
    %swap3A_297 = vector.shape_cast %and3A_293 : vector<16xi32> to vector<16xi32>
    tpu.vector_store %arg7[%swap3A_294], %swap3A_297 {strides = array<i32>} : memref<128xi32, #tpu.memory_space<vmem>>, vector<16xi32>,
    %shift_right_arithmetic3A_298 = arith.constant 14 : i32
    %shift_right_arithmetic3A_299 = vector.broadcast %shift_right_arithmetic3A_298 : i32 to vector<16xi32>
    %shift_right_arithmetic3A_300 = arith.shrsi %get3A_290, %shift_right_arithmetic3A_299 : vector<16xi32>
    %swap3A_301 = arith.constant 96 : index
    %swap3A_302 = tpu.vector_load %arg9[%swap3A_301] {strides = array<i32>} : memref<128xi32, #tpu.memory_space<vmem>>, vector<16xi32>,
    %swap3A_303 = vector.shape_cast %swap3A_302 : vector<16xi32> to vector<16xi32>
    %swap3A_304 = vector.shape_cast %shift_right_arithmetic3A_300 : vector<16xi32> to vector<16xi32>
    tpu.vector_store %arg9[%swap3A_301], %swap3A_304 {strides = array<i32>} : memref<128xi32, #tpu.memory_space<vmem>>, vector<16xi32>,
    %get3A_305 = arith.constant 1 : i32
    %get3A_306 = arith.index_cast %get3A_305 : i32 to index
    %get3A_307 = arith.constant 112 : index
    %get3A_308 = tpu.vector_load %arg5[%get3A_306, %get3A_307] {strides = array<i32>} : memref<79x128xi32, #tpu.memory_space<vmem>>, vector<1x16xi32>,
    %get3A_309 = vector.shape_cast %get3A_308 : vector<1x16xi32> to vector<16xi32>
    %and3A_310 = arith.constant 16383 : i32
    %and3A_311 = vector.broadcast %and3A_310 : i32 to vector<16xi32>
    %and3A_312 = arith.andi %get3A_309, %and3A_311 : vector<16xi32>
    %swap3A_313 = arith.constant 112 : index
    %swap3A_314 = tpu.vector_load %arg7[%swap3A_313] {strides = array<i32>} : memref<128xi32, #tpu.memory_space<vmem>>, vector<16xi32>,
    %swap3A_315 = vector.shape_cast %swap3A_314 : vector<16xi32> to vector<16xi32>
    %swap3A_316 = vector.shape_cast %and3A_312 : vector<16xi32> to vector<16xi32>
    tpu.vector_store %arg7[%swap3A_313], %swap3A_316 {strides = array<i32>} : memref<128xi32, #tpu.memory_space<vmem>>, vector<16xi32>,
    %shift_right_arithmetic3A_317 = arith.constant 14 : i32
    %shift_right_arithmetic3A_318 = vector.broadcast %shift_right_arithmetic3A_317 : i32 to vector<16xi32>
    %shift_right_arithmetic3A_319 = arith.shrsi %get3A_309, %shift_right_arithmetic3A_318 : vector<16xi32>
    %swap3A_320 = arith.constant 112 : index
    %swap3A_321 = tpu.vector_load %arg9[%swap3A_320] {strides = array<i32>} : memref<128xi32, #tpu.memory_space<vmem>>, vector<16xi32>,
    %swap3A_322 = vector.shape_cast %swap3A_321 : vector<16xi32> to vector<16xi32>
    %swap3A_323 = vector.shape_cast %shift_right_arithmetic3A_319 : vector<16xi32> to vector<16xi32>
    tpu.vector_store %arg9[%swap3A_320], %swap3A_323 {strides = array<i32>} : memref<128xi32, #tpu.memory_space<vmem>>, vector<16xi32>,
    %dma_start3A_324 = arith.constant 0 : i32
    %dma_start3A_325 = arith.constant 0 : i32
    %dma_start3A_326 = tpu.memref_slice %arg2[%dma_start3A_324, %dma_start3A_325] : memref<10000x128xf32, #tpu.memory_space<hbm>> -> memref<10000x128xf32, #tpu.memory_space<hbm>>
    tpu.enqueue_indirect_dma source(%dma_start3A_326 : memref<10000x128xf32, #tpu.memory_space<hbm>>) target(%arg11 : memref<128x128xf32, #tpu.memory_space<vmem>>) offsets(%arg7 : memref<128xi32, #tpu.memory_space<vmem>>) semaphore(%arg14 : memref<!tpu.dma_semaphore, #tpu.memory_space<semaphore_mem>>)
    %scan3A_327 = arith.constant 0 : i32
    %scan3A_328 = arith.constant 0 : i32
    %scan3A_329 = arith.constant 39 : i32
    %scan3A_330 = arith.addi %scan3A_328, %scan3A_329 : i32
    %scan3A_331 = arith.constant 1 : i32
    %scan3A_332 = scf.for %scan3A_349 = %scan3A_328 to %scan3A_330 step %scan3A_331 iter_args(%scan3A_350 = %scan3A_327) -> (i32)  : i32 {
      %mul3A_351 = arith.constant 2 : i32
      %mul3A_352 = arith.muli %mul3A_351, %scan3A_349 : i32
      %add3A_353 = arith.constant 2 : i32
      %add3A_354 = arith.addi %mul3A_352, %add3A_353 : i32
      %mul3A_355 = arith.constant 2 : i32
      %mul3A_356 = arith.muli %mul3A_355, %scan3A_349 : i32
      %add3A_357 = arith.constant 3 : i32
      %add3A_358 = arith.addi %mul3A_356, %add3A_357 : i32
      %dma_wait3A_359 = arith.constant 0 : i32
      %dma_wait3A_360 = arith.constant 0 : i32
      %dma_wait3A_361 = tpu.memref_slice %arg2[%dma_wait3A_359, %dma_wait3A_360] : memref<10000x128xf32, #tpu.memory_space<hbm>> -> memref<10000x128xf32, #tpu.memory_space<hbm>>
      tpu.wait_indirect_dma semaphore(%arg13 : memref<!tpu.dma_semaphore, #tpu.memory_space<semaphore_mem>>) src(%dma_wait3A_361 : memref<10000x128xf32, #tpu.memory_space<hbm>>) dst(%arg10 : memref<128x128xf32, #tpu.memory_space<vmem>>)
      "tpu.region"() ({
        %run_scoped3A = tpu.sem_alloc : memref<!tpu.dma_semaphore, #tpu.memory_space<semaphore_mem>>
        %dma_start3A_374 = arith.constant 0 : i32
        %dma_start3A_375 = arith.constant 0 : i32
        %dma_start3A_376 = tpu.memref_slice %arg12[%dma_start3A_374, %dma_start3A_375] : memref<10008x128xf32, #tpu.memory_space<vmem_shared>> -> memref<10008x128xf32, #tpu.memory_space<vmem_shared>>
        tpu.enqueue_indirect_dma source(%arg10 : memref<128x128xf32, #tpu.memory_space<vmem>>) target(%dma_start3A_376 : memref<10008x128xf32, #tpu.memory_space<vmem_shared>>) offsets(%arg8 : memref<128xi32, #tpu.memory_space<vmem>>) semaphore(%run_scoped3A : memref<!tpu.dma_semaphore, #tpu.memory_space<semaphore_mem>>) {add = true}
        %dma_wait3A_377 = arith.constant 0 : i32
        %dma_wait3A_378 = arith.constant 0 : i32
        %dma_wait3A_379 = tpu.memref_slice %arg12[%dma_wait3A_377, %dma_wait3A_378] : memref<10008x128xf32, #tpu.memory_space<vmem_shared>> -> memref<10008x128xf32, #tpu.memory_space<vmem_shared>>
        tpu.wait_indirect_dma semaphore(%run_scoped3A : memref<!tpu.dma_semaphore, #tpu.memory_space<semaphore_mem>>) src(%arg10 : memref<128x128xf32, #tpu.memory_space<vmem>>) dst(%dma_wait3A_379 : memref<10008x128xf32, #tpu.memory_space<vmem_shared>>)
        tpu.yield
      }) : () -> ()
      %lt3A_362 = arith.constant 79 : i32
      %lt3A_363 = arith.cmpi slt, %add3A_354, %lt3A_362 : i32
      %convert_element_type3A = arith.extui %lt3A_363 : i1 to i32
      %cond3A = arith.constant 0 : i32
      %cond3A_364 = arith.cmpi ne, %convert_element_type3A, %cond3A : i32
      scf.if %cond3A_364 {
        %get3A_374 = arith.index_cast %add3A_354 : i32 to index
        %get3A_375 = arith.constant 0 : index
        %get3A_376 = tpu.vector_load %arg5[%get3A_374, %get3A_375] {strides = array<i32>} : memref<79x128xi32, #tpu.memory_space<vmem>>, vector<1x16xi32>,
        %get3A_377 = vector.shape_cast %get3A_376 : vector<1x16xi32> to vector<16xi32>
        %and3A_378 = arith.constant 16383 : i32
        %and3A_379 = vector.broadcast %and3A_378 : i32 to vector<16xi32>
        %and3A_380 = arith.andi %get3A_377, %and3A_379 : vector<16xi32>
        %swap3A_381 = arith.constant 0 : index
        %swap3A_382 = tpu.vector_load %arg6[%swap3A_381] {strides = array<i32>} : memref<128xi32, #tpu.memory_space<vmem>>, vector<16xi32>,
        %swap3A_383 = vector.shape_cast %swap3A_382 : vector<16xi32> to vector<16xi32>
        %swap3A_384 = vector.shape_cast %and3A_380 : vector<16xi32> to vector<16xi32>
        tpu.vector_store %arg6[%swap3A_381], %swap3A_384 {strides = array<i32>} : memref<128xi32, #tpu.memory_space<vmem>>, vector<16xi32>,
        %shift_right_arithmetic3A_385 = arith.constant 14 : i32
        %shift_right_arithmetic3A_386 = vector.broadcast %shift_right_arithmetic3A_385 : i32 to vector<16xi32>
        %shift_right_arithmetic3A_387 = arith.shrsi %get3A_377, %shift_right_arithmetic3A_386 : vector<16xi32>
        %swap3A_388 = arith.constant 0 : index
        %swap3A_389 = tpu.vector_load %arg8[%swap3A_388] {strides = array<i32>} : memref<128xi32, #tpu.memory_space<vmem>>, vector<16xi32>,
        %swap3A_390 = vector.shape_cast %swap3A_389 : vector<16xi32> to vector<16xi32>
        %swap3A_391 = vector.shape_cast %shift_right_arithmetic3A_387 : vector<16xi32> to vector<16xi32>
        tpu.vector_store %arg8[%swap3A_388], %swap3A_391 {strides = array<i32>} : memref<128xi32, #tpu.memory_space<vmem>>, vector<16xi32>,
        %get3A_392 = arith.index_cast %add3A_354 : i32 to index
        %get3A_393 = arith.constant 16 : index
        %get3A_394 = tpu.vector_load %arg5[%get3A_392, %get3A_393] {strides = array<i32>} : memref<79x128xi32, #tpu.memory_space<vmem>>, vector<1x16xi32>,
        %get3A_395 = vector.shape_cast %get3A_394 : vector<1x16xi32> to vector<16xi32>
        %and3A_396 = arith.constant 16383 : i32
        %and3A_397 = vector.broadcast %and3A_396 : i32 to vector<16xi32>
        %and3A_398 = arith.andi %get3A_395, %and3A_397 : vector<16xi32>
        %swap3A_399 = arith.constant 16 : index
        %swap3A_400 = tpu.vector_load %arg6[%swap3A_399] {strides = array<i32>} : memref<128xi32, #tpu.memory_space<vmem>>, vector<16xi32>,
        %swap3A_401 = vector.shape_cast %swap3A_400 : vector<16xi32> to vector<16xi32>
        %swap3A_402 = vector.shape_cast %and3A_398 : vector<16xi32> to vector<16xi32>
        tpu.vector_store %arg6[%swap3A_399], %swap3A_402 {strides = array<i32>} : memref<128xi32, #tpu.memory_space<vmem>>, vector<16xi32>,
        %shift_right_arithmetic3A_403 = arith.constant 14 : i32
        %shift_right_arithmetic3A_404 = vector.broadcast %shift_right_arithmetic3A_403 : i32 to vector<16xi32>
        %shift_right_arithmetic3A_405 = arith.shrsi %get3A_395, %shift_right_arithmetic3A_404 : vector<16xi32>
        %swap3A_406 = arith.constant 16 : index
        %swap3A_407 = tpu.vector_load %arg8[%swap3A_406] {strides = array<i32>} : memref<128xi32, #tpu.memory_space<vmem>>, vector<16xi32>,
        %swap3A_408 = vector.shape_cast %swap3A_407 : vector<16xi32> to vector<16xi32>
        %swap3A_409 = vector.shape_cast %shift_right_arithmetic3A_405 : vector<16xi32> to vector<16xi32>
        tpu.vector_store %arg8[%swap3A_406], %swap3A_409 {strides = array<i32>} : memref<128xi32, #tpu.memory_space<vmem>>, vector<16xi32>,
        %get3A_410 = arith.index_cast %add3A_354 : i32 to index
        %get3A_411 = arith.constant 32 : index
        %get3A_412 = tpu.vector_load %arg5[%get3A_410, %get3A_411] {strides = array<i32>} : memref<79x128xi32, #tpu.memory_space<vmem>>, vector<1x16xi32>,
        %get3A_413 = vector.shape_cast %get3A_412 : vector<1x16xi32> to vector<16xi32>
        %and3A_414 = arith.constant 16383 : i32
        %and3A_415 = vector.broadcast %and3A_414 : i32 to vector<16xi32>
        %and3A_416 = arith.andi %get3A_413, %and3A_415 : vector<16xi32>
        %swap3A_417 = arith.constant 32 : index
        %swap3A_418 = tpu.vector_load %arg6[%swap3A_417] {strides = array<i32>} : memref<128xi32, #tpu.memory_space<vmem>>, vector<16xi32>,
        %swap3A_419 = vector.shape_cast %swap3A_418 : vector<16xi32> to vector<16xi32>
        %swap3A_420 = vector.shape_cast %and3A_416 : vector<16xi32> to vector<16xi32>
        tpu.vector_store %arg6[%swap3A_417], %swap3A_420 {strides = array<i32>} : memref<128xi32, #tpu.memory_space<vmem>>, vector<16xi32>,
        %shift_right_arithmetic3A_421 = arith.constant 14 : i32
        %shift_right_arithmetic3A_422 = vector.broadcast %shift_right_arithmetic3A_421 : i32 to vector<16xi32>
        %shift_right_arithmetic3A_423 = arith.shrsi %get3A_413, %shift_right_arithmetic3A_422 : vector<16xi32>
        %swap3A_424 = arith.constant 32 : index
        %swap3A_425 = tpu.vector_load %arg8[%swap3A_424] {strides = array<i32>} : memref<128xi32, #tpu.memory_space<vmem>>, vector<16xi32>,
        %swap3A_426 = vector.shape_cast %swap3A_425 : vector<16xi32> to vector<16xi32>
        %swap3A_427 = vector.shape_cast %shift_right_arithmetic3A_423 : vector<16xi32> to vector<16xi32>
        tpu.vector_store %arg8[%swap3A_424], %swap3A_427 {strides = array<i32>} : memref<128xi32, #tpu.memory_space<vmem>>, vector<16xi32>,
        %get3A_428 = arith.index_cast %add3A_354 : i32 to index
        %get3A_429 = arith.constant 48 : index
        %get3A_430 = tpu.vector_load %arg5[%get3A_428, %get3A_429] {strides = array<i32>} : memref<79x128xi32, #tpu.memory_space<vmem>>, vector<1x16xi32>,
        %get3A_431 = vector.shape_cast %get3A_430 : vector<1x16xi32> to vector<16xi32>
        %and3A_432 = arith.constant 16383 : i32
        %and3A_433 = vector.broadcast %and3A_432 : i32 to vector<16xi32>
        %and3A_434 = arith.andi %get3A_431, %and3A_433 : vector<16xi32>
        %swap3A_435 = arith.constant 48 : index
        %swap3A_436 = tpu.vector_load %arg6[%swap3A_435] {strides = array<i32>} : memref<128xi32, #tpu.memory_space<vmem>>, vector<16xi32>,
        %swap3A_437 = vector.shape_cast %swap3A_436 : vector<16xi32> to vector<16xi32>
        %swap3A_438 = vector.shape_cast %and3A_434 : vector<16xi32> to vector<16xi32>
        tpu.vector_store %arg6[%swap3A_435], %swap3A_438 {strides = array<i32>} : memref<128xi32, #tpu.memory_space<vmem>>, vector<16xi32>,
        %shift_right_arithmetic3A_439 = arith.constant 14 : i32
        %shift_right_arithmetic3A_440 = vector.broadcast %shift_right_arithmetic3A_439 : i32 to vector<16xi32>
        %shift_right_arithmetic3A_441 = arith.shrsi %get3A_431, %shift_right_arithmetic3A_440 : vector<16xi32>
        %swap3A_442 = arith.constant 48 : index
        %swap3A_443 = tpu.vector_load %arg8[%swap3A_442] {strides = array<i32>} : memref<128xi32, #tpu.memory_space<vmem>>, vector<16xi32>,
        %swap3A_444 = vector.shape_cast %swap3A_443 : vector<16xi32> to vector<16xi32>
        %swap3A_445 = vector.shape_cast %shift_right_arithmetic3A_441 : vector<16xi32> to vector<16xi32>
        tpu.vector_store %arg8[%swap3A_442], %swap3A_445 {strides = array<i32>} : memref<128xi32, #tpu.memory_space<vmem>>, vector<16xi32>,
        %get3A_446 = arith.index_cast %add3A_354 : i32 to index
        %get3A_447 = arith.constant 64 : index
        %get3A_448 = tpu.vector_load %arg5[%get3A_446, %get3A_447] {strides = array<i32>} : memref<79x128xi32, #tpu.memory_space<vmem>>, vector<1x16xi32>,
        %get3A_449 = vector.shape_cast %get3A_448 : vector<1x16xi32> to vector<16xi32>
        %and3A_450 = arith.constant 16383 : i32
        %and3A_451 = vector.broadcast %and3A_450 : i32 to vector<16xi32>
        %and3A_452 = arith.andi %get3A_449, %and3A_451 : vector<16xi32>
        %swap3A_453 = arith.constant 64 : index
        %swap3A_454 = tpu.vector_load %arg6[%swap3A_453] {strides = array<i32>} : memref<128xi32, #tpu.memory_space<vmem>>, vector<16xi32>,
        %swap3A_455 = vector.shape_cast %swap3A_454 : vector<16xi32> to vector<16xi32>
        %swap3A_456 = vector.shape_cast %and3A_452 : vector<16xi32> to vector<16xi32>
        tpu.vector_store %arg6[%swap3A_453], %swap3A_456 {strides = array<i32>} : memref<128xi32, #tpu.memory_space<vmem>>, vector<16xi32>,
        %shift_right_arithmetic3A_457 = arith.constant 14 : i32
        %shift_right_arithmetic3A_458 = vector.broadcast %shift_right_arithmetic3A_457 : i32 to vector<16xi32>
        %shift_right_arithmetic3A_459 = arith.shrsi %get3A_449, %shift_right_arithmetic3A_458 : vector<16xi32>
        %swap3A_460 = arith.constant 64 : index
        %swap3A_461 = tpu.vector_load %arg8[%swap3A_460] {strides = array<i32>} : memref<128xi32, #tpu.memory_space<vmem>>, vector<16xi32>,
        %swap3A_462 = vector.shape_cast %swap3A_461 : vector<16xi32> to vector<16xi32>
        %swap3A_463 = vector.shape_cast %shift_right_arithmetic3A_459 : vector<16xi32> to vector<16xi32>
        tpu.vector_store %arg8[%swap3A_460], %swap3A_463 {strides = array<i32>} : memref<128xi32, #tpu.memory_space<vmem>>, vector<16xi32>,
        %get3A_464 = arith.index_cast %add3A_354 : i32 to index
        %get3A_465 = arith.constant 80 : index
        %get3A_466 = tpu.vector_load %arg5[%get3A_464, %get3A_465] {strides = array<i32>} : memref<79x128xi32, #tpu.memory_space<vmem>>, vector<1x16xi32>,
        %get3A_467 = vector.shape_cast %get3A_466 : vector<1x16xi32> to vector<16xi32>
        %and3A_468 = arith.constant 16383 : i32
        %and3A_469 = vector.broadcast %and3A_468 : i32 to vector<16xi32>
        %and3A_470 = arith.andi %get3A_467, %and3A_469 : vector<16xi32>
        %swap3A_471 = arith.constant 80 : index
        %swap3A_472 = tpu.vector_load %arg6[%swap3A_471] {strides = array<i32>} : memref<128xi32, #tpu.memory_space<vmem>>, vector<16xi32>,
        %swap3A_473 = vector.shape_cast %swap3A_472 : vector<16xi32> to vector<16xi32>
        %swap3A_474 = vector.shape_cast %and3A_470 : vector<16xi32> to vector<16xi32>
        tpu.vector_store %arg6[%swap3A_471], %swap3A_474 {strides = array<i32>} : memref<128xi32, #tpu.memory_space<vmem>>, vector<16xi32>,
        %shift_right_arithmetic3A_475 = arith.constant 14 : i32
        %shift_right_arithmetic3A_476 = vector.broadcast %shift_right_arithmetic3A_475 : i32 to vector<16xi32>
        %shift_right_arithmetic3A_477 = arith.shrsi %get3A_467, %shift_right_arithmetic3A_476 : vector<16xi32>
        %swap3A_478 = arith.constant 80 : index
        %swap3A_479 = tpu.vector_load %arg8[%swap3A_478] {strides = array<i32>} : memref<128xi32, #tpu.memory_space<vmem>>, vector<16xi32>,
        %swap3A_480 = vector.shape_cast %swap3A_479 : vector<16xi32> to vector<16xi32>
        %swap3A_481 = vector.shape_cast %shift_right_arithmetic3A_477 : vector<16xi32> to vector<16xi32>
        tpu.vector_store %arg8[%swap3A_478], %swap3A_481 {strides = array<i32>} : memref<128xi32, #tpu.memory_space<vmem>>, vector<16xi32>,
        %get3A_482 = arith.index_cast %add3A_354 : i32 to index
        %get3A_483 = arith.constant 96 : index
        %get3A_484 = tpu.vector_load %arg5[%get3A_482, %get3A_483] {strides = array<i32>} : memref<79x128xi32, #tpu.memory_space<vmem>>, vector<1x16xi32>,
        %get3A_485 = vector.shape_cast %get3A_484 : vector<1x16xi32> to vector<16xi32>
        %and3A_486 = arith.constant 16383 : i32
        %and3A_487 = vector.broadcast %and3A_486 : i32 to vector<16xi32>
        %and3A_488 = arith.andi %get3A_485, %and3A_487 : vector<16xi32>
        %swap3A_489 = arith.constant 96 : index
        %swap3A_490 = tpu.vector_load %arg6[%swap3A_489] {strides = array<i32>} : memref<128xi32, #tpu.memory_space<vmem>>, vector<16xi32>,
        %swap3A_491 = vector.shape_cast %swap3A_490 : vector<16xi32> to vector<16xi32>
        %swap3A_492 = vector.shape_cast %and3A_488 : vector<16xi32> to vector<16xi32>
        tpu.vector_store %arg6[%swap3A_489], %swap3A_492 {strides = array<i32>} : memref<128xi32, #tpu.memory_space<vmem>>, vector<16xi32>,
        %shift_right_arithmetic3A_493 = arith.constant 14 : i32
        %shift_right_arithmetic3A_494 = vector.broadcast %shift_right_arithmetic3A_493 : i32 to vector<16xi32>
        %shift_right_arithmetic3A_495 = arith.shrsi %get3A_485, %shift_right_arithmetic3A_494 : vector<16xi32>
        %swap3A_496 = arith.constant 96 : index
        %swap3A_497 = tpu.vector_load %arg8[%swap3A_496] {strides = array<i32>} : memref<128xi32, #tpu.memory_space<vmem>>, vector<16xi32>,
        %swap3A_498 = vector.shape_cast %swap3A_497 : vector<16xi32> to vector<16xi32>
        %swap3A_499 = vector.shape_cast %shift_right_arithmetic3A_495 : vector<16xi32> to vector<16xi32>
        tpu.vector_store %arg8[%swap3A_496], %swap3A_499 {strides = array<i32>} : memref<128xi32, #tpu.memory_space<vmem>>, vector<16xi32>,
        %get3A_500 = arith.index_cast %add3A_354 : i32 to index
        %get3A_501 = arith.constant 112 : index
        %get3A_502 = tpu.vector_load %arg5[%get3A_500, %get3A_501] {strides = array<i32>} : memref<79x128xi32, #tpu.memory_space<vmem>>, vector<1x16xi32>,
        %get3A_503 = vector.shape_cast %get3A_502 : vector<1x16xi32> to vector<16xi32>
        %and3A_504 = arith.constant 16383 : i32
        %and3A_505 = vector.broadcast %and3A_504 : i32 to vector<16xi32>
        %and3A_506 = arith.andi %get3A_503, %and3A_505 : vector<16xi32>
        %swap3A_507 = arith.constant 112 : index
        %swap3A_508 = tpu.vector_load %arg6[%swap3A_507] {strides = array<i32>} : memref<128xi32, #tpu.memory_space<vmem>>, vector<16xi32>,
        %swap3A_509 = vector.shape_cast %swap3A_508 : vector<16xi32> to vector<16xi32>
        %swap3A_510 = vector.shape_cast %and3A_506 : vector<16xi32> to vector<16xi32>
        tpu.vector_store %arg6[%swap3A_507], %swap3A_510 {strides = array<i32>} : memref<128xi32, #tpu.memory_space<vmem>>, vector<16xi32>,
        %shift_right_arithmetic3A_511 = arith.constant 14 : i32
        %shift_right_arithmetic3A_512 = vector.broadcast %shift_right_arithmetic3A_511 : i32 to vector<16xi32>
        %shift_right_arithmetic3A_513 = arith.shrsi %get3A_503, %shift_right_arithmetic3A_512 : vector<16xi32>
        %swap3A_514 = arith.constant 112 : index
        %swap3A_515 = tpu.vector_load %arg8[%swap3A_514] {strides = array<i32>} : memref<128xi32, #tpu.memory_space<vmem>>, vector<16xi32>,
        %swap3A_516 = vector.shape_cast %swap3A_515 : vector<16xi32> to vector<16xi32>
        %swap3A_517 = vector.shape_cast %shift_right_arithmetic3A_513 : vector<16xi32> to vector<16xi32>
        tpu.vector_store %arg8[%swap3A_514], %swap3A_517 {strides = array<i32>} : memref<128xi32, #tpu.memory_space<vmem>>, vector<16xi32>,
        %dma_start3A_518 = arith.constant 0 : i32
        %dma_start3A_519 = arith.constant 0 : i32
        %dma_start3A_520 = tpu.memref_slice %arg2[%dma_start3A_518, %dma_start3A_519] : memref<10000x128xf32, #tpu.memory_space<hbm>> -> memref<10000x128xf32, #tpu.memory_space<hbm>>
        tpu.enqueue_indirect_dma source(%dma_start3A_520 : memref<10000x128xf32, #tpu.memory_space<hbm>>) target(%arg10 : memref<128x128xf32, #tpu.memory_space<vmem>>) offsets(%arg6 : memref<128xi32, #tpu.memory_space<vmem>>) semaphore(%arg13 : memref<!tpu.dma_semaphore, #tpu.memory_space<semaphore_mem>>)
      } else {
      }
      %dma_wait3A_365 = arith.constant 0 : i32
      %dma_wait3A_366 = arith.constant 0 : i32
      %dma_wait3A_367 = tpu.memref_slice %arg2[%dma_wait3A_365, %dma_wait3A_366] : memref<10000x128xf32, #tpu.memory_space<hbm>> -> memref<10000x128xf32, #tpu.memory_space<hbm>>
      tpu.wait_indirect_dma semaphore(%arg14 : memref<!tpu.dma_semaphore, #tpu.memory_space<semaphore_mem>>) src(%dma_wait3A_367 : memref<10000x128xf32, #tpu.memory_space<hbm>>) dst(%arg11 : memref<128x128xf32, #tpu.memory_space<vmem>>)
      "tpu.region"() ({
        %run_scoped3A = tpu.sem_alloc : memref<!tpu.dma_semaphore, #tpu.memory_space<semaphore_mem>>
        %dma_start3A_374 = arith.constant 0 : i32
        %dma_start3A_375 = arith.constant 0 : i32
        %dma_start3A_376 = tpu.memref_slice %arg12[%dma_start3A_374, %dma_start3A_375] : memref<10008x128xf32, #tpu.memory_space<vmem_shared>> -> memref<10008x128xf32, #tpu.memory_space<vmem_shared>>
        tpu.enqueue_indirect_dma source(%arg11 : memref<128x128xf32, #tpu.memory_space<vmem>>) target(%dma_start3A_376 : memref<10008x128xf32, #tpu.memory_space<vmem_shared>>) offsets(%arg9 : memref<128xi32, #tpu.memory_space<vmem>>) semaphore(%run_scoped3A : memref<!tpu.dma_semaphore, #tpu.memory_space<semaphore_mem>>) {add = true}
        %dma_wait3A_377 = arith.constant 0 : i32
        %dma_wait3A_378 = arith.constant 0 : i32
        %dma_wait3A_379 = tpu.memref_slice %arg12[%dma_wait3A_377, %dma_wait3A_378] : memref<10008x128xf32, #tpu.memory_space<vmem_shared>> -> memref<10008x128xf32, #tpu.memory_space<vmem_shared>>
        tpu.wait_indirect_dma semaphore(%run_scoped3A : memref<!tpu.dma_semaphore, #tpu.memory_space<semaphore_mem>>) src(%arg11 : memref<128x128xf32, #tpu.memory_space<vmem>>) dst(%dma_wait3A_379 : memref<10008x128xf32, #tpu.memory_space<vmem_shared>>)
        tpu.yield
      }) : () -> ()
      %lt3A_368 = arith.constant 79 : i32
      %lt3A_369 = arith.cmpi slt, %add3A_358, %lt3A_368 : i32
      %convert_element_type3A_370 = arith.extui %lt3A_369 : i1 to i32
      %cond3A_371 = arith.constant 0 : i32
      %cond3A_372 = arith.cmpi ne, %convert_element_type3A_370, %cond3A_371 : i32
      scf.if %cond3A_372 {
        %get3A_374 = arith.index_cast %add3A_358 : i32 to index
        %get3A_375 = arith.constant 0 : index
        %get3A_376 = tpu.vector_load %arg5[%get3A_374, %get3A_375] {strides = array<i32>} : memref<79x128xi32, #tpu.memory_space<vmem>>, vector<1x16xi32>,
        %get3A_377 = vector.shape_cast %get3A_376 : vector<1x16xi32> to vector<16xi32>
        %and3A_378 = arith.constant 16383 : i32
        %and3A_379 = vector.broadcast %and3A_378 : i32 to vector<16xi32>
        %and3A_380 = arith.andi %get3A_377, %and3A_379 : vector<16xi32>
        %swap3A_381 = arith.constant 0 : index
        %swap3A_382 = tpu.vector_load %arg7[%swap3A_381] {strides = array<i32>} : memref<128xi32, #tpu.memory_space<vmem>>, vector<16xi32>,
        %swap3A_383 = vector.shape_cast %swap3A_382 : vector<16xi32> to vector<16xi32>
        %swap3A_384 = vector.shape_cast %and3A_380 : vector<16xi32> to vector<16xi32>
        tpu.vector_store %arg7[%swap3A_381], %swap3A_384 {strides = array<i32>} : memref<128xi32, #tpu.memory_space<vmem>>, vector<16xi32>,
        %shift_right_arithmetic3A_385 = arith.constant 14 : i32
        %shift_right_arithmetic3A_386 = vector.broadcast %shift_right_arithmetic3A_385 : i32 to vector<16xi32>
        %shift_right_arithmetic3A_387 = arith.shrsi %get3A_377, %shift_right_arithmetic3A_386 : vector<16xi32>
        %swap3A_388 = arith.constant 0 : index
        %swap3A_389 = tpu.vector_load %arg9[%swap3A_388] {strides = array<i32>} : memref<128xi32, #tpu.memory_space<vmem>>, vector<16xi32>,
        %swap3A_390 = vector.shape_cast %swap3A_389 : vector<16xi32> to vector<16xi32>
        %swap3A_391 = vector.shape_cast %shift_right_arithmetic3A_387 : vector<16xi32> to vector<16xi32>
        tpu.vector_store %arg9[%swap3A_388], %swap3A_391 {strides = array<i32>} : memref<128xi32, #tpu.memory_space<vmem>>, vector<16xi32>,
        %get3A_392 = arith.index_cast %add3A_358 : i32 to index
        %get3A_393 = arith.constant 16 : index
        %get3A_394 = tpu.vector_load %arg5[%get3A_392, %get3A_393] {strides = array<i32>} : memref<79x128xi32, #tpu.memory_space<vmem>>, vector<1x16xi32>,
        %get3A_395 = vector.shape_cast %get3A_394 : vector<1x16xi32> to vector<16xi32>
        %and3A_396 = arith.constant 16383 : i32
        %and3A_397 = vector.broadcast %and3A_396 : i32 to vector<16xi32>
        %and3A_398 = arith.andi %get3A_395, %and3A_397 : vector<16xi32>
        %swap3A_399 = arith.constant 16 : index
        %swap3A_400 = tpu.vector_load %arg7[%swap3A_399] {strides = array<i32>} : memref<128xi32, #tpu.memory_space<vmem>>, vector<16xi32>,
        %swap3A_401 = vector.shape_cast %swap3A_400 : vector<16xi32> to vector<16xi32>
        %swap3A_402 = vector.shape_cast %and3A_398 : vector<16xi32> to vector<16xi32>
        tpu.vector_store %arg7[%swap3A_399], %swap3A_402 {strides = array<i32>} : memref<128xi32, #tpu.memory_space<vmem>>, vector<16xi32>,
        %shift_right_arithmetic3A_403 = arith.constant 14 : i32
        %shift_right_arithmetic3A_404 = vector.broadcast %shift_right_arithmetic3A_403 : i32 to vector<16xi32>
        %shift_right_arithmetic3A_405 = arith.shrsi %get3A_395, %shift_right_arithmetic3A_404 : vector<16xi32>
        %swap3A_406 = arith.constant 16 : index
        %swap3A_407 = tpu.vector_load %arg9[%swap3A_406] {strides = array<i32>} : memref<128xi32, #tpu.memory_space<vmem>>, vector<16xi32>,
        %swap3A_408 = vector.shape_cast %swap3A_407 : vector<16xi32> to vector<16xi32>
        %swap3A_409 = vector.shape_cast %shift_right_arithmetic3A_405 : vector<16xi32> to vector<16xi32>
        tpu.vector_store %arg9[%swap3A_406], %swap3A_409 {strides = array<i32>} : memref<128xi32, #tpu.memory_space<vmem>>, vector<16xi32>,
        %get3A_410 = arith.index_cast %add3A_358 : i32 to index
        %get3A_411 = arith.constant 32 : index
        %get3A_412 = tpu.vector_load %arg5[%get3A_410, %get3A_411] {strides = array<i32>} : memref<79x128xi32, #tpu.memory_space<vmem>>, vector<1x16xi32>,
        %get3A_413 = vector.shape_cast %get3A_412 : vector<1x16xi32> to vector<16xi32>
        %and3A_414 = arith.constant 16383 : i32
        %and3A_415 = vector.broadcast %and3A_414 : i32 to vector<16xi32>
        %and3A_416 = arith.andi %get3A_413, %and3A_415 : vector<16xi32>
        %swap3A_417 = arith.constant 32 : index
        %swap3A_418 = tpu.vector_load %arg7[%swap3A_417] {strides = array<i32>} : memref<128xi32, #tpu.memory_space<vmem>>, vector<16xi32>,
        %swap3A_419 = vector.shape_cast %swap3A_418 : vector<16xi32> to vector<16xi32>
        %swap3A_420 = vector.shape_cast %and3A_416 : vector<16xi32> to vector<16xi32>
        tpu.vector_store %arg7[%swap3A_417], %swap3A_420 {strides = array<i32>} : memref<128xi32, #tpu.memory_space<vmem>>, vector<16xi32>,
        %shift_right_arithmetic3A_421 = arith.constant 14 : i32
        %shift_right_arithmetic3A_422 = vector.broadcast %shift_right_arithmetic3A_421 : i32 to vector<16xi32>
        %shift_right_arithmetic3A_423 = arith.shrsi %get3A_413, %shift_right_arithmetic3A_422 : vector<16xi32>
        %swap3A_424 = arith.constant 32 : index
        %swap3A_425 = tpu.vector_load %arg9[%swap3A_424] {strides = array<i32>} : memref<128xi32, #tpu.memory_space<vmem>>, vector<16xi32>,
        %swap3A_426 = vector.shape_cast %swap3A_425 : vector<16xi32> to vector<16xi32>
        %swap3A_427 = vector.shape_cast %shift_right_arithmetic3A_423 : vector<16xi32> to vector<16xi32>
        tpu.vector_store %arg9[%swap3A_424], %swap3A_427 {strides = array<i32>} : memref<128xi32, #tpu.memory_space<vmem>>, vector<16xi32>,
        %get3A_428 = arith.index_cast %add3A_358 : i32 to index
        %get3A_429 = arith.constant 48 : index
        %get3A_430 = tpu.vector_load %arg5[%get3A_428, %get3A_429] {strides = array<i32>} : memref<79x128xi32, #tpu.memory_space<vmem>>, vector<1x16xi32>,
        %get3A_431 = vector.shape_cast %get3A_430 : vector<1x16xi32> to vector<16xi32>
        %and3A_432 = arith.constant 16383 : i32
        %and3A_433 = vector.broadcast %and3A_432 : i32 to vector<16xi32>
        %and3A_434 = arith.andi %get3A_431, %and3A_433 : vector<16xi32>
        %swap3A_435 = arith.constant 48 : index
        %swap3A_436 = tpu.vector_load %arg7[%swap3A_435] {strides = array<i32>} : memref<128xi32, #tpu.memory_space<vmem>>, vector<16xi32>,
        %swap3A_437 = vector.shape_cast %swap3A_436 : vector<16xi32> to vector<16xi32>
        %swap3A_438 = vector.shape_cast %and3A_434 : vector<16xi32> to vector<16xi32>
        tpu.vector_store %arg7[%swap3A_435], %swap3A_438 {strides = array<i32>} : memref<128xi32, #tpu.memory_space<vmem>>, vector<16xi32>,
        %shift_right_arithmetic3A_439 = arith.constant 14 : i32
        %shift_right_arithmetic3A_440 = vector.broadcast %shift_right_arithmetic3A_439 : i32 to vector<16xi32>
        %shift_right_arithmetic3A_441 = arith.shrsi %get3A_431, %shift_right_arithmetic3A_440 : vector<16xi32>
        %swap3A_442 = arith.constant 48 : index
        %swap3A_443 = tpu.vector_load %arg9[%swap3A_442] {strides = array<i32>} : memref<128xi32, #tpu.memory_space<vmem>>, vector<16xi32>,
        %swap3A_444 = vector.shape_cast %swap3A_443 : vector<16xi32> to vector<16xi32>
        %swap3A_445 = vector.shape_cast %shift_right_arithmetic3A_441 : vector<16xi32> to vector<16xi32>
        tpu.vector_store %arg9[%swap3A_442], %swap3A_445 {strides = array<i32>} : memref<128xi32, #tpu.memory_space<vmem>>, vector<16xi32>,
        %get3A_446 = arith.index_cast %add3A_358 : i32 to index
        %get3A_447 = arith.constant 64 : index
        %get3A_448 = tpu.vector_load %arg5[%get3A_446, %get3A_447] {strides = array<i32>} : memref<79x128xi32, #tpu.memory_space<vmem>>, vector<1x16xi32>,
        %get3A_449 = vector.shape_cast %get3A_448 : vector<1x16xi32> to vector<16xi32>
        %and3A_450 = arith.constant 16383 : i32
        %and3A_451 = vector.broadcast %and3A_450 : i32 to vector<16xi32>
        %and3A_452 = arith.andi %get3A_449, %and3A_451 : vector<16xi32>
        %swap3A_453 = arith.constant 64 : index
        %swap3A_454 = tpu.vector_load %arg7[%swap3A_453] {strides = array<i32>} : memref<128xi32, #tpu.memory_space<vmem>>, vector<16xi32>,
        %swap3A_455 = vector.shape_cast %swap3A_454 : vector<16xi32> to vector<16xi32>
        %swap3A_456 = vector.shape_cast %and3A_452 : vector<16xi32> to vector<16xi32>
        tpu.vector_store %arg7[%swap3A_453], %swap3A_456 {strides = array<i32>} : memref<128xi32, #tpu.memory_space<vmem>>, vector<16xi32>,
        %shift_right_arithmetic3A_457 = arith.constant 14 : i32
        %shift_right_arithmetic3A_458 = vector.broadcast %shift_right_arithmetic3A_457 : i32 to vector<16xi32>
        %shift_right_arithmetic3A_459 = arith.shrsi %get3A_449, %shift_right_arithmetic3A_458 : vector<16xi32>
        %swap3A_460 = arith.constant 64 : index
        %swap3A_461 = tpu.vector_load %arg9[%swap3A_460] {strides = array<i32>} : memref<128xi32, #tpu.memory_space<vmem>>, vector<16xi32>,
        %swap3A_462 = vector.shape_cast %swap3A_461 : vector<16xi32> to vector<16xi32>
        %swap3A_463 = vector.shape_cast %shift_right_arithmetic3A_459 : vector<16xi32> to vector<16xi32>
        tpu.vector_store %arg9[%swap3A_460], %swap3A_463 {strides = array<i32>} : memref<128xi32, #tpu.memory_space<vmem>>, vector<16xi32>,
        %get3A_464 = arith.index_cast %add3A_358 : i32 to index
        %get3A_465 = arith.constant 80 : index
        %get3A_466 = tpu.vector_load %arg5[%get3A_464, %get3A_465] {strides = array<i32>} : memref<79x128xi32, #tpu.memory_space<vmem>>, vector<1x16xi32>,
        %get3A_467 = vector.shape_cast %get3A_466 : vector<1x16xi32> to vector<16xi32>
        %and3A_468 = arith.constant 16383 : i32
        %and3A_469 = vector.broadcast %and3A_468 : i32 to vector<16xi32>
        %and3A_470 = arith.andi %get3A_467, %and3A_469 : vector<16xi32>
        %swap3A_471 = arith.constant 80 : index
        %swap3A_472 = tpu.vector_load %arg7[%swap3A_471] {strides = array<i32>} : memref<128xi32, #tpu.memory_space<vmem>>, vector<16xi32>,
        %swap3A_473 = vector.shape_cast %swap3A_472 : vector<16xi32> to vector<16xi32>
        %swap3A_474 = vector.shape_cast %and3A_470 : vector<16xi32> to vector<16xi32>
        tpu.vector_store %arg7[%swap3A_471], %swap3A_474 {strides = array<i32>} : memref<128xi32, #tpu.memory_space<vmem>>, vector<16xi32>,
        %shift_right_arithmetic3A_475 = arith.constant 14 : i32
        %shift_right_arithmetic3A_476 = vector.broadcast %shift_right_arithmetic3A_475 : i32 to vector<16xi32>
        %shift_right_arithmetic3A_477 = arith.shrsi %get3A_467, %shift_right_arithmetic3A_476 : vector<16xi32>
        %swap3A_478 = arith.constant 80 : index
        %swap3A_479 = tpu.vector_load %arg9[%swap3A_478] {strides = array<i32>} : memref<128xi32, #tpu.memory_space<vmem>>, vector<16xi32>,
        %swap3A_480 = vector.shape_cast %swap3A_479 : vector<16xi32> to vector<16xi32>
        %swap3A_481 = vector.shape_cast %shift_right_arithmetic3A_477 : vector<16xi32> to vector<16xi32>
        tpu.vector_store %arg9[%swap3A_478], %swap3A_481 {strides = array<i32>} : memref<128xi32, #tpu.memory_space<vmem>>, vector<16xi32>,
        %get3A_482 = arith.index_cast %add3A_358 : i32 to index
        %get3A_483 = arith.constant 96 : index
        %get3A_484 = tpu.vector_load %arg5[%get3A_482, %get3A_483] {strides = array<i32>} : memref<79x128xi32, #tpu.memory_space<vmem>>, vector<1x16xi32>,
        %get3A_485 = vector.shape_cast %get3A_484 : vector<1x16xi32> to vector<16xi32>
        %and3A_486 = arith.constant 16383 : i32
        %and3A_487 = vector.broadcast %and3A_486 : i32 to vector<16xi32>
        %and3A_488 = arith.andi %get3A_485, %and3A_487 : vector<16xi32>
        %swap3A_489 = arith.constant 96 : index
        %swap3A_490 = tpu.vector_load %arg7[%swap3A_489] {strides = array<i32>} : memref<128xi32, #tpu.memory_space<vmem>>, vector<16xi32>,
        %swap3A_491 = vector.shape_cast %swap3A_490 : vector<16xi32> to vector<16xi32>
        %swap3A_492 = vector.shape_cast %and3A_488 : vector<16xi32> to vector<16xi32>
        tpu.vector_store %arg7[%swap3A_489], %swap3A_492 {strides = array<i32>} : memref<128xi32, #tpu.memory_space<vmem>>, vector<16xi32>,
        %shift_right_arithmetic3A_493 = arith.constant 14 : i32
        %shift_right_arithmetic3A_494 = vector.broadcast %shift_right_arithmetic3A_493 : i32 to vector<16xi32>
        %shift_right_arithmetic3A_495 = arith.shrsi %get3A_485, %shift_right_arithmetic3A_494 : vector<16xi32>
        %swap3A_496 = arith.constant 96 : index
        %swap3A_497 = tpu.vector_load %arg9[%swap3A_496] {strides = array<i32>} : memref<128xi32, #tpu.memory_space<vmem>>, vector<16xi32>,
        %swap3A_498 = vector.shape_cast %swap3A_497 : vector<16xi32> to vector<16xi32>
        %swap3A_499 = vector.shape_cast %shift_right_arithmetic3A_495 : vector<16xi32> to vector<16xi32>
        tpu.vector_store %arg9[%swap3A_496], %swap3A_499 {strides = array<i32>} : memref<128xi32, #tpu.memory_space<vmem>>, vector<16xi32>,
        %get3A_500 = arith.index_cast %add3A_358 : i32 to index
        %get3A_501 = arith.constant 112 : index
        %get3A_502 = tpu.vector_load %arg5[%get3A_500, %get3A_501] {strides = array<i32>} : memref<79x128xi32, #tpu.memory_space<vmem>>, vector<1x16xi32>,
        %get3A_503 = vector.shape_cast %get3A_502 : vector<1x16xi32> to vector<16xi32>
        %and3A_504 = arith.constant 16383 : i32
        %and3A_505 = vector.broadcast %and3A_504 : i32 to vector<16xi32>
        %and3A_506 = arith.andi %get3A_503, %and3A_505 : vector<16xi32>
        %swap3A_507 = arith.constant 112 : index
        %swap3A_508 = tpu.vector_load %arg7[%swap3A_507] {strides = array<i32>} : memref<128xi32, #tpu.memory_space<vmem>>, vector<16xi32>,
        %swap3A_509 = vector.shape_cast %swap3A_508 : vector<16xi32> to vector<16xi32>
        %swap3A_510 = vector.shape_cast %and3A_506 : vector<16xi32> to vector<16xi32>
        tpu.vector_store %arg7[%swap3A_507], %swap3A_510 {strides = array<i32>} : memref<128xi32, #tpu.memory_space<vmem>>, vector<16xi32>,
        %shift_right_arithmetic3A_511 = arith.constant 14 : i32
        %shift_right_arithmetic3A_512 = vector.broadcast %shift_right_arithmetic3A_511 : i32 to vector<16xi32>
        %shift_right_arithmetic3A_513 = arith.shrsi %get3A_503, %shift_right_arithmetic3A_512 : vector<16xi32>
        %swap3A_514 = arith.constant 112 : index
        %swap3A_515 = tpu.vector_load %arg9[%swap3A_514] {strides = array<i32>} : memref<128xi32, #tpu.memory_space<vmem>>, vector<16xi32>,
        %swap3A_516 = vector.shape_cast %swap3A_515 : vector<16xi32> to vector<16xi32>
        %swap3A_517 = vector.shape_cast %shift_right_arithmetic3A_513 : vector<16xi32> to vector<16xi32>
        tpu.vector_store %arg9[%swap3A_514], %swap3A_517 {strides = array<i32>} : memref<128xi32, #tpu.memory_space<vmem>>, vector<16xi32>,
        %dma_start3A_518 = arith.constant 0 : i32
        %dma_start3A_519 = arith.constant 0 : i32
        %dma_start3A_520 = tpu.memref_slice %arg2[%dma_start3A_518, %dma_start3A_519] : memref<10000x128xf32, #tpu.memory_space<hbm>> -> memref<10000x128xf32, #tpu.memory_space<hbm>>
        tpu.enqueue_indirect_dma source(%dma_start3A_520 : memref<10000x128xf32, #tpu.memory_space<hbm>>) target(%arg11 : memref<128x128xf32, #tpu.memory_space<vmem>>) offsets(%arg7 : memref<128xi32, #tpu.memory_space<vmem>>) semaphore(%arg14 : memref<!tpu.dma_semaphore, #tpu.memory_space<semaphore_mem>>)
      } else {
      }
      %scan3A_373 = arith.constant 0 : i32
      scf.yield %scan3A_373 : i32
    }
    %scan3A_333 = arith.constant 39 : i32
    %dma_wait3A = arith.constant 0 : i32
    %dma_wait3A_334 = arith.constant 0 : i32
    %dma_wait3A_335 = tpu.memref_slice %arg2[%dma_wait3A, %dma_wait3A_334] : memref<10000x128xf32, #tpu.memory_space<hbm>> -> memref<10000x128xf32, #tpu.memory_space<hbm>>
    tpu.wait_indirect_dma semaphore(%arg13 : memref<!tpu.dma_semaphore, #tpu.memory_space<semaphore_mem>>) src(%dma_wait3A_335 : memref<10000x128xf32, #tpu.memory_space<hbm>>) dst(%arg10 : memref<128x128xf32, #tpu.memory_space<vmem>>)
    "tpu.region"() ({
      %run_scoped3A = tpu.sem_alloc : memref<!tpu.dma_semaphore, #tpu.memory_space<semaphore_mem>>
      %dma_start3A_349 = arith.constant 0 : i32
      %dma_start3A_350 = arith.constant 0 : i32
      %dma_start3A_351 = tpu.memref_slice %arg12[%dma_start3A_349, %dma_start3A_350] : memref<10008x128xf32, #tpu.memory_space<vmem_shared>> -> memref<10008x128xf32, #tpu.memory_space<vmem_shared>>
      tpu.enqueue_indirect_dma source(%arg10 : memref<128x128xf32, #tpu.memory_space<vmem>>) target(%dma_start3A_351 : memref<10008x128xf32, #tpu.memory_space<vmem_shared>>) offsets(%arg8 : memref<128xi32, #tpu.memory_space<vmem>>) semaphore(%run_scoped3A : memref<!tpu.dma_semaphore, #tpu.memory_space<semaphore_mem>>) {add = true}
      %dma_wait3A_352 = arith.constant 0 : i32
      %dma_wait3A_353 = arith.constant 0 : i32
      %dma_wait3A_354 = tpu.memref_slice %arg12[%dma_wait3A_352, %dma_wait3A_353] : memref<10008x128xf32, #tpu.memory_space<vmem_shared>> -> memref<10008x128xf32, #tpu.memory_space<vmem_shared>>
      tpu.wait_indirect_dma semaphore(%run_scoped3A : memref<!tpu.dma_semaphore, #tpu.memory_space<semaphore_mem>>) src(%arg10 : memref<128x128xf32, #tpu.memory_space<vmem>>) dst(%dma_wait3A_354 : memref<10008x128xf32, #tpu.memory_space<vmem_shared>>)
      tpu.yield
    }) : () -> ()
    %barrier3A_336 = arith.constant 0 : index
    tpu.barrier barrier_id(%barrier3A_336)
    %while3A_337 = arith.constant 0 : i32
    %while3A_338 = arith.constant 0 : i32
    %while3A_339 = arith.subi %select_n3A, %while3A_337 : i32
    %while3A_340 = arith.addi %while3A_337, %while3A_339 : i32
    %while3A_341 = arith.constant 1 : i32
    %while3A_342 = arith.divsi %while3A_339, %while3A_341 : i32
    %while3A_343 = arith.muli %while3A_342, %while3A_341 : i32
    %while3A_344 = arith.addi %while3A_337, %while3A_343 : i32
    %while3A_345 = arith.constant 1 : i32
    %while3A_346 = scf.for %while3A_349 = %while3A_337 to %while3A_344 step %while3A_345 iter_args(%while3A_350 = %while3A_338) -> (i32)  : i32 {
      %mul3A_351 = arith.constant 80 : i32
      %mul3A_352 = arith.muli %while3A_349, %mul3A_351 : i32
      %add3A_353 = arith.addi %mul3A_2, %mul3A_352 : i32
      %multiple_of3A = tpu.assume_multiple %add3A_353, 8 : i32
      "tpu.region"() ({
        %run_scoped3A = tpu.sem_alloc : memref<!tpu.dma_semaphore, #tpu.memory_space<semaphore_mem>>
        %dma_start3A_355 = arith.constant 0 : i32
        %dma_start3A_356 = arith.constant 0 : i32
        %dma_start3A_357 = tpu.memref_slice %arg10[%dma_start3A_355, %dma_start3A_356] : memref<128x128xf32, #tpu.memory_space<vmem>> -> memref<80x128xf32, #tpu.memory_space<vmem>>
        %dma_start3A_358 = arith.constant 0 : i32
        %dma_start3A_359 = tpu.memref_slice %arg12[%multiple_of3A, %dma_start3A_358] : memref<10008x128xf32, #tpu.memory_space<vmem_shared>> -> memref<80x128xf32, #tpu.memory_space<vmem_shared>>
        %dma_start3A_360 = arith.constant 0 : i32
        %dma_start3A_361 = arith.constant 0 : i32
        %dma_start3A_362 = tpu.memref_slice %arg10[%dma_start3A_360, %dma_start3A_361] : memref<128x128xf32, #tpu.memory_space<vmem>> -> memref<80x128xf32, #tpu.memory_space<vmem>>
        %dma_start3A_363 = arith.constant 0 : i32
        %dma_start3A_364 = tpu.memref_slice %arg12[%multiple_of3A, %dma_start3A_363] : memref<10008x128xf32, #tpu.memory_space<vmem_shared>> -> memref<80x128xf32, #tpu.memory_space<vmem_shared>>
        tpu.enqueue_dma source(%dma_start3A_364 : memref<80x128xf32, #tpu.memory_space<vmem_shared>>) target(%dma_start3A_362 : memref<80x128xf32, #tpu.memory_space<vmem>>) target_semaphore(%run_scoped3A : memref<!tpu.dma_semaphore, #tpu.memory_space<semaphore_mem>>)
        %dma_wait3A_365 = arith.constant 0 : i32
        %dma_wait3A_366 = arith.constant 0 : i32
        %dma_wait3A_367 = tpu.memref_slice %arg10[%dma_wait3A_365, %dma_wait3A_366] : memref<128x128xf32, #tpu.memory_space<vmem>> -> memref<80x128xf32, #tpu.memory_space<vmem>>
        %dma_wait3A_368 = arith.constant 0 : i32
        %dma_wait3A_369 = tpu.memref_slice %arg12[%multiple_of3A, %dma_wait3A_368] : memref<10008x128xf32, #tpu.memory_space<vmem_shared>> -> memref<80x128xf32, #tpu.memory_space<vmem_shared>>
        %dma_wait3A_370 = arith.constant 0 : i32
        %dma_wait3A_371 = arith.constant 0 : i32
        %dma_wait3A_372 = tpu.memref_slice %arg10[%dma_wait3A_370, %dma_wait3A_371] : memref<128x128xf32, #tpu.memory_space<vmem>> -> memref<80x128xf32, #tpu.memory_space<vmem>>
        %dma_wait3A_373 = arith.constant 0 : i32
        %dma_wait3A_374 = tpu.memref_slice %arg12[%multiple_of3A, %dma_wait3A_373] : memref<10008x128xf32, #tpu.memory_space<vmem_shared>> -> memref<80x128xf32, #tpu.memory_space<vmem_shared>>
        tpu.wait_dma2 semaphore(%run_scoped3A : memref<!tpu.dma_semaphore, #tpu.memory_space<semaphore_mem>>) src(%dma_wait3A_374 : memref<80x128xf32, #tpu.memory_space<vmem_shared>>) dst(%dma_wait3A_372 : memref<80x128xf32, #tpu.memory_space<vmem>>)
        tpu.yield
      }) : () -> ()
      "tpu.region"() ({
        %run_scoped3A = tpu.sem_alloc : memref<!tpu.dma_semaphore, #tpu.memory_space<semaphore_mem>>
        %dma_start3A_355 = arith.constant 0 : i32
        %dma_start3A_356 = arith.constant 0 : i32
        %dma_start3A_357 = tpu.memref_slice %arg10[%dma_start3A_355, %dma_start3A_356] : memref<128x128xf32, #tpu.memory_space<vmem>> -> memref<80x128xf32, #tpu.memory_space<vmem>>
        %dma_start3A_358 = arith.constant 0 : i32
        %dma_start3A_359 = tpu.memref_slice %arg4[%arg0, %multiple_of3A, %dma_start3A_358] : memref<2x10000x128xf32, #tpu.memory_space<hbm>> -> memref<1x80x128xf32, #tpu.memory_space<hbm>>
        %dma_start3A_360 = tpu.memref_squeeze %dma_start3A_359 : memref<1x80x128xf32, #tpu.memory_space<hbm>> -> memref<80x128xf32, #tpu.memory_space<hbm>>
        %dma_start3A_361 = arith.constant 0 : i32
        %dma_start3A_362 = tpu.memref_slice %arg4[%arg0, %multiple_of3A, %dma_start3A_361] : memref<2x10000x128xf32, #tpu.memory_space<hbm>> -> memref<1x80x128xf32, #tpu.memory_space<hbm>>
        %dma_start3A_363 = tpu.memref_squeeze %dma_start3A_362 : memref<1x80x128xf32, #tpu.memory_space<hbm>> -> memref<80x128xf32, #tpu.memory_space<hbm>>
        %dma_start3A_364 = arith.constant 0 : i32
        %dma_start3A_365 = arith.constant 0 : i32
        %dma_start3A_366 = tpu.memref_slice %arg10[%dma_start3A_364, %dma_start3A_365] : memref<128x128xf32, #tpu.memory_space<vmem>> -> memref<80x128xf32, #tpu.memory_space<vmem>>
        tpu.enqueue_dma source(%dma_start3A_366 : memref<80x128xf32, #tpu.memory_space<vmem>>) target(%dma_start3A_363 : memref<80x128xf32, #tpu.memory_space<hbm>>) target_semaphore(%run_scoped3A : memref<!tpu.dma_semaphore, #tpu.memory_space<semaphore_mem>>)
        %dma_wait3A_367 = arith.constant 0 : i32
        %dma_wait3A_368 = arith.constant 0 : i32
        %dma_wait3A_369 = tpu.memref_slice %arg10[%dma_wait3A_367, %dma_wait3A_368] : memref<128x128xf32, #tpu.memory_space<vmem>> -> memref<80x128xf32, #tpu.memory_space<vmem>>
        %dma_wait3A_370 = arith.constant 0 : i32
        %dma_wait3A_371 = tpu.memref_slice %arg4[%arg0, %multiple_of3A, %dma_wait3A_370] : memref<2x10000x128xf32, #tpu.memory_space<hbm>> -> memref<1x80x128xf32, #tpu.memory_space<hbm>>
        %dma_wait3A_372 = tpu.memref_squeeze %dma_wait3A_371 : memref<1x80x128xf32, #tpu.memory_space<hbm>> -> memref<80x128xf32, #tpu.memory_space<hbm>>
        %dma_wait3A_373 = arith.constant 0 : i32
        %dma_wait3A_374 = tpu.memref_slice %arg4[%arg0, %multiple_of3A, %dma_wait3A_373] : memref<2x10000x128xf32, #tpu.memory_space<hbm>> -> memref<1x80x128xf32, #tpu.memory_space<hbm>>
        %dma_wait3A_375 = tpu.memref_squeeze %dma_wait3A_374 : memref<1x80x128xf32, #tpu.memory_space<hbm>> -> memref<80x128xf32, #tpu.memory_space<hbm>>
        %dma_wait3A_376 = arith.constant 0 : i32
        %dma_wait3A_377 = arith.constant 0 : i32
        %dma_wait3A_378 = tpu.memref_slice %arg10[%dma_wait3A_376, %dma_wait3A_377] : memref<128x128xf32, #tpu.memory_space<vmem>> -> memref<80x128xf32, #tpu.memory_space<vmem>>
        tpu.wait_dma2 semaphore(%run_scoped3A : memref<!tpu.dma_semaphore, #tpu.memory_space<semaphore_mem>>) src(%dma_wait3A_378 : memref<80x128xf32, #tpu.memory_space<vmem>>) dst(%dma_wait3A_375 : memref<80x128xf32, #tpu.memory_space<hbm>>)
        tpu.yield
      }) : () -> ()
      %while3A_354 = arith.constant 0 : i32
      scf.yield %while3A_354 : i32
    }
    %while3A_347 = arith.constant 1 : i32
    %while3A_348 = scf.for %while3A_349 = %while3A_344 to %while3A_340 step %while3A_347 iter_args(%while3A_350 = %while3A_346) -> (i32)  : i32 {
      %mul3A_351 = arith.constant 80 : i32
      %mul3A_352 = arith.muli %while3A_349, %mul3A_351 : i32
      %add3A_353 = arith.addi %mul3A_2, %mul3A_352 : i32
      %multiple_of3A = tpu.assume_multiple %add3A_353, 8 : i32
      "tpu.region"() ({
        %run_scoped3A = tpu.sem_alloc : memref<!tpu.dma_semaphore, #tpu.memory_space<semaphore_mem>>
        %dma_start3A_355 = arith.constant 0 : i32
        %dma_start3A_356 = arith.constant 0 : i32
        %dma_start3A_357 = tpu.memref_slice %arg10[%dma_start3A_355, %dma_start3A_356] : memref<128x128xf32, #tpu.memory_space<vmem>> -> memref<80x128xf32, #tpu.memory_space<vmem>>
        %dma_start3A_358 = arith.constant 0 : i32
        %dma_start3A_359 = tpu.memref_slice %arg12[%multiple_of3A, %dma_start3A_358] : memref<10008x128xf32, #tpu.memory_space<vmem_shared>> -> memref<80x128xf32, #tpu.memory_space<vmem_shared>>
        %dma_start3A_360 = arith.constant 0 : i32
        %dma_start3A_361 = arith.constant 0 : i32
        %dma_start3A_362 = tpu.memref_slice %arg10[%dma_start3A_360, %dma_start3A_361] : memref<128x128xf32, #tpu.memory_space<vmem>> -> memref<80x128xf32, #tpu.memory_space<vmem>>
        %dma_start3A_363 = arith.constant 0 : i32
        %dma_start3A_364 = tpu.memref_slice %arg12[%multiple_of3A, %dma_start3A_363] : memref<10008x128xf32, #tpu.memory_space<vmem_shared>> -> memref<80x128xf32, #tpu.memory_space<vmem_shared>>
        tpu.enqueue_dma source(%dma_start3A_364 : memref<80x128xf32, #tpu.memory_space<vmem_shared>>) target(%dma_start3A_362 : memref<80x128xf32, #tpu.memory_space<vmem>>) target_semaphore(%run_scoped3A : memref<!tpu.dma_semaphore, #tpu.memory_space<semaphore_mem>>)
        %dma_wait3A_365 = arith.constant 0 : i32
        %dma_wait3A_366 = arith.constant 0 : i32
        %dma_wait3A_367 = tpu.memref_slice %arg10[%dma_wait3A_365, %dma_wait3A_366] : memref<128x128xf32, #tpu.memory_space<vmem>> -> memref<80x128xf32, #tpu.memory_space<vmem>>
        %dma_wait3A_368 = arith.constant 0 : i32
        %dma_wait3A_369 = tpu.memref_slice %arg12[%multiple_of3A, %dma_wait3A_368] : memref<10008x128xf32, #tpu.memory_space<vmem_shared>> -> memref<80x128xf32, #tpu.memory_space<vmem_shared>>
        %dma_wait3A_370 = arith.constant 0 : i32
        %dma_wait3A_371 = arith.constant 0 : i32
        %dma_wait3A_372 = tpu.memref_slice %arg10[%dma_wait3A_370, %dma_wait3A_371] : memref<128x128xf32, #tpu.memory_space<vmem>> -> memref<80x128xf32, #tpu.memory_space<vmem>>
        %dma_wait3A_373 = arith.constant 0 : i32
        %dma_wait3A_374 = tpu.memref_slice %arg12[%multiple_of3A, %dma_wait3A_373] : memref<10008x128xf32, #tpu.memory_space<vmem_shared>> -> memref<80x128xf32, #tpu.memory_space<vmem_shared>>
        tpu.wait_dma2 semaphore(%run_scoped3A : memref<!tpu.dma_semaphore, #tpu.memory_space<semaphore_mem>>) src(%dma_wait3A_374 : memref<80x128xf32, #tpu.memory_space<vmem_shared>>) dst(%dma_wait3A_372 : memref<80x128xf32, #tpu.memory_space<vmem>>)
        tpu.yield
      }) : () -> ()
      "tpu.region"() ({
        %run_scoped3A = tpu.sem_alloc : memref<!tpu.dma_semaphore, #tpu.memory_space<semaphore_mem>>
        %dma_start3A_355 = arith.constant 0 : i32
        %dma_start3A_356 = arith.constant 0 : i32
        %dma_start3A_357 = tpu.memref_slice %arg10[%dma_start3A_355, %dma_start3A_356] : memref<128x128xf32, #tpu.memory_space<vmem>> -> memref<80x128xf32, #tpu.memory_space<vmem>>
        %dma_start3A_358 = arith.constant 0 : i32
        %dma_start3A_359 = tpu.memref_slice %arg4[%arg0, %multiple_of3A, %dma_start3A_358] : memref<2x10000x128xf32, #tpu.memory_space<hbm>> -> memref<1x80x128xf32, #tpu.memory_space<hbm>>
        %dma_start3A_360 = tpu.memref_squeeze %dma_start3A_359 : memref<1x80x128xf32, #tpu.memory_space<hbm>> -> memref<80x128xf32, #tpu.memory_space<hbm>>
        %dma_start3A_361 = arith.constant 0 : i32
        %dma_start3A_362 = tpu.memref_slice %arg4[%arg0, %multiple_of3A, %dma_start3A_361] : memref<2x10000x128xf32, #tpu.memory_space<hbm>> -> memref<1x80x128xf32, #tpu.memory_space<hbm>>
        %dma_start3A_363 = tpu.memref_squeeze %dma_start3A_362 : memref<1x80x128xf32, #tpu.memory_space<hbm>> -> memref<80x128xf32, #tpu.memory_space<hbm>>
        %dma_start3A_364 = arith.constant 0 : i32
        %dma_start3A_365 = arith.constant 0 : i32
        %dma_start3A_366 = tpu.memref_slice %arg10[%dma_start3A_364, %dma_start3A_365] : memref<128x128xf32, #tpu.memory_space<vmem>> -> memref<80x128xf32, #tpu.memory_space<vmem>>
        tpu.enqueue_dma source(%dma_start3A_366 : memref<80x128xf32, #tpu.memory_space<vmem>>) target(%dma_start3A_363 : memref<80x128xf32, #tpu.memory_space<hbm>>) target_semaphore(%run_scoped3A : memref<!tpu.dma_semaphore, #tpu.memory_space<semaphore_mem>>)
        %dma_wait3A_367 = arith.constant 0 : i32
        %dma_wait3A_368 = arith.constant 0 : i32
        %dma_wait3A_369 = tpu.memref_slice %arg10[%dma_wait3A_367, %dma_wait3A_368] : memref<128x128xf32, #tpu.memory_space<vmem>> -> memref<80x128xf32, #tpu.memory_space<vmem>>
        %dma_wait3A_370 = arith.constant 0 : i32
        %dma_wait3A_371 = tpu.memref_slice %arg4[%arg0, %multiple_of3A, %dma_wait3A_370] : memref<2x10000x128xf32, #tpu.memory_space<hbm>> -> memref<1x80x128xf32, #tpu.memory_space<hbm>>
        %dma_wait3A_372 = tpu.memref_squeeze %dma_wait3A_371 : memref<1x80x128xf32, #tpu.memory_space<hbm>> -> memref<80x128xf32, #tpu.memory_space<hbm>>
        %dma_wait3A_373 = arith.constant 0 : i32
        %dma_wait3A_374 = tpu.memref_slice %arg4[%arg0, %multiple_of3A, %dma_wait3A_373] : memref<2x10000x128xf32, #tpu.memory_space<hbm>> -> memref<1x80x128xf32, #tpu.memory_space<hbm>>
        %dma_wait3A_375 = tpu.memref_squeeze %dma_wait3A_374 : memref<1x80x128xf32, #tpu.memory_space<hbm>> -> memref<80x128xf32, #tpu.memory_space<hbm>>
        %dma_wait3A_376 = arith.constant 0 : i32
        %dma_wait3A_377 = arith.constant 0 : i32
        %dma_wait3A_378 = tpu.memref_slice %arg10[%dma_wait3A_376, %dma_wait3A_377] : memref<128x128xf32, #tpu.memory_space<vmem>> -> memref<80x128xf32, #tpu.memory_space<vmem>>
        tpu.wait_dma2 semaphore(%run_scoped3A : memref<!tpu.dma_semaphore, #tpu.memory_space<semaphore_mem>>) src(%dma_wait3A_378 : memref<80x128xf32, #tpu.memory_space<vmem>>) dst(%dma_wait3A_375 : memref<80x128xf32, #tpu.memory_space<hbm>>)
        tpu.yield
      }) : () -> ()
      %while3A_354 = arith.constant 0 : i32
      scf.yield %while3A_354 : i32
    }
    return
  }
}

#map = affine_map<(d0, d1) -> (0, 0)>
#map1 = affine_map<(d0, d1) -> (0, 0, 0)>
module attributes {stable_mosaic.version = 14 : i64} {
  func.func @_agg_kernel(%arg0: i32, %arg1: i32, %arg2: memref<10000x128xf32, #tpu.memory_space<hbm>>, %arg3: memref<32x79x128xi32, #tpu.memory_space<hbm>>, %arg4: memref<2x10000x128xf32, #tpu.memory_space<hbm>>, %arg5: memref<79x128xi32, #tpu.memory_space<vmem>>, %arg6: memref<128xi32, #tpu.memory_space<vmem>>, %arg7: memref<128xi32, #tpu.memory_space<vmem>>, %arg8: memref<128xi32, #tpu.memory_space<vmem>>, %arg9: memref<128xi32, #tpu.memory_space<vmem>>, %arg10: memref<128x128xf32, #tpu.memory_space<vmem>>, %arg11: memref<128x128xf32, #tpu.memory_space<vmem>>, %arg12: memref<10008x128xf32, #tpu.memory_space<vmem_shared>>, %arg13: memref<!tpu.dma_semaphore, #tpu.memory_space<semaphore_mem>>, %arg14: memref<!tpu.dma_semaphore, #tpu.memory_space<semaphore_mem>>) attributes {dimension_semantics = [#tpu.dimension_semantics<core_parallel>, #tpu.dimension_semantics<subcore_parallel>], iteration_bounds = array<i64: 2, 16>, scalar_prefetch = 0 : i64, scratch_operands = 10 : i64, tpu.core_type = #tpu.core_type<sc_vector_subcore>, window_params = [{transform_indices = #map}, {transform_indices = #map1}, {transform_indices = #map1}]} {
    %mul3A = arith.constant 16 : i32
    %mul3A_0 = arith.muli %arg0, %mul3A : i32
    %add3A = arith.addi %mul3A_0, %arg1 : i32
    %mul3A_1 = arith.constant 640 : i32
    %mul3A_2 = arith.muli %arg1, %mul3A_1 : i32
    %lt3A = arith.constant 15 : i32
    %lt3A_3 = arith.cmpi slt, %arg1, %lt3A : i32
    %jit3A = arith.constant 8 : i32
    %jit3A_4 = arith.constant 5 : i32
    %select_n3A = arith.select %lt3A_3, %jit3A, %jit3A_4 : i32
    "tpu.region"() ({
      %run_scoped3A = tpu.sem_alloc : memref<!tpu.dma_semaphore, #tpu.memory_space<semaphore_mem>>
      %dma_start3A_349 = arith.constant 0 : i32
      %dma_start3A_350 = arith.constant 0 : i32
      %dma_start3A_351 = tpu.memref_slice %arg3[%add3A, %dma_start3A_349, %dma_start3A_350] : memref<32x79x128xi32, #tpu.memory_space<hbm>> -> memref<1x79x128xi32, #tpu.memory_space<hbm>>
      %dma_start3A_352 = tpu.memref_squeeze %dma_start3A_351 : memref<1x79x128xi32, #tpu.memory_space<hbm>> -> memref<79x128xi32, #tpu.memory_space<hbm>>
      %dma_start3A_353 = arith.constant 0 : i32
      %dma_start3A_354 = arith.constant 0 : i32
      %dma_start3A_355 = tpu.memref_slice %arg3[%add3A, %dma_start3A_353, %dma_start3A_354] : memref<32x79x128xi32, #tpu.memory_space<hbm>> -> memref<1x79x128xi32, #tpu.memory_space<hbm>>
      %dma_start3A_356 = tpu.memref_squeeze %dma_start3A_355 : memref<1x79x128xi32, #tpu.memory_space<hbm>> -> memref<79x128xi32, #tpu.memory_space<hbm>>
      tpu.enqueue_dma source(%dma_start3A_356 : memref<79x128xi32, #tpu.memory_space<hbm>>) target(%arg5 : memref<79x128xi32, #tpu.memory_space<vmem>>) target_semaphore(%run_scoped3A : memref<!tpu.dma_semaphore, #tpu.memory_space<semaphore_mem>>)
      %dma_wait3A_357 = arith.constant 0 : i32
      %dma_wait3A_358 = arith.constant 0 : i32
      %dma_wait3A_359 = tpu.memref_slice %arg3[%add3A, %dma_wait3A_357, %dma_wait3A_358] : memref<32x79x128xi32, #tpu.memory_space<hbm>> -> memref<1x79x128xi32, #tpu.memory_space<hbm>>
      %dma_wait3A_360 = tpu.memref_squeeze %dma_wait3A_359 : memref<1x79x128xi32, #tpu.memory_space<hbm>> -> memref<79x128xi32, #tpu.memory_space<hbm>>
      %dma_wait3A_361 = arith.constant 0 : i32
      %dma_wait3A_362 = arith.constant 0 : i32
      %dma_wait3A_363 = tpu.memref_slice %arg3[%add3A, %dma_wait3A_361, %dma_wait3A_362] : memref<32x79x128xi32, #tpu.memory_space<hbm>> -> memref<1x79x128xi32, #tpu.memory_space<hbm>>
      %dma_wait3A_364 = tpu.memref_squeeze %dma_wait3A_363 : memref<1x79x128xi32, #tpu.memory_space<hbm>> -> memref<79x128xi32, #tpu.memory_space<hbm>>
      tpu.wait_dma2 semaphore(%run_scoped3A : memref<!tpu.dma_semaphore, #tpu.memory_space<semaphore_mem>>) src(%dma_wait3A_364 : memref<79x128xi32, #tpu.memory_space<hbm>>) dst(%arg5 : memref<79x128xi32, #tpu.memory_space<vmem>>)
      tpu.yield
    }) : () -> ()
    %scan3A = arith.constant 0 : i32
    %scan3A_5 = arith.constant 0 : i32
    %scan3A_6 = arith.constant 80 : i32
    %scan3A_7 = arith.addi %scan3A_5, %scan3A_6 : i32
    %scan3A_8 = arith.constant 1 : i32
    %scan3A_9 = scf.for %scan3A_349 = %scan3A_5 to %scan3A_7 step %scan3A_8 iter_args(%scan3A_350 = %scan3A) -> (i32)  : i32 {
      %broadcast_in_dim3A = arith.constant 0.000000e+00 : f32
      %broadcast_in_dim3A_351 = vector.broadcast %broadcast_in_dim3A : f32 to vector<16xf32>
      %swap3A_352 = arith.index_cast %scan3A_349 : i32 to index
      %swap3A_353 = arith.constant 0 : index
      %swap3A_354 = tpu.vector_load %arg10[%swap3A_352, %swap3A_353] {strides = array<i32>} : memref<128x128xf32, #tpu.memory_space<vmem>>, vector<1x16xf32>,
      %swap3A_355 = vector.shape_cast %swap3A_354 : vector<1x16xf32> to vector<16xf32>
      %swap3A_356 = vector.shape_cast %broadcast_in_dim3A_351 : vector<16xf32> to vector<1x16xf32>
      tpu.vector_store %arg10[%swap3A_352, %swap3A_353], %swap3A_356 {strides = array<i32>} : memref<128x128xf32, #tpu.memory_space<vmem>>, vector<1x16xf32>,
      %broadcast_in_dim3A_357 = arith.constant 0.000000e+00 : f32
      %broadcast_in_dim3A_358 = vector.broadcast %broadcast_in_dim3A_357 : f32 to vector<16xf32>
      %swap3A_359 = arith.index_cast %scan3A_349 : i32 to index
      %swap3A_360 = arith.constant 16 : index
      %swap3A_361 = tpu.vector_load %arg10[%swap3A_359, %swap3A_360] {strides = array<i32>} : memref<128x128xf32, #tpu.memory_space<vmem>>, vector<1x16xf32>,
      %swap3A_362 = vector.shape_cast %swap3A_361 : vector<1x16xf32> to vector<16xf32>
      %swap3A_363 = vector.shape_cast %broadcast_in_dim3A_358 : vector<16xf32> to vector<1x16xf32>
      tpu.vector_store %arg10[%swap3A_359, %swap3A_360], %swap3A_363 {strides = array<i32>} : memref<128x128xf32, #tpu.memory_space<vmem>>, vector<1x16xf32>,
      %broadcast_in_dim3A_364 = arith.constant 0.000000e+00 : f32
      %broadcast_in_dim3A_365 = vector.broadcast %broadcast_in_dim3A_364 : f32 to vector<16xf32>
      %swap3A_366 = arith.index_cast %scan3A_349 : i32 to index
      %swap3A_367 = arith.constant 32 : index
      %swap3A_368 = tpu.vector_load %arg10[%swap3A_366, %swap3A_367] {strides = array<i32>} : memref<128x128xf32, #tpu.memory_space<vmem>>, vector<1x16xf32>,
      %swap3A_369 = vector.shape_cast %swap3A_368 : vector<1x16xf32> to vector<16xf32>
      %swap3A_370 = vector.shape_cast %broadcast_in_dim3A_365 : vector<16xf32> to vector<1x16xf32>
      tpu.vector_store %arg10[%swap3A_366, %swap3A_367], %swap3A_370 {strides = array<i32>} : memref<128x128xf32, #tpu.memory_space<vmem>>, vector<1x16xf32>,
      %broadcast_in_dim3A_371 = arith.constant 0.000000e+00 : f32
      %broadcast_in_dim3A_372 = vector.broadcast %broadcast_in_dim3A_371 : f32 to vector<16xf32>
      %swap3A_373 = arith.index_cast %scan3A_349 : i32 to index
      %swap3A_374 = arith.constant 48 : index
      %swap3A_375 = tpu.vector_load %arg10[%swap3A_373, %swap3A_374] {strides = array<i32>} : memref<128x128xf32, #tpu.memory_space<vmem>>, vector<1x16xf32>,
      %swap3A_376 = vector.shape_cast %swap3A_375 : vector<1x16xf32> to vector<16xf32>
      %swap3A_377 = vector.shape_cast %broadcast_in_dim3A_372 : vector<16xf32> to vector<1x16xf32>
      tpu.vector_store %arg10[%swap3A_373, %swap3A_374], %swap3A_377 {strides = array<i32>} : memref<128x128xf32, #tpu.memory_space<vmem>>, vector<1x16xf32>,
      %broadcast_in_dim3A_378 = arith.constant 0.000000e+00 : f32
      %broadcast_in_dim3A_379 = vector.broadcast %broadcast_in_dim3A_378 : f32 to vector<16xf32>
      %swap3A_380 = arith.index_cast %scan3A_349 : i32 to index
      %swap3A_381 = arith.constant 64 : index
      %swap3A_382 = tpu.vector_load %arg10[%swap3A_380, %swap3A_381] {strides = array<i32>} : memref<128x128xf32, #tpu.memory_space<vmem>>, vector<1x16xf32>,
      %swap3A_383 = vector.shape_cast %swap3A_382 : vector<1x16xf32> to vector<16xf32>
      %swap3A_384 = vector.shape_cast %broadcast_in_dim3A_379 : vector<16xf32> to vector<1x16xf32>
      tpu.vector_store %arg10[%swap3A_380, %swap3A_381], %swap3A_384 {strides = array<i32>} : memref<128x128xf32, #tpu.memory_space<vmem>>, vector<1x16xf32>,
      %broadcast_in_dim3A_385 = arith.constant 0.000000e+00 : f32
      %broadcast_in_dim3A_386 = vector.broadcast %broadcast_in_dim3A_385 : f32 to vector<16xf32>
      %swap3A_387 = arith.index_cast %scan3A_349 : i32 to index
      %swap3A_388 = arith.constant 80 : index
      %swap3A_389 = tpu.vector_load %arg10[%swap3A_387, %swap3A_388] {strides = array<i32>} : memref<128x128xf32, #tpu.memory_space<vmem>>, vector<1x16xf32>,
      %swap3A_390 = vector.shape_cast %swap3A_389 : vector<1x16xf32> to vector<16xf32>
      %swap3A_391 = vector.shape_cast %broadcast_in_dim3A_386 : vector<16xf32> to vector<1x16xf32>
      tpu.vector_store %arg10[%swap3A_387, %swap3A_388], %swap3A_391 {strides = array<i32>} : memref<128x128xf32, #tpu.memory_space<vmem>>, vector<1x16xf32>,
      %broadcast_in_dim3A_392 = arith.constant 0.000000e+00 : f32
      %broadcast_in_dim3A_393 = vector.broadcast %broadcast_in_dim3A_392 : f32 to vector<16xf32>
      %swap3A_394 = arith.index_cast %scan3A_349 : i32 to index
      %swap3A_395 = arith.constant 96 : index
      %swap3A_396 = tpu.vector_load %arg10[%swap3A_394, %swap3A_395] {strides = array<i32>} : memref<128x128xf32, #tpu.memory_space<vmem>>, vector<1x16xf32>,
      %swap3A_397 = vector.shape_cast %swap3A_396 : vector<1x16xf32> to vector<16xf32>
      %swap3A_398 = vector.shape_cast %broadcast_in_dim3A_393 : vector<16xf32> to vector<1x16xf32>
      tpu.vector_store %arg10[%swap3A_394, %swap3A_395], %swap3A_398 {strides = array<i32>} : memref<128x128xf32, #tpu.memory_space<vmem>>, vector<1x16xf32>,
      %broadcast_in_dim3A_399 = arith.constant 0.000000e+00 : f32
      %broadcast_in_dim3A_400 = vector.broadcast %broadcast_in_dim3A_399 : f32 to vector<16xf32>
      %swap3A_401 = arith.index_cast %scan3A_349 : i32 to index
      %swap3A_402 = arith.constant 112 : index
      %swap3A_403 = tpu.vector_load %arg10[%swap3A_401, %swap3A_402] {strides = array<i32>} : memref<128x128xf32, #tpu.memory_space<vmem>>, vector<1x16xf32>,
      %swap3A_404 = vector.shape_cast %swap3A_403 : vector<1x16xf32> to vector<16xf32>
      %swap3A_405 = vector.shape_cast %broadcast_in_dim3A_400 : vector<16xf32> to vector<1x16xf32>
      tpu.vector_store %arg10[%swap3A_401, %swap3A_402], %swap3A_405 {strides = array<i32>} : memref<128x128xf32, #tpu.memory_space<vmem>>, vector<1x16xf32>,
      %scan3A_406 = arith.constant 0 : i32
      scf.yield %scan3A_406 : i32
    }
    %scan3A_10 = arith.constant 80 : i32
    %while3A = arith.constant 0 : i32
    %while3A_11 = arith.constant 0 : i32
    %while3A_12 = arith.subi %select_n3A, %while3A : i32
    %while3A_13 = arith.addi %while3A, %while3A_12 : i32
    %while3A_14 = arith.constant 1 : i32
    %while3A_15 = arith.divsi %while3A_12, %while3A_14 : i32
    %while3A_16 = arith.muli %while3A_15, %while3A_14 : i32
    %while3A_17 = arith.addi %while3A, %while3A_16 : i32
    %while3A_18 = arith.constant 1 : i32
    %while3A_19 = scf.for %while3A_349 = %while3A to %while3A_17 step %while3A_18 iter_args(%while3A_350 = %while3A_11) -> (i32)  : i32 {
      %mul3A_351 = arith.constant 80 : i32
      %mul3A_352 = arith.muli %while3A_349, %mul3A_351 : i32
      %add3A_353 = arith.addi %mul3A_2, %mul3A_352 : i32
      "tpu.region"() ({
        %run_scoped3A = tpu.sem_alloc : memref<!tpu.dma_semaphore, #tpu.memory_space<semaphore_mem>>
        %dma_start3A_355 = arith.constant 0 : i32
        %dma_start3A_356 = arith.constant 0 : i32
        %dma_start3A_357 = tpu.memref_slice %arg10[%dma_start3A_355, %dma_start3A_356] : memref<128x128xf32, #tpu.memory_space<vmem>> -> memref<80x128xf32, #tpu.memory_space<vmem>>
        %dma_start3A_358 = arith.constant 0 : i32
        %dma_start3A_359 = tpu.memref_slice %arg12[%add3A_353, %dma_start3A_358] : memref<10008x128xf32, #tpu.memory_space<vmem_shared>> -> memref<80x128xf32, #tpu.memory_space<vmem_shared>>
        %dma_start3A_360 = arith.constant 0 : i32
        %dma_start3A_361 = tpu.memref_slice %arg12[%add3A_353, %dma_start3A_360] : memref<10008x128xf32, #tpu.memory_space<vmem_shared>> -> memref<80x128xf32, #tpu.memory_space<vmem_shared>>
        %dma_start3A_362 = arith.constant 0 : i32
        %dma_start3A_363 = arith.constant 0 : i32
        %dma_start3A_364 = tpu.memref_slice %arg10[%dma_start3A_362, %dma_start3A_363] : memref<128x128xf32, #tpu.memory_space<vmem>> -> memref<80x128xf32, #tpu.memory_space<vmem>>
        tpu.enqueue_dma source(%dma_start3A_364 : memref<80x128xf32, #tpu.memory_space<vmem>>) target(%dma_start3A_361 : memref<80x128xf32, #tpu.memory_space<vmem_shared>>) target_semaphore(%run_scoped3A : memref<!tpu.dma_semaphore, #tpu.memory_space<semaphore_mem>>)
        %dma_wait3A_365 = arith.constant 0 : i32
        %dma_wait3A_366 = arith.constant 0 : i32
        %dma_wait3A_367 = tpu.memref_slice %arg10[%dma_wait3A_365, %dma_wait3A_366] : memref<128x128xf32, #tpu.memory_space<vmem>> -> memref<80x128xf32, #tpu.memory_space<vmem>>
        %dma_wait3A_368 = arith.constant 0 : i32
        %dma_wait3A_369 = tpu.memref_slice %arg12[%add3A_353, %dma_wait3A_368] : memref<10008x128xf32, #tpu.memory_space<vmem_shared>> -> memref<80x128xf32, #tpu.memory_space<vmem_shared>>
        %dma_wait3A_370 = arith.constant 0 : i32
        %dma_wait3A_371 = tpu.memref_slice %arg12[%add3A_353, %dma_wait3A_370] : memref<10008x128xf32, #tpu.memory_space<vmem_shared>> -> memref<80x128xf32, #tpu.memory_space<vmem_shared>>
        %dma_wait3A_372 = arith.constant 0 : i32
        %dma_wait3A_373 = arith.constant 0 : i32
        %dma_wait3A_374 = tpu.memref_slice %arg10[%dma_wait3A_372, %dma_wait3A_373] : memref<128x128xf32, #tpu.memory_space<vmem>> -> memref<80x128xf32, #tpu.memory_space<vmem>>
        tpu.wait_dma2 semaphore(%run_scoped3A : memref<!tpu.dma_semaphore, #tpu.memory_space<semaphore_mem>>) src(%dma_wait3A_374 : memref<80x128xf32, #tpu.memory_space<vmem>>) dst(%dma_wait3A_371 : memref<80x128xf32, #tpu.memory_space<vmem_shared>>)
        tpu.yield
      }) : () -> ()
      %while3A_354 = arith.constant 0 : i32
      scf.yield %while3A_354 : i32
    }
    %while3A_20 = arith.constant 1 : i32
    %while3A_21 = scf.for %while3A_349 = %while3A_17 to %while3A_13 step %while3A_20 iter_args(%while3A_350 = %while3A_19) -> (i32)  : i32 {
      %mul3A_351 = arith.constant 80 : i32
      %mul3A_352 = arith.muli %while3A_349, %mul3A_351 : i32
      %add3A_353 = arith.addi %mul3A_2, %mul3A_352 : i32
      "tpu.region"() ({
        %run_scoped3A = tpu.sem_alloc : memref<!tpu.dma_semaphore, #tpu.memory_space<semaphore_mem>>
        %dma_start3A_355 = arith.constant 0 : i32
        %dma_start3A_356 = arith.constant 0 : i32
        %dma_start3A_357 = tpu.memref_slice %arg10[%dma_start3A_355, %dma_start3A_356] : memref<128x128xf32, #tpu.memory_space<vmem>> -> memref<80x128xf32, #tpu.memory_space<vmem>>
        %dma_start3A_358 = arith.constant 0 : i32
        %dma_start3A_359 = tpu.memref_slice %arg12[%add3A_353, %dma_start3A_358] : memref<10008x128xf32, #tpu.memory_space<vmem_shared>> -> memref<80x128xf32, #tpu.memory_space<vmem_shared>>
        %dma_start3A_360 = arith.constant 0 : i32
        %dma_start3A_361 = tpu.memref_slice %arg12[%add3A_353, %dma_start3A_360] : memref<10008x128xf32, #tpu.memory_space<vmem_shared>> -> memref<80x128xf32, #tpu.memory_space<vmem_shared>>
        %dma_start3A_362 = arith.constant 0 : i32
        %dma_start3A_363 = arith.constant 0 : i32
        %dma_start3A_364 = tpu.memref_slice %arg10[%dma_start3A_362, %dma_start3A_363] : memref<128x128xf32, #tpu.memory_space<vmem>> -> memref<80x128xf32, #tpu.memory_space<vmem>>
        tpu.enqueue_dma source(%dma_start3A_364 : memref<80x128xf32, #tpu.memory_space<vmem>>) target(%dma_start3A_361 : memref<80x128xf32, #tpu.memory_space<vmem_shared>>) target_semaphore(%run_scoped3A : memref<!tpu.dma_semaphore, #tpu.memory_space<semaphore_mem>>)
        %dma_wait3A_365 = arith.constant 0 : i32
        %dma_wait3A_366 = arith.constant 0 : i32
        %dma_wait3A_367 = tpu.memref_slice %arg10[%dma_wait3A_365, %dma_wait3A_366] : memref<128x128xf32, #tpu.memory_space<vmem>> -> memref<80x128xf32, #tpu.memory_space<vmem>>
        %dma_wait3A_368 = arith.constant 0 : i32
        %dma_wait3A_369 = tpu.memref_slice %arg12[%add3A_353, %dma_wait3A_368] : memref<10008x128xf32, #tpu.memory_space<vmem_shared>> -> memref<80x128xf32, #tpu.memory_space<vmem_shared>>
        %dma_wait3A_370 = arith.constant 0 : i32
        %dma_wait3A_371 = tpu.memref_slice %arg12[%add3A_353, %dma_wait3A_370] : memref<10008x128xf32, #tpu.memory_space<vmem_shared>> -> memref<80x128xf32, #tpu.memory_space<vmem_shared>>
        %dma_wait3A_372 = arith.constant 0 : i32
        %dma_wait3A_373 = arith.constant 0 : i32
        %dma_wait3A_374 = tpu.memref_slice %arg10[%dma_wait3A_372, %dma_wait3A_373] : memref<128x128xf32, #tpu.memory_space<vmem>> -> memref<80x128xf32, #tpu.memory_space<vmem>>
        tpu.wait_dma2 semaphore(%run_scoped3A : memref<!tpu.dma_semaphore, #tpu.memory_space<semaphore_mem>>) src(%dma_wait3A_374 : memref<80x128xf32, #tpu.memory_space<vmem>>) dst(%dma_wait3A_371 : memref<80x128xf32, #tpu.memory_space<vmem_shared>>)
        tpu.yield
      }) : () -> ()
      %while3A_354 = arith.constant 0 : i32
      scf.yield %while3A_354 : i32
    }
    %barrier3A = arith.constant 0 : index
    tpu.barrier barrier_id(%barrier3A)
    %get3A = arith.constant 0 : i32
    %get3A_22 = arith.index_cast %get3A : i32 to index
    %get3A_23 = arith.constant 0 : index
    %get3A_24 = tpu.vector_load %arg5[%get3A_22, %get3A_23] {strides = array<i32>} : memref<79x128xi32, #tpu.memory_space<vmem>>, vector<1x16xi32>,
    %get3A_25 = vector.shape_cast %get3A_24 : vector<1x16xi32> to vector<16xi32>
    %and3A = arith.constant 16383 : i32
    %and3A_26 = vector.broadcast %and3A : i32 to vector<16xi32>
    %and3A_27 = arith.andi %get3A_25, %and3A_26 : vector<16xi32>
    %swap3A = arith.constant 0 : index
    %swap3A_28 = tpu.vector_load %arg6[%swap3A] {strides = array<i32>} : memref<128xi32, #tpu.memory_space<vmem>>, vector<16xi32>,
    %swap3A_29 = vector.shape_cast %swap3A_28 : vector<16xi32> to vector<16xi32>
    %swap3A_30 = vector.shape_cast %and3A_27 : vector<16xi32> to vector<16xi32>
    tpu.vector_store %arg6[%swap3A], %swap3A_30 {strides = array<i32>} : memref<128xi32, #tpu.memory_space<vmem>>, vector<16xi32>,
    %shift_right_arithmetic3A = arith.constant 14 : i32
    %shift_right_arithmetic3A_31 = vector.broadcast %shift_right_arithmetic3A : i32 to vector<16xi32>
    %shift_right_arithmetic3A_32 = arith.shrsi %get3A_25, %shift_right_arithmetic3A_31 : vector<16xi32>
    %swap3A_33 = arith.constant 0 : index
    %swap3A_34 = tpu.vector_load %arg8[%swap3A_33] {strides = array<i32>} : memref<128xi32, #tpu.memory_space<vmem>>, vector<16xi32>,
    %swap3A_35 = vector.shape_cast %swap3A_34 : vector<16xi32> to vector<16xi32>
    %swap3A_36 = vector.shape_cast %shift_right_arithmetic3A_32 : vector<16xi32> to vector<16xi32>
    tpu.vector_store %arg8[%swap3A_33], %swap3A_36 {strides = array<i32>} : memref<128xi32, #tpu.memory_space<vmem>>, vector<16xi32>,
    %get3A_37 = arith.constant 0 : i32
    %get3A_38 = arith.index_cast %get3A_37 : i32 to index
    %get3A_39 = arith.constant 16 : index
    %get3A_40 = tpu.vector_load %arg5[%get3A_38, %get3A_39] {strides = array<i32>} : memref<79x128xi32, #tpu.memory_space<vmem>>, vector<1x16xi32>,
    %get3A_41 = vector.shape_cast %get3A_40 : vector<1x16xi32> to vector<16xi32>
    %and3A_42 = arith.constant 16383 : i32
    %and3A_43 = vector.broadcast %and3A_42 : i32 to vector<16xi32>
    %and3A_44 = arith.andi %get3A_41, %and3A_43 : vector<16xi32>
    %swap3A_45 = arith.constant 16 : index
    %swap3A_46 = tpu.vector_load %arg6[%swap3A_45] {strides = array<i32>} : memref<128xi32, #tpu.memory_space<vmem>>, vector<16xi32>,
    %swap3A_47 = vector.shape_cast %swap3A_46 : vector<16xi32> to vector<16xi32>
    %swap3A_48 = vector.shape_cast %and3A_44 : vector<16xi32> to vector<16xi32>
    tpu.vector_store %arg6[%swap3A_45], %swap3A_48 {strides = array<i32>} : memref<128xi32, #tpu.memory_space<vmem>>, vector<16xi32>,
    %shift_right_arithmetic3A_49 = arith.constant 14 : i32
    %shift_right_arithmetic3A_50 = vector.broadcast %shift_right_arithmetic3A_49 : i32 to vector<16xi32>
    %shift_right_arithmetic3A_51 = arith.shrsi %get3A_41, %shift_right_arithmetic3A_50 : vector<16xi32>
    %swap3A_52 = arith.constant 16 : index
    %swap3A_53 = tpu.vector_load %arg8[%swap3A_52] {strides = array<i32>} : memref<128xi32, #tpu.memory_space<vmem>>, vector<16xi32>,
    %swap3A_54 = vector.shape_cast %swap3A_53 : vector<16xi32> to vector<16xi32>
    %swap3A_55 = vector.shape_cast %shift_right_arithmetic3A_51 : vector<16xi32> to vector<16xi32>
    tpu.vector_store %arg8[%swap3A_52], %swap3A_55 {strides = array<i32>} : memref<128xi32, #tpu.memory_space<vmem>>, vector<16xi32>,
    %get3A_56 = arith.constant 0 : i32
    %get3A_57 = arith.index_cast %get3A_56 : i32 to index
    %get3A_58 = arith.constant 32 : index
    %get3A_59 = tpu.vector_load %arg5[%get3A_57, %get3A_58] {strides = array<i32>} : memref<79x128xi32, #tpu.memory_space<vmem>>, vector<1x16xi32>,
    %get3A_60 = vector.shape_cast %get3A_59 : vector<1x16xi32> to vector<16xi32>
    %and3A_61 = arith.constant 16383 : i32
    %and3A_62 = vector.broadcast %and3A_61 : i32 to vector<16xi32>
    %and3A_63 = arith.andi %get3A_60, %and3A_62 : vector<16xi32>
    %swap3A_64 = arith.constant 32 : index
    %swap3A_65 = tpu.vector_load %arg6[%swap3A_64] {strides = array<i32>} : memref<128xi32, #tpu.memory_space<vmem>>, vector<16xi32>,
    %swap3A_66 = vector.shape_cast %swap3A_65 : vector<16xi32> to vector<16xi32>
    %swap3A_67 = vector.shape_cast %and3A_63 : vector<16xi32> to vector<16xi32>
    tpu.vector_store %arg6[%swap3A_64], %swap3A_67 {strides = array<i32>} : memref<128xi32, #tpu.memory_space<vmem>>, vector<16xi32>,
    %shift_right_arithmetic3A_68 = arith.constant 14 : i32
    %shift_right_arithmetic3A_69 = vector.broadcast %shift_right_arithmetic3A_68 : i32 to vector<16xi32>
    %shift_right_arithmetic3A_70 = arith.shrsi %get3A_60, %shift_right_arithmetic3A_69 : vector<16xi32>
    %swap3A_71 = arith.constant 32 : index
    %swap3A_72 = tpu.vector_load %arg8[%swap3A_71] {strides = array<i32>} : memref<128xi32, #tpu.memory_space<vmem>>, vector<16xi32>,
    %swap3A_73 = vector.shape_cast %swap3A_72 : vector<16xi32> to vector<16xi32>
    %swap3A_74 = vector.shape_cast %shift_right_arithmetic3A_70 : vector<16xi32> to vector<16xi32>
    tpu.vector_store %arg8[%swap3A_71], %swap3A_74 {strides = array<i32>} : memref<128xi32, #tpu.memory_space<vmem>>, vector<16xi32>,
    %get3A_75 = arith.constant 0 : i32
    %get3A_76 = arith.index_cast %get3A_75 : i32 to index
    %get3A_77 = arith.constant 48 : index
    %get3A_78 = tpu.vector_load %arg5[%get3A_76, %get3A_77] {strides = array<i32>} : memref<79x128xi32, #tpu.memory_space<vmem>>, vector<1x16xi32>,
    %get3A_79 = vector.shape_cast %get3A_78 : vector<1x16xi32> to vector<16xi32>
    %and3A_80 = arith.constant 16383 : i32
    %and3A_81 = vector.broadcast %and3A_80 : i32 to vector<16xi32>
    %and3A_82 = arith.andi %get3A_79, %and3A_81 : vector<16xi32>
    %swap3A_83 = arith.constant 48 : index
    %swap3A_84 = tpu.vector_load %arg6[%swap3A_83] {strides = array<i32>} : memref<128xi32, #tpu.memory_space<vmem>>, vector<16xi32>,
    %swap3A_85 = vector.shape_cast %swap3A_84 : vector<16xi32> to vector<16xi32>
    %swap3A_86 = vector.shape_cast %and3A_82 : vector<16xi32> to vector<16xi32>
    tpu.vector_store %arg6[%swap3A_83], %swap3A_86 {strides = array<i32>} : memref<128xi32, #tpu.memory_space<vmem>>, vector<16xi32>,
    %shift_right_arithmetic3A_87 = arith.constant 14 : i32
    %shift_right_arithmetic3A_88 = vector.broadcast %shift_right_arithmetic3A_87 : i32 to vector<16xi32>
    %shift_right_arithmetic3A_89 = arith.shrsi %get3A_79, %shift_right_arithmetic3A_88 : vector<16xi32>
    %swap3A_90 = arith.constant 48 : index
    %swap3A_91 = tpu.vector_load %arg8[%swap3A_90] {strides = array<i32>} : memref<128xi32, #tpu.memory_space<vmem>>, vector<16xi32>,
    %swap3A_92 = vector.shape_cast %swap3A_91 : vector<16xi32> to vector<16xi32>
    %swap3A_93 = vector.shape_cast %shift_right_arithmetic3A_89 : vector<16xi32> to vector<16xi32>
    tpu.vector_store %arg8[%swap3A_90], %swap3A_93 {strides = array<i32>} : memref<128xi32, #tpu.memory_space<vmem>>, vector<16xi32>,
    %get3A_94 = arith.constant 0 : i32
    %get3A_95 = arith.index_cast %get3A_94 : i32 to index
    %get3A_96 = arith.constant 64 : index
    %get3A_97 = tpu.vector_load %arg5[%get3A_95, %get3A_96] {strides = array<i32>} : memref<79x128xi32, #tpu.memory_space<vmem>>, vector<1x16xi32>,
    %get3A_98 = vector.shape_cast %get3A_97 : vector<1x16xi32> to vector<16xi32>
    %and3A_99 = arith.constant 16383 : i32
    %and3A_100 = vector.broadcast %and3A_99 : i32 to vector<16xi32>
    %and3A_101 = arith.andi %get3A_98, %and3A_100 : vector<16xi32>
    %swap3A_102 = arith.constant 64 : index
    %swap3A_103 = tpu.vector_load %arg6[%swap3A_102] {strides = array<i32>} : memref<128xi32, #tpu.memory_space<vmem>>, vector<16xi32>,
    %swap3A_104 = vector.shape_cast %swap3A_103 : vector<16xi32> to vector<16xi32>
    %swap3A_105 = vector.shape_cast %and3A_101 : vector<16xi32> to vector<16xi32>
    tpu.vector_store %arg6[%swap3A_102], %swap3A_105 {strides = array<i32>} : memref<128xi32, #tpu.memory_space<vmem>>, vector<16xi32>,
    %shift_right_arithmetic3A_106 = arith.constant 14 : i32
    %shift_right_arithmetic3A_107 = vector.broadcast %shift_right_arithmetic3A_106 : i32 to vector<16xi32>
    %shift_right_arithmetic3A_108 = arith.shrsi %get3A_98, %shift_right_arithmetic3A_107 : vector<16xi32>
    %swap3A_109 = arith.constant 64 : index
    %swap3A_110 = tpu.vector_load %arg8[%swap3A_109] {strides = array<i32>} : memref<128xi32, #tpu.memory_space<vmem>>, vector<16xi32>,
    %swap3A_111 = vector.shape_cast %swap3A_110 : vector<16xi32> to vector<16xi32>
    %swap3A_112 = vector.shape_cast %shift_right_arithmetic3A_108 : vector<16xi32> to vector<16xi32>
    tpu.vector_store %arg8[%swap3A_109], %swap3A_112 {strides = array<i32>} : memref<128xi32, #tpu.memory_space<vmem>>, vector<16xi32>,
    %get3A_113 = arith.constant 0 : i32
    %get3A_114 = arith.index_cast %get3A_113 : i32 to index
    %get3A_115 = arith.constant 80 : index
    %get3A_116 = tpu.vector_load %arg5[%get3A_114, %get3A_115] {strides = array<i32>} : memref<79x128xi32, #tpu.memory_space<vmem>>, vector<1x16xi32>,
    %get3A_117 = vector.shape_cast %get3A_116 : vector<1x16xi32> to vector<16xi32>
    %and3A_118 = arith.constant 16383 : i32
    %and3A_119 = vector.broadcast %and3A_118 : i32 to vector<16xi32>
    %and3A_120 = arith.andi %get3A_117, %and3A_119 : vector<16xi32>
    %swap3A_121 = arith.constant 80 : index
    %swap3A_122 = tpu.vector_load %arg6[%swap3A_121] {strides = array<i32>} : memref<128xi32, #tpu.memory_space<vmem>>, vector<16xi32>,
    %swap3A_123 = vector.shape_cast %swap3A_122 : vector<16xi32> to vector<16xi32>
    %swap3A_124 = vector.shape_cast %and3A_120 : vector<16xi32> to vector<16xi32>
    tpu.vector_store %arg6[%swap3A_121], %swap3A_124 {strides = array<i32>} : memref<128xi32, #tpu.memory_space<vmem>>, vector<16xi32>,
    %shift_right_arithmetic3A_125 = arith.constant 14 : i32
    %shift_right_arithmetic3A_126 = vector.broadcast %shift_right_arithmetic3A_125 : i32 to vector<16xi32>
    %shift_right_arithmetic3A_127 = arith.shrsi %get3A_117, %shift_right_arithmetic3A_126 : vector<16xi32>
    %swap3A_128 = arith.constant 80 : index
    %swap3A_129 = tpu.vector_load %arg8[%swap3A_128] {strides = array<i32>} : memref<128xi32, #tpu.memory_space<vmem>>, vector<16xi32>,
    %swap3A_130 = vector.shape_cast %swap3A_129 : vector<16xi32> to vector<16xi32>
    %swap3A_131 = vector.shape_cast %shift_right_arithmetic3A_127 : vector<16xi32> to vector<16xi32>
    tpu.vector_store %arg8[%swap3A_128], %swap3A_131 {strides = array<i32>} : memref<128xi32, #tpu.memory_space<vmem>>, vector<16xi32>,
    %get3A_132 = arith.constant 0 : i32
    %get3A_133 = arith.index_cast %get3A_132 : i32 to index
    %get3A_134 = arith.constant 96 : index
    %get3A_135 = tpu.vector_load %arg5[%get3A_133, %get3A_134] {strides = array<i32>} : memref<79x128xi32, #tpu.memory_space<vmem>>, vector<1x16xi32>,
    %get3A_136 = vector.shape_cast %get3A_135 : vector<1x16xi32> to vector<16xi32>
    %and3A_137 = arith.constant 16383 : i32
    %and3A_138 = vector.broadcast %and3A_137 : i32 to vector<16xi32>
    %and3A_139 = arith.andi %get3A_136, %and3A_138 : vector<16xi32>
    %swap3A_140 = arith.constant 96 : index
    %swap3A_141 = tpu.vector_load %arg6[%swap3A_140] {strides = array<i32>} : memref<128xi32, #tpu.memory_space<vmem>>, vector<16xi32>,
    %swap3A_142 = vector.shape_cast %swap3A_141 : vector<16xi32> to vector<16xi32>
    %swap3A_143 = vector.shape_cast %and3A_139 : vector<16xi32> to vector<16xi32>
    tpu.vector_store %arg6[%swap3A_140], %swap3A_143 {strides = array<i32>} : memref<128xi32, #tpu.memory_space<vmem>>, vector<16xi32>,
    %shift_right_arithmetic3A_144 = arith.constant 14 : i32
    %shift_right_arithmetic3A_145 = vector.broadcast %shift_right_arithmetic3A_144 : i32 to vector<16xi32>
    %shift_right_arithmetic3A_146 = arith.shrsi %get3A_136, %shift_right_arithmetic3A_145 : vector<16xi32>
    %swap3A_147 = arith.constant 96 : index
    %swap3A_148 = tpu.vector_load %arg8[%swap3A_147] {strides = array<i32>} : memref<128xi32, #tpu.memory_space<vmem>>, vector<16xi32>,
    %swap3A_149 = vector.shape_cast %swap3A_148 : vector<16xi32> to vector<16xi32>
    %swap3A_150 = vector.shape_cast %shift_right_arithmetic3A_146 : vector<16xi32> to vector<16xi32>
    tpu.vector_store %arg8[%swap3A_147], %swap3A_150 {strides = array<i32>} : memref<128xi32, #tpu.memory_space<vmem>>, vector<16xi32>,
    %get3A_151 = arith.constant 0 : i32
    %get3A_152 = arith.index_cast %get3A_151 : i32 to index
    %get3A_153 = arith.constant 112 : index
    %get3A_154 = tpu.vector_load %arg5[%get3A_152, %get3A_153] {strides = array<i32>} : memref<79x128xi32, #tpu.memory_space<vmem>>, vector<1x16xi32>,
    %get3A_155 = vector.shape_cast %get3A_154 : vector<1x16xi32> to vector<16xi32>
    %and3A_156 = arith.constant 16383 : i32
    %and3A_157 = vector.broadcast %and3A_156 : i32 to vector<16xi32>
    %and3A_158 = arith.andi %get3A_155, %and3A_157 : vector<16xi32>
    %swap3A_159 = arith.constant 112 : index
    %swap3A_160 = tpu.vector_load %arg6[%swap3A_159] {strides = array<i32>} : memref<128xi32, #tpu.memory_space<vmem>>, vector<16xi32>,
    %swap3A_161 = vector.shape_cast %swap3A_160 : vector<16xi32> to vector<16xi32>
    %swap3A_162 = vector.shape_cast %and3A_158 : vector<16xi32> to vector<16xi32>
    tpu.vector_store %arg6[%swap3A_159], %swap3A_162 {strides = array<i32>} : memref<128xi32, #tpu.memory_space<vmem>>, vector<16xi32>,
    %shift_right_arithmetic3A_163 = arith.constant 14 : i32
    %shift_right_arithmetic3A_164 = vector.broadcast %shift_right_arithmetic3A_163 : i32 to vector<16xi32>
    %shift_right_arithmetic3A_165 = arith.shrsi %get3A_155, %shift_right_arithmetic3A_164 : vector<16xi32>
    %swap3A_166 = arith.constant 112 : index
    %swap3A_167 = tpu.vector_load %arg8[%swap3A_166] {strides = array<i32>} : memref<128xi32, #tpu.memory_space<vmem>>, vector<16xi32>,
    %swap3A_168 = vector.shape_cast %swap3A_167 : vector<16xi32> to vector<16xi32>
    %swap3A_169 = vector.shape_cast %shift_right_arithmetic3A_165 : vector<16xi32> to vector<16xi32>
    tpu.vector_store %arg8[%swap3A_166], %swap3A_169 {strides = array<i32>} : memref<128xi32, #tpu.memory_space<vmem>>, vector<16xi32>,
    %dma_start3A = arith.constant 0 : i32
    %dma_start3A_170 = arith.constant 0 : i32
    %dma_start3A_171 = tpu.memref_slice %arg2[%dma_start3A, %dma_start3A_170] : memref<10000x128xf32, #tpu.memory_space<hbm>> -> memref<10000x128xf32, #tpu.memory_space<hbm>>
    tpu.enqueue_indirect_dma source(%dma_start3A_171 : memref<10000x128xf32, #tpu.memory_space<hbm>>) target(%arg10 : memref<128x128xf32, #tpu.memory_space<vmem>>) offsets(%arg6 : memref<128xi32, #tpu.memory_space<vmem>>) semaphore(%arg13 : memref<!tpu.dma_semaphore, #tpu.memory_space<semaphore_mem>>)
    %get3A_172 = arith.constant 1 : i32
    %get3A_173 = arith.index_cast %get3A_172 : i32 to index
    %get3A_174 = arith.constant 0 : index
    %get3A_175 = tpu.vector_load %arg5[%get3A_173, %get3A_174] {strides = array<i32>} : memref<79x128xi32, #tpu.memory_space<vmem>>, vector<1x16xi32>,
    %get3A_176 = vector.shape_cast %get3A_175 : vector<1x16xi32> to vector<16xi32>
    %and3A_177 = arith.constant 16383 : i32
    %and3A_178 = vector.broadcast %and3A_177 : i32 to vector<16xi32>
    %and3A_179 = arith.andi %get3A_176, %and3A_178 : vector<16xi32>
    %swap3A_180 = arith.constant 0 : index
    %swap3A_181 = tpu.vector_load %arg7[%swap3A_180] {strides = array<i32>} : memref<128xi32, #tpu.memory_space<vmem>>, vector<16xi32>,
    %swap3A_182 = vector.shape_cast %swap3A_181 : vector<16xi32> to vector<16xi32>
    %swap3A_183 = vector.shape_cast %and3A_179 : vector<16xi32> to vector<16xi32>
    tpu.vector_store %arg7[%swap3A_180], %swap3A_183 {strides = array<i32>} : memref<128xi32, #tpu.memory_space<vmem>>, vector<16xi32>,
    %shift_right_arithmetic3A_184 = arith.constant 14 : i32
    %shift_right_arithmetic3A_185 = vector.broadcast %shift_right_arithmetic3A_184 : i32 to vector<16xi32>
    %shift_right_arithmetic3A_186 = arith.shrsi %get3A_176, %shift_right_arithmetic3A_185 : vector<16xi32>
    %swap3A_187 = arith.constant 0 : index
    %swap3A_188 = tpu.vector_load %arg9[%swap3A_187] {strides = array<i32>} : memref<128xi32, #tpu.memory_space<vmem>>, vector<16xi32>,
    %swap3A_189 = vector.shape_cast %swap3A_188 : vector<16xi32> to vector<16xi32>
    %swap3A_190 = vector.shape_cast %shift_right_arithmetic3A_186 : vector<16xi32> to vector<16xi32>
    tpu.vector_store %arg9[%swap3A_187], %swap3A_190 {strides = array<i32>} : memref<128xi32, #tpu.memory_space<vmem>>, vector<16xi32>,
    %get3A_191 = arith.constant 1 : i32
    %get3A_192 = arith.index_cast %get3A_191 : i32 to index
    %get3A_193 = arith.constant 16 : index
    %get3A_194 = tpu.vector_load %arg5[%get3A_192, %get3A_193] {strides = array<i32>} : memref<79x128xi32, #tpu.memory_space<vmem>>, vector<1x16xi32>,
    %get3A_195 = vector.shape_cast %get3A_194 : vector<1x16xi32> to vector<16xi32>
    %and3A_196 = arith.constant 16383 : i32
    %and3A_197 = vector.broadcast %and3A_196 : i32 to vector<16xi32>
    %and3A_198 = arith.andi %get3A_195, %and3A_197 : vector<16xi32>
    %swap3A_199 = arith.constant 16 : index
    %swap3A_200 = tpu.vector_load %arg7[%swap3A_199] {strides = array<i32>} : memref<128xi32, #tpu.memory_space<vmem>>, vector<16xi32>,
    %swap3A_201 = vector.shape_cast %swap3A_200 : vector<16xi32> to vector<16xi32>
    %swap3A_202 = vector.shape_cast %and3A_198 : vector<16xi32> to vector<16xi32>
    tpu.vector_store %arg7[%swap3A_199], %swap3A_202 {strides = array<i32>} : memref<128xi32, #tpu.memory_space<vmem>>, vector<16xi32>,
    %shift_right_arithmetic3A_203 = arith.constant 14 : i32
    %shift_right_arithmetic3A_204 = vector.broadcast %shift_right_arithmetic3A_203 : i32 to vector<16xi32>
    %shift_right_arithmetic3A_205 = arith.shrsi %get3A_195, %shift_right_arithmetic3A_204 : vector<16xi32>
    %swap3A_206 = arith.constant 16 : index
    %swap3A_207 = tpu.vector_load %arg9[%swap3A_206] {strides = array<i32>} : memref<128xi32, #tpu.memory_space<vmem>>, vector<16xi32>,
    %swap3A_208 = vector.shape_cast %swap3A_207 : vector<16xi32> to vector<16xi32>
    %swap3A_209 = vector.shape_cast %shift_right_arithmetic3A_205 : vector<16xi32> to vector<16xi32>
    tpu.vector_store %arg9[%swap3A_206], %swap3A_209 {strides = array<i32>} : memref<128xi32, #tpu.memory_space<vmem>>, vector<16xi32>,
    %get3A_210 = arith.constant 1 : i32
    %get3A_211 = arith.index_cast %get3A_210 : i32 to index
    %get3A_212 = arith.constant 32 : index
    %get3A_213 = tpu.vector_load %arg5[%get3A_211, %get3A_212] {strides = array<i32>} : memref<79x128xi32, #tpu.memory_space<vmem>>, vector<1x16xi32>,
    %get3A_214 = vector.shape_cast %get3A_213 : vector<1x16xi32> to vector<16xi32>
    %and3A_215 = arith.constant 16383 : i32
    %and3A_216 = vector.broadcast %and3A_215 : i32 to vector<16xi32>
    %and3A_217 = arith.andi %get3A_214, %and3A_216 : vector<16xi32>
    %swap3A_218 = arith.constant 32 : index
    %swap3A_219 = tpu.vector_load %arg7[%swap3A_218] {strides = array<i32>} : memref<128xi32, #tpu.memory_space<vmem>>, vector<16xi32>,
    %swap3A_220 = vector.shape_cast %swap3A_219 : vector<16xi32> to vector<16xi32>
    %swap3A_221 = vector.shape_cast %and3A_217 : vector<16xi32> to vector<16xi32>
    tpu.vector_store %arg7[%swap3A_218], %swap3A_221 {strides = array<i32>} : memref<128xi32, #tpu.memory_space<vmem>>, vector<16xi32>,
    %shift_right_arithmetic3A_222 = arith.constant 14 : i32
    %shift_right_arithmetic3A_223 = vector.broadcast %shift_right_arithmetic3A_222 : i32 to vector<16xi32>
    %shift_right_arithmetic3A_224 = arith.shrsi %get3A_214, %shift_right_arithmetic3A_223 : vector<16xi32>
    %swap3A_225 = arith.constant 32 : index
    %swap3A_226 = tpu.vector_load %arg9[%swap3A_225] {strides = array<i32>} : memref<128xi32, #tpu.memory_space<vmem>>, vector<16xi32>,
    %swap3A_227 = vector.shape_cast %swap3A_226 : vector<16xi32> to vector<16xi32>
    %swap3A_228 = vector.shape_cast %shift_right_arithmetic3A_224 : vector<16xi32> to vector<16xi32>
    tpu.vector_store %arg9[%swap3A_225], %swap3A_228 {strides = array<i32>} : memref<128xi32, #tpu.memory_space<vmem>>, vector<16xi32>,
    %get3A_229 = arith.constant 1 : i32
    %get3A_230 = arith.index_cast %get3A_229 : i32 to index
    %get3A_231 = arith.constant 48 : index
    %get3A_232 = tpu.vector_load %arg5[%get3A_230, %get3A_231] {strides = array<i32>} : memref<79x128xi32, #tpu.memory_space<vmem>>, vector<1x16xi32>,
    %get3A_233 = vector.shape_cast %get3A_232 : vector<1x16xi32> to vector<16xi32>
    %and3A_234 = arith.constant 16383 : i32
    %and3A_235 = vector.broadcast %and3A_234 : i32 to vector<16xi32>
    %and3A_236 = arith.andi %get3A_233, %and3A_235 : vector<16xi32>
    %swap3A_237 = arith.constant 48 : index
    %swap3A_238 = tpu.vector_load %arg7[%swap3A_237] {strides = array<i32>} : memref<128xi32, #tpu.memory_space<vmem>>, vector<16xi32>,
    %swap3A_239 = vector.shape_cast %swap3A_238 : vector<16xi32> to vector<16xi32>
    %swap3A_240 = vector.shape_cast %and3A_236 : vector<16xi32> to vector<16xi32>
    tpu.vector_store %arg7[%swap3A_237], %swap3A_240 {strides = array<i32>} : memref<128xi32, #tpu.memory_space<vmem>>, vector<16xi32>,
    %shift_right_arithmetic3A_241 = arith.constant 14 : i32
    %shift_right_arithmetic3A_242 = vector.broadcast %shift_right_arithmetic3A_241 : i32 to vector<16xi32>
    %shift_right_arithmetic3A_243 = arith.shrsi %get3A_233, %shift_right_arithmetic3A_242 : vector<16xi32>
    %swap3A_244 = arith.constant 48 : index
    %swap3A_245 = tpu.vector_load %arg9[%swap3A_244] {strides = array<i32>} : memref<128xi32, #tpu.memory_space<vmem>>, vector<16xi32>,
    %swap3A_246 = vector.shape_cast %swap3A_245 : vector<16xi32> to vector<16xi32>
    %swap3A_247 = vector.shape_cast %shift_right_arithmetic3A_243 : vector<16xi32> to vector<16xi32>
    tpu.vector_store %arg9[%swap3A_244], %swap3A_247 {strides = array<i32>} : memref<128xi32, #tpu.memory_space<vmem>>, vector<16xi32>,
    %get3A_248 = arith.constant 1 : i32
    %get3A_249 = arith.index_cast %get3A_248 : i32 to index
    %get3A_250 = arith.constant 64 : index
    %get3A_251 = tpu.vector_load %arg5[%get3A_249, %get3A_250] {strides = array<i32>} : memref<79x128xi32, #tpu.memory_space<vmem>>, vector<1x16xi32>,
    %get3A_252 = vector.shape_cast %get3A_251 : vector<1x16xi32> to vector<16xi32>
    %and3A_253 = arith.constant 16383 : i32
    %and3A_254 = vector.broadcast %and3A_253 : i32 to vector<16xi32>
    %and3A_255 = arith.andi %get3A_252, %and3A_254 : vector<16xi32>
    %swap3A_256 = arith.constant 64 : index
    %swap3A_257 = tpu.vector_load %arg7[%swap3A_256] {strides = array<i32>} : memref<128xi32, #tpu.memory_space<vmem>>, vector<16xi32>,
    %swap3A_258 = vector.shape_cast %swap3A_257 : vector<16xi32> to vector<16xi32>
    %swap3A_259 = vector.shape_cast %and3A_255 : vector<16xi32> to vector<16xi32>
    tpu.vector_store %arg7[%swap3A_256], %swap3A_259 {strides = array<i32>} : memref<128xi32, #tpu.memory_space<vmem>>, vector<16xi32>,
    %shift_right_arithmetic3A_260 = arith.constant 14 : i32
    %shift_right_arithmetic3A_261 = vector.broadcast %shift_right_arithmetic3A_260 : i32 to vector<16xi32>
    %shift_right_arithmetic3A_262 = arith.shrsi %get3A_252, %shift_right_arithmetic3A_261 : vector<16xi32>
    %swap3A_263 = arith.constant 64 : index
    %swap3A_264 = tpu.vector_load %arg9[%swap3A_263] {strides = array<i32>} : memref<128xi32, #tpu.memory_space<vmem>>, vector<16xi32>,
    %swap3A_265 = vector.shape_cast %swap3A_264 : vector<16xi32> to vector<16xi32>
    %swap3A_266 = vector.shape_cast %shift_right_arithmetic3A_262 : vector<16xi32> to vector<16xi32>
    tpu.vector_store %arg9[%swap3A_263], %swap3A_266 {strides = array<i32>} : memref<128xi32, #tpu.memory_space<vmem>>, vector<16xi32>,
    %get3A_267 = arith.constant 1 : i32
    %get3A_268 = arith.index_cast %get3A_267 : i32 to index
    %get3A_269 = arith.constant 80 : index
    %get3A_270 = tpu.vector_load %arg5[%get3A_268, %get3A_269] {strides = array<i32>} : memref<79x128xi32, #tpu.memory_space<vmem>>, vector<1x16xi32>,
    %get3A_271 = vector.shape_cast %get3A_270 : vector<1x16xi32> to vector<16xi32>
    %and3A_272 = arith.constant 16383 : i32
    %and3A_273 = vector.broadcast %and3A_272 : i32 to vector<16xi32>
    %and3A_274 = arith.andi %get3A_271, %and3A_273 : vector<16xi32>
    %swap3A_275 = arith.constant 80 : index
    %swap3A_276 = tpu.vector_load %arg7[%swap3A_275] {strides = array<i32>} : memref<128xi32, #tpu.memory_space<vmem>>, vector<16xi32>,
    %swap3A_277 = vector.shape_cast %swap3A_276 : vector<16xi32> to vector<16xi32>
    %swap3A_278 = vector.shape_cast %and3A_274 : vector<16xi32> to vector<16xi32>
    tpu.vector_store %arg7[%swap3A_275], %swap3A_278 {strides = array<i32>} : memref<128xi32, #tpu.memory_space<vmem>>, vector<16xi32>,
    %shift_right_arithmetic3A_279 = arith.constant 14 : i32
    %shift_right_arithmetic3A_280 = vector.broadcast %shift_right_arithmetic3A_279 : i32 to vector<16xi32>
    %shift_right_arithmetic3A_281 = arith.shrsi %get3A_271, %shift_right_arithmetic3A_280 : vector<16xi32>
    %swap3A_282 = arith.constant 80 : index
    %swap3A_283 = tpu.vector_load %arg9[%swap3A_282] {strides = array<i32>} : memref<128xi32, #tpu.memory_space<vmem>>, vector<16xi32>,
    %swap3A_284 = vector.shape_cast %swap3A_283 : vector<16xi32> to vector<16xi32>
    %swap3A_285 = vector.shape_cast %shift_right_arithmetic3A_281 : vector<16xi32> to vector<16xi32>
    tpu.vector_store %arg9[%swap3A_282], %swap3A_285 {strides = array<i32>} : memref<128xi32, #tpu.memory_space<vmem>>, vector<16xi32>,
    %get3A_286 = arith.constant 1 : i32
    %get3A_287 = arith.index_cast %get3A_286 : i32 to index
    %get3A_288 = arith.constant 96 : index
    %get3A_289 = tpu.vector_load %arg5[%get3A_287, %get3A_288] {strides = array<i32>} : memref<79x128xi32, #tpu.memory_space<vmem>>, vector<1x16xi32>,
    %get3A_290 = vector.shape_cast %get3A_289 : vector<1x16xi32> to vector<16xi32>
    %and3A_291 = arith.constant 16383 : i32
    %and3A_292 = vector.broadcast %and3A_291 : i32 to vector<16xi32>
    %and3A_293 = arith.andi %get3A_290, %and3A_292 : vector<16xi32>
    %swap3A_294 = arith.constant 96 : index
    %swap3A_295 = tpu.vector_load %arg7[%swap3A_294] {strides = array<i32>} : memref<128xi32, #tpu.memory_space<vmem>>, vector<16xi32>,
    %swap3A_296 = vector.shape_cast %swap3A_295 : vector<16xi32> to vector<16xi32>
    %swap3A_297 = vector.shape_cast %and3A_293 : vector<16xi32> to vector<16xi32>
    tpu.vector_store %arg7[%swap3A_294], %swap3A_297 {strides = array<i32>} : memref<128xi32, #tpu.memory_space<vmem>>, vector<16xi32>,
    %shift_right_arithmetic3A_298 = arith.constant 14 : i32
    %shift_right_arithmetic3A_299 = vector.broadcast %shift_right_arithmetic3A_298 : i32 to vector<16xi32>
    %shift_right_arithmetic3A_300 = arith.shrsi %get3A_290, %shift_right_arithmetic3A_299 : vector<16xi32>
    %swap3A_301 = arith.constant 96 : index
    %swap3A_302 = tpu.vector_load %arg9[%swap3A_301] {strides = array<i32>} : memref<128xi32, #tpu.memory_space<vmem>>, vector<16xi32>,
    %swap3A_303 = vector.shape_cast %swap3A_302 : vector<16xi32> to vector<16xi32>
    %swap3A_304 = vector.shape_cast %shift_right_arithmetic3A_300 : vector<16xi32> to vector<16xi32>
    tpu.vector_store %arg9[%swap3A_301], %swap3A_304 {strides = array<i32>} : memref<128xi32, #tpu.memory_space<vmem>>, vector<16xi32>,
    %get3A_305 = arith.constant 1 : i32
    %get3A_306 = arith.index_cast %get3A_305 : i32 to index
    %get3A_307 = arith.constant 112 : index
    %get3A_308 = tpu.vector_load %arg5[%get3A_306, %get3A_307] {strides = array<i32>} : memref<79x128xi32, #tpu.memory_space<vmem>>, vector<1x16xi32>,
    %get3A_309 = vector.shape_cast %get3A_308 : vector<1x16xi32> to vector<16xi32>
    %and3A_310 = arith.constant 16383 : i32
    %and3A_311 = vector.broadcast %and3A_310 : i32 to vector<16xi32>
    %and3A_312 = arith.andi %get3A_309, %and3A_311 : vector<16xi32>
    %swap3A_313 = arith.constant 112 : index
    %swap3A_314 = tpu.vector_load %arg7[%swap3A_313] {strides = array<i32>} : memref<128xi32, #tpu.memory_space<vmem>>, vector<16xi32>,
    %swap3A_315 = vector.shape_cast %swap3A_314 : vector<16xi32> to vector<16xi32>
    %swap3A_316 = vector.shape_cast %and3A_312 : vector<16xi32> to vector<16xi32>
    tpu.vector_store %arg7[%swap3A_313], %swap3A_316 {strides = array<i32>} : memref<128xi32, #tpu.memory_space<vmem>>, vector<16xi32>,
    %shift_right_arithmetic3A_317 = arith.constant 14 : i32
    %shift_right_arithmetic3A_318 = vector.broadcast %shift_right_arithmetic3A_317 : i32 to vector<16xi32>
    %shift_right_arithmetic3A_319 = arith.shrsi %get3A_309, %shift_right_arithmetic3A_318 : vector<16xi32>
    %swap3A_320 = arith.constant 112 : index
    %swap3A_321 = tpu.vector_load %arg9[%swap3A_320] {strides = array<i32>} : memref<128xi32, #tpu.memory_space<vmem>>, vector<16xi32>,
    %swap3A_322 = vector.shape_cast %swap3A_321 : vector<16xi32> to vector<16xi32>
    %swap3A_323 = vector.shape_cast %shift_right_arithmetic3A_319 : vector<16xi32> to vector<16xi32>
    tpu.vector_store %arg9[%swap3A_320], %swap3A_323 {strides = array<i32>} : memref<128xi32, #tpu.memory_space<vmem>>, vector<16xi32>,
    %dma_start3A_324 = arith.constant 0 : i32
    %dma_start3A_325 = arith.constant 0 : i32
    %dma_start3A_326 = tpu.memref_slice %arg2[%dma_start3A_324, %dma_start3A_325] : memref<10000x128xf32, #tpu.memory_space<hbm>> -> memref<10000x128xf32, #tpu.memory_space<hbm>>
    tpu.enqueue_indirect_dma source(%dma_start3A_326 : memref<10000x128xf32, #tpu.memory_space<hbm>>) target(%arg11 : memref<128x128xf32, #tpu.memory_space<vmem>>) offsets(%arg7 : memref<128xi32, #tpu.memory_space<vmem>>) semaphore(%arg14 : memref<!tpu.dma_semaphore, #tpu.memory_space<semaphore_mem>>)
    %scan3A_327 = arith.constant 0 : i32
    %scan3A_328 = arith.constant 0 : i32
    %scan3A_329 = arith.constant 39 : i32
    %scan3A_330 = arith.addi %scan3A_328, %scan3A_329 : i32
    %scan3A_331 = arith.constant 1 : i32
    %scan3A_332 = scf.for %scan3A_349 = %scan3A_328 to %scan3A_330 step %scan3A_331 iter_args(%scan3A_350 = %scan3A_327) -> (i32)  : i32 {
      %mul3A_351 = arith.constant 2 : i32
      %mul3A_352 = arith.muli %mul3A_351, %scan3A_349 : i32
      %add3A_353 = arith.constant 2 : i32
      %add3A_354 = arith.addi %mul3A_352, %add3A_353 : i32
      %mul3A_355 = arith.constant 2 : i32
      %mul3A_356 = arith.muli %mul3A_355, %scan3A_349 : i32
      %add3A_357 = arith.constant 3 : i32
      %add3A_358 = arith.addi %mul3A_356, %add3A_357 : i32
      %dma_wait3A_359 = arith.constant 0 : i32
      %dma_wait3A_360 = arith.constant 0 : i32
      %dma_wait3A_361 = tpu.memref_slice %arg2[%dma_wait3A_359, %dma_wait3A_360] : memref<10000x128xf32, #tpu.memory_space<hbm>> -> memref<10000x128xf32, #tpu.memory_space<hbm>>
      tpu.wait_indirect_dma semaphore(%arg13 : memref<!tpu.dma_semaphore, #tpu.memory_space<semaphore_mem>>) src(%dma_wait3A_361 : memref<10000x128xf32, #tpu.memory_space<hbm>>) dst(%arg10 : memref<128x128xf32, #tpu.memory_space<vmem>>)
      "tpu.region"() ({
        %run_scoped3A = tpu.sem_alloc : memref<!tpu.dma_semaphore, #tpu.memory_space<semaphore_mem>>
        %dma_start3A_374 = arith.constant 0 : i32
        %dma_start3A_375 = arith.constant 0 : i32
        %dma_start3A_376 = tpu.memref_slice %arg12[%dma_start3A_374, %dma_start3A_375] : memref<10008x128xf32, #tpu.memory_space<vmem_shared>> -> memref<10008x128xf32, #tpu.memory_space<vmem_shared>>
        tpu.enqueue_indirect_dma source(%arg10 : memref<128x128xf32, #tpu.memory_space<vmem>>) target(%dma_start3A_376 : memref<10008x128xf32, #tpu.memory_space<vmem_shared>>) offsets(%arg8 : memref<128xi32, #tpu.memory_space<vmem>>) semaphore(%run_scoped3A : memref<!tpu.dma_semaphore, #tpu.memory_space<semaphore_mem>>) {add = true}
        %dma_wait3A_377 = arith.constant 0 : i32
        %dma_wait3A_378 = arith.constant 0 : i32
        %dma_wait3A_379 = tpu.memref_slice %arg12[%dma_wait3A_377, %dma_wait3A_378] : memref<10008x128xf32, #tpu.memory_space<vmem_shared>> -> memref<10008x128xf32, #tpu.memory_space<vmem_shared>>
        tpu.wait_indirect_dma semaphore(%run_scoped3A : memref<!tpu.dma_semaphore, #tpu.memory_space<semaphore_mem>>) src(%arg10 : memref<128x128xf32, #tpu.memory_space<vmem>>) dst(%dma_wait3A_379 : memref<10008x128xf32, #tpu.memory_space<vmem_shared>>)
        tpu.yield
      }) : () -> ()
      %lt3A_362 = arith.constant 79 : i32
      %lt3A_363 = arith.cmpi slt, %add3A_354, %lt3A_362 : i32
      %convert_element_type3A = arith.extui %lt3A_363 : i1 to i32
      %cond3A = arith.constant 0 : i32
      %cond3A_364 = arith.cmpi ne, %convert_element_type3A, %cond3A : i32
      scf.if %cond3A_364 {
        %get3A_374 = arith.index_cast %add3A_354 : i32 to index
        %get3A_375 = arith.constant 0 : index
        %get3A_376 = tpu.vector_load %arg5[%get3A_374, %get3A_375] {strides = array<i32>} : memref<79x128xi32, #tpu.memory_space<vmem>>, vector<1x16xi32>,
        %get3A_377 = vector.shape_cast %get3A_376 : vector<1x16xi32> to vector<16xi32>
        %and3A_378 = arith.constant 16383 : i32
        %and3A_379 = vector.broadcast %and3A_378 : i32 to vector<16xi32>
        %and3A_380 = arith.andi %get3A_377, %and3A_379 : vector<16xi32>
        %swap3A_381 = arith.constant 0 : index
        %swap3A_382 = tpu.vector_load %arg6[%swap3A_381] {strides = array<i32>} : memref<128xi32, #tpu.memory_space<vmem>>, vector<16xi32>,
        %swap3A_383 = vector.shape_cast %swap3A_382 : vector<16xi32> to vector<16xi32>
        %swap3A_384 = vector.shape_cast %and3A_380 : vector<16xi32> to vector<16xi32>
        tpu.vector_store %arg6[%swap3A_381], %swap3A_384 {strides = array<i32>} : memref<128xi32, #tpu.memory_space<vmem>>, vector<16xi32>,
        %shift_right_arithmetic3A_385 = arith.constant 14 : i32
        %shift_right_arithmetic3A_386 = vector.broadcast %shift_right_arithmetic3A_385 : i32 to vector<16xi32>
        %shift_right_arithmetic3A_387 = arith.shrsi %get3A_377, %shift_right_arithmetic3A_386 : vector<16xi32>
        %swap3A_388 = arith.constant 0 : index
        %swap3A_389 = tpu.vector_load %arg8[%swap3A_388] {strides = array<i32>} : memref<128xi32, #tpu.memory_space<vmem>>, vector<16xi32>,
        %swap3A_390 = vector.shape_cast %swap3A_389 : vector<16xi32> to vector<16xi32>
        %swap3A_391 = vector.shape_cast %shift_right_arithmetic3A_387 : vector<16xi32> to vector<16xi32>
        tpu.vector_store %arg8[%swap3A_388], %swap3A_391 {strides = array<i32>} : memref<128xi32, #tpu.memory_space<vmem>>, vector<16xi32>,
        %get3A_392 = arith.index_cast %add3A_354 : i32 to index
        %get3A_393 = arith.constant 16 : index
        %get3A_394 = tpu.vector_load %arg5[%get3A_392, %get3A_393] {strides = array<i32>} : memref<79x128xi32, #tpu.memory_space<vmem>>, vector<1x16xi32>,
        %get3A_395 = vector.shape_cast %get3A_394 : vector<1x16xi32> to vector<16xi32>
        %and3A_396 = arith.constant 16383 : i32
        %and3A_397 = vector.broadcast %and3A_396 : i32 to vector<16xi32>
        %and3A_398 = arith.andi %get3A_395, %and3A_397 : vector<16xi32>
        %swap3A_399 = arith.constant 16 : index
        %swap3A_400 = tpu.vector_load %arg6[%swap3A_399] {strides = array<i32>} : memref<128xi32, #tpu.memory_space<vmem>>, vector<16xi32>,
        %swap3A_401 = vector.shape_cast %swap3A_400 : vector<16xi32> to vector<16xi32>
        %swap3A_402 = vector.shape_cast %and3A_398 : vector<16xi32> to vector<16xi32>
        tpu.vector_store %arg6[%swap3A_399], %swap3A_402 {strides = array<i32>} : memref<128xi32, #tpu.memory_space<vmem>>, vector<16xi32>,
        %shift_right_arithmetic3A_403 = arith.constant 14 : i32
        %shift_right_arithmetic3A_404 = vector.broadcast %shift_right_arithmetic3A_403 : i32 to vector<16xi32>
        %shift_right_arithmetic3A_405 = arith.shrsi %get3A_395, %shift_right_arithmetic3A_404 : vector<16xi32>
        %swap3A_406 = arith.constant 16 : index
        %swap3A_407 = tpu.vector_load %arg8[%swap3A_406] {strides = array<i32>} : memref<128xi32, #tpu.memory_space<vmem>>, vector<16xi32>,
        %swap3A_408 = vector.shape_cast %swap3A_407 : vector<16xi32> to vector<16xi32>
        %swap3A_409 = vector.shape_cast %shift_right_arithmetic3A_405 : vector<16xi32> to vector<16xi32>
        tpu.vector_store %arg8[%swap3A_406], %swap3A_409 {strides = array<i32>} : memref<128xi32, #tpu.memory_space<vmem>>, vector<16xi32>,
        %get3A_410 = arith.index_cast %add3A_354 : i32 to index
        %get3A_411 = arith.constant 32 : index
        %get3A_412 = tpu.vector_load %arg5[%get3A_410, %get3A_411] {strides = array<i32>} : memref<79x128xi32, #tpu.memory_space<vmem>>, vector<1x16xi32>,
        %get3A_413 = vector.shape_cast %get3A_412 : vector<1x16xi32> to vector<16xi32>
        %and3A_414 = arith.constant 16383 : i32
        %and3A_415 = vector.broadcast %and3A_414 : i32 to vector<16xi32>
        %and3A_416 = arith.andi %get3A_413, %and3A_415 : vector<16xi32>
        %swap3A_417 = arith.constant 32 : index
        %swap3A_418 = tpu.vector_load %arg6[%swap3A_417] {strides = array<i32>} : memref<128xi32, #tpu.memory_space<vmem>>, vector<16xi32>,
        %swap3A_419 = vector.shape_cast %swap3A_418 : vector<16xi32> to vector<16xi32>
        %swap3A_420 = vector.shape_cast %and3A_416 : vector<16xi32> to vector<16xi32>
        tpu.vector_store %arg6[%swap3A_417], %swap3A_420 {strides = array<i32>} : memref<128xi32, #tpu.memory_space<vmem>>, vector<16xi32>,
        %shift_right_arithmetic3A_421 = arith.constant 14 : i32
        %shift_right_arithmetic3A_422 = vector.broadcast %shift_right_arithmetic3A_421 : i32 to vector<16xi32>
        %shift_right_arithmetic3A_423 = arith.shrsi %get3A_413, %shift_right_arithmetic3A_422 : vector<16xi32>
        %swap3A_424 = arith.constant 32 : index
        %swap3A_425 = tpu.vector_load %arg8[%swap3A_424] {strides = array<i32>} : memref<128xi32, #tpu.memory_space<vmem>>, vector<16xi32>,
        %swap3A_426 = vector.shape_cast %swap3A_425 : vector<16xi32> to vector<16xi32>
        %swap3A_427 = vector.shape_cast %shift_right_arithmetic3A_423 : vector<16xi32> to vector<16xi32>
        tpu.vector_store %arg8[%swap3A_424], %swap3A_427 {strides = array<i32>} : memref<128xi32, #tpu.memory_space<vmem>>, vector<16xi32>,
        %get3A_428 = arith.index_cast %add3A_354 : i32 to index
        %get3A_429 = arith.constant 48 : index
        %get3A_430 = tpu.vector_load %arg5[%get3A_428, %get3A_429] {strides = array<i32>} : memref<79x128xi32, #tpu.memory_space<vmem>>, vector<1x16xi32>,
        %get3A_431 = vector.shape_cast %get3A_430 : vector<1x16xi32> to vector<16xi32>
        %and3A_432 = arith.constant 16383 : i32
        %and3A_433 = vector.broadcast %and3A_432 : i32 to vector<16xi32>
        %and3A_434 = arith.andi %get3A_431, %and3A_433 : vector<16xi32>
        %swap3A_435 = arith.constant 48 : index
        %swap3A_436 = tpu.vector_load %arg6[%swap3A_435] {strides = array<i32>} : memref<128xi32, #tpu.memory_space<vmem>>, vector<16xi32>,
        %swap3A_437 = vector.shape_cast %swap3A_436 : vector<16xi32> to vector<16xi32>
        %swap3A_438 = vector.shape_cast %and3A_434 : vector<16xi32> to vector<16xi32>
        tpu.vector_store %arg6[%swap3A_435], %swap3A_438 {strides = array<i32>} : memref<128xi32, #tpu.memory_space<vmem>>, vector<16xi32>,
        %shift_right_arithmetic3A_439 = arith.constant 14 : i32
        %shift_right_arithmetic3A_440 = vector.broadcast %shift_right_arithmetic3A_439 : i32 to vector<16xi32>
        %shift_right_arithmetic3A_441 = arith.shrsi %get3A_431, %shift_right_arithmetic3A_440 : vector<16xi32>
        %swap3A_442 = arith.constant 48 : index
        %swap3A_443 = tpu.vector_load %arg8[%swap3A_442] {strides = array<i32>} : memref<128xi32, #tpu.memory_space<vmem>>, vector<16xi32>,
        %swap3A_444 = vector.shape_cast %swap3A_443 : vector<16xi32> to vector<16xi32>
        %swap3A_445 = vector.shape_cast %shift_right_arithmetic3A_441 : vector<16xi32> to vector<16xi32>
        tpu.vector_store %arg8[%swap3A_442], %swap3A_445 {strides = array<i32>} : memref<128xi32, #tpu.memory_space<vmem>>, vector<16xi32>,
        %get3A_446 = arith.index_cast %add3A_354 : i32 to index
        %get3A_447 = arith.constant 64 : index
        %get3A_448 = tpu.vector_load %arg5[%get3A_446, %get3A_447] {strides = array<i32>} : memref<79x128xi32, #tpu.memory_space<vmem>>, vector<1x16xi32>,
        %get3A_449 = vector.shape_cast %get3A_448 : vector<1x16xi32> to vector<16xi32>
        %and3A_450 = arith.constant 16383 : i32
        %and3A_451 = vector.broadcast %and3A_450 : i32 to vector<16xi32>
        %and3A_452 = arith.andi %get3A_449, %and3A_451 : vector<16xi32>
        %swap3A_453 = arith.constant 64 : index
        %swap3A_454 = tpu.vector_load %arg6[%swap3A_453] {strides = array<i32>} : memref<128xi32, #tpu.memory_space<vmem>>, vector<16xi32>,
        %swap3A_455 = vector.shape_cast %swap3A_454 : vector<16xi32> to vector<16xi32>
        %swap3A_456 = vector.shape_cast %and3A_452 : vector<16xi32> to vector<16xi32>
        tpu.vector_store %arg6[%swap3A_453], %swap3A_456 {strides = array<i32>} : memref<128xi32, #tpu.memory_space<vmem>>, vector<16xi32>,
        %shift_right_arithmetic3A_457 = arith.constant 14 : i32
        %shift_right_arithmetic3A_458 = vector.broadcast %shift_right_arithmetic3A_457 : i32 to vector<16xi32>
        %shift_right_arithmetic3A_459 = arith.shrsi %get3A_449, %shift_right_arithmetic3A_458 : vector<16xi32>
        %swap3A_460 = arith.constant 64 : index
        %swap3A_461 = tpu.vector_load %arg8[%swap3A_460] {strides = array<i32>} : memref<128xi32, #tpu.memory_space<vmem>>, vector<16xi32>,
        %swap3A_462 = vector.shape_cast %swap3A_461 : vector<16xi32> to vector<16xi32>
        %swap3A_463 = vector.shape_cast %shift_right_arithmetic3A_459 : vector<16xi32> to vector<16xi32>
        tpu.vector_store %arg8[%swap3A_460], %swap3A_463 {strides = array<i32>} : memref<128xi32, #tpu.memory_space<vmem>>, vector<16xi32>,
        %get3A_464 = arith.index_cast %add3A_354 : i32 to index
        %get3A_465 = arith.constant 80 : index
        %get3A_466 = tpu.vector_load %arg5[%get3A_464, %get3A_465] {strides = array<i32>} : memref<79x128xi32, #tpu.memory_space<vmem>>, vector<1x16xi32>,
        %get3A_467 = vector.shape_cast %get3A_466 : vector<1x16xi32> to vector<16xi32>
        %and3A_468 = arith.constant 16383 : i32
        %and3A_469 = vector.broadcast %and3A_468 : i32 to vector<16xi32>
        %and3A_470 = arith.andi %get3A_467, %and3A_469 : vector<16xi32>
        %swap3A_471 = arith.constant 80 : index
        %swap3A_472 = tpu.vector_load %arg6[%swap3A_471] {strides = array<i32>} : memref<128xi32, #tpu.memory_space<vmem>>, vector<16xi32>,
        %swap3A_473 = vector.shape_cast %swap3A_472 : vector<16xi32> to vector<16xi32>
        %swap3A_474 = vector.shape_cast %and3A_470 : vector<16xi32> to vector<16xi32>
        tpu.vector_store %arg6[%swap3A_471], %swap3A_474 {strides = array<i32>} : memref<128xi32, #tpu.memory_space<vmem>>, vector<16xi32>,
        %shift_right_arithmetic3A_475 = arith.constant 14 : i32
        %shift_right_arithmetic3A_476 = vector.broadcast %shift_right_arithmetic3A_475 : i32 to vector<16xi32>
        %shift_right_arithmetic3A_477 = arith.shrsi %get3A_467, %shift_right_arithmetic3A_476 : vector<16xi32>
        %swap3A_478 = arith.constant 80 : index
        %swap3A_479 = tpu.vector_load %arg8[%swap3A_478] {strides = array<i32>} : memref<128xi32, #tpu.memory_space<vmem>>, vector<16xi32>,
        %swap3A_480 = vector.shape_cast %swap3A_479 : vector<16xi32> to vector<16xi32>
        %swap3A_481 = vector.shape_cast %shift_right_arithmetic3A_477 : vector<16xi32> to vector<16xi32>
        tpu.vector_store %arg8[%swap3A_478], %swap3A_481 {strides = array<i32>} : memref<128xi32, #tpu.memory_space<vmem>>, vector<16xi32>,
        %get3A_482 = arith.index_cast %add3A_354 : i32 to index
        %get3A_483 = arith.constant 96 : index
        %get3A_484 = tpu.vector_load %arg5[%get3A_482, %get3A_483] {strides = array<i32>} : memref<79x128xi32, #tpu.memory_space<vmem>>, vector<1x16xi32>,
        %get3A_485 = vector.shape_cast %get3A_484 : vector<1x16xi32> to vector<16xi32>
        %and3A_486 = arith.constant 16383 : i32
        %and3A_487 = vector.broadcast %and3A_486 : i32 to vector<16xi32>
        %and3A_488 = arith.andi %get3A_485, %and3A_487 : vector<16xi32>
        %swap3A_489 = arith.constant 96 : index
        %swap3A_490 = tpu.vector_load %arg6[%swap3A_489] {strides = array<i32>} : memref<128xi32, #tpu.memory_space<vmem>>, vector<16xi32>,
        %swap3A_491 = vector.shape_cast %swap3A_490 : vector<16xi32> to vector<16xi32>
        %swap3A_492 = vector.shape_cast %and3A_488 : vector<16xi32> to vector<16xi32>
        tpu.vector_store %arg6[%swap3A_489], %swap3A_492 {strides = array<i32>} : memref<128xi32, #tpu.memory_space<vmem>>, vector<16xi32>,
        %shift_right_arithmetic3A_493 = arith.constant 14 : i32
        %shift_right_arithmetic3A_494 = vector.broadcast %shift_right_arithmetic3A_493 : i32 to vector<16xi32>
        %shift_right_arithmetic3A_495 = arith.shrsi %get3A_485, %shift_right_arithmetic3A_494 : vector<16xi32>
        %swap3A_496 = arith.constant 96 : index
        %swap3A_497 = tpu.vector_load %arg8[%swap3A_496] {strides = array<i32>} : memref<128xi32, #tpu.memory_space<vmem>>, vector<16xi32>,
        %swap3A_498 = vector.shape_cast %swap3A_497 : vector<16xi32> to vector<16xi32>
        %swap3A_499 = vector.shape_cast %shift_right_arithmetic3A_495 : vector<16xi32> to vector<16xi32>
        tpu.vector_store %arg8[%swap3A_496], %swap3A_499 {strides = array<i32>} : memref<128xi32, #tpu.memory_space<vmem>>, vector<16xi32>,
        %get3A_500 = arith.index_cast %add3A_354 : i32 to index
        %get3A_501 = arith.constant 112 : index
        %get3A_502 = tpu.vector_load %arg5[%get3A_500, %get3A_501] {strides = array<i32>} : memref<79x128xi32, #tpu.memory_space<vmem>>, vector<1x16xi32>,
        %get3A_503 = vector.shape_cast %get3A_502 : vector<1x16xi32> to vector<16xi32>
        %and3A_504 = arith.constant 16383 : i32
        %and3A_505 = vector.broadcast %and3A_504 : i32 to vector<16xi32>
        %and3A_506 = arith.andi %get3A_503, %and3A_505 : vector<16xi32>
        %swap3A_507 = arith.constant 112 : index
        %swap3A_508 = tpu.vector_load %arg6[%swap3A_507] {strides = array<i32>} : memref<128xi32, #tpu.memory_space<vmem>>, vector<16xi32>,
        %swap3A_509 = vector.shape_cast %swap3A_508 : vector<16xi32> to vector<16xi32>
        %swap3A_510 = vector.shape_cast %and3A_506 : vector<16xi32> to vector<16xi32>
        tpu.vector_store %arg6[%swap3A_507], %swap3A_510 {strides = array<i32>} : memref<128xi32, #tpu.memory_space<vmem>>, vector<16xi32>,
        %shift_right_arithmetic3A_511 = arith.constant 14 : i32
        %shift_right_arithmetic3A_512 = vector.broadcast %shift_right_arithmetic3A_511 : i32 to vector<16xi32>
        %shift_right_arithmetic3A_513 = arith.shrsi %get3A_503, %shift_right_arithmetic3A_512 : vector<16xi32>
        %swap3A_514 = arith.constant 112 : index
        %swap3A_515 = tpu.vector_load %arg8[%swap3A_514] {strides = array<i32>} : memref<128xi32, #tpu.memory_space<vmem>>, vector<16xi32>,
        %swap3A_516 = vector.shape_cast %swap3A_515 : vector<16xi32> to vector<16xi32>
        %swap3A_517 = vector.shape_cast %shift_right_arithmetic3A_513 : vector<16xi32> to vector<16xi32>
        tpu.vector_store %arg8[%swap3A_514], %swap3A_517 {strides = array<i32>} : memref<128xi32, #tpu.memory_space<vmem>>, vector<16xi32>,
        %dma_start3A_518 = arith.constant 0 : i32
        %dma_start3A_519 = arith.constant 0 : i32
        %dma_start3A_520 = tpu.memref_slice %arg2[%dma_start3A_518, %dma_start3A_519] : memref<10000x128xf32, #tpu.memory_space<hbm>> -> memref<10000x128xf32, #tpu.memory_space<hbm>>
        tpu.enqueue_indirect_dma source(%dma_start3A_520 : memref<10000x128xf32, #tpu.memory_space<hbm>>) target(%arg10 : memref<128x128xf32, #tpu.memory_space<vmem>>) offsets(%arg6 : memref<128xi32, #tpu.memory_space<vmem>>) semaphore(%arg13 : memref<!tpu.dma_semaphore, #tpu.memory_space<semaphore_mem>>)
      } else {
      }
      %dma_wait3A_365 = arith.constant 0 : i32
      %dma_wait3A_366 = arith.constant 0 : i32
      %dma_wait3A_367 = tpu.memref_slice %arg2[%dma_wait3A_365, %dma_wait3A_366] : memref<10000x128xf32, #tpu.memory_space<hbm>> -> memref<10000x128xf32, #tpu.memory_space<hbm>>
      tpu.wait_indirect_dma semaphore(%arg14 : memref<!tpu.dma_semaphore, #tpu.memory_space<semaphore_mem>>) src(%dma_wait3A_367 : memref<10000x128xf32, #tpu.memory_space<hbm>>) dst(%arg11 : memref<128x128xf32, #tpu.memory_space<vmem>>)
      "tpu.region"() ({
        %run_scoped3A = tpu.sem_alloc : memref<!tpu.dma_semaphore, #tpu.memory_space<semaphore_mem>>
        %dma_start3A_374 = arith.constant 0 : i32
        %dma_start3A_375 = arith.constant 0 : i32
        %dma_start3A_376 = tpu.memref_slice %arg12[%dma_start3A_374, %dma_start3A_375] : memref<10008x128xf32, #tpu.memory_space<vmem_shared>> -> memref<10008x128xf32, #tpu.memory_space<vmem_shared>>
        tpu.enqueue_indirect_dma source(%arg11 : memref<128x128xf32, #tpu.memory_space<vmem>>) target(%dma_start3A_376 : memref<10008x128xf32, #tpu.memory_space<vmem_shared>>) offsets(%arg9 : memref<128xi32, #tpu.memory_space<vmem>>) semaphore(%run_scoped3A : memref<!tpu.dma_semaphore, #tpu.memory_space<semaphore_mem>>) {add = true}
        %dma_wait3A_377 = arith.constant 0 : i32
        %dma_wait3A_378 = arith.constant 0 : i32
        %dma_wait3A_379 = tpu.memref_slice %arg12[%dma_wait3A_377, %dma_wait3A_378] : memref<10008x128xf32, #tpu.memory_space<vmem_shared>> -> memref<10008x128xf32, #tpu.memory_space<vmem_shared>>
        tpu.wait_indirect_dma semaphore(%run_scoped3A : memref<!tpu.dma_semaphore, #tpu.memory_space<semaphore_mem>>) src(%arg11 : memref<128x128xf32, #tpu.memory_space<vmem>>) dst(%dma_wait3A_379 : memref<10008x128xf32, #tpu.memory_space<vmem_shared>>)
        tpu.yield
      }) : () -> ()
      %lt3A_368 = arith.constant 79 : i32
      %lt3A_369 = arith.cmpi slt, %add3A_358, %lt3A_368 : i32
      %convert_element_type3A_370 = arith.extui %lt3A_369 : i1 to i32
      %cond3A_371 = arith.constant 0 : i32
      %cond3A_372 = arith.cmpi ne, %convert_element_type3A_370, %cond3A_371 : i32
      scf.if %cond3A_372 {
        %get3A_374 = arith.index_cast %add3A_358 : i32 to index
        %get3A_375 = arith.constant 0 : index
        %get3A_376 = tpu.vector_load %arg5[%get3A_374, %get3A_375] {strides = array<i32>} : memref<79x128xi32, #tpu.memory_space<vmem>>, vector<1x16xi32>,
        %get3A_377 = vector.shape_cast %get3A_376 : vector<1x16xi32> to vector<16xi32>
        %and3A_378 = arith.constant 16383 : i32
        %and3A_379 = vector.broadcast %and3A_378 : i32 to vector<16xi32>
        %and3A_380 = arith.andi %get3A_377, %and3A_379 : vector<16xi32>
        %swap3A_381 = arith.constant 0 : index
        %swap3A_382 = tpu.vector_load %arg7[%swap3A_381] {strides = array<i32>} : memref<128xi32, #tpu.memory_space<vmem>>, vector<16xi32>,
        %swap3A_383 = vector.shape_cast %swap3A_382 : vector<16xi32> to vector<16xi32>
        %swap3A_384 = vector.shape_cast %and3A_380 : vector<16xi32> to vector<16xi32>
        tpu.vector_store %arg7[%swap3A_381], %swap3A_384 {strides = array<i32>} : memref<128xi32, #tpu.memory_space<vmem>>, vector<16xi32>,
        %shift_right_arithmetic3A_385 = arith.constant 14 : i32
        %shift_right_arithmetic3A_386 = vector.broadcast %shift_right_arithmetic3A_385 : i32 to vector<16xi32>
        %shift_right_arithmetic3A_387 = arith.shrsi %get3A_377, %shift_right_arithmetic3A_386 : vector<16xi32>
        %swap3A_388 = arith.constant 0 : index
        %swap3A_389 = tpu.vector_load %arg9[%swap3A_388] {strides = array<i32>} : memref<128xi32, #tpu.memory_space<vmem>>, vector<16xi32>,
        %swap3A_390 = vector.shape_cast %swap3A_389 : vector<16xi32> to vector<16xi32>
        %swap3A_391 = vector.shape_cast %shift_right_arithmetic3A_387 : vector<16xi32> to vector<16xi32>
        tpu.vector_store %arg9[%swap3A_388], %swap3A_391 {strides = array<i32>} : memref<128xi32, #tpu.memory_space<vmem>>, vector<16xi32>,
        %get3A_392 = arith.index_cast %add3A_358 : i32 to index
        %get3A_393 = arith.constant 16 : index
        %get3A_394 = tpu.vector_load %arg5[%get3A_392, %get3A_393] {strides = array<i32>} : memref<79x128xi32, #tpu.memory_space<vmem>>, vector<1x16xi32>,
        %get3A_395 = vector.shape_cast %get3A_394 : vector<1x16xi32> to vector<16xi32>
        %and3A_396 = arith.constant 16383 : i32
        %and3A_397 = vector.broadcast %and3A_396 : i32 to vector<16xi32>
        %and3A_398 = arith.andi %get3A_395, %and3A_397 : vector<16xi32>
        %swap3A_399 = arith.constant 16 : index
        %swap3A_400 = tpu.vector_load %arg7[%swap3A_399] {strides = array<i32>} : memref<128xi32, #tpu.memory_space<vmem>>, vector<16xi32>,
        %swap3A_401 = vector.shape_cast %swap3A_400 : vector<16xi32> to vector<16xi32>
        %swap3A_402 = vector.shape_cast %and3A_398 : vector<16xi32> to vector<16xi32>
        tpu.vector_store %arg7[%swap3A_399], %swap3A_402 {strides = array<i32>} : memref<128xi32, #tpu.memory_space<vmem>>, vector<16xi32>,
        %shift_right_arithmetic3A_403 = arith.constant 14 : i32
        %shift_right_arithmetic3A_404 = vector.broadcast %shift_right_arithmetic3A_403 : i32 to vector<16xi32>
        %shift_right_arithmetic3A_405 = arith.shrsi %get3A_395, %shift_right_arithmetic3A_404 : vector<16xi32>
        %swap3A_406 = arith.constant 16 : index
        %swap3A_407 = tpu.vector_load %arg9[%swap3A_406] {strides = array<i32>} : memref<128xi32, #tpu.memory_space<vmem>>, vector<16xi32>,
        %swap3A_408 = vector.shape_cast %swap3A_407 : vector<16xi32> to vector<16xi32>
        %swap3A_409 = vector.shape_cast %shift_right_arithmetic3A_405 : vector<16xi32> to vector<16xi32>
        tpu.vector_store %arg9[%swap3A_406], %swap3A_409 {strides = array<i32>} : memref<128xi32, #tpu.memory_space<vmem>>, vector<16xi32>,
        %get3A_410 = arith.index_cast %add3A_358 : i32 to index
        %get3A_411 = arith.constant 32 : index
        %get3A_412 = tpu.vector_load %arg5[%get3A_410, %get3A_411] {strides = array<i32>} : memref<79x128xi32, #tpu.memory_space<vmem>>, vector<1x16xi32>,
        %get3A_413 = vector.shape_cast %get3A_412 : vector<1x16xi32> to vector<16xi32>
        %and3A_414 = arith.constant 16383 : i32
        %and3A_415 = vector.broadcast %and3A_414 : i32 to vector<16xi32>
        %and3A_416 = arith.andi %get3A_413, %and3A_415 : vector<16xi32>
        %swap3A_417 = arith.constant 32 : index
        %swap3A_418 = tpu.vector_load %arg7[%swap3A_417] {strides = array<i32>} : memref<128xi32, #tpu.memory_space<vmem>>, vector<16xi32>,
        %swap3A_419 = vector.shape_cast %swap3A_418 : vector<16xi32> to vector<16xi32>
        %swap3A_420 = vector.shape_cast %and3A_416 : vector<16xi32> to vector<16xi32>
        tpu.vector_store %arg7[%swap3A_417], %swap3A_420 {strides = array<i32>} : memref<128xi32, #tpu.memory_space<vmem>>, vector<16xi32>,
        %shift_right_arithmetic3A_421 = arith.constant 14 : i32
        %shift_right_arithmetic3A_422 = vector.broadcast %shift_right_arithmetic3A_421 : i32 to vector<16xi32>
        %shift_right_arithmetic3A_423 = arith.shrsi %get3A_413, %shift_right_arithmetic3A_422 : vector<16xi32>
        %swap3A_424 = arith.constant 32 : index
        %swap3A_425 = tpu.vector_load %arg9[%swap3A_424] {strides = array<i32>} : memref<128xi32, #tpu.memory_space<vmem>>, vector<16xi32>,
        %swap3A_426 = vector.shape_cast %swap3A_425 : vector<16xi32> to vector<16xi32>
        %swap3A_427 = vector.shape_cast %shift_right_arithmetic3A_423 : vector<16xi32> to vector<16xi32>
        tpu.vector_store %arg9[%swap3A_424], %swap3A_427 {strides = array<i32>} : memref<128xi32, #tpu.memory_space<vmem>>, vector<16xi32>,
        %get3A_428 = arith.index_cast %add3A_358 : i32 to index
        %get3A_429 = arith.constant 48 : index
        %get3A_430 = tpu.vector_load %arg5[%get3A_428, %get3A_429] {strides = array<i32>} : memref<79x128xi32, #tpu.memory_space<vmem>>, vector<1x16xi32>,
        %get3A_431 = vector.shape_cast %get3A_430 : vector<1x16xi32> to vector<16xi32>
        %and3A_432 = arith.constant 16383 : i32
        %and3A_433 = vector.broadcast %and3A_432 : i32 to vector<16xi32>
        %and3A_434 = arith.andi %get3A_431, %and3A_433 : vector<16xi32>
        %swap3A_435 = arith.constant 48 : index
        %swap3A_436 = tpu.vector_load %arg7[%swap3A_435] {strides = array<i32>} : memref<128xi32, #tpu.memory_space<vmem>>, vector<16xi32>,
        %swap3A_437 = vector.shape_cast %swap3A_436 : vector<16xi32> to vector<16xi32>
        %swap3A_438 = vector.shape_cast %and3A_434 : vector<16xi32> to vector<16xi32>
        tpu.vector_store %arg7[%swap3A_435], %swap3A_438 {strides = array<i32>} : memref<128xi32, #tpu.memory_space<vmem>>, vector<16xi32>,
        %shift_right_arithmetic3A_439 = arith.constant 14 : i32
        %shift_right_arithmetic3A_440 = vector.broadcast %shift_right_arithmetic3A_439 : i32 to vector<16xi32>
        %shift_right_arithmetic3A_441 = arith.shrsi %get3A_431, %shift_right_arithmetic3A_440 : vector<16xi32>
        %swap3A_442 = arith.constant 48 : index
        %swap3A_443 = tpu.vector_load %arg9[%swap3A_442] {strides = array<i32>} : memref<128xi32, #tpu.memory_space<vmem>>, vector<16xi32>,
        %swap3A_444 = vector.shape_cast %swap3A_443 : vector<16xi32> to vector<16xi32>
        %swap3A_445 = vector.shape_cast %shift_right_arithmetic3A_441 : vector<16xi32> to vector<16xi32>
        tpu.vector_store %arg9[%swap3A_442], %swap3A_445 {strides = array<i32>} : memref<128xi32, #tpu.memory_space<vmem>>, vector<16xi32>,
        %get3A_446 = arith.index_cast %add3A_358 : i32 to index
        %get3A_447 = arith.constant 64 : index
        %get3A_448 = tpu.vector_load %arg5[%get3A_446, %get3A_447] {strides = array<i32>} : memref<79x128xi32, #tpu.memory_space<vmem>>, vector<1x16xi32>,
        %get3A_449 = vector.shape_cast %get3A_448 : vector<1x16xi32> to vector<16xi32>
        %and3A_450 = arith.constant 16383 : i32
        %and3A_451 = vector.broadcast %and3A_450 : i32 to vector<16xi32>
        %and3A_452 = arith.andi %get3A_449, %and3A_451 : vector<16xi32>
        %swap3A_453 = arith.constant 64 : index
        %swap3A_454 = tpu.vector_load %arg7[%swap3A_453] {strides = array<i32>} : memref<128xi32, #tpu.memory_space<vmem>>, vector<16xi32>,
        %swap3A_455 = vector.shape_cast %swap3A_454 : vector<16xi32> to vector<16xi32>
        %swap3A_456 = vector.shape_cast %and3A_452 : vector<16xi32> to vector<16xi32>
        tpu.vector_store %arg7[%swap3A_453], %swap3A_456 {strides = array<i32>} : memref<128xi32, #tpu.memory_space<vmem>>, vector<16xi32>,
        %shift_right_arithmetic3A_457 = arith.constant 14 : i32
        %shift_right_arithmetic3A_458 = vector.broadcast %shift_right_arithmetic3A_457 : i32 to vector<16xi32>
        %shift_right_arithmetic3A_459 = arith.shrsi %get3A_449, %shift_right_arithmetic3A_458 : vector<16xi32>
        %swap3A_460 = arith.constant 64 : index
        %swap3A_461 = tpu.vector_load %arg9[%swap3A_460] {strides = array<i32>} : memref<128xi32, #tpu.memory_space<vmem>>, vector<16xi32>,
        %swap3A_462 = vector.shape_cast %swap3A_461 : vector<16xi32> to vector<16xi32>
        %swap3A_463 = vector.shape_cast %shift_right_arithmetic3A_459 : vector<16xi32> to vector<16xi32>
        tpu.vector_store %arg9[%swap3A_460], %swap3A_463 {strides = array<i32>} : memref<128xi32, #tpu.memory_space<vmem>>, vector<16xi32>,
        %get3A_464 = arith.index_cast %add3A_358 : i32 to index
        %get3A_465 = arith.constant 80 : index
        %get3A_466 = tpu.vector_load %arg5[%get3A_464, %get3A_465] {strides = array<i32>} : memref<79x128xi32, #tpu.memory_space<vmem>>, vector<1x16xi32>,
        %get3A_467 = vector.shape_cast %get3A_466 : vector<1x16xi32> to vector<16xi32>
        %and3A_468 = arith.constant 16383 : i32
        %and3A_469 = vector.broadcast %and3A_468 : i32 to vector<16xi32>
        %and3A_470 = arith.andi %get3A_467, %and3A_469 : vector<16xi32>
        %swap3A_471 = arith.constant 80 : index
        %swap3A_472 = tpu.vector_load %arg7[%swap3A_471] {strides = array<i32>} : memref<128xi32, #tpu.memory_space<vmem>>, vector<16xi32>,
        %swap3A_473 = vector.shape_cast %swap3A_472 : vector<16xi32> to vector<16xi32>
        %swap3A_474 = vector.shape_cast %and3A_470 : vector<16xi32> to vector<16xi32>
        tpu.vector_store %arg7[%swap3A_471], %swap3A_474 {strides = array<i32>} : memref<128xi32, #tpu.memory_space<vmem>>, vector<16xi32>,
        %shift_right_arithmetic3A_475 = arith.constant 14 : i32
        %shift_right_arithmetic3A_476 = vector.broadcast %shift_right_arithmetic3A_475 : i32 to vector<16xi32>
        %shift_right_arithmetic3A_477 = arith.shrsi %get3A_467, %shift_right_arithmetic3A_476 : vector<16xi32>
        %swap3A_478 = arith.constant 80 : index
        %swap3A_479 = tpu.vector_load %arg9[%swap3A_478] {strides = array<i32>} : memref<128xi32, #tpu.memory_space<vmem>>, vector<16xi32>,
        %swap3A_480 = vector.shape_cast %swap3A_479 : vector<16xi32> to vector<16xi32>
        %swap3A_481 = vector.shape_cast %shift_right_arithmetic3A_477 : vector<16xi32> to vector<16xi32>
        tpu.vector_store %arg9[%swap3A_478], %swap3A_481 {strides = array<i32>} : memref<128xi32, #tpu.memory_space<vmem>>, vector<16xi32>,
        %get3A_482 = arith.index_cast %add3A_358 : i32 to index
        %get3A_483 = arith.constant 96 : index
        %get3A_484 = tpu.vector_load %arg5[%get3A_482, %get3A_483] {strides = array<i32>} : memref<79x128xi32, #tpu.memory_space<vmem>>, vector<1x16xi32>,
        %get3A_485 = vector.shape_cast %get3A_484 : vector<1x16xi32> to vector<16xi32>
        %and3A_486 = arith.constant 16383 : i32
        %and3A_487 = vector.broadcast %and3A_486 : i32 to vector<16xi32>
        %and3A_488 = arith.andi %get3A_485, %and3A_487 : vector<16xi32>
        %swap3A_489 = arith.constant 96 : index
        %swap3A_490 = tpu.vector_load %arg7[%swap3A_489] {strides = array<i32>} : memref<128xi32, #tpu.memory_space<vmem>>, vector<16xi32>,
        %swap3A_491 = vector.shape_cast %swap3A_490 : vector<16xi32> to vector<16xi32>
        %swap3A_492 = vector.shape_cast %and3A_488 : vector<16xi32> to vector<16xi32>
        tpu.vector_store %arg7[%swap3A_489], %swap3A_492 {strides = array<i32>} : memref<128xi32, #tpu.memory_space<vmem>>, vector<16xi32>,
        %shift_right_arithmetic3A_493 = arith.constant 14 : i32
        %shift_right_arithmetic3A_494 = vector.broadcast %shift_right_arithmetic3A_493 : i32 to vector<16xi32>
        %shift_right_arithmetic3A_495 = arith.shrsi %get3A_485, %shift_right_arithmetic3A_494 : vector<16xi32>
        %swap3A_496 = arith.constant 96 : index
        %swap3A_497 = tpu.vector_load %arg9[%swap3A_496] {strides = array<i32>} : memref<128xi32, #tpu.memory_space<vmem>>, vector<16xi32>,
        %swap3A_498 = vector.shape_cast %swap3A_497 : vector<16xi32> to vector<16xi32>
        %swap3A_499 = vector.shape_cast %shift_right_arithmetic3A_495 : vector<16xi32> to vector<16xi32>
        tpu.vector_store %arg9[%swap3A_496], %swap3A_499 {strides = array<i32>} : memref<128xi32, #tpu.memory_space<vmem>>, vector<16xi32>,
        %get3A_500 = arith.index_cast %add3A_358 : i32 to index
        %get3A_501 = arith.constant 112 : index
        %get3A_502 = tpu.vector_load %arg5[%get3A_500, %get3A_501] {strides = array<i32>} : memref<79x128xi32, #tpu.memory_space<vmem>>, vector<1x16xi32>,
        %get3A_503 = vector.shape_cast %get3A_502 : vector<1x16xi32> to vector<16xi32>
        %and3A_504 = arith.constant 16383 : i32
        %and3A_505 = vector.broadcast %and3A_504 : i32 to vector<16xi32>
        %and3A_506 = arith.andi %get3A_503, %and3A_505 : vector<16xi32>
        %swap3A_507 = arith.constant 112 : index
        %swap3A_508 = tpu.vector_load %arg7[%swap3A_507] {strides = array<i32>} : memref<128xi32, #tpu.memory_space<vmem>>, vector<16xi32>,
        %swap3A_509 = vector.shape_cast %swap3A_508 : vector<16xi32> to vector<16xi32>
        %swap3A_510 = vector.shape_cast %and3A_506 : vector<16xi32> to vector<16xi32>
        tpu.vector_store %arg7[%swap3A_507], %swap3A_510 {strides = array<i32>} : memref<128xi32, #tpu.memory_space<vmem>>, vector<16xi32>,
        %shift_right_arithmetic3A_511 = arith.constant 14 : i32
        %shift_right_arithmetic3A_512 = vector.broadcast %shift_right_arithmetic3A_511 : i32 to vector<16xi32>
        %shift_right_arithmetic3A_513 = arith.shrsi %get3A_503, %shift_right_arithmetic3A_512 : vector<16xi32>
        %swap3A_514 = arith.constant 112 : index
        %swap3A_515 = tpu.vector_load %arg9[%swap3A_514] {strides = array<i32>} : memref<128xi32, #tpu.memory_space<vmem>>, vector<16xi32>,
        %swap3A_516 = vector.shape_cast %swap3A_515 : vector<16xi32> to vector<16xi32>
        %swap3A_517 = vector.shape_cast %shift_right_arithmetic3A_513 : vector<16xi32> to vector<16xi32>
        tpu.vector_store %arg9[%swap3A_514], %swap3A_517 {strides = array<i32>} : memref<128xi32, #tpu.memory_space<vmem>>, vector<16xi32>,
        %dma_start3A_518 = arith.constant 0 : i32
        %dma_start3A_519 = arith.constant 0 : i32
        %dma_start3A_520 = tpu.memref_slice %arg2[%dma_start3A_518, %dma_start3A_519] : memref<10000x128xf32, #tpu.memory_space<hbm>> -> memref<10000x128xf32, #tpu.memory_space<hbm>>
        tpu.enqueue_indirect_dma source(%dma_start3A_520 : memref<10000x128xf32, #tpu.memory_space<hbm>>) target(%arg11 : memref<128x128xf32, #tpu.memory_space<vmem>>) offsets(%arg7 : memref<128xi32, #tpu.memory_space<vmem>>) semaphore(%arg14 : memref<!tpu.dma_semaphore, #tpu.memory_space<semaphore_mem>>)
      } else {
      }
      %scan3A_373 = arith.constant 0 : i32
      scf.yield %scan3A_373 : i32
    }
    %scan3A_333 = arith.constant 39 : i32
    %dma_wait3A = arith.constant 0 : i32
    %dma_wait3A_334 = arith.constant 0 : i32
    %dma_wait3A_335 = tpu.memref_slice %arg2[%dma_wait3A, %dma_wait3A_334] : memref<10000x128xf32, #tpu.memory_space<hbm>> -> memref<10000x128xf32, #tpu.memory_space<hbm>>
    tpu.wait_indirect_dma semaphore(%arg13 : memref<!tpu.dma_semaphore, #tpu.memory_space<semaphore_mem>>) src(%dma_wait3A_335 : memref<10000x128xf32, #tpu.memory_space<hbm>>) dst(%arg10 : memref<128x128xf32, #tpu.memory_space<vmem>>)
    "tpu.region"() ({
      %run_scoped3A = tpu.sem_alloc : memref<!tpu.dma_semaphore, #tpu.memory_space<semaphore_mem>>
      %dma_start3A_349 = arith.constant 0 : i32
      %dma_start3A_350 = arith.constant 0 : i32
      %dma_start3A_351 = tpu.memref_slice %arg12[%dma_start3A_349, %dma_start3A_350] : memref<10008x128xf32, #tpu.memory_space<vmem_shared>> -> memref<10008x128xf32, #tpu.memory_space<vmem_shared>>
      tpu.enqueue_indirect_dma source(%arg10 : memref<128x128xf32, #tpu.memory_space<vmem>>) target(%dma_start3A_351 : memref<10008x128xf32, #tpu.memory_space<vmem_shared>>) offsets(%arg8 : memref<128xi32, #tpu.memory_space<vmem>>) semaphore(%run_scoped3A : memref<!tpu.dma_semaphore, #tpu.memory_space<semaphore_mem>>) {add = true}
      %dma_wait3A_352 = arith.constant 0 : i32
      %dma_wait3A_353 = arith.constant 0 : i32
      %dma_wait3A_354 = tpu.memref_slice %arg12[%dma_wait3A_352, %dma_wait3A_353] : memref<10008x128xf32, #tpu.memory_space<vmem_shared>> -> memref<10008x128xf32, #tpu.memory_space<vmem_shared>>
      tpu.wait_indirect_dma semaphore(%run_scoped3A : memref<!tpu.dma_semaphore, #tpu.memory_space<semaphore_mem>>) src(%arg10 : memref<128x128xf32, #tpu.memory_space<vmem>>) dst(%dma_wait3A_354 : memref<10008x128xf32, #tpu.memory_space<vmem_shared>>)
      tpu.yield
    }) : () -> ()
    %barrier3A_336 = arith.constant 0 : index
    tpu.barrier barrier_id(%barrier3A_336)
    %while3A_337 = arith.constant 0 : i32
    %while3A_338 = arith.constant 0 : i32
    %while3A_339 = arith.subi %select_n3A, %while3A_337 : i32
    %while3A_340 = arith.addi %while3A_337, %while3A_339 : i32
    %while3A_341 = arith.constant 1 : i32
    %while3A_342 = arith.divsi %while3A_339, %while3A_341 : i32
    %while3A_343 = arith.muli %while3A_342, %while3A_341 : i32
    %while3A_344 = arith.addi %while3A_337, %while3A_343 : i32
    %while3A_345 = arith.constant 1 : i32
    %while3A_346 = scf.for %while3A_349 = %while3A_337 to %while3A_344 step %while3A_345 iter_args(%while3A_350 = %while3A_338) -> (i32)  : i32 {
      %mul3A_351 = arith.constant 80 : i32
      %mul3A_352 = arith.muli %while3A_349, %mul3A_351 : i32
      %add3A_353 = arith.addi %mul3A_2, %mul3A_352 : i32
      %multiple_of3A = tpu.assume_multiple %add3A_353, 8 : i32
      "tpu.region"() ({
        %run_scoped3A = tpu.sem_alloc : memref<!tpu.dma_semaphore, #tpu.memory_space<semaphore_mem>>
        %dma_start3A_355 = arith.constant 0 : i32
        %dma_start3A_356 = arith.constant 0 : i32
        %dma_start3A_357 = tpu.memref_slice %arg10[%dma_start3A_355, %dma_start3A_356] : memref<128x128xf32, #tpu.memory_space<vmem>> -> memref<80x128xf32, #tpu.memory_space<vmem>>
        %dma_start3A_358 = arith.constant 0 : i32
        %dma_start3A_359 = tpu.memref_slice %arg12[%multiple_of3A, %dma_start3A_358] : memref<10008x128xf32, #tpu.memory_space<vmem_shared>> -> memref<80x128xf32, #tpu.memory_space<vmem_shared>>
        %dma_start3A_360 = arith.constant 0 : i32
        %dma_start3A_361 = arith.constant 0 : i32
        %dma_start3A_362 = tpu.memref_slice %arg10[%dma_start3A_360, %dma_start3A_361] : memref<128x128xf32, #tpu.memory_space<vmem>> -> memref<80x128xf32, #tpu.memory_space<vmem>>
        %dma_start3A_363 = arith.constant 0 : i32
        %dma_start3A_364 = tpu.memref_slice %arg12[%multiple_of3A, %dma_start3A_363] : memref<10008x128xf32, #tpu.memory_space<vmem_shared>> -> memref<80x128xf32, #tpu.memory_space<vmem_shared>>
        tpu.enqueue_dma source(%dma_start3A_364 : memref<80x128xf32, #tpu.memory_space<vmem_shared>>) target(%dma_start3A_362 : memref<80x128xf32, #tpu.memory_space<vmem>>) target_semaphore(%run_scoped3A : memref<!tpu.dma_semaphore, #tpu.memory_space<semaphore_mem>>)
        %dma_wait3A_365 = arith.constant 0 : i32
        %dma_wait3A_366 = arith.constant 0 : i32
        %dma_wait3A_367 = tpu.memref_slice %arg10[%dma_wait3A_365, %dma_wait3A_366] : memref<128x128xf32, #tpu.memory_space<vmem>> -> memref<80x128xf32, #tpu.memory_space<vmem>>
        %dma_wait3A_368 = arith.constant 0 : i32
        %dma_wait3A_369 = tpu.memref_slice %arg12[%multiple_of3A, %dma_wait3A_368] : memref<10008x128xf32, #tpu.memory_space<vmem_shared>> -> memref<80x128xf32, #tpu.memory_space<vmem_shared>>
        %dma_wait3A_370 = arith.constant 0 : i32
        %dma_wait3A_371 = arith.constant 0 : i32
        %dma_wait3A_372 = tpu.memref_slice %arg10[%dma_wait3A_370, %dma_wait3A_371] : memref<128x128xf32, #tpu.memory_space<vmem>> -> memref<80x128xf32, #tpu.memory_space<vmem>>
        %dma_wait3A_373 = arith.constant 0 : i32
        %dma_wait3A_374 = tpu.memref_slice %arg12[%multiple_of3A, %dma_wait3A_373] : memref<10008x128xf32, #tpu.memory_space<vmem_shared>> -> memref<80x128xf32, #tpu.memory_space<vmem_shared>>
        tpu.wait_dma2 semaphore(%run_scoped3A : memref<!tpu.dma_semaphore, #tpu.memory_space<semaphore_mem>>) src(%dma_wait3A_374 : memref<80x128xf32, #tpu.memory_space<vmem_shared>>) dst(%dma_wait3A_372 : memref<80x128xf32, #tpu.memory_space<vmem>>)
        tpu.yield
      }) : () -> ()
      "tpu.region"() ({
        %run_scoped3A = tpu.sem_alloc : memref<!tpu.dma_semaphore, #tpu.memory_space<semaphore_mem>>
        %dma_start3A_355 = arith.constant 0 : i32
        %dma_start3A_356 = arith.constant 0 : i32
        %dma_start3A_357 = tpu.memref_slice %arg10[%dma_start3A_355, %dma_start3A_356] : memref<128x128xf32, #tpu.memory_space<vmem>> -> memref<80x128xf32, #tpu.memory_space<vmem>>
        %dma_start3A_358 = arith.constant 0 : i32
        %dma_start3A_359 = tpu.memref_slice %arg4[%arg0, %multiple_of3A, %dma_start3A_358] : memref<2x10000x128xf32, #tpu.memory_space<hbm>> -> memref<1x80x128xf32, #tpu.memory_space<hbm>>
        %dma_start3A_360 = tpu.memref_squeeze %dma_start3A_359 : memref<1x80x128xf32, #tpu.memory_space<hbm>> -> memref<80x128xf32, #tpu.memory_space<hbm>>
        %dma_start3A_361 = arith.constant 0 : i32
        %dma_start3A_362 = tpu.memref_slice %arg4[%arg0, %multiple_of3A, %dma_start3A_361] : memref<2x10000x128xf32, #tpu.memory_space<hbm>> -> memref<1x80x128xf32, #tpu.memory_space<hbm>>
        %dma_start3A_363 = tpu.memref_squeeze %dma_start3A_362 : memref<1x80x128xf32, #tpu.memory_space<hbm>> -> memref<80x128xf32, #tpu.memory_space<hbm>>
        %dma_start3A_364 = arith.constant 0 : i32
        %dma_start3A_365 = arith.constant 0 : i32
        %dma_start3A_366 = tpu.memref_slice %arg10[%dma_start3A_364, %dma_start3A_365] : memref<128x128xf32, #tpu.memory_space<vmem>> -> memref<80x128xf32, #tpu.memory_space<vmem>>
        tpu.enqueue_dma source(%dma_start3A_366 : memref<80x128xf32, #tpu.memory_space<vmem>>) target(%dma_start3A_363 : memref<80x128xf32, #tpu.memory_space<hbm>>) target_semaphore(%run_scoped3A : memref<!tpu.dma_semaphore, #tpu.memory_space<semaphore_mem>>)
        %dma_wait3A_367 = arith.constant 0 : i32
        %dma_wait3A_368 = arith.constant 0 : i32
        %dma_wait3A_369 = tpu.memref_slice %arg10[%dma_wait3A_367, %dma_wait3A_368] : memref<128x128xf32, #tpu.memory_space<vmem>> -> memref<80x128xf32, #tpu.memory_space<vmem>>
        %dma_wait3A_370 = arith.constant 0 : i32
        %dma_wait3A_371 = tpu.memref_slice %arg4[%arg0, %multiple_of3A, %dma_wait3A_370] : memref<2x10000x128xf32, #tpu.memory_space<hbm>> -> memref<1x80x128xf32, #tpu.memory_space<hbm>>
        %dma_wait3A_372 = tpu.memref_squeeze %dma_wait3A_371 : memref<1x80x128xf32, #tpu.memory_space<hbm>> -> memref<80x128xf32, #tpu.memory_space<hbm>>
        %dma_wait3A_373 = arith.constant 0 : i32
        %dma_wait3A_374 = tpu.memref_slice %arg4[%arg0, %multiple_of3A, %dma_wait3A_373] : memref<2x10000x128xf32, #tpu.memory_space<hbm>> -> memref<1x80x128xf32, #tpu.memory_space<hbm>>
        %dma_wait3A_375 = tpu.memref_squeeze %dma_wait3A_374 : memref<1x80x128xf32, #tpu.memory_space<hbm>> -> memref<80x128xf32, #tpu.memory_space<hbm>>
        %dma_wait3A_376 = arith.constant 0 : i32
        %dma_wait3A_377 = arith.constant 0 : i32
        %dma_wait3A_378 = tpu.memref_slice %arg10[%dma_wait3A_376, %dma_wait3A_377] : memref<128x128xf32, #tpu.memory_space<vmem>> -> memref<80x128xf32, #tpu.memory_space<vmem>>
        tpu.wait_dma2 semaphore(%run_scoped3A : memref<!tpu.dma_semaphore, #tpu.memory_space<semaphore_mem>>) src(%dma_wait3A_378 : memref<80x128xf32, #tpu.memory_space<vmem>>) dst(%dma_wait3A_375 : memref<80x128xf32, #tpu.memory_space<hbm>>)
        tpu.yield
      }) : () -> ()
      %while3A_354 = arith.constant 0 : i32
      scf.yield %while3A_354 : i32
    }
    %while3A_347 = arith.constant 1 : i32
    %while3A_348 = scf.for %while3A_349 = %while3A_344 to %while3A_340 step %while3A_347 iter_args(%while3A_350 = %while3A_346) -> (i32)  : i32 {
      %mul3A_351 = arith.constant 80 : i32
      %mul3A_352 = arith.muli %while3A_349, %mul3A_351 : i32
      %add3A_353 = arith.addi %mul3A_2, %mul3A_352 : i32
      %multiple_of3A = tpu.assume_multiple %add3A_353, 8 : i32
      "tpu.region"() ({
        %run_scoped3A = tpu.sem_alloc : memref<!tpu.dma_semaphore, #tpu.memory_space<semaphore_mem>>
        %dma_start3A_355 = arith.constant 0 : i32
        %dma_start3A_356 = arith.constant 0 : i32
        %dma_start3A_357 = tpu.memref_slice %arg10[%dma_start3A_355, %dma_start3A_356] : memref<128x128xf32, #tpu.memory_space<vmem>> -> memref<80x128xf32, #tpu.memory_space<vmem>>
        %dma_start3A_358 = arith.constant 0 : i32
        %dma_start3A_359 = tpu.memref_slice %arg12[%multiple_of3A, %dma_start3A_358] : memref<10008x128xf32, #tpu.memory_space<vmem_shared>> -> memref<80x128xf32, #tpu.memory_space<vmem_shared>>
        %dma_start3A_360 = arith.constant 0 : i32
        %dma_start3A_361 = arith.constant 0 : i32
        %dma_start3A_362 = tpu.memref_slice %arg10[%dma_start3A_360, %dma_start3A_361] : memref<128x128xf32, #tpu.memory_space<vmem>> -> memref<80x128xf32, #tpu.memory_space<vmem>>
        %dma_start3A_363 = arith.constant 0 : i32
        %dma_start3A_364 = tpu.memref_slice %arg12[%multiple_of3A, %dma_start3A_363] : memref<10008x128xf32, #tpu.memory_space<vmem_shared>> -> memref<80x128xf32, #tpu.memory_space<vmem_shared>>
        tpu.enqueue_dma source(%dma_start3A_364 : memref<80x128xf32, #tpu.memory_space<vmem_shared>>) target(%dma_start3A_362 : memref<80x128xf32, #tpu.memory_space<vmem>>) target_semaphore(%run_scoped3A : memref<!tpu.dma_semaphore, #tpu.memory_space<semaphore_mem>>)
        %dma_wait3A_365 = arith.constant 0 : i32
        %dma_wait3A_366 = arith.constant 0 : i32
        %dma_wait3A_367 = tpu.memref_slice %arg10[%dma_wait3A_365, %dma_wait3A_366] : memref<128x128xf32, #tpu.memory_space<vmem>> -> memref<80x128xf32, #tpu.memory_space<vmem>>
        %dma_wait3A_368 = arith.constant 0 : i32
        %dma_wait3A_369 = tpu.memref_slice %arg12[%multiple_of3A, %dma_wait3A_368] : memref<10008x128xf32, #tpu.memory_space<vmem_shared>> -> memref<80x128xf32, #tpu.memory_space<vmem_shared>>
        %dma_wait3A_370 = arith.constant 0 : i32
        %dma_wait3A_371 = arith.constant 0 : i32
        %dma_wait3A_372 = tpu.memref_slice %arg10[%dma_wait3A_370, %dma_wait3A_371] : memref<128x128xf32, #tpu.memory_space<vmem>> -> memref<80x128xf32, #tpu.memory_space<vmem>>
        %dma_wait3A_373 = arith.constant 0 : i32
        %dma_wait3A_374 = tpu.memref_slice %arg12[%multiple_of3A, %dma_wait3A_373] : memref<10008x128xf32, #tpu.memory_space<vmem_shared>> -> memref<80x128xf32, #tpu.memory_space<vmem_shared>>
        tpu.wait_dma2 semaphore(%run_scoped3A : memref<!tpu.dma_semaphore, #tpu.memory_space<semaphore_mem>>) src(%dma_wait3A_374 : memref<80x128xf32, #tpu.memory_space<vmem_shared>>) dst(%dma_wait3A_372 : memref<80x128xf32, #tpu.memory_space<vmem>>)
        tpu.yield
      }) : () -> ()
      "tpu.region"() ({
        %run_scoped3A = tpu.sem_alloc : memref<!tpu.dma_semaphore, #tpu.memory_space<semaphore_mem>>
        %dma_start3A_355 = arith.constant 0 : i32
        %dma_start3A_356 = arith.constant 0 : i32
        %dma_start3A_357 = tpu.memref_slice %arg10[%dma_start3A_355, %dma_start3A_356] : memref<128x128xf32, #tpu.memory_space<vmem>> -> memref<80x128xf32, #tpu.memory_space<vmem>>
        %dma_start3A_358 = arith.constant 0 : i32
        %dma_start3A_359 = tpu.memref_slice %arg4[%arg0, %multiple_of3A, %dma_start3A_358] : memref<2x10000x128xf32, #tpu.memory_space<hbm>> -> memref<1x80x128xf32, #tpu.memory_space<hbm>>
        %dma_start3A_360 = tpu.memref_squeeze %dma_start3A_359 : memref<1x80x128xf32, #tpu.memory_space<hbm>> -> memref<80x128xf32, #tpu.memory_space<hbm>>
        %dma_start3A_361 = arith.constant 0 : i32
        %dma_start3A_362 = tpu.memref_slice %arg4[%arg0, %multiple_of3A, %dma_start3A_361] : memref<2x10000x128xf32, #tpu.memory_space<hbm>> -> memref<1x80x128xf32, #tpu.memory_space<hbm>>
        %dma_start3A_363 = tpu.memref_squeeze %dma_start3A_362 : memref<1x80x128xf32, #tpu.memory_space<hbm>> -> memref<80x128xf32, #tpu.memory_space<hbm>>
        %dma_start3A_364 = arith.constant 0 : i32
        %dma_start3A_365 = arith.constant 0 : i32
        %dma_start3A_366 = tpu.memref_slice %arg10[%dma_start3A_364, %dma_start3A_365] : memref<128x128xf32, #tpu.memory_space<vmem>> -> memref<80x128xf32, #tpu.memory_space<vmem>>
        tpu.enqueue_dma source(%dma_start3A_366 : memref<80x128xf32, #tpu.memory_space<vmem>>) target(%dma_start3A_363 : memref<80x128xf32, #tpu.memory_space<hbm>>) target_semaphore(%run_scoped3A : memref<!tpu.dma_semaphore, #tpu.memory_space<semaphore_mem>>)
        %dma_wait3A_367 = arith.constant 0 : i32
        %dma_wait3A_368 = arith.constant 0 : i32
        %dma_wait3A_369 = tpu.memref_slice %arg10[%dma_wait3A_367, %dma_wait3A_368] : memref<128x128xf32, #tpu.memory_space<vmem>> -> memref<80x128xf32, #tpu.memory_space<vmem>>
        %dma_wait3A_370 = arith.constant 0 : i32
        %dma_wait3A_371 = tpu.memref_slice %arg4[%arg0, %multiple_of3A, %dma_wait3A_370] : memref<2x10000x128xf32, #tpu.memory_space<hbm>> -> memref<1x80x128xf32, #tpu.memory_space<hbm>>
        %dma_wait3A_372 = tpu.memref_squeeze %dma_wait3A_371 : memref<1x80x128xf32, #tpu.memory_space<hbm>> -> memref<80x128xf32, #tpu.memory_space<hbm>>
        %dma_wait3A_373 = arith.constant 0 : i32
        %dma_wait3A_374 = tpu.memref_slice %arg4[%arg0, %multiple_of3A, %dma_wait3A_373] : memref<2x10000x128xf32, #tpu.memory_space<hbm>> -> memref<1x80x128xf32, #tpu.memory_space<hbm>>
        %dma_wait3A_375 = tpu.memref_squeeze %dma_wait3A_374 : memref<1x80x128xf32, #tpu.memory_space<hbm>> -> memref<80x128xf32, #tpu.memory_space<hbm>>
        %dma_wait3A_376 = arith.constant 0 : i32
        %dma_wait3A_377 = arith.constant 0 : i32
        %dma_wait3A_378 = tpu.memref_slice %arg10[%dma_wait3A_376, %dma_wait3A_377] : memref<128x128xf32, #tpu.memory_space<vmem>> -> memref<80x128xf32, #tpu.memory_space<vmem>>
        tpu.wait_dma2 semaphore(%run_scoped3A : memref<!tpu.dma_semaphore, #tpu.memory_space<semaphore_mem>>) src(%dma_wait3A_378 : memref<80x128xf32, #tpu.memory_space<vmem>>) dst(%dma_wait3A_375 : memref<80x128xf32, #tpu.memory_space<hbm>>)
        tpu.yield
      }) : () -> ()
      %while3A_354 = arith.constant 0 : i32
      scf.yield %while3A_354 : i32
    }
    return
  }
}

module attributes {stable_mosaic.version = 14 : i64} {
  func.func @_pre_body(%arg0: i32, %arg1: memref<2x1000x16xf32, #tpu.memory_space<vmem>>, %arg2: memref<1000x128xf32, #tpu.memory_space<vmem>>, %arg3: memref<128x128xf32, #tpu.memory_space<vmem>>, %arg4: memref<1000x128xf32, #tpu.memory_space<vmem>>, %arg5: memref<1000x1xf32, #tpu.memory_space<vmem>>) attributes {dimension_semantics = [#tpu.dimension_semantics<arbitrary>], iteration_bounds = array<i64: 10>, scalar_prefetch = 0 : i64, scratch_operands = 0 : i64, tpu.core_type = #tpu.core_type<tc>, window_params = [{transform_indices = @transform_0, window_bounds = array<i64: 2, 1000, 16>}, {transform_indices = @transform_1, window_bounds = array<i64: 1000, 128>}, {pipeline_mode = #tpu.pipeline_mode<synchronous>, transform_indices = @transform_2, window_bounds = array<i64: 128, 128>}, {transform_indices = @transform_3, window_bounds = array<i64: 1000, 128>}, {transform_indices = @transform_4, window_bounds = array<i64: 1000, 1>}]} {
    %get3A = arith.constant 0 : index
    %get3A_0 = arith.constant 0 : index
    %get3A_1 = arith.constant 0 : index
    %get3A_2 = vector.load %arg1[%get3A, %get3A_0, %get3A_1] : memref<2x1000x16xf32, #tpu.memory_space<vmem>>, vector<2x1000x16xf32>
    %slice3A = vector.extract_strided_slice %get3A_2 {offsets = [0, 0, 0], sizes = [1, 1000, 1], strides = [1, 1, 1]} : vector<2x1000x16xf32> to vector<1x1000x1xf32>
    %squeeze3A = vector.shape_cast %slice3A : vector<1x1000x1xf32> to vector<1000x1xf32>
    %slice3A_3 = vector.extract_strided_slice %get3A_2 {offsets = [1, 0, 0], sizes = [1, 1000, 1], strides = [1, 1, 1]} : vector<2x1000x16xf32> to vector<1x1000x1xf32>
    %squeeze3A_4 = vector.shape_cast %slice3A_3 : vector<1x1000x1xf32> to vector<1000x1xf32>
    %add3A = arith.addf %squeeze3A, %squeeze3A_4 : vector<1000x1xf32>
    %add3A_5 = arith.constant 1.000000e+00 : f32
    %add3A_6 = vector.broadcast %add3A_5 : f32 to vector<1000x1xf32>
    %add3A_7 = arith.addf %add3A, %add3A_6 : vector<1000x1xf32>
    %rsqrt3A = math.rsqrt %add3A_7 : vector<1000x1xf32>
    %swap3A = arith.constant 0 : index
    %swap3A_8 = arith.constant 0 : index
    %swap3A_9 = vector.load %arg5[%swap3A, %swap3A_8] : memref<1000x1xf32, #tpu.memory_space<vmem>>, vector<1000x1xf32>
    tpu.vector_store %arg5[%swap3A, %swap3A_8], %rsqrt3A {strides = array<i32>} : memref<1000x1xf32, #tpu.memory_space<vmem>>, vector<1000x1xf32>,
    %get3A_10 = arith.constant 0 : index
    %get3A_11 = arith.constant 0 : index
    %get3A_12 = vector.load %arg2[%get3A_10, %get3A_11] : memref<1000x128xf32, #tpu.memory_space<vmem>>, vector<1000x128xf32>
    %get3A_13 = arith.constant 0 : index
    %get3A_14 = arith.constant 0 : index
    %get3A_15 = vector.load %arg3[%get3A_13, %get3A_14] : memref<128x128xf32, #tpu.memory_space<vmem>>, vector<128x128xf32>
    %dot_general3A = arith.constant dense<0.000000e+00> : vector<1000x128xf32>
    %dot_general3A_16 = tpu.matmul %get3A_12, %get3A_15, %dot_general3A {dimension_numbers = #tpu.dot_dimension_numbers<[1], [0], [0], [1], [0, 0, 1, 1], [], []>, transpose_lhs_hint = false} : vector<1000x128xf32>, vector<128x128xf32>, vector<1000x128xf32> -> vector<1000x128xf32>
    %mul3A = vector.broadcast %rsqrt3A : vector<1000x1xf32> to vector<1000x128xf32>
    %mul3A_17 = arith.mulf %mul3A, %dot_general3A_16 : vector<1000x128xf32>
    %swap3A_18 = arith.constant 0 : index
    %swap3A_19 = arith.constant 0 : index
    %swap3A_20 = vector.load %arg4[%swap3A_18, %swap3A_19] : memref<1000x128xf32, #tpu.memory_space<vmem>>, vector<1000x128xf32>
    tpu.vector_store %arg4[%swap3A_18, %swap3A_19], %mul3A_17 {strides = array<i32>} : memref<1000x128xf32, #tpu.memory_space<vmem>>, vector<1000x128xf32>,
    return
  }
  func.func @transform_0(%arg0: i32) -> (i32, i32, i32) {
    %c0_i32 = arith.constant 0 : i32
    %c0_i32_0 = arith.constant 0 : i32
    %c0_i32_1 = arith.constant 0 : i32
    return %c0_i32, %arg0, %c0_i32_0 : i32, i32, i32
  }
  func.func @transform_1(%arg0: i32) -> (i32, i32) {
    %c0_i32 = arith.constant 0 : i32
    %c0_i32_0 = arith.constant 0 : i32
    return %arg0, %c0_i32 : i32, i32
  }
  func.func @transform_2(%arg0: i32) -> (i32, i32) {
    %c0_i32 = arith.constant 0 : i32
    %c0_i32_0 = arith.constant 0 : i32
    %c0_i32_1 = arith.constant 0 : i32
    return %c0_i32, %c0_i32_0 : i32, i32
  }
  func.func @transform_3(%arg0: i32) -> (i32, i32) {
    %c0_i32 = arith.constant 0 : i32
    %c0_i32_0 = arith.constant 0 : i32
    return %arg0, %c0_i32 : i32, i32
  }
  func.func @transform_4(%arg0: i32) -> (i32, i32) {
    %c0_i32 = arith.constant 0 : i32
    %c0_i32_0 = arith.constant 0 : i32
    return %arg0, %c0_i32 : i32, i32
  }
}

module attributes {stable_mosaic.version = 14 : i64} {
  func.func @_mid_body(%arg0: i32, %arg1: memref<2x1000x128xf32, #tpu.memory_space<vmem>>, %arg2: memref<1000x128xf32, #tpu.memory_space<vmem>>, %arg3: memref<1000x1xf32, #tpu.memory_space<vmem>>, %arg4: memref<1x128xf32, #tpu.memory_space<vmem>>, %arg5: memref<128x128xf32, #tpu.memory_space<vmem>>, %arg6: memref<1000x128xf32, #tpu.memory_space<vmem>>) attributes {dimension_semantics = [#tpu.dimension_semantics<arbitrary>], iteration_bounds = array<i64: 10>, scalar_prefetch = 0 : i64, scratch_operands = 0 : i64, tpu.core_type = #tpu.core_type<tc>, window_params = [{transform_indices = @transform_0, window_bounds = array<i64: 2, 1000, 128>}, {transform_indices = @transform_1, window_bounds = array<i64: 1000, 128>}, {transform_indices = @transform_2, window_bounds = array<i64: 1000, 1>}, {pipeline_mode = #tpu.pipeline_mode<synchronous>, transform_indices = @transform_3, window_bounds = array<i64: 1, 128>}, {pipeline_mode = #tpu.pipeline_mode<synchronous>, transform_indices = @transform_4, window_bounds = array<i64: 128, 128>}, {transform_indices = @transform_5, window_bounds = array<i64: 1000, 128>}]} {
    %get3A = arith.constant 0 : index
    %get3A_0 = arith.constant 0 : index
    %get3A_1 = arith.constant 0 : index
    %get3A_2 = vector.load %arg1[%get3A, %get3A_0, %get3A_1] : memref<2x1000x128xf32, #tpu.memory_space<vmem>>, vector<2x1000x128xf32>
    %slice3A = vector.extract_strided_slice %get3A_2 {offsets = [0, 0, 0], sizes = [1, 1000, 128], strides = [1, 1, 1]} : vector<2x1000x128xf32> to vector<1x1000x128xf32>
    %squeeze3A = vector.shape_cast %slice3A : vector<1x1000x128xf32> to vector<1000x128xf32>
    %slice3A_3 = vector.extract_strided_slice %get3A_2 {offsets = [1, 0, 0], sizes = [1, 1000, 128], strides = [1, 1, 1]} : vector<2x1000x128xf32> to vector<1x1000x128xf32>
    %squeeze3A_4 = vector.shape_cast %slice3A_3 : vector<1x1000x128xf32> to vector<1000x128xf32>
    %add3A = arith.addf %squeeze3A, %squeeze3A_4 : vector<1000x128xf32>
    %get3A_5 = arith.constant 0 : index
    %get3A_6 = arith.constant 0 : index
    %get3A_7 = vector.load %arg2[%get3A_5, %get3A_6] : memref<1000x128xf32, #tpu.memory_space<vmem>>, vector<1000x128xf32>
    %add3A_8 = arith.addf %add3A, %get3A_7 : vector<1000x128xf32>
    %get3A_9 = arith.constant 0 : index
    %get3A_10 = arith.constant 0 : index
    %get3A_11 = vector.load %arg3[%get3A_9, %get3A_10] : memref<1000x1xf32, #tpu.memory_space<vmem>>, vector<1000x1xf32>
    %mul3A = vector.broadcast %get3A_11 : vector<1000x1xf32> to vector<1000x128xf32>
    %mul3A_12 = arith.mulf %mul3A, %add3A_8 : vector<1000x128xf32>
    %get3A_13 = arith.constant 0 : index
    %get3A_14 = arith.constant 0 : index
    %get3A_15 = vector.load %arg4[%get3A_13, %get3A_14] : memref<1x128xf32, #tpu.memory_space<vmem>>, vector<1x128xf32>
    %add3A_16 = vector.broadcast %get3A_15 : vector<1x128xf32> to vector<1000x128xf32>
    %add3A_17 = arith.addf %mul3A_12, %add3A_16 : vector<1000x128xf32>
    %max3A = arith.constant 0.000000e+00 : f32
    %max3A_18 = vector.broadcast %max3A : f32 to vector<1000x128xf32>
    %max3A_19 = arith.maximumf %add3A_17, %max3A_18 : vector<1000x128xf32>
    %get3A_20 = arith.constant 0 : index
    %get3A_21 = arith.constant 0 : index
    %get3A_22 = vector.load %arg5[%get3A_20, %get3A_21] : memref<128x128xf32, #tpu.memory_space<vmem>>, vector<128x128xf32>
    %dot_general3A = arith.constant dense<0.000000e+00> : vector<1000x128xf32>
    %dot_general3A_23 = tpu.matmul %max3A_19, %get3A_22, %dot_general3A {dimension_numbers = #tpu.dot_dimension_numbers<[1], [0], [0], [1], [0, 0, 1, 1], [], []>, transpose_lhs_hint = false} : vector<1000x128xf32>, vector<128x128xf32>, vector<1000x128xf32> -> vector<1000x128xf32>
    %mul3A_24 = vector.broadcast %get3A_11 : vector<1000x1xf32> to vector<1000x128xf32>
    %mul3A_25 = arith.mulf %mul3A_24, %dot_general3A_23 : vector<1000x128xf32>
    %swap3A = arith.constant 0 : index
    %swap3A_26 = arith.constant 0 : index
    %swap3A_27 = vector.load %arg6[%swap3A, %swap3A_26] : memref<1000x128xf32, #tpu.memory_space<vmem>>, vector<1000x128xf32>
    tpu.vector_store %arg6[%swap3A, %swap3A_26], %mul3A_25 {strides = array<i32>} : memref<1000x128xf32, #tpu.memory_space<vmem>>, vector<1000x128xf32>,
    return
  }
  func.func @transform_0(%arg0: i32) -> (i32, i32, i32) {
    %c0_i32 = arith.constant 0 : i32
    %c0_i32_0 = arith.constant 0 : i32
    %c0_i32_1 = arith.constant 0 : i32
    return %c0_i32, %arg0, %c0_i32_0 : i32, i32, i32
  }
  func.func @transform_1(%arg0: i32) -> (i32, i32) {
    %c0_i32 = arith.constant 0 : i32
    %c0_i32_0 = arith.constant 0 : i32
    return %arg0, %c0_i32 : i32, i32
  }
  func.func @transform_2(%arg0: i32) -> (i32, i32) {
    %c0_i32 = arith.constant 0 : i32
    %c0_i32_0 = arith.constant 0 : i32
    return %arg0, %c0_i32 : i32, i32
  }
  func.func @transform_3(%arg0: i32) -> (i32, i32) {
    %c0_i32 = arith.constant 0 : i32
    %c0_i32_0 = arith.constant 0 : i32
    %c0_i32_1 = arith.constant 0 : i32
    return %c0_i32, %c0_i32_0 : i32, i32
  }
  func.func @transform_4(%arg0: i32) -> (i32, i32) {
    %c0_i32 = arith.constant 0 : i32
    %c0_i32_0 = arith.constant 0 : i32
    %c0_i32_1 = arith.constant 0 : i32
    return %c0_i32, %c0_i32_0 : i32, i32
  }
  func.func @transform_5(%arg0: i32) -> (i32, i32) {
    %c0_i32 = arith.constant 0 : i32
    %c0_i32_0 = arith.constant 0 : i32
    return %arg0, %c0_i32 : i32, i32
  }
}

module attributes {stable_mosaic.version = 14 : i64} {
  func.func @_fin_body(%arg0: i32, %arg1: memref<2x1000x128xf32, #tpu.memory_space<vmem>>, %arg2: memref<1000x128xf32, #tpu.memory_space<vmem>>, %arg3: memref<1000x1xf32, #tpu.memory_space<vmem>>, %arg4: memref<1x128xf32, #tpu.memory_space<vmem>>, %arg5: memref<1000x128xf32, #tpu.memory_space<vmem>>) attributes {dimension_semantics = [#tpu.dimension_semantics<arbitrary>], iteration_bounds = array<i64: 10>, scalar_prefetch = 0 : i64, scratch_operands = 0 : i64, tpu.core_type = #tpu.core_type<tc>, window_params = [{transform_indices = @transform_0, window_bounds = array<i64: 2, 1000, 128>}, {transform_indices = @transform_1, window_bounds = array<i64: 1000, 128>}, {transform_indices = @transform_2, window_bounds = array<i64: 1000, 1>}, {pipeline_mode = #tpu.pipeline_mode<synchronous>, transform_indices = @transform_3, window_bounds = array<i64: 1, 128>}, {transform_indices = @transform_4, window_bounds = array<i64: 1000, 128>}]} {
    %get3A = arith.constant 0 : index
    %get3A_0 = arith.constant 0 : index
    %get3A_1 = arith.constant 0 : index
    %get3A_2 = vector.load %arg1[%get3A, %get3A_0, %get3A_1] : memref<2x1000x128xf32, #tpu.memory_space<vmem>>, vector<2x1000x128xf32>
    %slice3A = vector.extract_strided_slice %get3A_2 {offsets = [0, 0, 0], sizes = [1, 1000, 128], strides = [1, 1, 1]} : vector<2x1000x128xf32> to vector<1x1000x128xf32>
    %squeeze3A = vector.shape_cast %slice3A : vector<1x1000x128xf32> to vector<1000x128xf32>
    %slice3A_3 = vector.extract_strided_slice %get3A_2 {offsets = [1, 0, 0], sizes = [1, 1000, 128], strides = [1, 1, 1]} : vector<2x1000x128xf32> to vector<1x1000x128xf32>
    %squeeze3A_4 = vector.shape_cast %slice3A_3 : vector<1x1000x128xf32> to vector<1000x128xf32>
    %add3A = arith.addf %squeeze3A, %squeeze3A_4 : vector<1000x128xf32>
    %get3A_5 = arith.constant 0 : index
    %get3A_6 = arith.constant 0 : index
    %get3A_7 = vector.load %arg2[%get3A_5, %get3A_6] : memref<1000x128xf32, #tpu.memory_space<vmem>>, vector<1000x128xf32>
    %add3A_8 = arith.addf %add3A, %get3A_7 : vector<1000x128xf32>
    %get3A_9 = arith.constant 0 : index
    %get3A_10 = arith.constant 0 : index
    %get3A_11 = vector.load %arg3[%get3A_9, %get3A_10] : memref<1000x1xf32, #tpu.memory_space<vmem>>, vector<1000x1xf32>
    %mul3A = vector.broadcast %get3A_11 : vector<1000x1xf32> to vector<1000x128xf32>
    %mul3A_12 = arith.mulf %mul3A, %add3A_8 : vector<1000x128xf32>
    %get3A_13 = arith.constant 0 : index
    %get3A_14 = arith.constant 0 : index
    %get3A_15 = vector.load %arg4[%get3A_13, %get3A_14] : memref<1x128xf32, #tpu.memory_space<vmem>>, vector<1x128xf32>
    %add3A_16 = vector.broadcast %get3A_15 : vector<1x128xf32> to vector<1000x128xf32>
    %add3A_17 = arith.addf %mul3A_12, %add3A_16 : vector<1000x128xf32>
    %swap3A = arith.constant 0 : index
    %swap3A_18 = arith.constant 0 : index
    %swap3A_19 = vector.load %arg5[%swap3A, %swap3A_18] : memref<1000x128xf32, #tpu.memory_space<vmem>>, vector<1000x128xf32>
    tpu.vector_store %arg5[%swap3A, %swap3A_18], %add3A_17 {strides = array<i32>} : memref<1000x128xf32, #tpu.memory_space<vmem>>, vector<1000x128xf32>,
    return
  }
  func.func @transform_0(%arg0: i32) -> (i32, i32, i32) {
    %c0_i32 = arith.constant 0 : i32
    %c0_i32_0 = arith.constant 0 : i32
    %c0_i32_1 = arith.constant 0 : i32
    return %c0_i32, %arg0, %c0_i32_0 : i32, i32, i32
  }
  func.func @transform_1(%arg0: i32) -> (i32, i32) {
    %c0_i32 = arith.constant 0 : i32
    %c0_i32_0 = arith.constant 0 : i32
    return %arg0, %c0_i32 : i32, i32
  }
  func.func @transform_2(%arg0: i32) -> (i32, i32) {
    %c0_i32 = arith.constant 0 : i32
    %c0_i32_0 = arith.constant 0 : i32
    return %arg0, %c0_i32 : i32, i32
  }
  func.func @transform_3(%arg0: i32) -> (i32, i32) {
    %c0_i32 = arith.constant 0 : i32
    %c0_i32_0 = arith.constant 0 : i32
    %c0_i32_1 = arith.constant 0 : i32
    return %c0_i32, %c0_i32_0 : i32, i32
  }
  func.func @transform_4(%arg0: i32) -> (i32, i32) {
    %c0_i32 = arith.constant 0 : i32
    %c0_i32_0 = arith.constant 0 : i32
    return %arg0, %c0_i32 : i32, i32
  }
}

</mosaic_0001>

<sc_bundles>
// kernel: kernel.10.cloned.1.call-start
scs
__scs_entry_jumppad:
0x0: {  	(pc) =	sbr.rel $0x88, $3  }
0x1: {  	(tag) =	ssettag $0x0;
	lr =	simm.s32 $0x1  }
0x2: {  	[smem:$0x3F99] =	sst lr;
	_ =	strace $0xD0000000  }
0x3: {  	_ = 	snop  }
0x4: {  	_ = 	snop  }
0x5: {  	_ = 	snop  }
0x6: {  	_ = 	snop  }
0x7: {  	_ = 	snop  }
__scs_overlays_trampoline_lowered:
0x8: {  	[smem:$0x3FA8] =	sst s0  }
0x9: {  	[smem:$0x3FA9] =	sst s1  }
0xa: {  	[smem:$0x3FAA] =	sst s2  }
0xb: {  	[smem:$0x3FAB] =	sst s3  }
0xc: {  	[smem:$0x3FAC] =	sst s4  }
0xd: {  	[smem:$0x3FAD] =	sst s5  }
0xe: {  	[smem:$0x3FAE] =	sst s6  }
0xf: {  	[smem:$0x3FAF] =	sst s7  }
0x10: {  	[smem:$0x3FB0] =	sst s8  }
0x11: {  	[smem:$0x3FB1] =	sst s9;
	s0 =	simm.s32 @!p0 $0x0  }
0x12: {  	s1 =	sld [smem:$0x3F97];
	s0 =	simm.s32 @p0 $0x1  }
0x13: {  	[smem:$0x3FB2] =	sst s0;
	s0 =	simm.s32 @!p1 $0x0  }
0x14: {  	s2 =	sld [smem:$0x3F96];
	s0 =	simm.s32 @p1 $0x1  }
0x15: {  	[smem:$0x3FB3] =	sst s0;
	s0 =	simm.s32 @!p2 $0x0  }
0x16: {  	s3 =	sld [smem:$0x3FDB];
	s0 =	simm.s32 @p2 $0x1  }
0x17: {  	s4 =	simm.s32 $0x1BF5;
	[smem:$0x3FB5] =	sst s0  }
0x18: {  	s0 =	sld [smem:$0x3F98];
	_ =	swait.ge [sflag:s4], $0x0  }
0x19: {  	s7 =	sld [smem:$0x3F99]  }
0x1a: {  	s8 =	sadd.s32 $0xFFFFE003, lr  }
0x1b: {  	s9 =	sadd.s32 $0xFFFFFEF7, lr;
	s5 =	simm.s32 $0xFFFFFFFF;
	p2 =	slt.u32 s8, $0xFFFFF086  }
0x1c: {  	p1 =	slt.u32 s9, $0xF7A;
	s5 =	simm.s32 @!p2 $0x0  }
0x1d: {  	s5 =	simm.s32 @p1 $0x1;
	p0 =	seq.s32 s7, s2  }
0x1e: {  	s7 =	smul.u32 @!p0 $0xF7A, s2;
	p2 =	seq.s32 @!p0 s5, $0x0  }
0x1f: {  	s9 =	smul.u32 $0xF7A, s1;
	s8 =	simm.s32 @!p0 $0x1BF5;
	p2 =	por !p2, p0  }
0x20: {  	[sflag:s8] =	ssyncset.s32 @!p0 $0xFFFFF086;
	s6 =	sadd.s32 @!p0 s3, s7;
	s7 =	simm.s32 @!p0 $0x108  }
0x21: {  	s3 =	sadd.s32 s3, s9;
	s6 =	sadd.s32 @!p0 $0x88, s6;
	s7 =	simm.s32 @p2 $0x1082  }
0x22: {  	[simem:s7], [sflag:s8] =	dma.local @!p0 [hbm:s6], $0xF7A  }
0x23: {  	s9 =	sor.u32 $0xD0000000, s2;
	s6 =	simm.s32 $0x108;
	_ =	swait.ge @!p0 [sflag:s8], $0x0  }
0x24: {  	s3 =	sadd.s32 $0x88, s3;
	s6 =	simm.s32 @!p1 $0x1082;
	[sflag:s4] =	ssyncset.s32 $0xFFFFF086  }
0x25: {  	[simem:s6], [sflag:s4] =	dma.local [hbm:s3], $0xF7A  }
0x26: {  	[smem:$0x3F99] =	sst s1;
	(tag) =	ssettag s2;
	_ =	strace s9  }
0x27: {  	s1 =	sld [smem:$0x3FA9]  }
0x28: {  	s2 =	sld [smem:$0x3FAA]  }
0x29: {  	s4 =	sld [smem:$0x3FAC]  }
0x2a: {  	p0 =	seq.s32 s5, $0x0;
	s5 =	sld [smem:$0x3FAD]  }
0x2b: {  	s6 =	sld [smem:$0x3FAE]  }
0x2c: {  	s7 =	sld [smem:$0x3FAF]  }
0x2d: {  	s3 =	simm.s32 $0x108;
	s8 =	sld [smem:$0x3FB0]  }
0x2e: {  	s3 =	simm.s32 @!p0 $0x1082;
	s9 =	sld [smem:$0x3FB1]  }
0x2f: {  	lr =	sadd.s32 s0, s3;
	s0 =	sld [smem:$0x3FA8]  }
0x30: {  	s3 =	sld [smem:$0x3FAB]  }
0x31: {  	[smem:$0x3FB4] =	sst s10  }
0x32: {  	s10 =	sld [smem:$0x3FB2];
	_ =	sdelay $0x3  }
0x33: {  	p0 =	seq.s32 s10, $0x1;
	s10 =	sld [smem:$0x3FB4];
	_ =	sdelay $0x3  }
0x34: {  	[smem:$0x3FB4] =	sst s10  }
0x35: {  	s10 =	sld [smem:$0x3FB3];
	_ =	sdelay $0x3  }
0x36: {  	p1 =	seq.s32 s10, $0x1;
	s10 =	sld [smem:$0x3FB4];
	_ =	sdelay $0x3  }
0x37: {  	[smem:$0x3FB4] =	sst s10  }
0x38: {  	s10 =	sld [smem:$0x3FB5]  }
0x39: {  	_ = 	snop;
	(pc) =	sbr.ind lr, $3  }
0x3a: {  	_ = 	snop  }
0x3b: {  	_ = 	snop  }
0x3c: {  	p2 =	seq.s32 s10, $0x1;
	s10 =	sld [smem:$0x3FB4]  }
0x3d: {  	_ =	shalt  }
0x3e: {  	_ =	shalt  }
0x3f: {  	_ =	shalt  }
0x40: {  	_ =	shalt  }
0x41: {  	_ =	shalt  }
0x42: {  	_ =	shalt  }
0x43: {  	_ =	shalt  }
0x44: {  	_ =	shalt  }
0x45: {  	_ =	shalt  }
0x46: {  	_ =	shalt  }
0x47: {  	_ =	shalt  }
0x48: {  	_ =	shalt  }
0x49: {  	_ =	shalt  }
0x4a: {  	_ =	shalt  }
0x4b: {  	_ =	shalt  }
0x4c: {  	_ =	shalt  }
0x4d: {  	_ =	shalt  }
0x4e: {  	_ =	shalt  }
0x4f: {  	_ =	shalt  }
0x50: {  	_ =	shalt  }
0x51: {  	_ =	shalt  }
0x52: {  	_ =	shalt  }
0x53: {  	_ =	shalt  }
0x54: {  	_ =	shalt  }
0x55: {  	_ =	shalt  }
0x56: {  	_ =	shalt  }
0x57: {  	_ =	shalt  }
0x58: {  	_ =	shalt  }
0x59: {  	_ =	shalt  }
0x5a: {  	_ =	shalt  }
0x5b: {  	_ =	shalt  }
0x5c: {  	_ =	shalt  }
0x5d: {  	_ =	shalt  }
0x5e: {  	_ =	shalt  }
0x5f: {  	_ =	shalt  }
0x60: {  	_ =	shalt  }
0x61: {  	_ =	shalt  }
0x62: {  	_ =	shalt  }
0x63: {  	_ =	shalt  }
0x64: {  	_ =	shalt  }
0x65: {  	_ =	shalt  }
0x66: {  	_ =	shalt  }
0x67: {  	_ =	shalt  }
0x68: {  	_ =	shalt  }
0x69: {  	_ =	shalt  }
0x6a: {  	_ =	shalt  }
0x6b: {  	_ =	shalt  }
0x6c: {  	_ =	shalt  }
0x6d: {  	_ =	shalt  }
0x6e: {  	_ =	shalt  }
0x6f: {  	_ =	shalt  }
0x70: {  	_ =	shalt  }
0x71: {  	_ =	shalt  }
0x72: {  	_ =	shalt  }
0x73: {  	_ =	shalt  }
0x74: {  	_ =	shalt  }
0x75: {  	_ =	shalt  }
0x76: {  	_ =	shalt  }
0x77: {  	_ =	shalt  }
0x78: {  	_ =	shalt  }
0x79: {  	_ =	shalt  }
0x7a: {  	_ =	shalt  }
0x7b: {  	_ =	shalt  }
0x7c: {  	_ =	shalt  }
0x7d: {  	_ =	shalt  }
0x7e: {  	_ =	shalt  }
0x7f: {  	_ =	shalt  }
0x80: {  	_ =	shalt  }
0x81: {  	_ =	shalt  }
0x82: {  	_ =	shalt  }
0x83: {  	_ =	shalt  }
0x84: {  	_ =	shalt  }
0x85: {  	_ =	shalt  }
0x86: {  	_ =	shalt  }
0x87: {  	_ =	shalt  }
.Lfunc_end0:
.L_simem_size_0:
called_computation_lowered:
.L_overlay_start_0:
0x88: {  	s2 =	sld [smem:$0x3FD9]  }
0x89: {  	s3 =	sld [smem:$0x3FFE];
	_ =	sdelay $0x1  }
0x8a: {  	s1 =	srdreg.scid  }
0x8b: {  	s0 =	sand.u32 $0x1, s1  }
0x8c: {  	s16 =	sshll.u32 s0, $0xA;
	s2 =	sadd.s32 s3, s2  }
0x8d: {  	s2 =	sadd.s32 s2, s16  }
0x8e: {  	[smem:$0x3FC0] =	sst s2  }
0x8f: {  	_ = 	snop  }
0x90: {  	(tm) =	ssettm $0x1  }
0x91: {  	s17 =	sld [smem:$0x3FFB];
	_ =	sdelay $0x3  }
0x92: {  	_ =	strace s17  }
0x93: {  	s2 =	sld [smem:$0x3FFC];
	_ =	sdelay $0x3  }
0x94: {  	_ =	strace s2  }
0x95: {  	s2 =	sld [smem:$0x3FFD];
	_ =	sdelay $0x3  }
0x96: {  	_ =	strace s2  }
0x97: {  	_ =	strace $0x8FFFFFFF  }
0x98: {  	s18 =	sld [smem:$0x3FDB];
	_ =	sdelay $0x1  }
0x99: {  	s19 =	simm.s32 $_scs_section_size  }
0x9a: {  	s4 =	simm.s32 $_size__tile_overlayer_lowered;
	s5 =	simm.s32 $_tile_overlayer_lowered  }
0x9b: {  	s22 =	simm.s32 $0x1BFF;
	s21 =	sshll.u32 s5, $0x1;
	s2 =	sadd.s32 s19, s18  }
0x9c: {  	s6 =	simm.s32 $0x0;
	s20 =	sshll.u32 s4, $0x1;
	s4 =	sadd.s32 s21, s2  }
0x9d: {  	[timem:s6], [sflag:s22] =	dma.local [hbm:s4], s20  }
0x9e: {  	_ =	swait.ge [sflag:s22], s20  }
0x9f: {  	s3 =	ssub.s32 $0x0, s20;
	[sflag:s22] =	ssyncset.done $0x0  }
0xa0: {  	[sflag:s22] =	ssyncadd.s32 s3;
	_ =	sdelay $0x1  }
0xa1: {  	s23 =	simm.s32 $0x1B8B  }
0xa2: {  	_ =	swait.ge [sflag:s23], $0x1  }
0xa3: {  	[sflag:s23] =	ssyncset.done $0x0  }
0xa4: {  	s25 =	simm.s32 $0x1B8E;
	s24 =	sld [smem:$0x3FFE];
	[sflag:s23] =	ssyncadd.s32 $0xFFFFFFFF  }
0xa5: {  	s26 =	simm.s32 $execute0_lowered;
	[smem:$0x3FD2] =	sst s25  }
0xa6: {  	s4 =	sshll.u32 s26, $0x1;
	_ =	strace $0x80000046;
	[dreg:$0x1] =	wrdreg $0xFFFFFFFF  }
0xa7: {  	s28 =	simm.s32 $_size_execute0_lowered;
	s2 =	sadd.s32 s2, s4;
	[dreg:$0x0] =	wrdreg $0x0  }
0xa8: {  	s4 =	sshll.u32 s28, $0x1;
	[dreg:$0x2] =	wrdreg s2  }
0xa9: {  	[dreg:$0x3] =	wrdreg s4  }
0xaa: {  	[dreg:$0x4] =	wrdreg $0xC0  }
0xab: {  	_ =	task [dreg:s6], $0x5FFFF  }
0xac: {  	[dreg:$0x1] =	wrdreg $0xFFFFFFFF  }
0xad: {  	[dreg:$0x0] =	wrdreg $0x60  }
0xae: {  	[dreg:$0x2] =	wrdreg s24  }
0xaf: {  	[dreg:$0x3] =	wrdreg $0x91000  }
0xb0: {  	[dreg:$0x4] =	wrdreg $0x9  }
0xb1: {  	_ =	task.clear_ibuf [dreg:s6], $0x5FFFF;
	_ =	strace $0x90000046  }
0xb2: {  	s29 =	simm.s32 $0x9;
	_ =	strace $0x80000048  }
0xb3: {  	_ =	swait.ge [sflag:s29], $0x1  }
0xb4: {  	[sflag:s29] =	ssyncadd.s32 $0xFFFFFFFF  }
0xb5: {  	_ =	strace $0x90000048  }
0xb6: {  	_ =	sfence  }
0xb7: {  	s30 =	sld [smem:$0x0];
	_ =	sdelay $0x2  }
0xb8: {  	s31 =	sshll.u32 s1, $0xD;
	s1 =	sshrl.u32 s1, $0x2  }
0xb9: {  	s3 =	sand.u32 $0x4000, s31;
	s1 =	sadd.s32 s1, s30  }
0xba: {  	s0 =	sor.u32 s3, s0;
	s1 =	sshll.u32 s1, $0x11  }
0xbb: {  	s0 =	sor.u32 s1, s0  }
0xbc: {  	s0 =	sadd.s32 $0x8F2B, s0  }
0xbd: {  	[sflag:s0] =	ssyncadd.remote.s32 $0x1  }
0xbe: {  	_ =	sfence.sel $0xFFFF  }
0xbf: {  	[dreg:$0x0] =	wrdreg $0xFFFFFFFF;
	(pc) =	sbr.abs _section_cstart, $3  }
0xc0: {  	[dreg:$0x1] =	wrdreg $0xFFFFFFFF  }
0xc1: {  	_ =	task.clear_ibuf [dreg:s6], $0x2FFFF;
	_ =	strace $0x9FFFFFFF  }
0xc2: {  	(tm) =	ssettm $0x7FFFFFFF  }
0xc3: {  	_ =	shalt  }
tec
execute0_lowered:
.L_overlay_start_1:
0x0: {  	(tag) =	ssettag $0x1  }
0x1: {  	s0 =	srdreg.scid;
	s4 =	rddreg [dreg:$0x0]  }
0x2: {  	s2 =	rddreg [dreg:$0x1];
	s1 =	stileid.u32  }
0x3: {  	s3 =	simm.s32 $0x0;
	s11 =	simm.s32 $0x6900;
	s12 =	simm.s32 $0x80  }
0x4: {  	s13 =	simm.s32 $0x2800;
	s14 =	simm.s32 $0x2900;
	s15 =	simm.s32 $0x2880  }
0x5: {  	s16 =	simm.s32 $0x1;
	s17 =	simm.s32 $0x2;
	s18 =	simm.s32 $0x0  }
0x6: {  	s5 =	sand.u32 $0x1, s0;
	s0 =	rddreg [dreg:$0x2];
	s31 =	smul.u32 $0x50000, s1  }
0x7: {  	[smem:$0x7FF] =	sst s3;
	p0 =	seq.s32 s1, $0xF;
	s10 =	smul.u32 $0x14000, s1  }
0x8: {  	s6 =	sshll.u32 s5, $0x4;
	_ =	strace $0x80000047;
	s7 =	ssub.s32 $0x2, s5  }
0x9: {  	s9 =	smul.u32 $0x138800, s5;
	s5 =	simm.s32 $0x5;
	s6 =	sor.u32 s1, s6  }
0xa: {  	s8 =	sshrl.u32 s7, $0x1;
	s5 =	simm.s32 @!p0 $0x8;
	s6 =	smul.u32 $0x500, s6  }
0xb: {  	s7 =	ssub.s32 s7, s8;
	s8 =	sshrl.u32 s31, $0x2;
	s9 =	sadd.s32 s10, s9  }
0xc: {  	s10 =	simm.s32 $0x3;
	s7 =	smax.u32 s7, $0x1;
	s6 =	sadd.s32 s6, s4  }
0xd: {  	v0 =	vimm.f32 $1.000000000e+00;
	v1 =	vimm.f32 $0.0e+00;
	s8 =	sadd.s32 s8, s2;
	s4 =	sadd.s32 $0xD200, s4;
	s6 =	sadd.s32 $0x3200, s6  }
.LBB2_1:
0xe: {  	[tilespmem:s3], [sflag:$0x3] =	stream.linear.gather [hbm4b:s6+s3], $0x2780, $0x38;
	[tilespmem:$0xB818] =	vst v63  }
0xf: {  	_ =	swait.ge [sflag:s10], $0x2780  }
0x10: {  	[sflag:s10] =	ssyncset.done $0x0  }
0x11: {  	s19 =	simm.s32 $0x0;
	[sflag:s10] =	ssyncadd.s32 $0xFFFFD880  }
.LBB2_2:
0x12: {  	p0 =	sne.s32 s19, $0xFE00  }
.Ltmp0:
0x13: {  	_ = 	snop;
	(pc) =	sbr.rel @p0 .LBB2_2-.Ltmp0, $3  }
0x14: {  	_ =	sdelay $0x1  }
0x15: {  	s20 =	sshra.s32 s19, $0x2  }
0x16: {  	s19 =	sadd.s32 $0x200, s19;
	[tilespmem:s20+$0x2900] =	vst v0  }
0x17: {  	s19 =	simm.s32 $0x200;
	s20 =	simm.s32 $0x0  }
.LBB2_4:
0x18: {  	p0 =	sne.s32 s19, $0x9E00;
	[tilespmem:s20+$0x6900] =	vst v1;
	s20 =	smov.u32 s19;
	s19 =	sadd.s32 $0x200, s19  }
.Ltmp1:
0x19: {  	(pc) =	sbr.rel @p0 .LBB2_4-.Ltmp1, $2  }
0x1a: {  	_ =	sdelay $0x2  }
0x1b: {  	s20 =	sshra.s32 s20, $0x2  }
0x1c: {  	p0 =	sne.s32 s5, $0x1  }
.Ltmp2:
0x1d: {  	_ = 	snop;
	(pc) =	sbr.rel @!p0 .LBB2_7-.Ltmp2, $4  }
0x1e: {  	[tilespmem:s20+$0x6900] =	vst v1  }
0x1f: {  	[spmem:s8] =	stream.linear.scatter [tilespmem:s11], [sflag:$0x3], $0x2800, $0x38;
	[tilespmem:$0xB818] =	vst v63  }
0x20: {  	_ =	swait.ge [sflag:s10], $0x2800  }
0x21: {  	s19 =	sadd.s32 $0xFFFFFFFF, s5;
	s20 =	smov.u32 s8;
	[sflag:s10] =	ssyncset.done $0x0  }
.LBB2_6:
0x22: {  	p1 =	sne.s32 s19, $0x1;
	[sflag:s10] =	ssyncadd.s32 $0xFFFFD800;
	s20 =	sadd.s32 $0x2800, s20  }
.Ltmp3:
0x23: {  	s19 =	sadd.s32 $0xFFFFFFFF, s19;
	(pc) =	sbr.rel @p1 .LBB2_6-.Ltmp3, $4  }
0x24: {  	_ = 	snop  }
0x25: {  	[spmem:s20] =	stream.linear.scatter [tilespmem:s11], [sflag:$0x3], $0x2800, $0x38;
	[tilespmem:$0xB818] =	vst v63  }
0x26: {  	_ =	swait.ge [sflag:s10], $0x2800  }
0x27: {  	[sflag:s10] =	ssyncset.done $0x0  }
.LBB2_7:
0x28: {  	[sflag:s10] =	ssyncadd.s32 $0xFFFFD800  }
0x29: {  	[bflag:$0x0] =	sbarrier.arrive $0xFFFF  }
0x2a: {  	v2 =	vld [tilespmem:$0x0]  }
0x2b: {  	v3 =	vld [tilespmem:$0x10]  }
0x2c: {  	v4 =	vld [tilespmem:$0x20]  }
0x2d: {  	v5 =	vld [tilespmem:$0x30]  }
0x2e: {  	v6 =	vld [tilespmem:$0x40]  }
0x2f: {  	v7 =	vld [tilespmem:$0x50];
	v2 =	vshra.s32 v2, $0xE  }
0x30: {  	[tilespmem:$0x2800] =	vst v2;
	v2 =	vshra.s32 v3, $0xE;
	v3 =	vld [tilespmem:$0x60]  }
0x31: {  	v58 =	vld [tilespmem:$0x70];
	[tilespmem:$0x2810] =	vst v2;
	v2 =	vshra.s32 v4, $0xE  }
0x32: {  	[tilespmem:$0x2820] =	vst v2;
	v2 =	vshra.s32 v5, $0xE  }
0x33: {  	[tilespmem:$0x2830] =	vst v2;
	v2 =	vshra.s32 v6, $0xE  }
0x34: {  	[tilespmem:$0x2840] =	vst v2;
	v2 =	vshra.s32 v7, $0xE  }
0x35: {  	[tilespmem:$0x2850] =	vst v2;
	v2 =	vshra.s32 v3, $0xE  }
0x36: {  	[tilespmem:$0x2860] =	vst v2;
	v2 =	vshra.s32 v58, $0xE  }
0x37: {  	[tilespmem:$0x2870] =	vst v2  }
0x38: {  	[spmem:s2] =	stream.indirect.scatter.add.f32 [tilespmem:s14], [sflag:$0x1], $0x10, s13, s12, $0xb8;
	[tilespmem:$0xB818] =	vst v63  }
0x39: {  	v2 =	vld [tilespmem:$0x80]  }
0x3a: {  	v3 =	vld [tilespmem:$0x90]  }
0x3b: {  	v59 =	vld [tilespmem:$0xA0]  }
0x3c: {  	v60 =	vld [tilespmem:$0xB0]  }
0x3d: {  	v61 =	vld [tilespmem:$0xC0]  }
0x3e: {  	v62 =	vld [tilespmem:$0xD0];
	v2 =	vshra.s32 v2, $0xE  }
0x3f: {  	[tilespmem:$0x2880] =	vst v2;
	v2 =	vshra.s32 v3, $0xE;
	v3 =	vld [tilespmem:$0xE0]  }
0x40: {  	v63 =	vld [tilespmem:$0xF0];
	[tilespmem:$0x2890] =	vst v2;
	v2 =	vshra.s32 v59, $0xE  }
0x41: {  	[tilespmem:$0x28A0] =	vst v2;
	v2 =	vshra.s32 v60, $0xE  }
0x42: {  	[tilespmem:$0x28B0] =	vst v2;
	v2 =	vshra.s32 v61, $0xE  }
0x43: {  	[tilespmem:$0x28C0] =	vst v2;
	v2 =	vshra.s32 v62, $0xE  }
0x44: {  	[tilespmem:$0x28D0] =	vst v2;
	v2 =	vshra.s32 v3, $0xE  }
0x45: {  	[tilespmem:$0x28E0] =	vst v2;
	v2 =	vshra.s32 v63, $0xE  }
0x46: {  	[tilespmem:$0x28F0] =	vst v2  }
0x47: {  	[spmem:s2] =	stream.indirect.scatter.add.f32 [tilespmem:s14], [sflag:$0x2], $0x10, s15, s12, $0xb8;
	[tilespmem:$0xB818] =	vst v63  }
0x48: {  	_ =	swait.ge [sflag:s16], $0x800  }
0x49: {  	[sflag:s16] =	ssyncset.done $0x0  }
0x4a: {  	s19 =	simm.s32 $0x1F0;
	[sflag:s16] =	ssyncadd.s32 $0xFFFFF800  }
0x4b: {  	v2 =	vld [tilespmem:s19+$0xFFFFFF10];
	_ =	sdelay $0x4  }
0x4c: {  	v2 =	vshra.s32 v2, $0xE  }
0x4d: {  	[tilespmem:$0x2800] =	vst v2  }
0x4e: {  	v2 =	vld [tilespmem:s19+$0xFFFFFF20];
	_ =	sdelay $0x4  }
0x4f: {  	v2 =	vshra.s32 v2, $0xE  }
0x50: {  	[tilespmem:$0x2810] =	vst v2  }
0x51: {  	v2 =	vld [tilespmem:s19+$0xFFFFFF30];
	_ =	sdelay $0x4  }
0x52: {  	v2 =	vshra.s32 v2, $0xE  }
0x53: {  	[tilespmem:$0x2820] =	vst v2  }
0x54: {  	v2 =	vld [tilespmem:s19+$0xFFFFFF40];
	_ =	sdelay $0x4  }
0x55: {  	v2 =	vshra.s32 v2, $0xE  }
0x56: {  	[tilespmem:$0x2830] =	vst v2  }
0x57: {  	v2 =	vld [tilespmem:s19+$0xFFFFFF50];
	_ =	sdelay $0x4  }
0x58: {  	v2 =	vshra.s32 v2, $0xE  }
0x59: {  	[tilespmem:$0x2840] =	vst v2  }
0x5a: {  	v2 =	vld [tilespmem:s19+$0xFFFFFF60];
	_ =	sdelay $0x4  }
0x5b: {  	v2 =	vshra.s32 v2, $0xE  }
0x5c: {  	[tilespmem:$0x2850] =	vst v2  }
0x5d: {  	v2 =	vld [tilespmem:s19+$0xFFFFFF70];
	_ =	sdelay $0x4  }
0x5e: {  	v2 =	vshra.s32 v2, $0xE  }
0x5f: {  	[tilespmem:$0x2860] =	vst v2  }
0x60: {  	v2 =	vld [tilespmem:s19+$0xFFFFFF80];
	_ =	sdelay $0x4  }
0x61: {  	v2 =	vshra.s32 v2, $0xE  }
0x62: {  	[tilespmem:$0x2870] =	vst v2  }
0x63: {  	[spmem:s2] =	stream.indirect.scatter.add.f32 [tilespmem:s14], [sflag:$0x1], $0x10, s13, s12, $0xb8;
	[tilespmem:$0xB818] =	vst v63  }
0x64: {  	_ =	swait.ge [sflag:s17], $0x800  }
0x65: {  	[sflag:s17] =	ssyncset.done $0x0  }
0x66: {  	[sflag:s17] =	ssyncadd.s32 $0xFFFFF800  }
0x67: {  	v2 =	vld [tilespmem:s19+$0xFFFFFF90];
	_ =	sdelay $0x4  }
0x68: {  	v2 =	vshra.s32 v2, $0xE  }
0x69: {  	[tilespmem:$0x2880] =	vst v2  }
0x6a: {  	v2 =	vld [tilespmem:s19+$0xFFFFFFA0];
	_ =	sdelay $0x4  }
0x6b: {  	v2 =	vshra.s32 v2, $0xE  }
0x6c: {  	[tilespmem:$0x2890] =	vst v2  }
0x6d: {  	v2 =	vld [tilespmem:s19+$0xFFFFFFB0];
	_ =	sdelay $0x4  }
0x6e: {  	v2 =	vshra.s32 v2, $0xE  }
0x6f: {  	[tilespmem:$0x28A0] =	vst v2  }
0x70: {  	v2 =	vld [tilespmem:s19+$0xFFFFFFC0];
	_ =	sdelay $0x4  }
0x71: {  	v2 =	vshra.s32 v2, $0xE  }
0x72: {  	[tilespmem:$0x28B0] =	vst v2  }
0x73: {  	v2 =	vld [tilespmem:s19+$0xFFFFFFD0];
	_ =	sdelay $0x4  }
0x74: {  	v2 =	vshra.s32 v2, $0xE  }
0x75: {  	[tilespmem:$0x28C0] =	vst v2  }
0x76: {  	v2 =	vld [tilespmem:s19+$0xFFFFFFE0];
	_ =	sdelay $0x4  }
0x77: {  	v2 =	vshra.s32 v2, $0xE  }
0x78: {  	[tilespmem:$0x28D0] =	vst v2  }
0x79: {  	v2 =	vld [tilespmem:s19+$0xFFFFFFF0];
	_ =	sdelay $0x4  }
0x7a: {  	v2 =	vshra.s32 v2, $0xE  }
0x7b: {  	[tilespmem:$0x28E0] =	vst v2  }
0x7c: {  	v2 =	vld [tilespmem:s19+$0x0];
	_ =	sdelay $0x4  }
0x7d: {  	v2 =	vshra.s32 v2, $0xE  }
0x7e: {  	s19 =	simm.s32 $0xBC0;
	[tilespmem:$0x28F0] =	vst v2  }
.LBB2_8:
0x7f: {  	[spmem:s2] =	stream.indirect.scatter.add.f32 [tilespmem:s14], [sflag:$0x2], $0x10, s15, s12, $0xb8;
	[tilespmem:$0xB818] =	vst v63  }
0x80: {  	s20 =	smov.u32 s19  }
0x81: {  	p1 =	sne.s32 s19, $0x9BC0;
	s19 =	sadd.s32 $0x400, s19;
	_ =	swait.ge [sflag:s16], $0x800  }
0x82: {  	[sflag:s16] =	ssyncset.done $0x0  }
0x83: {  	s20 =	sshra.s32 s20, $0x2;
	[sflag:s16] =	ssyncadd.s32 $0xFFFFF800  }
0x84: {  	v2 =	vld [tilespmem:s20+$0xFFFFFF10];
	_ =	sdelay $0x4  }
0x85: {  	v2 =	vshra.s32 v2, $0xE  }
0x86: {  	[tilespmem:$0x2800] =	vst v2  }
0x87: {  	v2 =	vld [tilespmem:s20+$0xFFFFFF20];
	_ =	sdelay $0x4  }
0x88: {  	v2 =	vshra.s32 v2, $0xE  }
0x89: {  	[tilespmem:$0x2810] =	vst v2  }
0x8a: {  	v2 =	vld [tilespmem:s20+$0xFFFFFF30];
	_ =	sdelay $0x4  }
0x8b: {  	v2 =	vshra.s32 v2, $0xE  }
0x8c: {  	[tilespmem:$0x2820] =	vst v2  }
0x8d: {  	v2 =	vld [tilespmem:s20+$0xFFFFFF40];
	_ =	sdelay $0x4  }
0x8e: {  	v2 =	vshra.s32 v2, $0xE  }
0x8f: {  	[tilespmem:$0x2830] =	vst v2  }
0x90: {  	v2 =	vld [tilespmem:s20+$0xFFFFFF50];
	_ =	sdelay $0x4  }
0x91: {  	v2 =	vshra.s32 v2, $0xE  }
0x92: {  	[tilespmem:$0x2840] =	vst v2  }
0x93: {  	v2 =	vld [tilespmem:s20+$0xFFFFFF60];
	_ =	sdelay $0x4  }
0x94: {  	v2 =	vshra.s32 v2, $0xE  }
0x95: {  	[tilespmem:$0x2850] =	vst v2  }
0x96: {  	v2 =	vld [tilespmem:s20+$0xFFFFFF70];
	_ =	sdelay $0x4  }
0x97: {  	v2 =	vshra.s32 v2, $0xE  }
0x98: {  	[tilespmem:$0x2860] =	vst v2  }
0x99: {  	v2 =	vld [tilespmem:s20+$0xFFFFFF80];
	_ =	sdelay $0x4  }
0x9a: {  	v2 =	vshra.s32 v2, $0xE  }
0x9b: {  	[tilespmem:$0x2870] =	vst v2  }
0x9c: {  	[spmem:s2] =	stream.indirect.scatter.add.f32 [tilespmem:s14], [sflag:$0x1], $0x10, s13, s12, $0xb8;
	[tilespmem:$0xB818] =	vst v63  }
0x9d: {  	_ =	swait.ge [sflag:s17], $0x800  }
0x9e: {  	[sflag:s17] =	ssyncset.done $0x0  }
0x9f: {  	[sflag:s17] =	ssyncadd.s32 $0xFFFFF800  }
0xa0: {  	v2 =	vld [tilespmem:s20+$0xFFFFFF90];
	_ =	sdelay $0x4  }
0xa1: {  	v2 =	vshra.s32 v2, $0xE  }
0xa2: {  	[tilespmem:$0x2880] =	vst v2  }
0xa3: {  	v2 =	vld [tilespmem:s20+$0xFFFFFFA0];
	_ =	sdelay $0x4  }
0xa4: {  	v2 =	vshra.s32 v2, $0xE  }
0xa5: {  	[tilespmem:$0x2890] =	vst v2  }
0xa6: {  	v2 =	vld [tilespmem:s20+$0xFFFFFFB0];
	_ =	sdelay $0x4  }
0xa7: {  	v2 =	vshra.s32 v2, $0xE  }
0xa8: {  	[tilespmem:$0x28A0] =	vst v2  }
0xa9: {  	v2 =	vld [tilespmem:s20+$0xFFFFFFC0];
	_ =	sdelay $0x4  }
0xaa: {  	v2 =	vshra.s32 v2, $0xE  }
0xab: {  	[tilespmem:$0x28B0] =	vst v2  }
0xac: {  	v2 =	vld [tilespmem:s20+$0xFFFFFFD0];
	_ =	sdelay $0x4  }
0xad: {  	v2 =	vshra.s32 v2, $0xE  }
0xae: {  	[tilespmem:$0x28C0] =	vst v2  }
0xaf: {  	v2 =	vld [tilespmem:s20+$0xFFFFFFE0];
	_ =	sdelay $0x4  }
0xb0: {  	v2 =	vshra.s32 v2, $0xE  }
0xb1: {  	[tilespmem:$0x28D0] =	vst v2  }
0xb2: {  	v2 =	vld [tilespmem:s20+$0xFFFFFFF0];
	_ =	sdelay $0x4  }
0xb3: {  	v2 =	vshra.s32 v2, $0xE  }
0xb4: {  	[tilespmem:$0x28E0] =	vst v2  }
0xb5: {  	v2 =	vld [tilespmem:s20+$0x0];
	_ =	sdelay $0x1  }
.Ltmp4:
0xb6: {  	(pc) =	sbr.rel @p1 .LBB2_8-.Ltmp4, $3  }
0xb7: {  	_ =	sdelay $0x1  }
0xb8: {  	v2 =	vshra.s32 v2, $0xE  }
0xb9: {  	[tilespmem:$0x28F0] =	vst v2  }
0xba: {  	[spmem:s2] =	stream.indirect.scatter.add.f32 [tilespmem:s14], [sflag:$0x2], $0x10, s15, s12, $0xb8;
	[tilespmem:$0xB818] =	vst v63  }
0xbb: {  	_ =	swait.ge [sflag:s16], $0x800  }
0xbc: {  	[sflag:s16] =	ssyncset.done $0x0  }
0xbd: {  	[sflag:s16] =	ssyncadd.s32 $0xFFFFF800  }
0xbe: {  	v2 =	vld [tilespmem:$0x2700]  }
0xbf: {  	v3 =	vld [tilespmem:$0x2710]  }
0xc0: {  	v4 =	vld [tilespmem:$0x2720]  }
0xc1: {  	v5 =	vld [tilespmem:$0x2730]  }
0xc2: {  	v6 =	vld [tilespmem:$0x2740]  }
0xc3: {  	v7 =	vld [tilespmem:$0x2750];
	v2 =	vshra.s32 v2, $0xE  }
0xc4: {  	[tilespmem:$0x2800] =	vst v2;
	v2 =	vshra.s32 v3, $0xE;
	v3 =	vld [tilespmem:$0x2760]  }
0xc5: {  	v63 =	vld [tilespmem:$0x2770];
	[tilespmem:$0x2810] =	vst v2;
	v2 =	vshra.s32 v4, $0xE  }
0xc6: {  	[tilespmem:$0x2820] =	vst v2;
	v2 =	vshra.s32 v5, $0xE  }
0xc7: {  	[tilespmem:$0x2830] =	vst v2;
	v2 =	vshra.s32 v6, $0xE  }
0xc8: {  	[tilespmem:$0x2840] =	vst v2;
	v2 =	vshra.s32 v7, $0xE  }
0xc9: {  	[tilespmem:$0x2850] =	vst v2;
	v2 =	vshra.s32 v3, $0xE  }
0xca: {  	[tilespmem:$0x2860] =	vst v2;
	v2 =	vshra.s32 v63, $0xE  }
0xcb: {  	[tilespmem:$0x2870] =	vst v2  }
0xcc: {  	[spmem:s2] =	stream.indirect.scatter.add.f32 [tilespmem:s14], [sflag:$0x1], $0x10, s13, s12, $0xb8;
	[tilespmem:$0xB818] =	vst v63  }
0xcd: {  	_ =	swait.ge [sflag:s16], $0x800  }
0xce: {  	[sflag:s16] =	ssyncset.done $0x0  }
0xcf: {  	[sflag:s16] =	ssyncadd.s32 $0xFFFFF800  }
0xd0: {  	_ =	swait.ge [sflag:s17], $0x800  }
0xd1: {  	[sflag:s17] =	ssyncset.done $0x0  }
0xd2: {  	[sflag:s17] =	ssyncadd.s32 $0xFFFFF800  }
0xd3: {  	[bflag:$0x0] =	sbarrier.arrive $0xFFFF  }
0xd4: {  	[tilespmem:s11], [sflag:$0x3] =	stream.linear.gather [spmem:s8], $0x2800, $0x38;
	[tilespmem:$0xB818] =	vst v63  }
0xd5: {  	_ =	swait.ge [sflag:s10], $0x2800  }
.Ltmp5:
0xd6: {  	s19 =	sshrl.u32 s9, $0x3;
	[sflag:s10] =	ssyncset.done $0x0;
	(pc) =	sbr.rel @!p0 .LBB2_11-.Ltmp5, $4  }
0xd7: {  	s19 =	sadd.s32 s4, s19;
	[sflag:s10] =	ssyncadd.s32 $0xFFFFD800  }
0xd8: {  	[hbm4b:s19+s3] =	stream.linear.scatter [tilespmem:s11], [sflag:$0x3], $0x2800, $0x38;
	[tilespmem:$0xB818] =	vst v63  }
0xd9: {  	s20 =	smov.u32 s9;
	_ =	swait.ge [sflag:s10], $0x2800  }
0xda: {  	s21 =	smov.u32 s8;
	s19 =	sadd.s32 $0xFFFFFFFF, s5;
	[sflag:s10] =	ssyncset.done $0x0  }
.LBB2_10:
0xdb: {  	[sflag:s10] =	ssyncadd.s32 $0xFFFFD800;
	s20 =	sadd.s32 $0x2800, s20;
	s21 =	sadd.s32 $0x2800, s21  }
0xdc: {  	[tilespmem:s11], [sflag:$0x3] =	stream.linear.gather [spmem:s21], $0x2800, $0x38;
	[tilespmem:$0xB818] =	vst v63  }
0xdd: {  	p0 =	sne.s32 s19, $0x1;
	s19 =	sadd.s32 $0xFFFFFFFF, s19;
	_ =	swait.ge [sflag:s10], $0x2800  }
.Ltmp6:
0xde: {  	s22 =	sshrl.u32 s20, $0x3;
	[sflag:s10] =	ssyncset.done $0x0;
	(pc) =	sbr.rel @p0 .LBB2_10-.Ltmp6, $4  }
0xdf: {  	s22 =	sadd.s32 s4, s22;
	[sflag:s10] =	ssyncadd.s32 $0xFFFFD800  }
0xe0: {  	[hbm4b:s22+s3] =	stream.linear.scatter [tilespmem:s11], [sflag:$0x3], $0x2800, $0x38;
	[tilespmem:$0xB818] =	vst v63  }
0xe1: {  	_ =	swait.ge [sflag:s10], $0x2800  }
0xe2: {  	[sflag:s10] =	ssyncset.done $0x0  }
.LBB2_11:
0xe3: {  	s18 =	sadd.s32 $0x1, s18  }
0xe4: {  	p0 =	sne.s32 s18, s7  }
.Ltmp7:
0xe5: {  	_ = 	snop;
	(pc) =	sbr.rel @p0 .LBB2_1-.Ltmp7, $2  }
0xe6: {  	_ =	sdelay $0x2  }
0xe7: {  	[sflag:s10] =	ssyncadd.s32 $0xFFFFD800  }
0xe8: {  	_ =	sfence.sel $0x180000  }
0xe9: {  	[bflag:$0x0] =	sbarrier.arrive $0xFFFF  }
0xea: {  	p0 =	sne.s32 s1, $0x0;
	_ =	strace $0x90000047  }
0xeb: {  	s0 =	sadd.s32 @!p0 $0x100000, s0;
	[bflag:$0x2] =	sbarrier.arrive $0xFFFF  }
0xec: {  	[sflag:s0] =	ssyncadd.tile.s32 @!p0 $0x1;
	_ =	shalt  }
.Lfunc_end2:
_tile_overlayer_lowered:
.L_overlay_start_2:
0xed: {  	(tag) =	ssettag $0x2  }
0xee: {  	s0 =	rddreg [dreg:$0x0];
	s2 =	stileid.u32  }
0xef: {  	s1 =	rddreg [dreg:$0x1];
	p0 =	sne.s32 s2, $0x0  }
0xf0: {  	s3 =	rddreg [dreg:$0x2];
	[bflag:$0x3] =	sbarrier.arrive $0xFFFF;
	s2 =	simm.s32 @!p0 $0x1C03  }
0xf1: {  	[timem:s3], [sflag:s2] =	dma.local @!p0 [hbm:s0], s1  }
0xf2: {  	s0 =	simm.s32 @!p0 $0x3  }
0xf3: {  	_ =	swait.ge @!p0 [sflag:s0], s1  }
0xf4: {  	s1 =	ssub.s32 @!p0 $0x0, s1;
	[sflag:s0] =	ssyncset.done @!p0 $0x0  }
0xf5: {  	[sflag:s0] =	ssyncadd.s32 @!p0 s1  }
0xf6: {  	[bflag:$0x3] =	sbarrier.arrive $0xFFFF  }
0xf7: {  	_ =	shalt  }

// kernel: kernel.13.cloned.1.call-start
scs
__scs_entry_jumppad:
0x0: {  	(pc) =	sbr.rel $0x88, $3  }
0x1: {  	(tag) =	ssettag $0x0;
	lr =	simm.s32 $0x1  }
0x2: {  	[smem:$0x3F99] =	sst lr;
	_ =	strace $0xD0000000  }
0x3: {  	_ = 	snop  }
0x4: {  	_ = 	snop  }
0x5: {  	_ = 	snop  }
0x6: {  	_ = 	snop  }
0x7: {  	_ = 	snop  }
__scs_overlays_trampoline_lowered:
0x8: {  	[smem:$0x3FA8] =	sst s0  }
0x9: {  	[smem:$0x3FA9] =	sst s1  }
0xa: {  	[smem:$0x3FAA] =	sst s2  }
0xb: {  	[smem:$0x3FAB] =	sst s3  }
0xc: {  	[smem:$0x3FAC] =	sst s4  }
0xd: {  	[smem:$0x3FAD] =	sst s5  }
0xe: {  	[smem:$0x3FAE] =	sst s6  }
0xf: {  	[smem:$0x3FAF] =	sst s7  }
0x10: {  	[smem:$0x3FB0] =	sst s8  }
0x11: {  	[smem:$0x3FB1] =	sst s9;
	s0 =	simm.s32 @!p0 $0x0  }
0x12: {  	s1 =	sld [smem:$0x3F97];
	s0 =	simm.s32 @p0 $0x1  }
0x13: {  	[smem:$0x3FB2] =	sst s0;
	s0 =	simm.s32 @!p1 $0x0  }
0x14: {  	s2 =	sld [smem:$0x3F96];
	s0 =	simm.s32 @p1 $0x1  }
0x15: {  	[smem:$0x3FB3] =	sst s0;
	s0 =	simm.s32 @!p2 $0x0  }
0x16: {  	s3 =	sld [smem:$0x3FDB];
	s0 =	simm.s32 @p2 $0x1  }
0x17: {  	s4 =	simm.s32 $0x1BF5;
	[smem:$0x3FB5] =	sst s0  }
0x18: {  	s0 =	sld [smem:$0x3F98];
	_ =	swait.ge [sflag:s4], $0x0  }
0x19: {  	s7 =	sld [smem:$0x3F99]  }
0x1a: {  	s8 =	sadd.s32 $0xFFFFE003, lr  }
0x1b: {  	s9 =	sadd.s32 $0xFFFFFEF7, lr;
	s5 =	simm.s32 $0xFFFFFFFF;
	p2 =	slt.u32 s8, $0xFFFFF086  }
0x1c: {  	p1 =	slt.u32 s9, $0xF7A;
	s5 =	simm.s32 @!p2 $0x0  }
0x1d: {  	s5 =	simm.s32 @p1 $0x1;
	p0 =	seq.s32 s7, s2  }
0x1e: {  	s7 =	smul.u32 @!p0 $0xF7A, s2;
	p2 =	seq.s32 @!p0 s5, $0x0  }
0x1f: {  	s9 =	smul.u32 $0xF7A, s1;
	s8 =	simm.s32 @!p0 $0x1BF5;
	p2 =	por !p2, p0  }
0x20: {  	[sflag:s8] =	ssyncset.s32 @!p0 $0xFFFFF086;
	s6 =	sadd.s32 @!p0 s3, s7;
	s7 =	simm.s32 @!p0 $0x108  }
0x21: {  	s3 =	sadd.s32 s3, s9;
	s6 =	sadd.s32 @!p0 $0x88, s6;
	s7 =	simm.s32 @p2 $0x1082  }
0x22: {  	[simem:s7], [sflag:s8] =	dma.local @!p0 [hbm:s6], $0xF7A  }
0x23: {  	s9 =	sor.u32 $0xD0000000, s2;
	s6 =	simm.s32 $0x108;
	_ =	swait.ge @!p0 [sflag:s8], $0x0  }
0x24: {  	s3 =	sadd.s32 $0x88, s3;
	s6 =	simm.s32 @!p1 $0x1082;
	[sflag:s4] =	ssyncset.s32 $0xFFFFF086  }
0x25: {  	[simem:s6], [sflag:s4] =	dma.local [hbm:s3], $0xF7A  }
0x26: {  	[smem:$0x3F99] =	sst s1;
	(tag) =	ssettag s2;
	_ =	strace s9  }
0x27: {  	s1 =	sld [smem:$0x3FA9]  }
0x28: {  	s2 =	sld [smem:$0x3FAA]  }
0x29: {  	s4 =	sld [smem:$0x3FAC]  }
0x2a: {  	p0 =	seq.s32 s5, $0x0;
	s5 =	sld [smem:$0x3FAD]  }
0x2b: {  	s6 =	sld [smem:$0x3FAE]  }
0x2c: {  	s7 =	sld [smem:$0x3FAF]  }
0x2d: {  	s3 =	simm.s32 $0x108;
	s8 =	sld [smem:$0x3FB0]  }
0x2e: {  	s3 =	simm.s32 @!p0 $0x1082;
	s9 =	sld [smem:$0x3FB1]  }
0x2f: {  	lr =	sadd.s32 s0, s3;
	s0 =	sld [smem:$0x3FA8]  }
0x30: {  	s3 =	sld [smem:$0x3FAB]  }
0x31: {  	[smem:$0x3FB4] =	sst s10  }
0x32: {  	s10 =	sld [smem:$0x3FB2];
	_ =	sdelay $0x3  }
0x33: {  	p0 =	seq.s32 s10, $0x1;
	s10 =	sld [smem:$0x3FB4];
	_ =	sdelay $0x3  }
0x34: {  	[smem:$0x3FB4] =	sst s10  }
0x35: {  	s10 =	sld [smem:$0x3FB3];
	_ =	sdelay $0x3  }
0x36: {  	p1 =	seq.s32 s10, $0x1;
	s10 =	sld [smem:$0x3FB4];
	_ =	sdelay $0x3  }
0x37: {  	[smem:$0x3FB4] =	sst s10  }
0x38: {  	s10 =	sld [smem:$0x3FB5]  }
0x39: {  	_ = 	snop;
	(pc) =	sbr.ind lr, $3  }
0x3a: {  	_ = 	snop  }
0x3b: {  	_ = 	snop  }
0x3c: {  	p2 =	seq.s32 s10, $0x1;
	s10 =	sld [smem:$0x3FB4]  }
0x3d: {  	_ =	shalt  }
0x3e: {  	_ =	shalt  }
0x3f: {  	_ =	shalt  }
0x40: {  	_ =	shalt  }
0x41: {  	_ =	shalt  }
0x42: {  	_ =	shalt  }
0x43: {  	_ =	shalt  }
0x44: {  	_ =	shalt  }
0x45: {  	_ =	shalt  }
0x46: {  	_ =	shalt  }
0x47: {  	_ =	shalt  }
0x48: {  	_ =	shalt  }
0x49: {  	_ =	shalt  }
0x4a: {  	_ =	shalt  }
0x4b: {  	_ =	shalt  }
0x4c: {  	_ =	shalt  }
0x4d: {  	_ =	shalt  }
0x4e: {  	_ =	shalt  }
0x4f: {  	_ =	shalt  }
0x50: {  	_ =	shalt  }
0x51: {  	_ =	shalt  }
0x52: {  	_ =	shalt  }
0x53: {  	_ =	shalt  }
0x54: {  	_ =	shalt  }
0x55: {  	_ =	shalt  }
0x56: {  	_ =	shalt  }
0x57: {  	_ =	shalt  }
0x58: {  	_ =	shalt  }
0x59: {  	_ =	shalt  }
0x5a: {  	_ =	shalt  }
0x5b: {  	_ =	shalt  }
0x5c: {  	_ =	shalt  }
0x5d: {  	_ =	shalt  }
0x5e: {  	_ =	shalt  }
0x5f: {  	_ =	shalt  }
0x60: {  	_ =	shalt  }
0x61: {  	_ =	shalt  }
0x62: {  	_ =	shalt  }
0x63: {  	_ =	shalt  }
0x64: {  	_ =	shalt  }
0x65: {  	_ =	shalt  }
0x66: {  	_ =	shalt  }
0x67: {  	_ =	shalt  }
0x68: {  	_ =	shalt  }
0x69: {  	_ =	shalt  }
0x6a: {  	_ =	shalt  }
0x6b: {  	_ =	shalt  }
0x6c: {  	_ =	shalt  }
0x6d: {  	_ =	shalt  }
0x6e: {  	_ =	shalt  }
0x6f: {  	_ =	shalt  }
0x70: {  	_ =	shalt  }
0x71: {  	_ =	shalt  }
0x72: {  	_ =	shalt  }
0x73: {  	_ =	shalt  }
0x74: {  	_ =	shalt  }
0x75: {  	_ =	shalt  }
0x76: {  	_ =	shalt  }
0x77: {  	_ =	shalt  }
0x78: {  	_ =	shalt  }
0x79: {  	_ =	shalt  }
0x7a: {  	_ =	shalt  }
0x7b: {  	_ =	shalt  }
0x7c: {  	_ =	shalt  }
0x7d: {  	_ =	shalt  }
0x7e: {  	_ =	shalt  }
0x7f: {  	_ =	shalt  }
0x80: {  	_ =	shalt  }
0x81: {  	_ =	shalt  }
0x82: {  	_ =	shalt  }
0x83: {  	_ =	shalt  }
0x84: {  	_ =	shalt  }
0x85: {  	_ =	shalt  }
0x86: {  	_ =	shalt  }
0x87: {  	_ =	shalt  }
.Lfunc_end0:
.L_simem_size_0:
called_computation.1_lowered:
.L_overlay_start_0:
0x88: {  	s2 =	sld [smem:$0x3FD9]  }
0x89: {  	s3 =	sld [smem:$0x3FFE];
	_ =	sdelay $0x1  }
0x8a: {  	s1 =	srdreg.scid  }
0x8b: {  	s0 =	sand.u32 $0x1, s1  }
0x8c: {  	s17 =	sshll.u32 s0, $0xA;
	s2 =	sadd.s32 s3, s2  }
0x8d: {  	s2 =	sadd.s32 s2, s17  }
0x8e: {  	[smem:$0x3FC0] =	sst s2  }
0x8f: {  	_ = 	snop  }
0x90: {  	s2 =	sld [smem:$0x3FD0];
	(tm) =	ssettm $0x1  }
0x91: {  	s18 =	sld [smem:$0x3FFB];
	_ =	sdelay $0x3  }
0x92: {  	_ =	strace s18  }
0x93: {  	s3 =	sld [smem:$0x3FFC];
	_ =	sdelay $0x3  }
0x94: {  	_ =	strace s3  }
0x95: {  	s3 =	sld [smem:$0x3FFD];
	_ =	sdelay $0x3  }
0x96: {  	_ =	strace s3  }
0x97: {  	_ =	strace $0x8FFFFFFF  }
0x98: {  	s19 =	sld [smem:$0x3FDB];
	_ =	sdelay $0x1  }
0x99: {  	s4 =	simm.s32 $_scs_section_size  }
0x9a: {  	s5 =	simm.s32 $_size__tile_overlayer_lowered;
	s6 =	simm.s32 $_tile_overlayer_lowered  }
0x9b: {  	s22 =	simm.s32 $0x1BFF;
	s21 =	sshll.u32 s6, $0x1;
	s3 =	sadd.s32 s4, s19  }
0x9c: {  	s7 =	simm.s32 $0x0;
	s20 =	sshll.u32 s5, $0x1;
	s5 =	sadd.s32 s21, s3  }
0x9d: {  	[timem:s7], [sflag:s22] =	dma.local [hbm:s5], s20  }
0x9e: {  	_ =	swait.ge [sflag:s22], s20  }
0x9f: {  	s4 =	ssub.s32 $0x0, s20;
	[sflag:s22] =	ssyncset.done $0x0  }
0xa0: {  	[sflag:s22] =	ssyncadd.s32 s4;
	_ =	sdelay $0x1  }
0xa1: {  	s23 =	simm.s32 $0x1B8B  }
0xa2: {  	_ =	swait.ge [sflag:s23], $0x1  }
0xa3: {  	[sflag:s23] =	ssyncset.done $0x0  }
0xa4: {  	s25 =	simm.s32 $0x1B8E;
	s24 =	sld [smem:$0x3FFE];
	[sflag:s23] =	ssyncadd.s32 $0xFFFFFFFF  }
0xa5: {  	s26 =	simm.s32 $execute0_lowered;
	[smem:$0x3FD2] =	sst s25  }
0xa6: {  	s5 =	sshll.u32 s26, $0x1;
	_ =	strace $0x80000049;
	[dreg:$0x1] =	wrdreg $0xFFFFFFFF  }
0xa7: {  	s28 =	simm.s32 $_size_execute0_lowered;
	s3 =	sadd.s32 s3, s5;
	[dreg:$0x0] =	wrdreg $0x0  }
0xa8: {  	s5 =	sshll.u32 s28, $0x1;
	[dreg:$0x2] =	wrdreg s3  }
0xa9: {  	[dreg:$0x3] =	wrdreg s5  }
0xaa: {  	[dreg:$0x4] =	wrdreg $0xC0  }
0xab: {  	_ =	task [dreg:s7], $0x5FFFF  }
0xac: {  	[dreg:$0x1] =	wrdreg $0xFFFFFFFF  }
0xad: {  	[dreg:$0x0] =	wrdreg $0x60  }
0xae: {  	[dreg:$0x2] =	wrdreg s2  }
0xaf: {  	[dreg:$0x3] =	wrdreg s24  }
0xb0: {  	[dreg:$0x4] =	wrdreg $0xAA000  }
0xb1: {  	[dreg:$0x5] =	wrdreg $0x9  }
0xb2: {  	_ =	task.clear_ibuf [dreg:s7], $0x6FFFF;
	_ =	strace $0x90000049  }
0xb3: {  	s29 =	simm.s32 $0x9;
	_ =	strace $0x8000004B  }
0xb4: {  	_ =	swait.ge [sflag:s29], $0x1  }
0xb5: {  	[sflag:s29] =	ssyncadd.s32 $0xFFFFFFFF  }
0xb6: {  	_ =	strace $0x9000004B  }
0xb7: {  	_ =	sfence  }
0xb8: {  	s30 =	sld [smem:$0x0];
	_ =	sdelay $0x2  }
0xb9: {  	s31 =	sshll.u32 s1, $0xD;
	s1 =	sshrl.u32 s1, $0x2  }
0xba: {  	s3 =	sand.u32 $0x4000, s31;
	s1 =	sadd.s32 s1, s30  }
0xbb: {  	s0 =	sor.u32 s3, s0;
	s1 =	sshll.u32 s1, $0x11  }
0xbc: {  	s0 =	sor.u32 s1, s0  }
0xbd: {  	s0 =	sadd.s32 $0x8F2B, s0  }
0xbe: {  	[sflag:s0] =	ssyncadd.remote.s32 $0x1  }
0xbf: {  	_ =	sfence.sel $0xFFFF  }
0xc0: {  	[dreg:$0x0] =	wrdreg $0xFFFFFFFF;
	(pc) =	sbr.abs _section_cstart, $3  }
0xc1: {  	[dreg:$0x1] =	wrdreg $0xFFFFFFFF  }
0xc2: {  	_ =	task.clear_ibuf [dreg:s7], $0x2FFFF;
	_ =	strace $0x9FFFFFFF  }
0xc3: {  	(tm) =	ssettm $0x7FFFFFFF  }
tec
execute0_lowered:
.L_overlay_start_1:
0x0: {  	(tag) =	ssettag $0x1  }
0x1: {  	s1 =	rddreg [dreg:$0x0]  }
0x2: {  	s5 =	rddreg [dreg:$0x1]  }
0x3: {  	s0 =	srdreg.scid;
	s3 =	rddreg [dreg:$0x2]  }
0x4: {  	s4 =	simm.s32 $0x0;
	s13 =	simm.s32 $0x80;
	s14 =	simm.s32 $0x2800  }
0x5: {  	s15 =	simm.s32 $0x2880;
	s16 =	simm.s32 $0x6A00;
	s17 =	simm.s32 $0x1  }
0x6: {  	s18 =	simm.s32 $0x2900;
	s19 =	simm.s32 $0x2;
	s20 =	simm.s32 $0x2980  }
0x7: {  	s21 =	simm.s32 $0x0;
	s7 =	sand.u32 $0x1, s0;
	s0 =	stileid.u32  }
0x8: {  	[smem:$0x7FF] =	sst s4;
	s2 =	sshll.u32 s7, $0x4;
	s10 =	smul.u32 $0x50000, s0  }
0x9: {  	s8 =	ssub.s32 $0x2, s7;
	p0 =	seq.s32 s0, $0xF;
	s11 =	smul.u32 $0x138800, s7  }
0xa: {  	s12 =	smul.u32 $0x14000, s0;
	s6 =	sor.u32 s0, s2;
	s31 =	sshrl.u32 s8, $0x1  }
0xb: {  	s2 =	rddreg [dreg:$0x3];
	s6 =	smul.u32 $0x500, s6;
	s8 =	ssub.s32 s8, s31  }
0xc: {  	_ =	strace $0x8000004A;
	s10 =	sshrl.u32 s10, $0x2;
	s8 =	smax.u32 s8, $0x1  }
0xd: {  	s9 =	sadd.s32 s6, s5;
	s5 =	sadd.s32 $0xD200, s5;
	s6 =	simm.s32 $0x5  }
0xe: {  	s6 =	simm.s32 @!p0 $0x8;
	s7 =	sadd.s32 $0x3200, s9;
	s9 =	sadd.s32 s10, s3  }
0xf: {  	v0 =	vimm.f32 $0.0e+00;
	s10 =	sadd.s32 s12, s11;
	s11 =	simm.s32 $0x3;
	s12 =	simm.s32 $0x2A00  }
.LBB2_1:
0x10: {  	[tilespmem:s4], [sflag:$0x3] =	stream.linear.gather [hbm4b:s7+s4], $0x2780, $0x38;
	[tilespmem:$0x1E2C0] =	vst v63  }
0x11: {  	_ =	swait.ge [sflag:s11], $0x2780  }
0x12: {  	[sflag:s11] =	ssyncset.done $0x0  }
0x13: {  	s22 =	simm.s32 $0x0;
	s23 =	simm.s32 $0x200;
	[sflag:s11] =	ssyncadd.s32 $0xFFFFD880  }
.LBB2_2:
0x14: {  	p0 =	sne.s32 s23, $0x9E00;
	[tilespmem:s22+$0x2A70] =	vst v0  }
0x15: {  	[tilespmem:s22+$0x2A00] =	vst v0  }
0x16: {  	[tilespmem:s22+$0x2A10] =	vst v0  }
.Ltmp0:
0x17: {  	[tilespmem:s22+$0x2A20] =	vst v0;
	(pc) =	sbr.rel @p0 .LBB2_2-.Ltmp0, $4  }
0x18: {  	[tilespmem:s22+$0x2A30] =	vst v0  }
0x19: {  	[tilespmem:s22+$0x2A40] =	vst v0  }
0x1a: {  	[tilespmem:s22+$0x2A50] =	vst v0  }
0x1b: {  	[tilespmem:s22+$0x2A60] =	vst v0;
	s22 =	sshra.s32 s23, $0x2;
	s23 =	sadd.s32 $0x200, s23  }
0x1c: {  	[tilespmem:s22+$0x2A70] =	vst v0  }
0x1d: {  	[tilespmem:s22+$0x2A00] =	vst v0  }
0x1e: {  	[tilespmem:s22+$0x2A10] =	vst v0  }
0x1f: {  	[tilespmem:s22+$0x2A20] =	vst v0  }
0x20: {  	[tilespmem:s22+$0x2A30] =	vst v0  }
0x21: {  	[tilespmem:s22+$0x2A40] =	vst v0;
	p0 =	sne.s32 s6, $0x1  }
.Ltmp1:
0x22: {  	[tilespmem:s22+$0x2A50] =	vst v0;
	(pc) =	sbr.rel @!p0 .LBB2_5-.Ltmp1, $4  }
0x23: {  	[tilespmem:s22+$0x2A60] =	vst v0  }
0x24: {  	[spmem:s9] =	stream.linear.scatter [tilespmem:s12], [sflag:$0x3], $0x2800, $0x38;
	[tilespmem:$0x1E2C0] =	vst v63  }
0x25: {  	_ =	swait.ge [sflag:s11], $0x2800  }
0x26: {  	s22 =	sadd.s32 $0xFFFFFFFF, s6;
	s23 =	smov.u32 s9;
	[sflag:s11] =	ssyncset.done $0x0  }
.LBB2_4:
0x27: {  	p1 =	sne.s32 s22, $0x1;
	[sflag:s11] =	ssyncadd.s32 $0xFFFFD800;
	s23 =	sadd.s32 $0x2800, s23  }
.Ltmp2:
0x28: {  	s22 =	sadd.s32 $0xFFFFFFFF, s22;
	(pc) =	sbr.rel @p1 .LBB2_4-.Ltmp2, $4  }
0x29: {  	_ = 	snop  }
0x2a: {  	[spmem:s23] =	stream.linear.scatter [tilespmem:s12], [sflag:$0x3], $0x2800, $0x38;
	[tilespmem:$0x1E2C0] =	vst v63  }
0x2b: {  	_ =	swait.ge [sflag:s11], $0x2800  }
0x2c: {  	[sflag:s11] =	ssyncset.done $0x0  }
.LBB2_5:
0x2d: {  	[sflag:s11] =	ssyncadd.s32 $0xFFFFD800  }
0x2e: {  	[bflag:$0x0] =	sbarrier.arrive $0xFFFF  }
0x2f: {  	v1 =	vld [tilespmem:$0x0];
	_ =	sdelay $0x1  }
0x30: {  	v2 =	vld [tilespmem:$0x10];
	_ =	sdelay $0x1  }
0x31: {  	v3 =	vld [tilespmem:$0x20]  }
0x32: {  	v4 =	vand.u32 $0x3FFF, v1  }
0x33: {  	v59 =	vld [tilespmem:$0x30];
	v1 =	vshra.s32 v1, $0xE;
	[tilespmem:$0x2800] =	vst v4  }
0x34: {  	[tilespmem:$0x2900] =	vst v1;
	v1 =	vand.u32 $0x3FFF, v2  }
0x35: {  	[tilespmem:$0x2810] =	vst v1;
	v1 =	vshra.s32 v2, $0xE;
	v2 =	vld [tilespmem:$0x40]  }
0x36: {  	[tilespmem:$0x2910] =	vst v1;
	v1 =	vand.u32 $0x3FFF, v3  }
0x37: {  	[tilespmem:$0x2820] =	vst v1;
	v1 =	vshra.s32 v3, $0xE;
	v3 =	vld [tilespmem:$0x50]  }
0x38: {  	[tilespmem:$0x2920] =	vst v1;
	v1 =	vand.u32 $0x3FFF, v59  }
0x39: {  	v60 =	vld [tilespmem:$0x60];
	[tilespmem:$0x2830] =	vst v1;
	v1 =	vshra.s32 v59, $0xE  }
0x3a: {  	[tilespmem:$0x2930] =	vst v1;
	v1 =	vand.u32 $0x3FFF, v2  }
0x3b: {  	[tilespmem:$0x2840] =	vst v1;
	v1 =	vshra.s32 v2, $0xE;
	v2 =	vld [tilespmem:$0x70]  }
0x3c: {  	[tilespmem:$0x2940] =	vst v1;
	v1 =	vand.u32 $0x3FFF, v3  }
0x3d: {  	[tilespmem:$0x2850] =	vst v1;
	v1 =	vshra.s32 v3, $0xE  }
0x3e: {  	[tilespmem:$0x2950] =	vst v1;
	v1 =	vand.u32 $0x3FFF, v60  }
0x3f: {  	[tilespmem:$0x2860] =	vst v1;
	v1 =	vshra.s32 v60, $0xE  }
0x40: {  	[tilespmem:$0x2960] =	vst v1;
	v1 =	vand.u32 $0x3FFF, v2  }
0x41: {  	[tilespmem:$0x2870] =	vst v1;
	v1 =	vshra.s32 v2, $0xE  }
0x42: {  	[tilespmem:$0x2970] =	vst v1  }
0x43: {  	[tilespmem:s12], [sflag:$0x1] =	stream.indirect.gather [hbm4b:s1+s13], $0x80, s14, s13, $0xb8;
	[tilespmem:$0x1E2C0] =	vst v63  }
0x44: {  	v1 =	vld [tilespmem:$0x80];
	_ =	sdelay $0x1  }
0x45: {  	v2 =	vld [tilespmem:$0x90];
	_ =	sdelay $0x1  }
0x46: {  	v3 =	vld [tilespmem:$0xA0]  }
0x47: {  	v61 =	vand.u32 $0x3FFF, v1  }
0x48: {  	v62 =	vld [tilespmem:$0xB0];
	v1 =	vshra.s32 v1, $0xE;
	[tilespmem:$0x2880] =	vst v61  }
0x49: {  	[tilespmem:$0x2980] =	vst v1;
	v1 =	vand.u32 $0x3FFF, v2  }
0x4a: {  	[tilespmem:$0x2890] =	vst v1;
	v1 =	vshra.s32 v2, $0xE;
	v2 =	vld [tilespmem:$0xC0]  }
0x4b: {  	[tilespmem:$0x2990] =	vst v1;
	v1 =	vand.u32 $0x3FFF, v3  }
0x4c: {  	[tilespmem:$0x28A0] =	vst v1;
	v1 =	vshra.s32 v3, $0xE;
	v3 =	vld [tilespmem:$0xD0]  }
0x4d: {  	[tilespmem:$0x29A0] =	vst v1;
	v1 =	vand.u32 $0x3FFF, v62  }
0x4e: {  	v63 =	vld [tilespmem:$0xE0];
	[tilespmem:$0x28B0] =	vst v1;
	v1 =	vshra.s32 v62, $0xE  }
0x4f: {  	[tilespmem:$0x29B0] =	vst v1;
	v1 =	vand.u32 $0x3FFF, v2  }
0x50: {  	[tilespmem:$0x28C0] =	vst v1;
	v1 =	vshra.s32 v2, $0xE;
	v2 =	vld [tilespmem:$0xF0]  }
0x51: {  	[tilespmem:$0x29C0] =	vst v1;
	v1 =	vand.u32 $0x3FFF, v3  }
0x52: {  	[tilespmem:$0x28D0] =	vst v1;
	v1 =	vshra.s32 v3, $0xE  }
0x53: {  	[tilespmem:$0x29D0] =	vst v1;
	v1 =	vand.u32 $0x3FFF, v63  }
0x54: {  	[tilespmem:$0x28E0] =	vst v1;
	v1 =	vshra.s32 v63, $0xE  }
0x55: {  	[tilespmem:$0x29E0] =	vst v1;
	v1 =	vand.u32 $0x3FFF, v2  }
0x56: {  	[tilespmem:$0x28F0] =	vst v1;
	v1 =	vshra.s32 v2, $0xE  }
0x57: {  	s22 =	simm.s32 $0x7C0;
	[tilespmem:$0x29F0] =	vst v1  }
0x58: {  	[tilespmem:s16], [sflag:$0x2] =	stream.indirect.gather [hbm4b:s1+s13], $0x80, s15, s13, $0xb8;
	[tilespmem:$0x1E2C0] =	vst v63  }
.LBB2_6:
0x59: {  	_ =	swait.ge [sflag:s17], $0x4000  }
0x5a: {  	[sflag:s17] =	ssyncset.done $0x0  }
0x5b: {  	[sflag:s17] =	ssyncadd.s32 $0xFFFFC000  }
0x5c: {  	[spmem:s3] =	stream.indirect.scatter.add.f32 [tilespmem:s12], [sflag:$0x3], $0x80, s18, s13, $0xb8;
	[tilespmem:$0x1E2C0] =	vst v63  }
0x5d: {  	_ =	swait.ge [sflag:s11], $0x4000  }
0x5e: {  	[sflag:s11] =	ssyncset.done $0x0  }
0x5f: {  	s23 =	sshra.s32 s22, $0x2;
	[sflag:s11] =	ssyncadd.s32 $0xFFFFC000  }
0x60: {  	v1 =	vld [tilespmem:s23+$0xFFFFFF10];
	_ =	sdelay $0x4  }
0x61: {  	v2 =	vand.u32 $0x3FFF, v1  }
0x62: {  	v1 =	vshra.s32 v1, $0xE;
	[tilespmem:$0x2800] =	vst v2  }
0x63: {  	[tilespmem:$0x2900] =	vst v1  }
0x64: {  	v1 =	vld [tilespmem:s23+$0xFFFFFF20];
	_ =	sdelay $0x4  }
0x65: {  	v2 =	vand.u32 $0x3FFF, v1  }
0x66: {  	v1 =	vshra.s32 v1, $0xE;
	[tilespmem:$0x2810] =	vst v2  }
0x67: {  	[tilespmem:$0x2910] =	vst v1  }
0x68: {  	v1 =	vld [tilespmem:s23+$0xFFFFFF30];
	_ =	sdelay $0x4  }
0x69: {  	v2 =	vand.u32 $0x3FFF, v1  }
0x6a: {  	v1 =	vshra.s32 v1, $0xE;
	[tilespmem:$0x2820] =	vst v2  }
0x6b: {  	[tilespmem:$0x2920] =	vst v1  }
0x6c: {  	v1 =	vld [tilespmem:s23+$0xFFFFFF40];
	_ =	sdelay $0x4  }
0x6d: {  	v2 =	vand.u32 $0x3FFF, v1  }
0x6e: {  	v1 =	vshra.s32 v1, $0xE;
	[tilespmem:$0x2830] =	vst v2  }
0x6f: {  	[tilespmem:$0x2930] =	vst v1  }
0x70: {  	v1 =	vld [tilespmem:s23+$0xFFFFFF50];
	_ =	sdelay $0x4  }
0x71: {  	v2 =	vand.u32 $0x3FFF, v1  }
0x72: {  	v1 =	vshra.s32 v1, $0xE;
	[tilespmem:$0x2840] =	vst v2  }
0x73: {  	[tilespmem:$0x2940] =	vst v1  }
0x74: {  	v1 =	vld [tilespmem:s23+$0xFFFFFF60];
	_ =	sdelay $0x4  }
0x75: {  	v2 =	vand.u32 $0x3FFF, v1  }
0x76: {  	v1 =	vshra.s32 v1, $0xE;
	[tilespmem:$0x2850] =	vst v2  }
0x77: {  	[tilespmem:$0x2950] =	vst v1  }
0x78: {  	v1 =	vld [tilespmem:s23+$0xFFFFFF70];
	_ =	sdelay $0x4  }
0x79: {  	v2 =	vand.u32 $0x3FFF, v1  }
0x7a: {  	v1 =	vshra.s32 v1, $0xE;
	[tilespmem:$0x2860] =	vst v2  }
0x7b: {  	[tilespmem:$0x2960] =	vst v1  }
0x7c: {  	v1 =	vld [tilespmem:s23+$0xFFFFFF80];
	_ =	sdelay $0x4  }
0x7d: {  	v2 =	vand.u32 $0x3FFF, v1  }
0x7e: {  	v1 =	vshra.s32 v1, $0xE;
	[tilespmem:$0x2870] =	vst v2  }
0x7f: {  	[tilespmem:$0x2970] =	vst v1  }
0x80: {  	[tilespmem:s12], [sflag:$0x1] =	stream.indirect.gather [hbm4b:s1+s13], $0x80, s14, s13, $0xb8;
	[tilespmem:$0x1E2C0] =	vst v63  }
0x81: {  	_ =	swait.ge [sflag:s19], $0x4000  }
0x82: {  	p1 =	seq.s32 s22, $0x9FC0;
	[sflag:s19] =	ssyncset.done $0x0  }
.Ltmp3:
0x83: {  	[sflag:s19] =	ssyncadd.s32 $0xFFFFC000;
	(pc) =	sbr.rel @p1 .LBB2_8-.Ltmp3, $4  }
0x84: {  	[spmem:s3] =	stream.indirect.scatter.add.f32 [tilespmem:s16], [sflag:$0x3], $0x80, s20, s13, $0xb8;
	[tilespmem:$0x1E2C0] =	vst v63  }
0x85: {  	_ =	swait.ge [sflag:s11], $0x4000  }
0x86: {  	[sflag:s11] =	ssyncset.done $0x0  }
0x87: {  	[sflag:s11] =	ssyncadd.s32 $0xFFFFC000  }
0x88: {  	v1 =	vld [tilespmem:s23+$0xFFFFFF90];
	_ =	sdelay $0x4  }
0x89: {  	v2 =	vand.u32 $0x3FFF, v1  }
0x8a: {  	v1 =	vshra.s32 v1, $0xE;
	[tilespmem:$0x2880] =	vst v2  }
0x8b: {  	[tilespmem:$0x2980] =	vst v1  }
0x8c: {  	v1 =	vld [tilespmem:s23+$0xFFFFFFA0];
	_ =	sdelay $0x4  }
0x8d: {  	v2 =	vand.u32 $0x3FFF, v1  }
0x8e: {  	v1 =	vshra.s32 v1, $0xE;
	[tilespmem:$0x2890] =	vst v2  }
0x8f: {  	[tilespmem:$0x2990] =	vst v1  }
0x90: {  	v1 =	vld [tilespmem:s23+$0xFFFFFFB0];
	_ =	sdelay $0x4  }
0x91: {  	v2 =	vand.u32 $0x3FFF, v1  }
0x92: {  	v1 =	vshra.s32 v1, $0xE;
	[tilespmem:$0x28A0] =	vst v2  }
0x93: {  	[tilespmem:$0x29A0] =	vst v1  }
0x94: {  	v1 =	vld [tilespmem:s23+$0xFFFFFFC0];
	_ =	sdelay $0x4  }
0x95: {  	v2 =	vand.u32 $0x3FFF, v1  }
0x96: {  	v1 =	vshra.s32 v1, $0xE;
	[tilespmem:$0x28B0] =	vst v2  }
0x97: {  	[tilespmem:$0x29B0] =	vst v1  }
0x98: {  	v1 =	vld [tilespmem:s23+$0xFFFFFFD0];
	_ =	sdelay $0x4  }
0x99: {  	v2 =	vand.u32 $0x3FFF, v1  }
0x9a: {  	v1 =	vshra.s32 v1, $0xE;
	[tilespmem:$0x28C0] =	vst v2  }
0x9b: {  	[tilespmem:$0x29C0] =	vst v1  }
0x9c: {  	v1 =	vld [tilespmem:s23+$0xFFFFFFE0];
	_ =	sdelay $0x4  }
0x9d: {  	v2 =	vand.u32 $0x3FFF, v1  }
0x9e: {  	v1 =	vshra.s32 v1, $0xE;
	[tilespmem:$0x28D0] =	vst v2  }
0x9f: {  	[tilespmem:$0x29D0] =	vst v1  }
0xa0: {  	v1 =	vld [tilespmem:s23+$0xFFFFFFF0];
	_ =	sdelay $0x4  }
0xa1: {  	v2 =	vand.u32 $0x3FFF, v1  }
0xa2: {  	v1 =	vshra.s32 v1, $0xE;
	[tilespmem:$0x28E0] =	vst v2  }
0xa3: {  	[tilespmem:$0x29E0] =	vst v1  }
0xa4: {  	v1 =	vld [tilespmem:s23+$0x0];
	_ =	sdelay $0x3  }
.Ltmp4:
0xa5: {  	_ = 	snop;
	(pc) =	sbr.rel .LBB2_6-.Ltmp4, $4  }
0xa6: {  	v2 =	vand.u32 $0x3FFF, v1  }
0xa7: {  	v1 =	vshra.s32 v1, $0xE;
	[tilespmem:$0x28F0] =	vst v2  }
0xa8: {  	s22 =	sadd.s32 $0x400, s22;
	[tilespmem:$0x29F0] =	vst v1  }
0xa9: {  	[tilespmem:s16], [sflag:$0x2] =	stream.indirect.gather [hbm4b:s1+s13], $0x80, s15, s13, $0xb8;
	[tilespmem:$0x1E2C0] =	vst v63  }
.LBB2_8:
0xaa: {  	_ =	swait.ge [sflag:s17], $0x4000  }
0xab: {  	[sflag:s17] =	ssyncset.done $0x0  }
0xac: {  	[sflag:s17] =	ssyncadd.s32 $0xFFFFC000  }
0xad: {  	[spmem:s3] =	stream.indirect.scatter.add.f32 [tilespmem:s12], [sflag:$0x3], $0x80, s18, s13, $0xb8;
	[tilespmem:$0x1E2C0] =	vst v63  }
0xae: {  	_ =	swait.ge [sflag:s11], $0x4000  }
0xaf: {  	[sflag:s11] =	ssyncset.done $0x0  }
0xb0: {  	[sflag:s11] =	ssyncadd.s32 $0xFFFFC000  }
0xb1: {  	[bflag:$0x0] =	sbarrier.arrive $0xFFFF  }
0xb2: {  	[tilespmem:s12], [sflag:$0x3] =	stream.linear.gather [spmem:s9], $0x2800, $0x38;
	[tilespmem:$0x1E2C0] =	vst v63  }
0xb3: {  	_ =	swait.ge [sflag:s11], $0x2800  }
.Ltmp5:
0xb4: {  	s22 =	sshrl.u32 s10, $0x3;
	[sflag:s11] =	ssyncset.done $0x0;
	(pc) =	sbr.rel @!p0 .LBB2_10-.Ltmp5, $4  }
0xb5: {  	s22 =	sadd.s32 s5, s22;
	[sflag:s11] =	ssyncadd.s32 $0xFFFFD800  }
0xb6: {  	[hbm4b:s22+s4] =	stream.linear.scatter [tilespmem:s12], [sflag:$0x3], $0x2800, $0x38;
	[tilespmem:$0x1E2C0] =	vst v63  }
0xb7: {  	s23 =	smov.u32 s10;
	_ =	swait.ge [sflag:s11], $0x2800  }
0xb8: {  	s24 =	smov.u32 s9;
	s22 =	sadd.s32 $0xFFFFFFFF, s6;
	[sflag:s11] =	ssyncset.done $0x0  }
.LBB2_9:
0xb9: {  	[sflag:s11] =	ssyncadd.s32 $0xFFFFD800;
	s23 =	sadd.s32 $0x2800, s23;
	s24 =	sadd.s32 $0x2800, s24  }
0xba: {  	[tilespmem:s12], [sflag:$0x3] =	stream.linear.gather [spmem:s24], $0x2800, $0x38;
	[tilespmem:$0x1E2C0] =	vst v63  }
0xbb: {  	p0 =	sne.s32 s22, $0x1;
	s22 =	sadd.s32 $0xFFFFFFFF, s22;
	_ =	swait.ge [sflag:s11], $0x2800  }
.Ltmp6:
0xbc: {  	s25 =	sshrl.u32 s23, $0x3;
	[sflag:s11] =	ssyncset.done $0x0;
	(pc) =	sbr.rel @p0 .LBB2_9-.Ltmp6, $4  }
0xbd: {  	s25 =	sadd.s32 s5, s25;
	[sflag:s11] =	ssyncadd.s32 $0xFFFFD800  }
0xbe: {  	[hbm4b:s25+s4] =	stream.linear.scatter [tilespmem:s12], [sflag:$0x3], $0x2800, $0x38;
	[tilespmem:$0x1E2C0] =	vst v63  }
0xbf: {  	_ =	swait.ge [sflag:s11], $0x2800  }
0xc0: {  	[sflag:s11] =	ssyncset.done $0x0  }
.LBB2_10:
0xc1: {  	s21 =	sadd.s32 $0x1, s21  }
0xc2: {  	p0 =	sne.s32 s21, s8  }
.Ltmp7:
0xc3: {  	_ = 	snop;
	(pc) =	sbr.rel @p0 .LBB2_1-.Ltmp7, $2  }
0xc4: {  	_ =	sdelay $0x2  }
0xc5: {  	[sflag:s11] =	ssyncadd.s32 $0xFFFFD800  }
0xc6: {  	_ =	sfence.sel $0x180000  }
0xc7: {  	[bflag:$0x0] =	sbarrier.arrive $0xFFFF  }
0xc8: {  	p0 =	sne.s32 s0, $0x0;
	_ =	strace $0x9000004A  }
0xc9: {  	s0 =	sadd.s32 @!p0 $0x100000, s2;
	[bflag:$0x2] =	sbarrier.arrive $0xFFFF  }
0xca: {  	[sflag:s0] =	ssyncadd.tile.s32 @!p0 $0x1;
	_ =	shalt  }
.Lfunc_end2:
_tile_overlayer_lowered:
.L_overlay_start_2:
0xcb: {  	(tag) =	ssettag $0x2  }
0xcc: {  	s0 =	rddreg [dreg:$0x0];
	s2 =	stileid.u32  }
0xcd: {  	s1 =	rddreg [dreg:$0x1];
	p0 =	sne.s32 s2, $0x0  }
0xce: {  	s3 =	rddreg [dreg:$0x2];
	[bflag:$0x3] =	sbarrier.arrive $0xFFFF;
	s2 =	simm.s32 @!p0 $0x1C03  }
0xcf: {  	[timem:s3], [sflag:s2] =	dma.local @!p0 [hbm:s0], s1  }
0xd0: {  	s0 =	simm.s32 @!p0 $0x3  }
0xd1: {  	_ =	swait.ge @!p0 [sflag:s0], s1  }
0xd2: {  	s1 =	ssub.s32 @!p0 $0x0, s1;
	[sflag:s0] =	ssyncset.done @!p0 $0x0  }
0xd3: {  	[sflag:s0] =	ssyncadd.s32 @!p0 s1  }
0xd4: {  	[bflag:$0x3] =	sbarrier.arrive $0xFFFF  }
0xd5: {  	_ =	shalt  }

// kernel: kernel.16.cloned.1.call-start
scs
__scs_entry_jumppad:
0x0: {  	(pc) =	sbr.rel $0x88, $3  }
0x1: {  	(tag) =	ssettag $0x0;
	lr =	simm.s32 $0x1  }
0x2: {  	[smem:$0x3F99] =	sst lr;
	_ =	strace $0xD0000000  }
0x3: {  	_ = 	snop  }
0x4: {  	_ = 	snop  }
0x5: {  	_ = 	snop  }
0x6: {  	_ = 	snop  }
0x7: {  	_ = 	snop  }
__scs_overlays_trampoline_lowered:
0x8: {  	[smem:$0x3FA8] =	sst s0  }
0x9: {  	[smem:$0x3FA9] =	sst s1  }
0xa: {  	[smem:$0x3FAA] =	sst s2  }
0xb: {  	[smem:$0x3FAB] =	sst s3  }
0xc: {  	[smem:$0x3FAC] =	sst s4  }
0xd: {  	[smem:$0x3FAD] =	sst s5  }
0xe: {  	[smem:$0x3FAE] =	sst s6  }
0xf: {  	[smem:$0x3FAF] =	sst s7  }
0x10: {  	[smem:$0x3FB0] =	sst s8  }
0x11: {  	[smem:$0x3FB1] =	sst s9;
	s0 =	simm.s32 @!p0 $0x0  }
0x12: {  	s1 =	sld [smem:$0x3F97];
	s0 =	simm.s32 @p0 $0x1  }
0x13: {  	[smem:$0x3FB2] =	sst s0;
	s0 =	simm.s32 @!p1 $0x0  }
0x14: {  	s2 =	sld [smem:$0x3F96];
	s0 =	simm.s32 @p1 $0x1  }
0x15: {  	[smem:$0x3FB3] =	sst s0;
	s0 =	simm.s32 @!p2 $0x0  }
0x16: {  	s3 =	sld [smem:$0x3FDB];
	s0 =	simm.s32 @p2 $0x1  }
0x17: {  	s4 =	simm.s32 $0x1BF5;
	[smem:$0x3FB5] =	sst s0  }
0x18: {  	s0 =	sld [smem:$0x3F98];
	_ =	swait.ge [sflag:s4], $0x0  }
0x19: {  	s7 =	sld [smem:$0x3F99]  }
0x1a: {  	s8 =	sadd.s32 $0xFFFFE003, lr  }
0x1b: {  	s9 =	sadd.s32 $0xFFFFFEF7, lr;
	s5 =	simm.s32 $0xFFFFFFFF;
	p2 =	slt.u32 s8, $0xFFFFF086  }
0x1c: {  	p1 =	slt.u32 s9, $0xF7A;
	s5 =	simm.s32 @!p2 $0x0  }
0x1d: {  	s5 =	simm.s32 @p1 $0x1;
	p0 =	seq.s32 s7, s2  }
0x1e: {  	s7 =	smul.u32 @!p0 $0xF7A, s2;
	p2 =	seq.s32 @!p0 s5, $0x0  }
0x1f: {  	s9 =	smul.u32 $0xF7A, s1;
	s8 =	simm.s32 @!p0 $0x1BF5;
	p2 =	por !p2, p0  }
0x20: {  	[sflag:s8] =	ssyncset.s32 @!p0 $0xFFFFF086;
	s6 =	sadd.s32 @!p0 s3, s7;
	s7 =	simm.s32 @!p0 $0x108  }
0x21: {  	s3 =	sadd.s32 s3, s9;
	s6 =	sadd.s32 @!p0 $0x88, s6;
	s7 =	simm.s32 @p2 $0x1082  }
0x22: {  	[simem:s7], [sflag:s8] =	dma.local @!p0 [hbm:s6], $0xF7A  }
0x23: {  	s9 =	sor.u32 $0xD0000000, s2;
	s6 =	simm.s32 $0x108;
	_ =	swait.ge @!p0 [sflag:s8], $0x0  }
0x24: {  	s3 =	sadd.s32 $0x88, s3;
	s6 =	simm.s32 @!p1 $0x1082;
	[sflag:s4] =	ssyncset.s32 $0xFFFFF086  }
0x25: {  	[simem:s6], [sflag:s4] =	dma.local [hbm:s3], $0xF7A  }
0x26: {  	[smem:$0x3F99] =	sst s1;
	(tag) =	ssettag s2;
	_ =	strace s9  }
0x27: {  	s1 =	sld [smem:$0x3FA9]  }
0x28: {  	s2 =	sld [smem:$0x3FAA]  }
0x29: {  	s4 =	sld [smem:$0x3FAC]  }
0x2a: {  	p0 =	seq.s32 s5, $0x0;
	s5 =	sld [smem:$0x3FAD]  }
0x2b: {  	s6 =	sld [smem:$0x3FAE]  }
0x2c: {  	s7 =	sld [smem:$0x3FAF]  }
0x2d: {  	s3 =	simm.s32 $0x108;
	s8 =	sld [smem:$0x3FB0]  }
0x2e: {  	s3 =	simm.s32 @!p0 $0x1082;
	s9 =	sld [smem:$0x3FB1]  }
0x2f: {  	lr =	sadd.s32 s0, s3;
	s0 =	sld [smem:$0x3FA8]  }
0x30: {  	s3 =	sld [smem:$0x3FAB]  }
0x31: {  	[smem:$0x3FB4] =	sst s10  }
0x32: {  	s10 =	sld [smem:$0x3FB2];
	_ =	sdelay $0x3  }
0x33: {  	p0 =	seq.s32 s10, $0x1;
	s10 =	sld [smem:$0x3FB4];
	_ =	sdelay $0x3  }
0x34: {  	[smem:$0x3FB4] =	sst s10  }
0x35: {  	s10 =	sld [smem:$0x3FB3];
	_ =	sdelay $0x3  }
0x36: {  	p1 =	seq.s32 s10, $0x1;
	s10 =	sld [smem:$0x3FB4];
	_ =	sdelay $0x3  }
0x37: {  	[smem:$0x3FB4] =	sst s10  }
0x38: {  	s10 =	sld [smem:$0x3FB5]  }
0x39: {  	_ = 	snop;
	(pc) =	sbr.ind lr, $3  }
0x3a: {  	_ = 	snop  }
0x3b: {  	_ = 	snop  }
0x3c: {  	p2 =	seq.s32 s10, $0x1;
	s10 =	sld [smem:$0x3FB4]  }
0x3d: {  	_ =	shalt  }
0x3e: {  	_ =	shalt  }
0x3f: {  	_ =	shalt  }
0x40: {  	_ =	shalt  }
0x41: {  	_ =	shalt  }
0x42: {  	_ =	shalt  }
0x43: {  	_ =	shalt  }
0x44: {  	_ =	shalt  }
0x45: {  	_ =	shalt  }
0x46: {  	_ =	shalt  }
0x47: {  	_ =	shalt  }
0x48: {  	_ =	shalt  }
0x49: {  	_ =	shalt  }
0x4a: {  	_ =	shalt  }
0x4b: {  	_ =	shalt  }
0x4c: {  	_ =	shalt  }
0x4d: {  	_ =	shalt  }
0x4e: {  	_ =	shalt  }
0x4f: {  	_ =	shalt  }
0x50: {  	_ =	shalt  }
0x51: {  	_ =	shalt  }
0x52: {  	_ =	shalt  }
0x53: {  	_ =	shalt  }
0x54: {  	_ =	shalt  }
0x55: {  	_ =	shalt  }
0x56: {  	_ =	shalt  }
0x57: {  	_ =	shalt  }
0x58: {  	_ =	shalt  }
0x59: {  	_ =	shalt  }
0x5a: {  	_ =	shalt  }
0x5b: {  	_ =	shalt  }
0x5c: {  	_ =	shalt  }
0x5d: {  	_ =	shalt  }
0x5e: {  	_ =	shalt  }
0x5f: {  	_ =	shalt  }
0x60: {  	_ =	shalt  }
0x61: {  	_ =	shalt  }
0x62: {  	_ =	shalt  }
0x63: {  	_ =	shalt  }
0x64: {  	_ =	shalt  }
0x65: {  	_ =	shalt  }
0x66: {  	_ =	shalt  }
0x67: {  	_ =	shalt  }
0x68: {  	_ =	shalt  }
0x69: {  	_ =	shalt  }
0x6a: {  	_ =	shalt  }
0x6b: {  	_ =	shalt  }
0x6c: {  	_ =	shalt  }
0x6d: {  	_ =	shalt  }
0x6e: {  	_ =	shalt  }
0x6f: {  	_ =	shalt  }
0x70: {  	_ =	shalt  }
0x71: {  	_ =	shalt  }
0x72: {  	_ =	shalt  }
0x73: {  	_ =	shalt  }
0x74: {  	_ =	shalt  }
0x75: {  	_ =	shalt  }
0x76: {  	_ =	shalt  }
0x77: {  	_ =	shalt  }
0x78: {  	_ =	shalt  }
0x79: {  	_ =	shalt  }
0x7a: {  	_ =	shalt  }
0x7b: {  	_ =	shalt  }
0x7c: {  	_ =	shalt  }
0x7d: {  	_ =	shalt  }
0x7e: {  	_ =	shalt  }
0x7f: {  	_ =	shalt  }
0x80: {  	_ =	shalt  }
0x81: {  	_ =	shalt  }
0x82: {  	_ =	shalt  }
0x83: {  	_ =	shalt  }
0x84: {  	_ =	shalt  }
0x85: {  	_ =	shalt  }
0x86: {  	_ =	shalt  }
0x87: {  	_ =	shalt  }
.Lfunc_end0:
.L_simem_size_0:
called_computation.2_lowered:
.L_overlay_start_0:
0x88: {  	s2 =	sld [smem:$0x3FD9]  }
0x89: {  	s3 =	sld [smem:$0x3FFE];
	_ =	sdelay $0x1  }
0x8a: {  	s1 =	srdreg.scid  }
0x8b: {  	s0 =	sand.u32 $0x1, s1  }
0x8c: {  	s17 =	sshll.u32 s0, $0xA;
	s2 =	sadd.s32 s3, s2  }
0x8d: {  	s2 =	sadd.s32 s2, s17  }
0x8e: {  	[smem:$0x3FC0] =	sst s2  }
0x8f: {  	_ = 	snop  }
0x90: {  	s2 =	sld [smem:$0x3FD0];
	(tm) =	ssettm $0x1  }
0x91: {  	s18 =	sld [smem:$0x3FFB];
	_ =	sdelay $0x3  }
0x92: {  	_ =	strace s18  }
0x93: {  	s3 =	sld [smem:$0x3FFC];
	_ =	sdelay $0x3  }
0x94: {  	_ =	strace s3  }
0x95: {  	s3 =	sld [smem:$0x3FFD];
	_ =	sdelay $0x3  }
0x96: {  	_ =	strace s3  }
0x97: {  	_ =	strace $0x8FFFFFFF  }
0x98: {  	s19 =	sld [smem:$0x3FDB];
	_ =	sdelay $0x1  }
0x99: {  	s4 =	simm.s32 $_scs_section_size  }
0x9a: {  	s5 =	simm.s32 $_size__tile_overlayer_lowered;
	s6 =	simm.s32 $_tile_overlayer_lowered  }
0x9b: {  	s22 =	simm.s32 $0x1BFF;
	s21 =	sshll.u32 s6, $0x1;
	s3 =	sadd.s32 s4, s19  }
0x9c: {  	s7 =	simm.s32 $0x0;
	s20 =	sshll.u32 s5, $0x1;
	s5 =	sadd.s32 s21, s3  }
0x9d: {  	[timem:s7], [sflag:s22] =	dma.local [hbm:s5], s20  }
0x9e: {  	_ =	swait.ge [sflag:s22], s20  }
0x9f: {  	s4 =	ssub.s32 $0x0, s20;
	[sflag:s22] =	ssyncset.done $0x0  }
0xa0: {  	[sflag:s22] =	ssyncadd.s32 s4;
	_ =	sdelay $0x1  }
0xa1: {  	s23 =	simm.s32 $0x1B8B  }
0xa2: {  	_ =	swait.ge [sflag:s23], $0x1  }
0xa3: {  	[sflag:s23] =	ssyncset.done $0x0  }
0xa4: {  	s25 =	simm.s32 $0x1B8E;
	s24 =	sld [smem:$0x3FFE];
	[sflag:s23] =	ssyncadd.s32 $0xFFFFFFFF  }
0xa5: {  	s26 =	simm.s32 $execute0_lowered;
	[smem:$0x3FD2] =	sst s25  }
0xa6: {  	s5 =	sshll.u32 s26, $0x1;
	_ =	strace $0x8000004C;
	[dreg:$0x1] =	wrdreg $0xFFFFFFFF  }
0xa7: {  	s28 =	simm.s32 $_size_execute0_lowered;
	s3 =	sadd.s32 s3, s5;
	[dreg:$0x0] =	wrdreg $0x0  }
0xa8: {  	s5 =	sshll.u32 s28, $0x1;
	[dreg:$0x2] =	wrdreg s3  }
0xa9: {  	[dreg:$0x3] =	wrdreg s5  }
0xaa: {  	[dreg:$0x4] =	wrdreg $0xC0  }
0xab: {  	_ =	task [dreg:s7], $0x5FFFF  }
0xac: {  	[dreg:$0x1] =	wrdreg $0xFFFFFFFF  }
0xad: {  	[dreg:$0x0] =	wrdreg $0x60  }
0xae: {  	[dreg:$0x2] =	wrdreg s2  }
0xaf: {  	[dreg:$0x3] =	wrdreg s24  }
0xb0: {  	[dreg:$0x4] =	wrdreg $0xAA000  }
0xb1: {  	[dreg:$0x5] =	wrdreg $0x9  }
0xb2: {  	_ =	task.clear_ibuf [dreg:s7], $0x6FFFF;
	_ =	strace $0x9000004C  }
0xb3: {  	s29 =	simm.s32 $0x9;
	_ =	strace $0x8000004E  }
0xb4: {  	_ =	swait.ge [sflag:s29], $0x1  }
0xb5: {  	[sflag:s29] =	ssyncadd.s32 $0xFFFFFFFF  }
0xb6: {  	_ =	strace $0x9000004E  }
0xb7: {  	_ =	sfence  }
0xb8: {  	s30 =	sld [smem:$0x0];
	_ =	sdelay $0x2  }
0xb9: {  	s31 =	sshll.u32 s1, $0xD;
	s1 =	sshrl.u32 s1, $0x2  }
0xba: {  	s3 =	sand.u32 $0x4000, s31;
	s1 =	sadd.s32 s1, s30  }
0xbb: {  	s0 =	sor.u32 s3, s0;
	s1 =	sshll.u32 s1, $0x11  }
0xbc: {  	s0 =	sor.u32 s1, s0  }
0xbd: {  	s0 =	sadd.s32 $0x8F2B, s0  }
0xbe: {  	[sflag:s0] =	ssyncadd.remote.s32 $0x1  }
0xbf: {  	_ =	sfence.sel $0xFFFF  }
0xc0: {  	[dreg:$0x0] =	wrdreg $0xFFFFFFFF;
	(pc) =	sbr.abs _section_cstart, $3  }
0xc1: {  	[dreg:$0x1] =	wrdreg $0xFFFFFFFF  }
0xc2: {  	_ =	task.clear_ibuf [dreg:s7], $0x2FFFF;
	_ =	strace $0x9FFFFFFF  }
0xc3: {  	(tm) =	ssettm $0x7FFFFFFF  }
tec
execute0_lowered:
.L_overlay_start_1:
0x0: {  	(tag) =	ssettag $0x1  }
0x1: {  	s1 =	rddreg [dreg:$0x0]  }
0x2: {  	s5 =	rddreg [dreg:$0x1]  }
0x3: {  	s0 =	srdreg.scid;
	s3 =	rddreg [dreg:$0x2]  }
0x4: {  	s4 =	simm.s32 $0x0;
	s13 =	simm.s32 $0x80;
	s14 =	simm.s32 $0x2800  }
0x5: {  	s15 =	simm.s32 $0x2880;
	s16 =	simm.s32 $0x6A00;
	s17 =	simm.s32 $0x1  }
0x6: {  	s18 =	simm.s32 $0x2900;
	s19 =	simm.s32 $0x2;
	s20 =	simm.s32 $0x2980  }
0x7: {  	s21 =	simm.s32 $0x0;
	s7 =	sand.u32 $0x1, s0;
	s0 =	stileid.u32  }
0x8: {  	[smem:$0x7FF] =	sst s4;
	s2 =	sshll.u32 s7, $0x4;
	s10 =	smul.u32 $0x50000, s0  }
0x9: {  	s8 =	ssub.s32 $0x2, s7;
	p0 =	seq.s32 s0, $0xF;
	s11 =	smul.u32 $0x138800, s7  }
0xa: {  	s12 =	smul.u32 $0x14000, s0;
	s6 =	sor.u32 s0, s2;
	s31 =	sshrl.u32 s8, $0x1  }
0xb: {  	s2 =	rddreg [dreg:$0x3];
	s6 =	smul.u32 $0x500, s6;
	s8 =	ssub.s32 s8, s31  }
0xc: {  	_ =	strace $0x8000004D;
	s10 =	sshrl.u32 s10, $0x2;
	s8 =	smax.u32 s8, $0x1  }
0xd: {  	s9 =	sadd.s32 s6, s5;
	s5 =	sadd.s32 $0xD200, s5;
	s6 =	simm.s32 $0x5  }
0xe: {  	s6 =	simm.s32 @!p0 $0x8;
	s7 =	sadd.s32 $0x3200, s9;
	s9 =	sadd.s32 s10, s3  }
0xf: {  	v0 =	vimm.f32 $0.0e+00;
	s10 =	sadd.s32 s12, s11;
	s11 =	simm.s32 $0x3;
	s12 =	simm.s32 $0x2A00  }
.LBB2_1:
0x10: {  	[tilespmem:s4], [sflag:$0x3] =	stream.linear.gather [hbm4b:s7+s4], $0x2780, $0x38;
	[tilespmem:$0x1E2C0] =	vst v63  }
0x11: {  	_ =	swait.ge [sflag:s11], $0x2780  }
0x12: {  	[sflag:s11] =	ssyncset.done $0x0  }
0x13: {  	s22 =	simm.s32 $0x0;
	s23 =	simm.s32 $0x200;
	[sflag:s11] =	ssyncadd.s32 $0xFFFFD880  }
.LBB2_2:
0x14: {  	p0 =	sne.s32 s23, $0x9E00;
	[tilespmem:s22+$0x2A70] =	vst v0  }
0x15: {  	[tilespmem:s22+$0x2A00] =	vst v0  }
0x16: {  	[tilespmem:s22+$0x2A10] =	vst v0  }
.Ltmp0:
0x17: {  	[tilespmem:s22+$0x2A20] =	vst v0;
	(pc) =	sbr.rel @p0 .LBB2_2-.Ltmp0, $4  }
0x18: {  	[tilespmem:s22+$0x2A30] =	vst v0  }
0x19: {  	[tilespmem:s22+$0x2A40] =	vst v0  }
0x1a: {  	[tilespmem:s22+$0x2A50] =	vst v0  }
0x1b: {  	[tilespmem:s22+$0x2A60] =	vst v0;
	s22 =	sshra.s32 s23, $0x2;
	s23 =	sadd.s32 $0x200, s23  }
0x1c: {  	[tilespmem:s22+$0x2A70] =	vst v0  }
0x1d: {  	[tilespmem:s22+$0x2A00] =	vst v0  }
0x1e: {  	[tilespmem:s22+$0x2A10] =	vst v0  }
0x1f: {  	[tilespmem:s22+$0x2A20] =	vst v0  }
0x20: {  	[tilespmem:s22+$0x2A30] =	vst v0  }
0x21: {  	[tilespmem:s22+$0x2A40] =	vst v0;
	p0 =	sne.s32 s6, $0x1  }
.Ltmp1:
0x22: {  	[tilespmem:s22+$0x2A50] =	vst v0;
	(pc) =	sbr.rel @!p0 .LBB2_5-.Ltmp1, $4  }
0x23: {  	[tilespmem:s22+$0x2A60] =	vst v0  }
0x24: {  	[spmem:s9] =	stream.linear.scatter [tilespmem:s12], [sflag:$0x3], $0x2800, $0x38;
	[tilespmem:$0x1E2C0] =	vst v63  }
0x25: {  	_ =	swait.ge [sflag:s11], $0x2800  }
0x26: {  	s22 =	sadd.s32 $0xFFFFFFFF, s6;
	s23 =	smov.u32 s9;
	[sflag:s11] =	ssyncset.done $0x0  }
.LBB2_4:
0x27: {  	p1 =	sne.s32 s22, $0x1;
	[sflag:s11] =	ssyncadd.s32 $0xFFFFD800;
	s23 =	sadd.s32 $0x2800, s23  }
.Ltmp2:
0x28: {  	s22 =	sadd.s32 $0xFFFFFFFF, s22;
	(pc) =	sbr.rel @p1 .LBB2_4-.Ltmp2, $4  }
0x29: {  	_ = 	snop  }
0x2a: {  	[spmem:s23] =	stream.linear.scatter [tilespmem:s12], [sflag:$0x3], $0x2800, $0x38;
	[tilespmem:$0x1E2C0] =	vst v63  }
0x2b: {  	_ =	swait.ge [sflag:s11], $0x2800  }
0x2c: {  	[sflag:s11] =	ssyncset.done $0x0  }
.LBB2_5:
0x2d: {  	[sflag:s11] =	ssyncadd.s32 $0xFFFFD800  }
0x2e: {  	[bflag:$0x0] =	sbarrier.arrive $0xFFFF  }
0x2f: {  	v1 =	vld [tilespmem:$0x0];
	_ =	sdelay $0x1  }
0x30: {  	v2 =	vld [tilespmem:$0x10];
	_ =	sdelay $0x1  }
0x31: {  	v3 =	vld [tilespmem:$0x20]  }
0x32: {  	v4 =	vand.u32 $0x3FFF, v1  }
0x33: {  	v59 =	vld [tilespmem:$0x30];
	v1 =	vshra.s32 v1, $0xE;
	[tilespmem:$0x2800] =	vst v4  }
0x34: {  	[tilespmem:$0x2900] =	vst v1;
	v1 =	vand.u32 $0x3FFF, v2  }
0x35: {  	[tilespmem:$0x2810] =	vst v1;
	v1 =	vshra.s32 v2, $0xE;
	v2 =	vld [tilespmem:$0x40]  }
0x36: {  	[tilespmem:$0x2910] =	vst v1;
	v1 =	vand.u32 $0x3FFF, v3  }
0x37: {  	[tilespmem:$0x2820] =	vst v1;
	v1 =	vshra.s32 v3, $0xE;
	v3 =	vld [tilespmem:$0x50]  }
0x38: {  	[tilespmem:$0x2920] =	vst v1;
	v1 =	vand.u32 $0x3FFF, v59  }
0x39: {  	v60 =	vld [tilespmem:$0x60];
	[tilespmem:$0x2830] =	vst v1;
	v1 =	vshra.s32 v59, $0xE  }
0x3a: {  	[tilespmem:$0x2930] =	vst v1;
	v1 =	vand.u32 $0x3FFF, v2  }
0x3b: {  	[tilespmem:$0x2840] =	vst v1;
	v1 =	vshra.s32 v2, $0xE;
	v2 =	vld [tilespmem:$0x70]  }
0x3c: {  	[tilespmem:$0x2940] =	vst v1;
	v1 =	vand.u32 $0x3FFF, v3  }
0x3d: {  	[tilespmem:$0x2850] =	vst v1;
	v1 =	vshra.s32 v3, $0xE  }
0x3e: {  	[tilespmem:$0x2950] =	vst v1;
	v1 =	vand.u32 $0x3FFF, v60  }
0x3f: {  	[tilespmem:$0x2860] =	vst v1;
	v1 =	vshra.s32 v60, $0xE  }
0x40: {  	[tilespmem:$0x2960] =	vst v1;
	v1 =	vand.u32 $0x3FFF, v2  }
0x41: {  	[tilespmem:$0x2870] =	vst v1;
	v1 =	vshra.s32 v2, $0xE  }
0x42: {  	[tilespmem:$0x2970] =	vst v1  }
0x43: {  	[tilespmem:s12], [sflag:$0x1] =	stream.indirect.gather [hbm4b:s1+s13], $0x80, s14, s13, $0xb8;
	[tilespmem:$0x1E2C0] =	vst v63  }
0x44: {  	v1 =	vld [tilespmem:$0x80];
	_ =	sdelay $0x1  }
0x45: {  	v2 =	vld [tilespmem:$0x90];
	_ =	sdelay $0x1  }
0x46: {  	v3 =	vld [tilespmem:$0xA0]  }
0x47: {  	v61 =	vand.u32 $0x3FFF, v1  }
0x48: {  	v62 =	vld [tilespmem:$0xB0];
	v1 =	vshra.s32 v1, $0xE;
	[tilespmem:$0x2880] =	vst v61  }
0x49: {  	[tilespmem:$0x2980] =	vst v1;
	v1 =	vand.u32 $0x3FFF, v2  }
0x4a: {  	[tilespmem:$0x2890] =	vst v1;
	v1 =	vshra.s32 v2, $0xE;
	v2 =	vld [tilespmem:$0xC0]  }
0x4b: {  	[tilespmem:$0x2990] =	vst v1;
	v1 =	vand.u32 $0x3FFF, v3  }
0x4c: {  	[tilespmem:$0x28A0] =	vst v1;
	v1 =	vshra.s32 v3, $0xE;
	v3 =	vld [tilespmem:$0xD0]  }
0x4d: {  	[tilespmem:$0x29A0] =	vst v1;
	v1 =	vand.u32 $0x3FFF, v62  }
0x4e: {  	v63 =	vld [tilespmem:$0xE0];
	[tilespmem:$0x28B0] =	vst v1;
	v1 =	vshra.s32 v62, $0xE  }
0x4f: {  	[tilespmem:$0x29B0] =	vst v1;
	v1 =	vand.u32 $0x3FFF, v2  }
0x50: {  	[tilespmem:$0x28C0] =	vst v1;
	v1 =	vshra.s32 v2, $0xE;
	v2 =	vld [tilespmem:$0xF0]  }
0x51: {  	[tilespmem:$0x29C0] =	vst v1;
	v1 =	vand.u32 $0x3FFF, v3  }
0x52: {  	[tilespmem:$0x28D0] =	vst v1;
	v1 =	vshra.s32 v3, $0xE  }
0x53: {  	[tilespmem:$0x29D0] =	vst v1;
	v1 =	vand.u32 $0x3FFF, v63  }
0x54: {  	[tilespmem:$0x28E0] =	vst v1;
	v1 =	vshra.s32 v63, $0xE  }
0x55: {  	[tilespmem:$0x29E0] =	vst v1;
	v1 =	vand.u32 $0x3FFF, v2  }
0x56: {  	[tilespmem:$0x28F0] =	vst v1;
	v1 =	vshra.s32 v2, $0xE  }
0x57: {  	s22 =	simm.s32 $0x7C0;
	[tilespmem:$0x29F0] =	vst v1  }
0x58: {  	[tilespmem:s16], [sflag:$0x2] =	stream.indirect.gather [hbm4b:s1+s13], $0x80, s15, s13, $0xb8;
	[tilespmem:$0x1E2C0] =	vst v63  }
.LBB2_6:
0x59: {  	_ =	swait.ge [sflag:s17], $0x4000  }
0x5a: {  	[sflag:s17] =	ssyncset.done $0x0  }
0x5b: {  	[sflag:s17] =	ssyncadd.s32 $0xFFFFC000  }
0x5c: {  	[spmem:s3] =	stream.indirect.scatter.add.f32 [tilespmem:s12], [sflag:$0x3], $0x80, s18, s13, $0xb8;
	[tilespmem:$0x1E2C0] =	vst v63  }
0x5d: {  	_ =	swait.ge [sflag:s11], $0x4000  }
0x5e: {  	[sflag:s11] =	ssyncset.done $0x0  }
0x5f: {  	s23 =	sshra.s32 s22, $0x2;
	[sflag:s11] =	ssyncadd.s32 $0xFFFFC000  }
0x60: {  	v1 =	vld [tilespmem:s23+$0xFFFFFF10];
	_ =	sdelay $0x4  }
0x61: {  	v2 =	vand.u32 $0x3FFF, v1  }
0x62: {  	v1 =	vshra.s32 v1, $0xE;
	[tilespmem:$0x2800] =	vst v2  }
0x63: {  	[tilespmem:$0x2900] =	vst v1  }
0x64: {  	v1 =	vld [tilespmem:s23+$0xFFFFFF20];
	_ =	sdelay $0x4  }
0x65: {  	v2 =	vand.u32 $0x3FFF, v1  }
0x66: {  	v1 =	vshra.s32 v1, $0xE;
	[tilespmem:$0x2810] =	vst v2  }
0x67: {  	[tilespmem:$0x2910] =	vst v1  }
0x68: {  	v1 =	vld [tilespmem:s23+$0xFFFFFF30];
	_ =	sdelay $0x4  }
0x69: {  	v2 =	vand.u32 $0x3FFF, v1  }
0x6a: {  	v1 =	vshra.s32 v1, $0xE;
	[tilespmem:$0x2820] =	vst v2  }
0x6b: {  	[tilespmem:$0x2920] =	vst v1  }
0x6c: {  	v1 =	vld [tilespmem:s23+$0xFFFFFF40];
	_ =	sdelay $0x4  }
0x6d: {  	v2 =	vand.u32 $0x3FFF, v1  }
0x6e: {  	v1 =	vshra.s32 v1, $0xE;
	[tilespmem:$0x2830] =	vst v2  }
0x6f: {  	[tilespmem:$0x2930] =	vst v1  }
0x70: {  	v1 =	vld [tilespmem:s23+$0xFFFFFF50];
	_ =	sdelay $0x4  }
0x71: {  	v2 =	vand.u32 $0x3FFF, v1  }
0x72: {  	v1 =	vshra.s32 v1, $0xE;
	[tilespmem:$0x2840] =	vst v2  }
0x73: {  	[tilespmem:$0x2940] =	vst v1  }
0x74: {  	v1 =	vld [tilespmem:s23+$0xFFFFFF60];
	_ =	sdelay $0x4  }
0x75: {  	v2 =	vand.u32 $0x3FFF, v1  }
0x76: {  	v1 =	vshra.s32 v1, $0xE;
	[tilespmem:$0x2850] =	vst v2  }
0x77: {  	[tilespmem:$0x2950] =	vst v1  }
0x78: {  	v1 =	vld [tilespmem:s23+$0xFFFFFF70];
	_ =	sdelay $0x4  }
0x79: {  	v2 =	vand.u32 $0x3FFF, v1  }
0x7a: {  	v1 =	vshra.s32 v1, $0xE;
	[tilespmem:$0x2860] =	vst v2  }
0x7b: {  	[tilespmem:$0x2960] =	vst v1  }
0x7c: {  	v1 =	vld [tilespmem:s23+$0xFFFFFF80];
	_ =	sdelay $0x4  }
0x7d: {  	v2 =	vand.u32 $0x3FFF, v1  }
0x7e: {  	v1 =	vshra.s32 v1, $0xE;
	[tilespmem:$0x2870] =	vst v2  }
0x7f: {  	[tilespmem:$0x2970] =	vst v1  }
0x80: {  	[tilespmem:s12], [sflag:$0x1] =	stream.indirect.gather [hbm4b:s1+s13], $0x80, s14, s13, $0xb8;
	[tilespmem:$0x1E2C0] =	vst v63  }
0x81: {  	_ =	swait.ge [sflag:s19], $0x4000  }
0x82: {  	p1 =	seq.s32 s22, $0x9FC0;
	[sflag:s19] =	ssyncset.done $0x0  }
.Ltmp3:
0x83: {  	[sflag:s19] =	ssyncadd.s32 $0xFFFFC000;
	(pc) =	sbr.rel @p1 .LBB2_8-.Ltmp3, $4  }
0x84: {  	[spmem:s3] =	stream.indirect.scatter.add.f32 [tilespmem:s16], [sflag:$0x3], $0x80, s20, s13, $0xb8;
	[tilespmem:$0x1E2C0] =	vst v63  }
0x85: {  	_ =	swait.ge [sflag:s11], $0x4000  }
0x86: {  	[sflag:s11] =	ssyncset.done $0x0  }
0x87: {  	[sflag:s11] =	ssyncadd.s32 $0xFFFFC000  }
0x88: {  	v1 =	vld [tilespmem:s23+$0xFFFFFF90];
	_ =	sdelay $0x4  }
0x89: {  	v2 =	vand.u32 $0x3FFF, v1  }
0x8a: {  	v1 =	vshra.s32 v1, $0xE;
	[tilespmem:$0x2880] =	vst v2  }
0x8b: {  	[tilespmem:$0x2980] =	vst v1  }
0x8c: {  	v1 =	vld [tilespmem:s23+$0xFFFFFFA0];
	_ =	sdelay $0x4  }
0x8d: {  	v2 =	vand.u32 $0x3FFF, v1  }
0x8e: {  	v1 =	vshra.s32 v1, $0xE;
	[tilespmem:$0x2890] =	vst v2  }
0x8f: {  	[tilespmem:$0x2990] =	vst v1  }
0x90: {  	v1 =	vld [tilespmem:s23+$0xFFFFFFB0];
	_ =	sdelay $0x4  }
0x91: {  	v2 =	vand.u32 $0x3FFF, v1  }
0x92: {  	v1 =	vshra.s32 v1, $0xE;
	[tilespmem:$0x28A0] =	vst v2  }
0x93: {  	[tilespmem:$0x29A0] =	vst v1  }
0x94: {  	v1 =	vld [tilespmem:s23+$0xFFFFFFC0];
	_ =	sdelay $0x4  }
0x95: {  	v2 =	vand.u32 $0x3FFF, v1  }
0x96: {  	v1 =	vshra.s32 v1, $0xE;
	[tilespmem:$0x28B0] =	vst v2  }
0x97: {  	[tilespmem:$0x29B0] =	vst v1  }
0x98: {  	v1 =	vld [tilespmem:s23+$0xFFFFFFD0];
	_ =	sdelay $0x4  }
0x99: {  	v2 =	vand.u32 $0x3FFF, v1  }
0x9a: {  	v1 =	vshra.s32 v1, $0xE;
	[tilespmem:$0x28C0] =	vst v2  }
0x9b: {  	[tilespmem:$0x29C0] =	vst v1  }
0x9c: {  	v1 =	vld [tilespmem:s23+$0xFFFFFFE0];
	_ =	sdelay $0x4  }
0x9d: {  	v2 =	vand.u32 $0x3FFF, v1  }
0x9e: {  	v1 =	vshra.s32 v1, $0xE;
	[tilespmem:$0x28D0] =	vst v2  }
0x9f: {  	[tilespmem:$0x29D0] =	vst v1  }
0xa0: {  	v1 =	vld [tilespmem:s23+$0xFFFFFFF0];
	_ =	sdelay $0x4  }
0xa1: {  	v2 =	vand.u32 $0x3FFF, v1  }
0xa2: {  	v1 =	vshra.s32 v1, $0xE;
	[tilespmem:$0x28E0] =	vst v2  }
0xa3: {  	[tilespmem:$0x29E0] =	vst v1  }
0xa4: {  	v1 =	vld [tilespmem:s23+$0x0];
	_ =	sdelay $0x3  }
.Ltmp4:
0xa5: {  	_ = 	snop;
	(pc) =	sbr.rel .LBB2_6-.Ltmp4, $4  }
0xa6: {  	v2 =	vand.u32 $0x3FFF, v1  }
0xa7: {  	v1 =	vshra.s32 v1, $0xE;
	[tilespmem:$0x28F0] =	vst v2  }
0xa8: {  	s22 =	sadd.s32 $0x400, s22;
	[tilespmem:$0x29F0] =	vst v1  }
0xa9: {  	[tilespmem:s16], [sflag:$0x2] =	stream.indirect.gather [hbm4b:s1+s13], $0x80, s15, s13, $0xb8;
	[tilespmem:$0x1E2C0] =	vst v63  }
.LBB2_8:
0xaa: {  	_ =	swait.ge [sflag:s17], $0x4000  }
0xab: {  	[sflag:s17] =	ssyncset.done $0x0  }
0xac: {  	[sflag:s17] =	ssyncadd.s32 $0xFFFFC000  }
0xad: {  	[spmem:s3] =	stream.indirect.scatter.add.f32 [tilespmem:s12], [sflag:$0x3], $0x80, s18, s13, $0xb8;
	[tilespmem:$0x1E2C0] =	vst v63  }
0xae: {  	_ =	swait.ge [sflag:s11], $0x4000  }
0xaf: {  	[sflag:s11] =	ssyncset.done $0x0  }
0xb0: {  	[sflag:s11] =	ssyncadd.s32 $0xFFFFC000  }
0xb1: {  	[bflag:$0x0] =	sbarrier.arrive $0xFFFF  }
0xb2: {  	[tilespmem:s12], [sflag:$0x3] =	stream.linear.gather [spmem:s9], $0x2800, $0x38;
	[tilespmem:$0x1E2C0] =	vst v63  }
0xb3: {  	_ =	swait.ge [sflag:s11], $0x2800  }
.Ltmp5:
0xb4: {  	s22 =	sshrl.u32 s10, $0x3;
	[sflag:s11] =	ssyncset.done $0x0;
	(pc) =	sbr.rel @!p0 .LBB2_10-.Ltmp5, $4  }
0xb5: {  	s22 =	sadd.s32 s5, s22;
	[sflag:s11] =	ssyncadd.s32 $0xFFFFD800  }
0xb6: {  	[hbm4b:s22+s4] =	stream.linear.scatter [tilespmem:s12], [sflag:$0x3], $0x2800, $0x38;
	[tilespmem:$0x1E2C0] =	vst v63  }
0xb7: {  	s23 =	smov.u32 s10;
	_ =	swait.ge [sflag:s11], $0x2800  }
0xb8: {  	s24 =	smov.u32 s9;
	s22 =	sadd.s32 $0xFFFFFFFF, s6;
	[sflag:s11] =	ssyncset.done $0x0  }
.LBB2_9:
0xb9: {  	[sflag:s11] =	ssyncadd.s32 $0xFFFFD800;
	s23 =	sadd.s32 $0x2800, s23;
	s24 =	sadd.s32 $0x2800, s24  }
0xba: {  	[tilespmem:s12], [sflag:$0x3] =	stream.linear.gather [spmem:s24], $0x2800, $0x38;
	[tilespmem:$0x1E2C0] =	vst v63  }
0xbb: {  	p0 =	sne.s32 s22, $0x1;
	s22 =	sadd.s32 $0xFFFFFFFF, s22;
	_ =	swait.ge [sflag:s11], $0x2800  }
.Ltmp6:
0xbc: {  	s25 =	sshrl.u32 s23, $0x3;
	[sflag:s11] =	ssyncset.done $0x0;
	(pc) =	sbr.rel @p0 .LBB2_9-.Ltmp6, $4  }
0xbd: {  	s25 =	sadd.s32 s5, s25;
	[sflag:s11] =	ssyncadd.s32 $0xFFFFD800  }
0xbe: {  	[hbm4b:s25+s4] =	stream.linear.scatter [tilespmem:s12], [sflag:$0x3], $0x2800, $0x38;
	[tilespmem:$0x1E2C0] =	vst v63  }
0xbf: {  	_ =	swait.ge [sflag:s11], $0x2800  }
0xc0: {  	[sflag:s11] =	ssyncset.done $0x0  }
.LBB2_10:
0xc1: {  	s21 =	sadd.s32 $0x1, s21  }
0xc2: {  	p0 =	sne.s32 s21, s8  }
.Ltmp7:
0xc3: {  	_ = 	snop;
	(pc) =	sbr.rel @p0 .LBB2_1-.Ltmp7, $2  }
0xc4: {  	_ =	sdelay $0x2  }
0xc5: {  	[sflag:s11] =	ssyncadd.s32 $0xFFFFD800  }
0xc6: {  	_ =	sfence.sel $0x180000  }
0xc7: {  	[bflag:$0x0] =	sbarrier.arrive $0xFFFF  }
0xc8: {  	p0 =	sne.s32 s0, $0x0;
	_ =	strace $0x9000004D  }
0xc9: {  	s0 =	sadd.s32 @!p0 $0x100000, s2;
	[bflag:$0x2] =	sbarrier.arrive $0xFFFF  }
0xca: {  	[sflag:s0] =	ssyncadd.tile.s32 @!p0 $0x1;
	_ =	shalt  }
.Lfunc_end2:
_tile_overlayer_lowered:
.L_overlay_start_2:
0xcb: {  	(tag) =	ssettag $0x2  }
0xcc: {  	s0 =	rddreg [dreg:$0x0];
	s2 =	stileid.u32  }
0xcd: {  	s1 =	rddreg [dreg:$0x1];
	p0 =	sne.s32 s2, $0x0  }
0xce: {  	s3 =	rddreg [dreg:$0x2];
	[bflag:$0x3] =	sbarrier.arrive $0xFFFF;
	s2 =	simm.s32 @!p0 $0x1C03  }
0xcf: {  	[timem:s3], [sflag:s2] =	dma.local @!p0 [hbm:s0], s1  }
0xd0: {  	s0 =	simm.s32 @!p0 $0x3  }
0xd1: {  	_ =	swait.ge @!p0 [sflag:s0], s1  }
0xd2: {  	s1 =	ssub.s32 @!p0 $0x0, s1;
	[sflag:s0] =	ssyncset.done @!p0 $0x0  }
0xd3: {  	[sflag:s0] =	ssyncadd.s32 @!p0 s1  }
0xd4: {  	[bflag:$0x3] =	sbarrier.arrive $0xFFFF  }
0xd5: {  	_ =	shalt  }

// kernel: kernel.19.cloned.1.call-start
scs
__scs_entry_jumppad:
0x0: {  	(pc) =	sbr.rel $0x88, $3  }
0x1: {  	(tag) =	ssettag $0x0;
	lr =	simm.s32 $0x1  }
0x2: {  	[smem:$0x3F99] =	sst lr;
	_ =	strace $0xD0000000  }
0x3: {  	_ = 	snop  }
0x4: {  	_ = 	snop  }
0x5: {  	_ = 	snop  }
0x6: {  	_ = 	snop  }
0x7: {  	_ = 	snop  }
__scs_overlays_trampoline_lowered:
0x8: {  	[smem:$0x3FA8] =	sst s0  }
0x9: {  	[smem:$0x3FA9] =	sst s1  }
0xa: {  	[smem:$0x3FAA] =	sst s2  }
0xb: {  	[smem:$0x3FAB] =	sst s3  }
0xc: {  	[smem:$0x3FAC] =	sst s4  }
0xd: {  	[smem:$0x3FAD] =	sst s5  }
0xe: {  	[smem:$0x3FAE] =	sst s6  }
0xf: {  	[smem:$0x3FAF] =	sst s7  }
0x10: {  	[smem:$0x3FB0] =	sst s8  }
0x11: {  	[smem:$0x3FB1] =	sst s9;
	s0 =	simm.s32 @!p0 $0x0  }
0x12: {  	s1 =	sld [smem:$0x3F97];
	s0 =	simm.s32 @p0 $0x1  }
0x13: {  	[smem:$0x3FB2] =	sst s0;
	s0 =	simm.s32 @!p1 $0x0  }
0x14: {  	s2 =	sld [smem:$0x3F96];
	s0 =	simm.s32 @p1 $0x1  }
0x15: {  	[smem:$0x3FB3] =	sst s0;
	s0 =	simm.s32 @!p2 $0x0  }
0x16: {  	s3 =	sld [smem:$0x3FDB];
	s0 =	simm.s32 @p2 $0x1  }
0x17: {  	s4 =	simm.s32 $0x1BF5;
	[smem:$0x3FB5] =	sst s0  }
0x18: {  	s0 =	sld [smem:$0x3F98];
	_ =	swait.ge [sflag:s4], $0x0  }
0x19: {  	s7 =	sld [smem:$0x3F99]  }
0x1a: {  	s8 =	sadd.s32 $0xFFFFE003, lr  }
0x1b: {  	s9 =	sadd.s32 $0xFFFFFEF7, lr;
	s5 =	simm.s32 $0xFFFFFFFF;
	p2 =	slt.u32 s8, $0xFFFFF086  }
0x1c: {  	p1 =	slt.u32 s9, $0xF7A;
	s5 =	simm.s32 @!p2 $0x0  }
0x1d: {  	s5 =	simm.s32 @p1 $0x1;
	p0 =	seq.s32 s7, s2  }
0x1e: {  	s7 =	smul.u32 @!p0 $0xF7A, s2;
	p2 =	seq.s32 @!p0 s5, $0x0  }
0x1f: {  	s9 =	smul.u32 $0xF7A, s1;
	s8 =	simm.s32 @!p0 $0x1BF5;
	p2 =	por !p2, p0  }
0x20: {  	[sflag:s8] =	ssyncset.s32 @!p0 $0xFFFFF086;
	s6 =	sadd.s32 @!p0 s3, s7;
	s7 =	simm.s32 @!p0 $0x108  }
0x21: {  	s3 =	sadd.s32 s3, s9;
	s6 =	sadd.s32 @!p0 $0x88, s6;
	s7 =	simm.s32 @p2 $0x1082  }
0x22: {  	[simem:s7], [sflag:s8] =	dma.local @!p0 [hbm:s6], $0xF7A  }
0x23: {  	s9 =	sor.u32 $0xD0000000, s2;
	s6 =	simm.s32 $0x108;
	_ =	swait.ge @!p0 [sflag:s8], $0x0  }
0x24: {  	s3 =	sadd.s32 $0x88, s3;
	s6 =	simm.s32 @!p1 $0x1082;
	[sflag:s4] =	ssyncset.s32 $0xFFFFF086  }
0x25: {  	[simem:s6], [sflag:s4] =	dma.local [hbm:s3], $0xF7A  }
0x26: {  	[smem:$0x3F99] =	sst s1;
	(tag) =	ssettag s2;
	_ =	strace s9  }
0x27: {  	s1 =	sld [smem:$0x3FA9]  }
0x28: {  	s2 =	sld [smem:$0x3FAA]  }
0x29: {  	s4 =	sld [smem:$0x3FAC]  }
0x2a: {  	p0 =	seq.s32 s5, $0x0;
	s5 =	sld [smem:$0x3FAD]  }
0x2b: {  	s6 =	sld [smem:$0x3FAE]  }
0x2c: {  	s7 =	sld [smem:$0x3FAF]  }
0x2d: {  	s3 =	simm.s32 $0x108;
	s8 =	sld [smem:$0x3FB0]  }
0x2e: {  	s3 =	simm.s32 @!p0 $0x1082;
	s9 =	sld [smem:$0x3FB1]  }
0x2f: {  	lr =	sadd.s32 s0, s3;
	s0 =	sld [smem:$0x3FA8]  }
0x30: {  	s3 =	sld [smem:$0x3FAB]  }
0x31: {  	[smem:$0x3FB4] =	sst s10  }
0x32: {  	s10 =	sld [smem:$0x3FB2];
	_ =	sdelay $0x3  }
0x33: {  	p0 =	seq.s32 s10, $0x1;
	s10 =	sld [smem:$0x3FB4];
	_ =	sdelay $0x3  }
0x34: {  	[smem:$0x3FB4] =	sst s10  }
0x35: {  	s10 =	sld [smem:$0x3FB3];
	_ =	sdelay $0x3  }
0x36: {  	p1 =	seq.s32 s10, $0x1;
	s10 =	sld [smem:$0x3FB4];
	_ =	sdelay $0x3  }
0x37: {  	[smem:$0x3FB4] =	sst s10  }
0x38: {  	s10 =	sld [smem:$0x3FB5]  }
0x39: {  	_ = 	snop;
	(pc) =	sbr.ind lr, $3  }
0x3a: {  	_ = 	snop  }
0x3b: {  	_ = 	snop  }
0x3c: {  	p2 =	seq.s32 s10, $0x1;
	s10 =	sld [smem:$0x3FB4]  }
0x3d: {  	_ =	shalt  }
0x3e: {  	_ =	shalt  }
0x3f: {  	_ =	shalt  }
0x40: {  	_ =	shalt  }
0x41: {  	_ =	shalt  }
0x42: {  	_ =	shalt  }
0x43: {  	_ =	shalt  }
0x44: {  	_ =	shalt  }
0x45: {  	_ =	shalt  }
0x46: {  	_ =	shalt  }
0x47: {  	_ =	shalt  }
0x48: {  	_ =	shalt  }
0x49: {  	_ =	shalt  }
0x4a: {  	_ =	shalt  }
0x4b: {  	_ =	shalt  }
0x4c: {  	_ =	shalt  }
0x4d: {  	_ =	shalt  }
0x4e: {  	_ =	shalt  }
0x4f: {  	_ =	shalt  }
0x50: {  	_ =	shalt  }
0x51: {  	_ =	shalt  }
0x52: {  	_ =	shalt  }
0x53: {  	_ =	shalt  }
0x54: {  	_ =	shalt  }
0x55: {  	_ =	shalt  }
0x56: {  	_ =	shalt  }
0x57: {  	_ =	shalt  }
0x58: {  	_ =	shalt  }
0x59: {  	_ =	shalt  }
0x5a: {  	_ =	shalt  }
0x5b: {  	_ =	shalt  }
0x5c: {  	_ =	shalt  }
0x5d: {  	_ =	shalt  }
0x5e: {  	_ =	shalt  }
0x5f: {  	_ =	shalt  }
0x60: {  	_ =	shalt  }
0x61: {  	_ =	shalt  }
0x62: {  	_ =	shalt  }
0x63: {  	_ =	shalt  }
0x64: {  	_ =	shalt  }
0x65: {  	_ =	shalt  }
0x66: {  	_ =	shalt  }
0x67: {  	_ =	shalt  }
0x68: {  	_ =	shalt  }
0x69: {  	_ =	shalt  }
0x6a: {  	_ =	shalt  }
0x6b: {  	_ =	shalt  }
0x6c: {  	_ =	shalt  }
0x6d: {  	_ =	shalt  }
0x6e: {  	_ =	shalt  }
0x6f: {  	_ =	shalt  }
0x70: {  	_ =	shalt  }
0x71: {  	_ =	shalt  }
0x72: {  	_ =	shalt  }
0x73: {  	_ =	shalt  }
0x74: {  	_ =	shalt  }
0x75: {  	_ =	shalt  }
0x76: {  	_ =	shalt  }
0x77: {  	_ =	shalt  }
0x78: {  	_ =	shalt  }
0x79: {  	_ =	shalt  }
0x7a: {  	_ =	shalt  }
0x7b: {  	_ =	shalt  }
0x7c: {  	_ =	shalt  }
0x7d: {  	_ =	shalt  }
0x7e: {  	_ =	shalt  }
0x7f: {  	_ =	shalt  }
0x80: {  	_ =	shalt  }
0x81: {  	_ =	shalt  }
0x82: {  	_ =	shalt  }
0x83: {  	_ =	shalt  }
0x84: {  	_ =	shalt  }
0x85: {  	_ =	shalt  }
0x86: {  	_ =	shalt  }
0x87: {  	_ =	shalt  }
.Lfunc_end0:
.L_simem_size_0:
called_computation.3_lowered:
.L_overlay_start_0:
0x88: {  	s2 =	sld [smem:$0x3FD9]  }
0x89: {  	s3 =	sld [smem:$0x3FFE];
	_ =	sdelay $0x1  }
0x8a: {  	s1 =	srdreg.scid  }
0x8b: {  	s0 =	sand.u32 $0x1, s1  }
0x8c: {  	s17 =	sshll.u32 s0, $0xA;
	s2 =	sadd.s32 s3, s2  }
0x8d: {  	s2 =	sadd.s32 s2, s17  }
0x8e: {  	[smem:$0x3FC0] =	sst s2  }
0x8f: {  	_ = 	snop  }
0x90: {  	s2 =	sld [smem:$0x3FD0];
	(tm) =	ssettm $0x1  }
0x91: {  	s18 =	sld [smem:$0x3FFB];
	_ =	sdelay $0x3  }
0x92: {  	_ =	strace s18  }
0x93: {  	s3 =	sld [smem:$0x3FFC];
	_ =	sdelay $0x3  }
0x94: {  	_ =	strace s3  }
0x95: {  	s3 =	sld [smem:$0x3FFD];
	_ =	sdelay $0x3  }
0x96: {  	_ =	strace s3  }
0x97: {  	_ =	strace $0x8FFFFFFF  }
0x98: {  	s19 =	sld [smem:$0x3FDB];
	_ =	sdelay $0x1  }
0x99: {  	s4 =	simm.s32 $_scs_section_size  }
0x9a: {  	s5 =	simm.s32 $_size__tile_overlayer_lowered;
	s6 =	simm.s32 $_tile_overlayer_lowered  }
0x9b: {  	s22 =	simm.s32 $0x1BFF;
	s21 =	sshll.u32 s6, $0x1;
	s3 =	sadd.s32 s4, s19  }
0x9c: {  	s7 =	simm.s32 $0x0;
	s20 =	sshll.u32 s5, $0x1;
	s5 =	sadd.s32 s21, s3  }
0x9d: {  	[timem:s7], [sflag:s22] =	dma.local [hbm:s5], s20  }
0x9e: {  	_ =	swait.ge [sflag:s22], s20  }
0x9f: {  	s4 =	ssub.s32 $0x0, s20;
	[sflag:s22] =	ssyncset.done $0x0  }
0xa0: {  	[sflag:s22] =	ssyncadd.s32 s4;
	_ =	sdelay $0x1  }
0xa1: {  	s23 =	simm.s32 $0x1B8B  }
0xa2: {  	_ =	swait.ge [sflag:s23], $0x1  }
0xa3: {  	[sflag:s23] =	ssyncset.done $0x0  }
0xa4: {  	s25 =	simm.s32 $0x1B8E;
	s24 =	sld [smem:$0x3FFE];
	[sflag:s23] =	ssyncadd.s32 $0xFFFFFFFF  }
0xa5: {  	s26 =	simm.s32 $execute0_lowered;
	[smem:$0x3FD2] =	sst s25  }
0xa6: {  	s5 =	sshll.u32 s26, $0x1;
	_ =	strace $0x8000004F;
	[dreg:$0x1] =	wrdreg $0xFFFFFFFF  }
0xa7: {  	s28 =	simm.s32 $_size_execute0_lowered;
	s3 =	sadd.s32 s3, s5;
	[dreg:$0x0] =	wrdreg $0x0  }
0xa8: {  	s5 =	sshll.u32 s28, $0x1;
	[dreg:$0x2] =	wrdreg s3  }
0xa9: {  	[dreg:$0x3] =	wrdreg s5  }
0xaa: {  	[dreg:$0x4] =	wrdreg $0xC0  }
0xab: {  	_ =	task [dreg:s7], $0x5FFFF  }
0xac: {  	[dreg:$0x1] =	wrdreg $0xFFFFFFFF  }
0xad: {  	[dreg:$0x0] =	wrdreg $0x60  }
0xae: {  	[dreg:$0x2] =	wrdreg s2  }
0xaf: {  	[dreg:$0x3] =	wrdreg s24  }
0xb0: {  	[dreg:$0x4] =	wrdreg $0xAA000  }
0xb1: {  	[dreg:$0x5] =	wrdreg $0x9  }
0xb2: {  	_ =	task.clear_ibuf [dreg:s7], $0x6FFFF;
	_ =	strace $0x9000004F  }
0xb3: {  	s29 =	simm.s32 $0x9;
	_ =	strace $0x80000051  }
0xb4: {  	_ =	swait.ge [sflag:s29], $0x1  }
0xb5: {  	[sflag:s29] =	ssyncadd.s32 $0xFFFFFFFF  }
0xb6: {  	_ =	strace $0x90000051  }
0xb7: {  	_ =	sfence  }
0xb8: {  	s30 =	sld [smem:$0x0];
	_ =	sdelay $0x2  }
0xb9: {  	s31 =	sshll.u32 s1, $0xD;
	s1 =	sshrl.u32 s1, $0x2  }
0xba: {  	s3 =	sand.u32 $0x4000, s31;
	s1 =	sadd.s32 s1, s30  }
0xbb: {  	s0 =	sor.u32 s3, s0;
	s1 =	sshll.u32 s1, $0x11  }
0xbc: {  	s0 =	sor.u32 s1, s0  }
0xbd: {  	s0 =	sadd.s32 $0x8F2B, s0  }
0xbe: {  	[sflag:s0] =	ssyncadd.remote.s32 $0x1  }
0xbf: {  	_ =	sfence.sel $0xFFFF  }
0xc0: {  	[dreg:$0x0] =	wrdreg $0xFFFFFFFF;
	(pc) =	sbr.abs _section_cstart, $3  }
0xc1: {  	[dreg:$0x1] =	wrdreg $0xFFFFFFFF  }
0xc2: {  	_ =	task.clear_ibuf [dreg:s7], $0x2FFFF;
	_ =	strace $0x9FFFFFFF  }
0xc3: {  	(tm) =	ssettm $0x7FFFFFFF  }
tec
execute0_lowered:
.L_overlay_start_1:
0x0: {  	(tag) =	ssettag $0x1  }
0x1: {  	s1 =	rddreg [dreg:$0x0]  }
0x2: {  	s5 =	rddreg [dreg:$0x1]  }
0x3: {  	s0 =	srdreg.scid;
	s3 =	rddreg [dreg:$0x2]  }
0x4: {  	s4 =	simm.s32 $0x0;
	s13 =	simm.s32 $0x80;
	s14 =	simm.s32 $0x2800  }
0x5: {  	s15 =	simm.s32 $0x2880;
	s16 =	simm.s32 $0x6A00;
	s17 =	simm.s32 $0x1  }
0x6: {  	s18 =	simm.s32 $0x2900;
	s19 =	simm.s32 $0x2;
	s20 =	simm.s32 $0x2980  }
0x7: {  	s21 =	simm.s32 $0x0;
	s7 =	sand.u32 $0x1, s0;
	s0 =	stileid.u32  }
0x8: {  	[smem:$0x7FF] =	sst s4;
	s2 =	sshll.u32 s7, $0x4;
	s10 =	smul.u32 $0x50000, s0  }
0x9: {  	s8 =	ssub.s32 $0x2, s7;
	p0 =	seq.s32 s0, $0xF;
	s11 =	smul.u32 $0x138800, s7  }
0xa: {  	s12 =	smul.u32 $0x14000, s0;
	s6 =	sor.u32 s0, s2;
	s31 =	sshrl.u32 s8, $0x1  }
0xb: {  	s2 =	rddreg [dreg:$0x3];
	s6 =	smul.u32 $0x500, s6;
	s8 =	ssub.s32 s8, s31  }
0xc: {  	_ =	strace $0x80000050;
	s10 =	sshrl.u32 s10, $0x2;
	s8 =	smax.u32 s8, $0x1  }
0xd: {  	s9 =	sadd.s32 s6, s5;
	s5 =	sadd.s32 $0xD200, s5;
	s6 =	simm.s32 $0x5  }
0xe: {  	s6 =	simm.s32 @!p0 $0x8;
	s7 =	sadd.s32 $0x3200, s9;
	s9 =	sadd.s32 s10, s3  }
0xf: {  	v0 =	vimm.f32 $0.0e+00;
	s10 =	sadd.s32 s12, s11;
	s11 =	simm.s32 $0x3;
	s12 =	simm.s32 $0x2A00  }
.LBB2_1:
0x10: {  	[tilespmem:s4], [sflag:$0x3] =	stream.linear.gather [hbm4b:s7+s4], $0x2780, $0x38;
	[tilespmem:$0x1E2C0] =	vst v63  }
0x11: {  	_ =	swait.ge [sflag:s11], $0x2780  }
0x12: {  	[sflag:s11] =	ssyncset.done $0x0  }
0x13: {  	s22 =	simm.s32 $0x0;
	s23 =	simm.s32 $0x200;
	[sflag:s11] =	ssyncadd.s32 $0xFFFFD880  }
.LBB2_2:
0x14: {  	p0 =	sne.s32 s23, $0x9E00;
	[tilespmem:s22+$0x2A70] =	vst v0  }
0x15: {  	[tilespmem:s22+$0x2A00] =	vst v0  }
0x16: {  	[tilespmem:s22+$0x2A10] =	vst v0  }
.Ltmp0:
0x17: {  	[tilespmem:s22+$0x2A20] =	vst v0;
	(pc) =	sbr.rel @p0 .LBB2_2-.Ltmp0, $4  }
0x18: {  	[tilespmem:s22+$0x2A30] =	vst v0  }
0x19: {  	[tilespmem:s22+$0x2A40] =	vst v0  }
0x1a: {  	[tilespmem:s22+$0x2A50] =	vst v0  }
0x1b: {  	[tilespmem:s22+$0x2A60] =	vst v0;
	s22 =	sshra.s32 s23, $0x2;
	s23 =	sadd.s32 $0x200, s23  }
0x1c: {  	[tilespmem:s22+$0x2A70] =	vst v0  }
0x1d: {  	[tilespmem:s22+$0x2A00] =	vst v0  }
0x1e: {  	[tilespmem:s22+$0x2A10] =	vst v0  }
0x1f: {  	[tilespmem:s22+$0x2A20] =	vst v0  }
0x20: {  	[tilespmem:s22+$0x2A30] =	vst v0  }
0x21: {  	[tilespmem:s22+$0x2A40] =	vst v0;
	p0 =	sne.s32 s6, $0x1  }
.Ltmp1:
0x22: {  	[tilespmem:s22+$0x2A50] =	vst v0;
	(pc) =	sbr.rel @!p0 .LBB2_5-.Ltmp1, $4  }
0x23: {  	[tilespmem:s22+$0x2A60] =	vst v0  }
0x24: {  	[spmem:s9] =	stream.linear.scatter [tilespmem:s12], [sflag:$0x3], $0x2800, $0x38;
	[tilespmem:$0x1E2C0] =	vst v63  }
0x25: {  	_ =	swait.ge [sflag:s11], $0x2800  }
0x26: {  	s22 =	sadd.s32 $0xFFFFFFFF, s6;
	s23 =	smov.u32 s9;
	[sflag:s11] =	ssyncset.done $0x0  }
.LBB2_4:
0x27: {  	p1 =	sne.s32 s22, $0x1;
	[sflag:s11] =	ssyncadd.s32 $0xFFFFD800;
	s23 =	sadd.s32 $0x2800, s23  }
.Ltmp2:
0x28: {  	s22 =	sadd.s32 $0xFFFFFFFF, s22;
	(pc) =	sbr.rel @p1 .LBB2_4-.Ltmp2, $4  }
0x29: {  	_ = 	snop  }
0x2a: {  	[spmem:s23] =	stream.linear.scatter [tilespmem:s12], [sflag:$0x3], $0x2800, $0x38;
	[tilespmem:$0x1E2C0] =	vst v63  }
0x2b: {  	_ =	swait.ge [sflag:s11], $0x2800  }
0x2c: {  	[sflag:s11] =	ssyncset.done $0x0  }
.LBB2_5:
0x2d: {  	[sflag:s11] =	ssyncadd.s32 $0xFFFFD800  }
0x2e: {  	[bflag:$0x0] =	sbarrier.arrive $0xFFFF  }
0x2f: {  	v1 =	vld [tilespmem:$0x0];
	_ =	sdelay $0x1  }
0x30: {  	v2 =	vld [tilespmem:$0x10];
	_ =	sdelay $0x1  }
0x31: {  	v3 =	vld [tilespmem:$0x20]  }
0x32: {  	v4 =	vand.u32 $0x3FFF, v1  }
0x33: {  	v59 =	vld [tilespmem:$0x30];
	v1 =	vshra.s32 v1, $0xE;
	[tilespmem:$0x2800] =	vst v4  }
0x34: {  	[tilespmem:$0x2900] =	vst v1;
	v1 =	vand.u32 $0x3FFF, v2  }
0x35: {  	[tilespmem:$0x2810] =	vst v1;
	v1 =	vshra.s32 v2, $0xE;
	v2 =	vld [tilespmem:$0x40]  }
0x36: {  	[tilespmem:$0x2910] =	vst v1;
	v1 =	vand.u32 $0x3FFF, v3  }
0x37: {  	[tilespmem:$0x2820] =	vst v1;
	v1 =	vshra.s32 v3, $0xE;
	v3 =	vld [tilespmem:$0x50]  }
0x38: {  	[tilespmem:$0x2920] =	vst v1;
	v1 =	vand.u32 $0x3FFF, v59  }
0x39: {  	v60 =	vld [tilespmem:$0x60];
	[tilespmem:$0x2830] =	vst v1;
	v1 =	vshra.s32 v59, $0xE  }
0x3a: {  	[tilespmem:$0x2930] =	vst v1;
	v1 =	vand.u32 $0x3FFF, v2  }
0x3b: {  	[tilespmem:$0x2840] =	vst v1;
	v1 =	vshra.s32 v2, $0xE;
	v2 =	vld [tilespmem:$0x70]  }
0x3c: {  	[tilespmem:$0x2940] =	vst v1;
	v1 =	vand.u32 $0x3FFF, v3  }
0x3d: {  	[tilespmem:$0x2850] =	vst v1;
	v1 =	vshra.s32 v3, $0xE  }
0x3e: {  	[tilespmem:$0x2950] =	vst v1;
	v1 =	vand.u32 $0x3FFF, v60  }
0x3f: {  	[tilespmem:$0x2860] =	vst v1;
	v1 =	vshra.s32 v60, $0xE  }
0x40: {  	[tilespmem:$0x2960] =	vst v1;
	v1 =	vand.u32 $0x3FFF, v2  }
0x41: {  	[tilespmem:$0x2870] =	vst v1;
	v1 =	vshra.s32 v2, $0xE  }
0x42: {  	[tilespmem:$0x2970] =	vst v1  }
0x43: {  	[tilespmem:s12], [sflag:$0x1] =	stream.indirect.gather [hbm4b:s1+s13], $0x80, s14, s13, $0xb8;
	[tilespmem:$0x1E2C0] =	vst v63  }
0x44: {  	v1 =	vld [tilespmem:$0x80];
	_ =	sdelay $0x1  }
0x45: {  	v2 =	vld [tilespmem:$0x90];
	_ =	sdelay $0x1  }
0x46: {  	v3 =	vld [tilespmem:$0xA0]  }
0x47: {  	v61 =	vand.u32 $0x3FFF, v1  }
0x48: {  	v62 =	vld [tilespmem:$0xB0];
	v1 =	vshra.s32 v1, $0xE;
	[tilespmem:$0x2880] =	vst v61  }
0x49: {  	[tilespmem:$0x2980] =	vst v1;
	v1 =	vand.u32 $0x3FFF, v2  }
0x4a: {  	[tilespmem:$0x2890] =	vst v1;
	v1 =	vshra.s32 v2, $0xE;
	v2 =	vld [tilespmem:$0xC0]  }
0x4b: {  	[tilespmem:$0x2990] =	vst v1;
	v1 =	vand.u32 $0x3FFF, v3  }
0x4c: {  	[tilespmem:$0x28A0] =	vst v1;
	v1 =	vshra.s32 v3, $0xE;
	v3 =	vld [tilespmem:$0xD0]  }
0x4d: {  	[tilespmem:$0x29A0] =	vst v1;
	v1 =	vand.u32 $0x3FFF, v62  }
0x4e: {  	v63 =	vld [tilespmem:$0xE0];
	[tilespmem:$0x28B0] =	vst v1;
	v1 =	vshra.s32 v62, $0xE  }
0x4f: {  	[tilespmem:$0x29B0] =	vst v1;
	v1 =	vand.u32 $0x3FFF, v2  }
0x50: {  	[tilespmem:$0x28C0] =	vst v1;
	v1 =	vshra.s32 v2, $0xE;
	v2 =	vld [tilespmem:$0xF0]  }
0x51: {  	[tilespmem:$0x29C0] =	vst v1;
	v1 =	vand.u32 $0x3FFF, v3  }
0x52: {  	[tilespmem:$0x28D0] =	vst v1;
	v1 =	vshra.s32 v3, $0xE  }
0x53: {  	[tilespmem:$0x29D0] =	vst v1;
	v1 =	vand.u32 $0x3FFF, v63  }
0x54: {  	[tilespmem:$0x28E0] =	vst v1;
	v1 =	vshra.s32 v63, $0xE  }
0x55: {  	[tilespmem:$0x29E0] =	vst v1;
	v1 =	vand.u32 $0x3FFF, v2  }
0x56: {  	[tilespmem:$0x28F0] =	vst v1;
	v1 =	vshra.s32 v2, $0xE  }
0x57: {  	s22 =	simm.s32 $0x7C0;
	[tilespmem:$0x29F0] =	vst v1  }
0x58: {  	[tilespmem:s16], [sflag:$0x2] =	stream.indirect.gather [hbm4b:s1+s13], $0x80, s15, s13, $0xb8;
	[tilespmem:$0x1E2C0] =	vst v63  }
.LBB2_6:
0x59: {  	_ =	swait.ge [sflag:s17], $0x4000  }
0x5a: {  	[sflag:s17] =	ssyncset.done $0x0  }
0x5b: {  	[sflag:s17] =	ssyncadd.s32 $0xFFFFC000  }
0x5c: {  	[spmem:s3] =	stream.indirect.scatter.add.f32 [tilespmem:s12], [sflag:$0x3], $0x80, s18, s13, $0xb8;
	[tilespmem:$0x1E2C0] =	vst v63  }
0x5d: {  	_ =	swait.ge [sflag:s11], $0x4000  }
0x5e: {  	[sflag:s11] =	ssyncset.done $0x0  }
0x5f: {  	s23 =	sshra.s32 s22, $0x2;
	[sflag:s11] =	ssyncadd.s32 $0xFFFFC000  }
0x60: {  	v1 =	vld [tilespmem:s23+$0xFFFFFF10];
	_ =	sdelay $0x4  }
0x61: {  	v2 =	vand.u32 $0x3FFF, v1  }
0x62: {  	v1 =	vshra.s32 v1, $0xE;
	[tilespmem:$0x2800] =	vst v2  }
0x63: {  	[tilespmem:$0x2900] =	vst v1  }
0x64: {  	v1 =	vld [tilespmem:s23+$0xFFFFFF20];
	_ =	sdelay $0x4  }
0x65: {  	v2 =	vand.u32 $0x3FFF, v1  }
0x66: {  	v1 =	vshra.s32 v1, $0xE;
	[tilespmem:$0x2810] =	vst v2  }
0x67: {  	[tilespmem:$0x2910] =	vst v1  }
0x68: {  	v1 =	vld [tilespmem:s23+$0xFFFFFF30];
	_ =	sdelay $0x4  }
0x69: {  	v2 =	vand.u32 $0x3FFF, v1  }
0x6a: {  	v1 =	vshra.s32 v1, $0xE;
	[tilespmem:$0x2820] =	vst v2  }
0x6b: {  	[tilespmem:$0x2920] =	vst v1  }
0x6c: {  	v1 =	vld [tilespmem:s23+$0xFFFFFF40];
	_ =	sdelay $0x4  }
0x6d: {  	v2 =	vand.u32 $0x3FFF, v1  }
0x6e: {  	v1 =	vshra.s32 v1, $0xE;
	[tilespmem:$0x2830] =	vst v2  }
0x6f: {  	[tilespmem:$0x2930] =	vst v1  }
0x70: {  	v1 =	vld [tilespmem:s23+$0xFFFFFF50];
	_ =	sdelay $0x4  }
0x71: {  	v2 =	vand.u32 $0x3FFF, v1  }
0x72: {  	v1 =	vshra.s32 v1, $0xE;
	[tilespmem:$0x2840] =	vst v2  }
0x73: {  	[tilespmem:$0x2940] =	vst v1  }
0x74: {  	v1 =	vld [tilespmem:s23+$0xFFFFFF60];
	_ =	sdelay $0x4  }
0x75: {  	v2 =	vand.u32 $0x3FFF, v1  }
0x76: {  	v1 =	vshra.s32 v1, $0xE;
	[tilespmem:$0x2850] =	vst v2  }
0x77: {  	[tilespmem:$0x2950] =	vst v1  }
0x78: {  	v1 =	vld [tilespmem:s23+$0xFFFFFF70];
	_ =	sdelay $0x4  }
0x79: {  	v2 =	vand.u32 $0x3FFF, v1  }
0x7a: {  	v1 =	vshra.s32 v1, $0xE;
	[tilespmem:$0x2860] =	vst v2  }
0x7b: {  	[tilespmem:$0x2960] =	vst v1  }
0x7c: {  	v1 =	vld [tilespmem:s23+$0xFFFFFF80];
	_ =	sdelay $0x4  }
0x7d: {  	v2 =	vand.u32 $0x3FFF, v1  }
0x7e: {  	v1 =	vshra.s32 v1, $0xE;
	[tilespmem:$0x2870] =	vst v2  }
0x7f: {  	[tilespmem:$0x2970] =	vst v1  }
0x80: {  	[tilespmem:s12], [sflag:$0x1] =	stream.indirect.gather [hbm4b:s1+s13], $0x80, s14, s13, $0xb8;
	[tilespmem:$0x1E2C0] =	vst v63  }
0x81: {  	_ =	swait.ge [sflag:s19], $0x4000  }
0x82: {  	p1 =	seq.s32 s22, $0x9FC0;
	[sflag:s19] =	ssyncset.done $0x0  }
.Ltmp3:
0x83: {  	[sflag:s19] =	ssyncadd.s32 $0xFFFFC000;
	(pc) =	sbr.rel @p1 .LBB2_8-.Ltmp3, $4  }
0x84: {  	[spmem:s3] =	stream.indirect.scatter.add.f32 [tilespmem:s16], [sflag:$0x3], $0x80, s20, s13, $0xb8;
	[tilespmem:$0x1E2C0] =	vst v63  }
0x85: {  	_ =	swait.ge [sflag:s11], $0x4000  }
0x86: {  	[sflag:s11] =	ssyncset.done $0x0  }
0x87: {  	[sflag:s11] =	ssyncadd.s32 $0xFFFFC000  }
0x88: {  	v1 =	vld [tilespmem:s23+$0xFFFFFF90];
	_ =	sdelay $0x4  }
0x89: {  	v2 =	vand.u32 $0x3FFF, v1  }
0x8a: {  	v1 =	vshra.s32 v1, $0xE;
	[tilespmem:$0x2880] =	vst v2  }
0x8b: {  	[tilespmem:$0x2980] =	vst v1  }
0x8c: {  	v1 =	vld [tilespmem:s23+$0xFFFFFFA0];
	_ =	sdelay $0x4  }
0x8d: {  	v2 =	vand.u32 $0x3FFF, v1  }
0x8e: {  	v1 =	vshra.s32 v1, $0xE;
	[tilespmem:$0x2890] =	vst v2  }
0x8f: {  	[tilespmem:$0x2990] =	vst v1  }
0x90: {  	v1 =	vld [tilespmem:s23+$0xFFFFFFB0];
	_ =	sdelay $0x4  }
0x91: {  	v2 =	vand.u32 $0x3FFF, v1  }
0x92: {  	v1 =	vshra.s32 v1, $0xE;
	[tilespmem:$0x28A0] =	vst v2  }
0x93: {  	[tilespmem:$0x29A0] =	vst v1  }
0x94: {  	v1 =	vld [tilespmem:s23+$0xFFFFFFC0];
	_ =	sdelay $0x4  }
0x95: {  	v2 =	vand.u32 $0x3FFF, v1  }
0x96: {  	v1 =	vshra.s32 v1, $0xE;
	[tilespmem:$0x28B0] =	vst v2  }
0x97: {  	[tilespmem:$0x29B0] =	vst v1  }
0x98: {  	v1 =	vld [tilespmem:s23+$0xFFFFFFD0];
	_ =	sdelay $0x4  }
0x99: {  	v2 =	vand.u32 $0x3FFF, v1  }
0x9a: {  	v1 =	vshra.s32 v1, $0xE;
	[tilespmem:$0x28C0] =	vst v2  }
0x9b: {  	[tilespmem:$0x29C0] =	vst v1  }
0x9c: {  	v1 =	vld [tilespmem:s23+$0xFFFFFFE0];
	_ =	sdelay $0x4  }
0x9d: {  	v2 =	vand.u32 $0x3FFF, v1  }
0x9e: {  	v1 =	vshra.s32 v1, $0xE;
	[tilespmem:$0x28D0] =	vst v2  }
0x9f: {  	[tilespmem:$0x29D0] =	vst v1  }
0xa0: {  	v1 =	vld [tilespmem:s23+$0xFFFFFFF0];
	_ =	sdelay $0x4  }
0xa1: {  	v2 =	vand.u32 $0x3FFF, v1  }
0xa2: {  	v1 =	vshra.s32 v1, $0xE;
	[tilespmem:$0x28E0] =	vst v2  }
0xa3: {  	[tilespmem:$0x29E0] =	vst v1  }
0xa4: {  	v1 =	vld [tilespmem:s23+$0x0];
	_ =	sdelay $0x3  }
.Ltmp4:
0xa5: {  	_ = 	snop;
	(pc) =	sbr.rel .LBB2_6-.Ltmp4, $4  }
0xa6: {  	v2 =	vand.u32 $0x3FFF, v1  }
0xa7: {  	v1 =	vshra.s32 v1, $0xE;
	[tilespmem:$0x28F0] =	vst v2  }
0xa8: {  	s22 =	sadd.s32 $0x400, s22;
	[tilespmem:$0x29F0] =	vst v1  }
0xa9: {  	[tilespmem:s16], [sflag:$0x2] =	stream.indirect.gather [hbm4b:s1+s13], $0x80, s15, s13, $0xb8;
	[tilespmem:$0x1E2C0] =	vst v63  }
.LBB2_8:
0xaa: {  	_ =	swait.ge [sflag:s17], $0x4000  }
0xab: {  	[sflag:s17] =	ssyncset.done $0x0  }
0xac: {  	[sflag:s17] =	ssyncadd.s32 $0xFFFFC000  }
0xad: {  	[spmem:s3] =	stream.indirect.scatter.add.f32 [tilespmem:s12], [sflag:$0x3], $0x80, s18, s13, $0xb8;
	[tilespmem:$0x1E2C0] =	vst v63  }
0xae: {  	_ =	swait.ge [sflag:s11], $0x4000  }
0xaf: {  	[sflag:s11] =	ssyncset.done $0x0  }
0xb0: {  	[sflag:s11] =	ssyncadd.s32 $0xFFFFC000  }
0xb1: {  	[bflag:$0x0] =	sbarrier.arrive $0xFFFF  }
0xb2: {  	[tilespmem:s12], [sflag:$0x3] =	stream.linear.gather [spmem:s9], $0x2800, $0x38;
	[tilespmem:$0x1E2C0] =	vst v63  }
0xb3: {  	_ =	swait.ge [sflag:s11], $0x2800  }
.Ltmp5:
0xb4: {  	s22 =	sshrl.u32 s10, $0x3;
	[sflag:s11] =	ssyncset.done $0x0;
	(pc) =	sbr.rel @!p0 .LBB2_10-.Ltmp5, $4  }
0xb5: {  	s22 =	sadd.s32 s5, s22;
	[sflag:s11] =	ssyncadd.s32 $0xFFFFD800  }
0xb6: {  	[hbm4b:s22+s4] =	stream.linear.scatter [tilespmem:s12], [sflag:$0x3], $0x2800, $0x38;
	[tilespmem:$0x1E2C0] =	vst v63  }
0xb7: {  	s23 =	smov.u32 s10;
	_ =	swait.ge [sflag:s11], $0x2800  }
0xb8: {  	s24 =	smov.u32 s9;
	s22 =	sadd.s32 $0xFFFFFFFF, s6;
	[sflag:s11] =	ssyncset.done $0x0  }
.LBB2_9:
0xb9: {  	[sflag:s11] =	ssyncadd.s32 $0xFFFFD800;
	s23 =	sadd.s32 $0x2800, s23;
	s24 =	sadd.s32 $0x2800, s24  }
0xba: {  	[tilespmem:s12], [sflag:$0x3] =	stream.linear.gather [spmem:s24], $0x2800, $0x38;
	[tilespmem:$0x1E2C0] =	vst v63  }
0xbb: {  	p0 =	sne.s32 s22, $0x1;
	s22 =	sadd.s32 $0xFFFFFFFF, s22;
	_ =	swait.ge [sflag:s11], $0x2800  }
.Ltmp6:
0xbc: {  	s25 =	sshrl.u32 s23, $0x3;
	[sflag:s11] =	ssyncset.done $0x0;
	(pc) =	sbr.rel @p0 .LBB2_9-.Ltmp6, $4  }
0xbd: {  	s25 =	sadd.s32 s5, s25;
	[sflag:s11] =	ssyncadd.s32 $0xFFFFD800  }
0xbe: {  	[hbm4b:s25+s4] =	stream.linear.scatter [tilespmem:s12], [sflag:$0x3], $0x2800, $0x38;
	[tilespmem:$0x1E2C0] =	vst v63  }
0xbf: {  	_ =	swait.ge [sflag:s11], $0x2800  }
0xc0: {  	[sflag:s11] =	ssyncset.done $0x0  }
.LBB2_10:
0xc1: {  	s21 =	sadd.s32 $0x1, s21  }
0xc2: {  	p0 =	sne.s32 s21, s8  }
.Ltmp7:
0xc3: {  	_ = 	snop;
	(pc) =	sbr.rel @p0 .LBB2_1-.Ltmp7, $2  }
0xc4: {  	_ =	sdelay $0x2  }
0xc5: {  	[sflag:s11] =	ssyncadd.s32 $0xFFFFD800  }
0xc6: {  	_ =	sfence.sel $0x180000  }
0xc7: {  	[bflag:$0x0] =	sbarrier.arrive $0xFFFF  }
0xc8: {  	p0 =	sne.s32 s0, $0x0;
	_ =	strace $0x90000050  }
0xc9: {  	s0 =	sadd.s32 @!p0 $0x100000, s2;
	[bflag:$0x2] =	sbarrier.arrive $0xFFFF  }
0xca: {  	[sflag:s0] =	ssyncadd.tile.s32 @!p0 $0x1;
	_ =	shalt  }
.Lfunc_end2:
_tile_overlayer_lowered:
.L_overlay_start_2:
0xcb: {  	(tag) =	ssettag $0x2  }
0xcc: {  	s0 =	rddreg [dreg:$0x0];
	s2 =	stileid.u32  }
0xcd: {  	s1 =	rddreg [dreg:$0x1];
	p0 =	sne.s32 s2, $0x0  }
0xce: {  	s3 =	rddreg [dreg:$0x2];
	[bflag:$0x3] =	sbarrier.arrive $0xFFFF;
	s2 =	simm.s32 @!p0 $0x1C03  }
0xcf: {  	[timem:s3], [sflag:s2] =	dma.local @!p0 [hbm:s0], s1  }
0xd0: {  	s0 =	simm.s32 @!p0 $0x3  }
0xd1: {  	_ =	swait.ge @!p0 [sflag:s0], s1  }
0xd2: {  	s1 =	ssub.s32 @!p0 $0x0, s1;
	[sflag:s0] =	ssyncset.done @!p0 $0x0  }
0xd3: {  	[sflag:s0] =	ssyncadd.s32 @!p0 s1  }
0xd4: {  	[bflag:$0x3] =	sbarrier.arrive $0xFFFF  }
0xd5: {  	_ =	shalt  }

</sc_bundles>
